<compile_context>
chip_gen: v7x
topology: tpu7x:2x2x1
jax: 0.10.2.dev20260603
libtpu: 0.0.44.dev20260713+nightly
codegen_flags: <defaults>
</compile_context>

<pallas_src>
import functools

import jax
import jax.numpy as jnp
from jax import lax
from jax.experimental import pallas as pl
from jax.experimental.pallas import tpu as pltpu
from jax.experimental.pallas import tpu_sc as plsc

N = 10000
E = 320000
D = 128
H = 128
C = 40
CP = 128
NPAD = 10240
NC = 2
NS = 16
NW = NC * NS
LANES = 16

KD = 80
DCH = E // KD
KE = 125
ROWS_PER_TILE = NPAD // NS

_MESH = plsc.VectorSubcoreMesh(
    core_axis_name="c", subcore_axis_name="s", num_cores=NC, num_subcores=NS
)


def _zero_fill_2d(ref, rows, cols):
    zv = jnp.zeros((LANES,), jnp.float32)

    def body(i, _):
        r = i // (cols // LANES)
        col = (i % (cols // LANES)) * LANES
        ref[r, pl.ds(col, LANES)] = zv
        return 0

    lax.fori_loop(0, rows * (cols // LANES), body, 0)



@functools.partial(
    pl.kernel,
    out_type=jax.ShapeDtypeStruct((NC, 1, NPAD), jnp.float32),
    mesh=_MESH,
    scratch_types=[
        pltpu.VMEM_SHARED((NPAD,), jnp.float32),
        pltpu.VMEM((DCH // NS, KD), jnp.int32),
        pltpu.VMEM((KD,), jnp.float32),
        pltpu.VMEM((ROWS_PER_TILE,), jnp.float32),
        pltpu.SemaphoreType.DMA,
        pltpu.SemaphoreType.DMA,
    ],
)
def _degrees(ei_hbm, deg_hbm, acc, idx_v, ones_v, zb_v, sa, sb):
    c = lax.axis_index("c")
    s = lax.axis_index("s")

    def fill(i, _):
        ones_v[pl.ds(i * LANES, LANES)] = jnp.ones((LANES,), jnp.float32)
        return 0

    lax.fori_loop(0, KD // LANES, fill, 0)

    def fillz(i, _):
        zb_v[pl.ds(i * LANES, LANES)] = jnp.zeros((LANES,), jnp.float32)
        return 0

    lax.fori_loop(0, ROWS_PER_TILE // LANES, fillz, 0)

    pltpu.sync_copy(zb_v, acc.at[pl.ds(s * ROWS_PER_TILE, ROWS_PER_TILE)])
    plsc.subcore_barrier()

    nrows = DCH // NS
    pltpu.sync_copy(ei_hbm.at[c, s], idx_v)

    def sca_d(j, sem):
        return pltpu.make_async_copy(ones_v, acc.at[idx_v.at[j]], sem)

    sca_d(0, sa).start(add=True)

    def chunk(i2, _):
        j = 2 * i2 + 1
        sca_d(j, sb).start(add=True)
        sca_d(j - 1, sa).wait()
        sca_d(j + 1, sa).start(add=True)
        sca_d(j, sb).wait()
        return 0

    lax.fori_loop(0, (nrows - 2) // 2, chunk, 0)
    sca_d(nrows - 1, sb).start(add=True)
    sca_d(nrows - 2, sa).wait()
    sca_d(nrows - 1, sb).wait()
    plsc.subcore_barrier()

    pltpu.sync_copy(
        acc.at[pl.ds(s * ROWS_PER_TILE, ROWS_PER_TILE)],
        deg_hbm.at[c, 0, pl.ds(s * ROWS_PER_TILE, ROWS_PER_TILE)],
    )



NCHK = (E // NW) // KE
ZROWS = 40


def _make_agg(width):
    @functools.partial(
        pl.kernel,
        out_type=jax.ShapeDtypeStruct((NC, NPAD, width), jnp.float32),
        mesh=_MESH,
        scratch_types=[
            pltpu.VMEM_SHARED((NPAD, width), jnp.float32),
            pltpu.VMEM((KE, width), jnp.float32),
            pltpu.VMEM((KE, width), jnp.float32),
            pltpu.VMEM((2, KE), jnp.int32),
            pltpu.VMEM((2, KE), jnp.int32),
            pltpu.VMEM((2, KE), jnp.int32),
            pltpu.VMEM((2, KE), jnp.int32),
            pltpu.SemaphoreType.DMA,
            pltpu.SemaphoreType.DMA,
            pltpu.SemaphoreType.DMA,
            pltpu.SemaphoreType.DMA,
            pltpu.SemaphoreType.DMA,
        ],
    )
    def agg(h_hbm, eidx_hbm, out_hbm, acc, r0, r1, i0, i1, i2, i3,
            sg0, sg1, ss0, ss1, si):
        c = lax.axis_index("c")
        s = lax.axis_index("s")
        wid = c * NS + s
        rr = (r0, r1)
        ii = (i0, i1, i2, i3)
        sg = (sg0, sg1)
        ss = (ss0, ss1)

        def gat(iv, rv, sem):
            return pltpu.make_async_copy(h_hbm.at[iv.at[0]], rv, sem)

        def sca(rv, iv, sem):
            return pltpu.make_async_copy(rv, acc.at[iv.at[1]], sem)

        def ipre(j, iv):
            pltpu.make_async_copy(eidx_hbm.at[wid * NCHK + j], iv, si).start()

        def iwait(iv):
            pltpu.make_async_copy(eidx_hbm.at[0], iv, si).wait()

        _zero_fill_2d(r0, ZROWS, width)

        def zc(k, _):
            pltpu.sync_copy(
                r0.at[pl.ds(0, ZROWS), :],
                acc.at[pl.ds(s * ROWS_PER_TILE + k * ZROWS, ZROWS), :],
            )
            return 0

        lax.fori_loop(0, ROWS_PER_TILE // ZROWS, zc, 0)
        plsc.subcore_barrier()

        def emit(p, k, jn):
            iwait(ii[k])
            sca(rr[p], ii[k], ss[p]).wait()
            gat(ii[k], rr[p], sg[p]).start()
            gat(ii[k], rr[1 - p], sg[1 - p]).wait()
            sca(rr[1 - p], ii[(k - 1) % 4], ss[1 - p]).start(add=True)
            if jn is not None:
                ipre(jn, ii[(k + 1) % 4])

        pltpu.sync_copy(eidx_hbm.at[wid * NCHK], i0)
        gat(i0, r0, sg0).start()
        ipre(1, i1)
        iwait(i1)
        gat(i1, r1, sg1).start()
        gat(i1, r0, sg0).wait()
        sca(r0, i0, ss0).start(add=True)
        ipre(2, i2)

        def body(t, _):
            j = 4 * t + 2
            emit(0, 2, j + 1)
            emit(1, 3, j + 2)
            emit(0, 0, j + 3)
            emit(1, 1, j + 4)
            return 0

        lax.fori_loop(0, (NCHK - 4) // 4, body, 0)
        emit(0, 2, NCHK - 1)
        emit(1, 3, None)
        gat(i3, r1, sg1).wait()
        sca(r1, i3, ss1).start(add=True)
        sca(r0, i2, ss0).wait()
        sca(r1, i3, ss1).wait()
        plsc.subcore_barrier()

        pltpu.sync_copy(
            acc.at[pl.ds(s * ROWS_PER_TILE, ROWS_PER_TILE), :],
            out_hbm.at[c, pl.ds(s * ROWS_PER_TILE, ROWS_PER_TILE), :],
        )

    return agg


_agg_h = _make_agg(H)
_agg_c = _agg_h



_BLK = 1024
_GRID = NPAD // _BLK


def _mm_scale_body(x_ref, w_ref, dout_ref, o_ref):
    rs = lax.rsqrt(jnp.maximum(dout_ref[...], 1.0))
    o_ref[...] = jnp.dot(
        x_ref[...], w_ref[...], preferred_element_type=jnp.float32
    ) * rs


def _mm_scale(xp, w, deg_out):
    return pl.pallas_call(
        _mm_scale_body,
        grid=(_GRID,),
        in_specs=[
            pl.BlockSpec((_BLK, D), lambda i: (i, 0)),
            pl.BlockSpec((D, H), lambda i: (0, 0)),
            pl.BlockSpec((_BLK, 1), lambda i: (i, 0)),
        ],
        out_specs=pl.BlockSpec((_BLK, H), lambda i: (i, 0)),
        out_shape=jax.ShapeDtypeStruct((NPAD, H), jnp.float32),
    )(xp, w, deg_out)


def _combine_mm_body(p_ref, b_ref, din_ref, dout_ref, w_ref, o_ref):
    rs_in = lax.rsqrt(jnp.maximum(din_ref[...], 1.0))
    rs_out = lax.rsqrt(jnp.maximum(dout_ref[...], 1.0))
    h = (p_ref[0] + p_ref[1]) * rs_in + b_ref[...]
    h = jnp.maximum(h, 0.0)
    o_ref[...] = jnp.dot(
        h, w_ref[...], preferred_element_type=jnp.float32
    ) * rs_out


def _combine_mm(p, b, deg_in, deg_out, w):
    wout = w.shape[1]
    return pl.pallas_call(
        _combine_mm_body,
        grid=(_GRID,),
        in_specs=[
            pl.BlockSpec((NC, _BLK, H), lambda i: (0, i, 0)),
            pl.BlockSpec((1, H), lambda i: (0, 0)),
            pl.BlockSpec((_BLK, 1), lambda i: (i, 0)),
            pl.BlockSpec((_BLK, 1), lambda i: (i, 0)),
            pl.BlockSpec((H, wout), lambda i: (0, 0)),
        ],
        out_specs=pl.BlockSpec((_BLK, wout), lambda i: (i, 0)),
        out_shape=jax.ShapeDtypeStruct((NPAD, wout), jnp.float32),
    )(p, b, deg_in, deg_out, w)


def _final_body(p_ref, b_ref, din_ref, o_ref):
    rs_in = lax.rsqrt(jnp.maximum(din_ref[...], 1.0))
    o_ref[...] = (p_ref[0] + p_ref[1]) * rs_in + b_ref[...]


def _final(p, b, deg_in):
    return pl.pallas_call(
        _final_body,
        grid=(_GRID,),
        in_specs=[
            pl.BlockSpec((NC, _BLK, CP), lambda i: (0, i, 0)),
            pl.BlockSpec((1, CP), lambda i: (0, 0)),
            pl.BlockSpec((_BLK, 1), lambda i: (i, 0)),
        ],
        out_specs=pl.BlockSpec((_BLK, CP), lambda i: (i, 0)),
        out_shape=jax.ShapeDtypeStruct((NPAD, CP), jnp.float32),
    )(p, b, deg_in)


def kernel(x, edge_index, W1, b1, W2, b2, W3, b3):
    xp = jnp.zeros((NPAD, D), jnp.float32).at[:N].set(x)
    ei4 = edge_index.reshape(2, NS, DCH // NS, KD)
    eidx = jnp.stack(
        [
            edge_index[0].reshape(NW, NCHK, KE),
            edge_index[1].reshape(NW, NCHK, KE),
        ],
        axis=2,
    ).reshape(NW * NCHK, 2, KE)
    W3p = jnp.pad(W3, ((0, 0), (0, CP - C)))
    b3p = jnp.pad(b3, (0, CP - C))

    deg = _degrees(ei4)
    deg_out = deg[0].reshape(NPAD, 1)
    deg_in = deg[1].reshape(NPAD, 1)

    h1 = _mm_scale(xp, W1, deg_out)
    p1 = _agg_h(h1, eidx)
    h2 = _combine_mm(p1, b1.reshape(1, H), deg_in, deg_out, W2)
    p2 = _agg_h(h2, eidx)
    h3 = _combine_mm(p2, b2.reshape(1, H), deg_in, deg_out, W3p)
    p3 = _agg_c(h3, eidx)
    out = _final(p3, b3p.reshape(1, CP), deg_in)
    return out[:N, :C]

# --- scband reference (transcript-rebuilt; emitter-appended) ---
"""Pipeline reference for scband-builtin-gcn-8443905704047 (READ-ONLY COPY).

The authoritative reference and input builder live on the scoring server;
editing this copy changes nothing except your own understanding.
"""

import jax, jax.numpy as jnp
import numpy as np

N = 10000
E = 320000
D = 128
H = 128
C = 40


def setup_inputs(seed: int = 0) -> dict:
    key = jax.random.key(seed)
    ks = jax.random.split(key, 9)
    x = jax.random.normal(ks[0], (N, D), dtype=jnp.float32)
    edge_index = jax.random.randint(ks[1], (2, E), 0, N, dtype=jnp.int32)
    W1 = jax.random.normal(ks[2], (D, H), dtype=jnp.float32) * (1.0 / np.sqrt(D))
    b1 = jnp.zeros((H,), dtype=jnp.float32)
    W2 = jax.random.normal(ks[3], (H, H), dtype=jnp.float32) * (1.0 / np.sqrt(H))
    b2 = jnp.zeros((H,), dtype=jnp.float32)
    W3 = jax.random.normal(ks[4], (H, C), dtype=jnp.float32) * (1.0 / np.sqrt(H))
    b3 = jnp.zeros((C,), dtype=jnp.float32)
    return {"x": x, "edge_index": edge_index, "W1": W1, "b1": b1, "W2": W2, "b2": b2, "W3": W3, "b3": b3}


def _graph_conv(h, src, dst, W, b, n):
    # DGL GraphConv with norm='both':
    #   h_src = h * out_deg(src)^{-1/2}; aggregate sum over edges; rst * in_deg(dst)^{-1/2}
    ones_e = jnp.ones((src.shape[0],), dtype=jnp.float32)
    deg_out = jnp.clip(jax.ops.segment_sum(ones_e, src, num_segments=n), 1.0)
    deg_in = jnp.clip(jax.ops.segment_sum(ones_e, dst, num_segments=n), 1.0)
    h = h @ W
    h = h * (deg_out ** -0.5)[:, None]
    msg = jnp.take(h, src, axis=0)
    agg = jax.ops.segment_sum(msg, dst, num_segments=n)
    agg = agg * (deg_in ** -0.5)[:, None]
    return agg + b


def reference(x, edge_index, W1, b1, W2, b2, W3, b3):
    src = edge_index[0]
    dst = edge_index[1]
    h = _graph_conv(x, src, dst, W1, b1, N)
    h = jax.nn.relu(h)
    h = _graph_conv(h, src, dst, W2, b2, N)
    h = jax.nn.relu(h)
    h = _graph_conv(h, src, dst, W3, b3, N)
    return h

if __name__ == "__main__":
    import jax
    _d = setup_inputs()
    print(jax.jit(kernel)(*tuple(_d.values())))

</pallas_src>

<mosaic_0001>
#map = affine_map<(d0, d1) -> (0, 0)>
#map1 = affine_map<(d0, d1) -> (0, 0, 0)>
module attributes {stable_mosaic.version = 14 : i64} {
  func.func @agg(%arg0: i32, %arg1: i32, %arg2: memref<10240x128xf32, #tpu.memory_space<hbm>>, %arg3: memref<2560x2x125xi32, #tpu.memory_space<hbm>>, %arg4: memref<2x10240x128xf32, #tpu.memory_space<hbm>>, %arg5: memref<10240x128xf32, #tpu.memory_space<vmem_shared>>, %arg6: memref<125x128xf32, #tpu.memory_space<vmem>>, %arg7: memref<125x128xf32, #tpu.memory_space<vmem>>, %arg8: memref<2x125xi32, #tpu.memory_space<vmem>>, %arg9: memref<2x125xi32, #tpu.memory_space<vmem>>, %arg10: memref<2x125xi32, #tpu.memory_space<vmem>>, %arg11: memref<2x125xi32, #tpu.memory_space<vmem>>, %arg12: memref<!tpu.dma_semaphore, #tpu.memory_space<semaphore_mem>>, %arg13: memref<!tpu.dma_semaphore, #tpu.memory_space<semaphore_mem>>, %arg14: memref<!tpu.dma_semaphore, #tpu.memory_space<semaphore_mem>>, %arg15: memref<!tpu.dma_semaphore, #tpu.memory_space<semaphore_mem>>, %arg16: memref<!tpu.dma_semaphore, #tpu.memory_space<semaphore_mem>>) attributes {dimension_semantics = [#tpu.dimension_semantics<core_parallel>, #tpu.dimension_semantics<subcore_parallel>], iteration_bounds = array<i64: 2, 16>, scalar_prefetch = 0 : i64, scratch_operands = 12 : i64, tpu.core_type = #tpu.core_type<sc_vector_subcore>, window_params = [{transform_indices = #map}, {transform_indices = #map1}, {transform_indices = #map1}]} {
    %mul3A = arith.constant 16 : i32
    %mul3A_0 = arith.muli %arg0, %mul3A : i32
    %add3A = arith.addi %mul3A_0, %arg1 : i32
    %broadcast_in_dim3A = arith.constant 0.000000e+00 : f32
    %broadcast_in_dim3A_1 = vector.broadcast %broadcast_in_dim3A : f32 to vector<16xf32>
    %scan3A = arith.constant 0 : i32
    %scan3A_2 = arith.constant 0 : i32
    %scan3A_3 = arith.constant 320 : i32
    %scan3A_4 = arith.addi %scan3A_2, %scan3A_3 : i32
    %scan3A_5 = arith.constant 1 : i32
    %scan3A_6 = scf.for %scan3A_202 = %scan3A_2 to %scan3A_4 step %scan3A_5 iter_args(%scan3A_203 = %scan3A) -> (i32)  : i32 {
      %jit3A = arith.constant 8 : i32
      %div3A = arith.divsi %scan3A_202, %jit3A : i32
      %sign3A = arith.constant 0 : i32
      %sign3A_204 = arith.cmpi sgt, %scan3A_202, %sign3A : i32
      %sign3A_205 = arith.extui %sign3A_204 : i1 to i32
      %sign3A_206 = arith.constant 0 : i32
      %sign3A_207 = arith.cmpi slt, %scan3A_202, %sign3A_206 : i32
      %sign3A_208 = arith.extui %sign3A_207 : i1 to i32
      %sign3A_209 = arith.subi %sign3A_205, %sign3A_208 : i32
      %sign3A_210 = arith.constant 0 : i32
      %sign3A_211 = arith.cmpi sgt, %jit3A, %sign3A_210 : i32
      %sign3A_212 = arith.extui %sign3A_211 : i1 to i32
      %sign3A_213 = arith.constant 0 : i32
      %sign3A_214 = arith.cmpi slt, %jit3A, %sign3A_213 : i32
      %sign3A_215 = arith.extui %sign3A_214 : i1 to i32
      %sign3A_216 = arith.subi %sign3A_212, %sign3A_215 : i32
      %ne3A = arith.cmpi ne, %sign3A_209, %sign3A_216 : i32
      %rem3A = arith.remsi %scan3A_202, %jit3A : i32
      %ne3A_217 = arith.constant 0 : i32
      %ne3A_218 = arith.cmpi ne, %rem3A, %ne3A_217 : i32
      %and3A = arith.andi %ne3A, %ne3A_218 : i1
      %sub3A = arith.constant 1 : i32
      %sub3A_219 = arith.subi %div3A, %sub3A : i32
      %select_n3A = arith.select %and3A, %sub3A_219, %div3A : i32
      %jit3A_220 = arith.constant 8 : i32
      %eq3A = arith.constant 0 : i32
      %eq3A_221 = arith.cmpi eq, %jit3A_220, %eq3A : i32
      %jit3A_222 = arith.constant 1 : i32
      %select_n3A_223 = arith.select %eq3A_221, %jit3A_222, %jit3A_220 : i32
      %rem3A_224 = arith.remsi %scan3A_202, %select_n3A_223 : i32
      %ne3A_225 = arith.constant 0 : i32
      %ne3A_226 = arith.cmpi ne, %rem3A_224, %ne3A_225 : i32
      %lt3A = arith.constant 0 : i32
      %lt3A_227 = arith.cmpi slt, %rem3A_224, %lt3A : i32
      %lt3A_228 = arith.constant 0 : i32
      %lt3A_229 = arith.cmpi slt, %select_n3A_223, %lt3A_228 : i32
      %ne3A_230 = arith.xori %lt3A_227, %lt3A_229 : i1
      %and3A_231 = arith.andi %ne3A_230, %ne3A_226 : i1
      %add3A_232 = arith.addi %rem3A_224, %select_n3A_223 : i32
      %select_n3A_233 = arith.select %and3A_231, %add3A_232, %rem3A_224 : i32
      %mul3A_234 = arith.constant 16 : i32
      %mul3A_235 = arith.muli %select_n3A_233, %mul3A_234 : i32
      %swap3A = arith.index_cast %select_n3A : i32 to index
      %swap3A_236 = arith.index_cast %mul3A_235 : i32 to index
      %swap3A_237 = tpu.vector_load %arg6[%swap3A, %swap3A_236] {strides = array<i32>} : memref<125x128xf32, #tpu.memory_space<vmem>>, vector<1x16xf32>,
      %swap3A_238 = vector.shape_cast %swap3A_237 : vector<1x16xf32> to vector<16xf32>
      %swap3A_239 = vector.shape_cast %broadcast_in_dim3A_1 : vector<16xf32> to vector<1x16xf32>
      tpu.vector_store %arg6[%swap3A, %swap3A_236], %swap3A_239 {strides = array<i32>} : memref<125x128xf32, #tpu.memory_space<vmem>>, vector<1x16xf32>,
      %scan3A_240 = arith.constant 0 : i32
      scf.yield %scan3A_240 : i32
    }
    %scan3A_7 = arith.constant 320 : i32
    %scan3A_8 = arith.constant 0 : i32
    %scan3A_9 = arith.constant 0 : i32
    %scan3A_10 = arith.constant 16 : i32
    %scan3A_11 = arith.addi %scan3A_9, %scan3A_10 : i32
    %scan3A_12 = arith.constant 1 : i32
    %scan3A_13 = scf.for %scan3A_202 = %scan3A_9 to %scan3A_11 step %scan3A_12 iter_args(%scan3A_203 = %scan3A_8) -> (i32)  : i32 {
      %mul3A_204 = arith.constant 640 : i32
      %mul3A_205 = arith.muli %arg1, %mul3A_204 : i32
      %mul3A_206 = arith.constant 40 : i32
      %mul3A_207 = arith.muli %scan3A_202, %mul3A_206 : i32
      %add3A_208 = arith.addi %mul3A_205, %mul3A_207 : i32
      "tpu.region"() ({
        %run_scoped3A = tpu.sem_alloc : memref<!tpu.dma_semaphore, #tpu.memory_space<semaphore_mem>>
        %dma_start3A_210 = arith.constant 0 : i32
        %dma_start3A_211 = arith.constant 0 : i32
        %dma_start3A_212 = tpu.memref_slice %arg6[%dma_start3A_210, %dma_start3A_211] : memref<125x128xf32, #tpu.memory_space<vmem>> -> memref<40x128xf32, #tpu.memory_space<vmem>>
        %dma_start3A_213 = arith.constant 0 : i32
        %dma_start3A_214 = tpu.memref_slice %arg5[%add3A_208, %dma_start3A_213] : memref<10240x128xf32, #tpu.memory_space<vmem_shared>> -> memref<40x128xf32, #tpu.memory_space<vmem_shared>>
        %dma_start3A_215 = arith.constant 0 : i32
        %dma_start3A_216 = tpu.memref_slice %arg5[%add3A_208, %dma_start3A_215] : memref<10240x128xf32, #tpu.memory_space<vmem_shared>> -> memref<40x128xf32, #tpu.memory_space<vmem_shared>>
        %dma_start3A_217 = arith.constant 0 : i32
        %dma_start3A_218 = arith.constant 0 : i32
        %dma_start3A_219 = tpu.memref_slice %arg6[%dma_start3A_217, %dma_start3A_218] : memref<125x128xf32, #tpu.memory_space<vmem>> -> memref<40x128xf32, #tpu.memory_space<vmem>>
        tpu.enqueue_dma source(%dma_start3A_219 : memref<40x128xf32, #tpu.memory_space<vmem>>) target(%dma_start3A_216 : memref<40x128xf32, #tpu.memory_space<vmem_shared>>) target_semaphore(%run_scoped3A : memref<!tpu.dma_semaphore, #tpu.memory_space<semaphore_mem>>)
        %dma_wait3A_220 = arith.constant 0 : i32
        %dma_wait3A_221 = arith.constant 0 : i32
        %dma_wait3A_222 = tpu.memref_slice %arg6[%dma_wait3A_220, %dma_wait3A_221] : memref<125x128xf32, #tpu.memory_space<vmem>> -> memref<40x128xf32, #tpu.memory_space<vmem>>
        %dma_wait3A_223 = arith.constant 0 : i32
        %dma_wait3A_224 = tpu.memref_slice %arg5[%add3A_208, %dma_wait3A_223] : memref<10240x128xf32, #tpu.memory_space<vmem_shared>> -> memref<40x128xf32, #tpu.memory_space<vmem_shared>>
        %dma_wait3A_225 = arith.constant 0 : i32
        %dma_wait3A_226 = tpu.memref_slice %arg5[%add3A_208, %dma_wait3A_225] : memref<10240x128xf32, #tpu.memory_space<vmem_shared>> -> memref<40x128xf32, #tpu.memory_space<vmem_shared>>
        %dma_wait3A_227 = arith.constant 0 : i32
        %dma_wait3A_228 = arith.constant 0 : i32
        %dma_wait3A_229 = tpu.memref_slice %arg6[%dma_wait3A_227, %dma_wait3A_228] : memref<125x128xf32, #tpu.memory_space<vmem>> -> memref<40x128xf32, #tpu.memory_space<vmem>>
        tpu.wait_dma2 semaphore(%run_scoped3A : memref<!tpu.dma_semaphore, #tpu.memory_space<semaphore_mem>>) src(%dma_wait3A_229 : memref<40x128xf32, #tpu.memory_space<vmem>>) dst(%dma_wait3A_226 : memref<40x128xf32, #tpu.memory_space<vmem_shared>>)
        tpu.yield
      }) : () -> ()
      %scan3A_209 = arith.constant 0 : i32
      scf.yield %scan3A_209 : i32
    }
    %scan3A_14 = arith.constant 16 : i32
    %barrier3A = arith.constant 0 : index
    tpu.barrier barrier_id(%barrier3A)
    %mul3A_15 = arith.constant 80 : i32
    %mul3A_16 = arith.muli %add3A, %mul3A_15 : i32
    "tpu.region"() ({
      %run_scoped3A = tpu.sem_alloc : memref<!tpu.dma_semaphore, #tpu.memory_space<semaphore_mem>>
      %dma_start3A_202 = arith.constant 0 : i32
      %dma_start3A_203 = arith.constant 0 : i32
      %dma_start3A_204 = tpu.memref_slice %arg3[%mul3A_16, %dma_start3A_202, %dma_start3A_203] : memref<2560x2x125xi32, #tpu.memory_space<hbm>> -> memref<1x2x125xi32, #tpu.memory_space<hbm>>
      %dma_start3A_205 = tpu.memref_squeeze %dma_start3A_204 : memref<1x2x125xi32, #tpu.memory_space<hbm>> -> memref<2x125xi32, #tpu.memory_space<hbm>>
      %dma_start3A_206 = arith.constant 0 : i32
      %dma_start3A_207 = arith.constant 0 : i32
      %dma_start3A_208 = tpu.memref_slice %arg3[%mul3A_16, %dma_start3A_206, %dma_start3A_207] : memref<2560x2x125xi32, #tpu.memory_space<hbm>> -> memref<1x2x125xi32, #tpu.memory_space<hbm>>
      %dma_start3A_209 = tpu.memref_squeeze %dma_start3A_208 : memref<1x2x125xi32, #tpu.memory_space<hbm>> -> memref<2x125xi32, #tpu.memory_space<hbm>>
      tpu.enqueue_dma source(%dma_start3A_209 : memref<2x125xi32, #tpu.memory_space<hbm>>) target(%arg8 : memref<2x125xi32, #tpu.memory_space<vmem>>) target_semaphore(%run_scoped3A : memref<!tpu.dma_semaphore, #tpu.memory_space<semaphore_mem>>)
      %dma_wait3A_210 = arith.constant 0 : i32
      %dma_wait3A_211 = arith.constant 0 : i32
      %dma_wait3A_212 = tpu.memref_slice %arg3[%mul3A_16, %dma_wait3A_210, %dma_wait3A_211] : memref<2560x2x125xi32, #tpu.memory_space<hbm>> -> memref<1x2x125xi32, #tpu.memory_space<hbm>>
      %dma_wait3A_213 = tpu.memref_squeeze %dma_wait3A_212 : memref<1x2x125xi32, #tpu.memory_space<hbm>> -> memref<2x125xi32, #tpu.memory_space<hbm>>
      %dma_wait3A_214 = arith.constant 0 : i32
      %dma_wait3A_215 = arith.constant 0 : i32
      %dma_wait3A_216 = tpu.memref_slice %arg3[%mul3A_16, %dma_wait3A_214, %dma_wait3A_215] : memref<2560x2x125xi32, #tpu.memory_space<hbm>> -> memref<1x2x125xi32, #tpu.memory_space<hbm>>
      %dma_wait3A_217 = tpu.memref_squeeze %dma_wait3A_216 : memref<1x2x125xi32, #tpu.memory_space<hbm>> -> memref<2x125xi32, #tpu.memory_space<hbm>>
      tpu.wait_dma2 semaphore(%run_scoped3A : memref<!tpu.dma_semaphore, #tpu.memory_space<semaphore_mem>>) src(%dma_wait3A_217 : memref<2x125xi32, #tpu.memory_space<hbm>>) dst(%arg8 : memref<2x125xi32, #tpu.memory_space<vmem>>)
      tpu.yield
    }) : () -> ()
    %dma_start3A = arith.constant 0 : i32
    %dma_start3A_17 = arith.constant 0 : i32
    %dma_start3A_18 = tpu.memref_slice %arg8[%dma_start3A, %dma_start3A_17] : memref<2x125xi32, #tpu.memory_space<vmem>> -> memref<1x125xi32, #tpu.memory_space<vmem>>
    %dma_start3A_19 = tpu.memref_squeeze %dma_start3A_18 : memref<1x125xi32, #tpu.memory_space<vmem>> -> memref<125xi32, #tpu.memory_space<vmem>>
    %dma_start3A_20 = arith.constant 0 : i32
    %dma_start3A_21 = arith.constant 0 : i32
    %dma_start3A_22 = tpu.memref_slice %arg2[%dma_start3A_20, %dma_start3A_21] : memref<10240x128xf32, #tpu.memory_space<hbm>> -> memref<10240x128xf32, #tpu.memory_space<hbm>>
    tpu.enqueue_indirect_dma source(%dma_start3A_22 : memref<10240x128xf32, #tpu.memory_space<hbm>>) target(%arg6 : memref<125x128xf32, #tpu.memory_space<vmem>>) offsets(%dma_start3A_19 : memref<125xi32, #tpu.memory_space<vmem>>) semaphore(%arg12 : memref<!tpu.dma_semaphore, #tpu.memory_space<semaphore_mem>>)
    %mul3A_23 = arith.constant 80 : i32
    %mul3A_24 = arith.muli %add3A, %mul3A_23 : i32
    %add3A_25 = arith.constant 1 : i32
    %add3A_26 = arith.addi %mul3A_24, %add3A_25 : i32
    %dma_start3A_27 = arith.constant 0 : i32
    %dma_start3A_28 = arith.constant 0 : i32
    %dma_start3A_29 = tpu.memref_slice %arg3[%add3A_26, %dma_start3A_27, %dma_start3A_28] : memref<2560x2x125xi32, #tpu.memory_space<hbm>> -> memref<1x2x125xi32, #tpu.memory_space<hbm>>
    %dma_start3A_30 = tpu.memref_squeeze %dma_start3A_29 : memref<1x2x125xi32, #tpu.memory_space<hbm>> -> memref<2x125xi32, #tpu.memory_space<hbm>>
    %dma_start3A_31 = arith.constant 0 : i32
    %dma_start3A_32 = arith.constant 0 : i32
    %dma_start3A_33 = tpu.memref_slice %arg3[%add3A_26, %dma_start3A_31, %dma_start3A_32] : memref<2560x2x125xi32, #tpu.memory_space<hbm>> -> memref<1x2x125xi32, #tpu.memory_space<hbm>>
    %dma_start3A_34 = tpu.memref_squeeze %dma_start3A_33 : memref<1x2x125xi32, #tpu.memory_space<hbm>> -> memref<2x125xi32, #tpu.memory_space<hbm>>
    tpu.enqueue_dma source(%dma_start3A_34 : memref<2x125xi32, #tpu.memory_space<hbm>>) target(%arg9 : memref<2x125xi32, #tpu.memory_space<vmem>>) target_semaphore(%arg16 : memref<!tpu.dma_semaphore, #tpu.memory_space<semaphore_mem>>)
    %dma_wait3A = arith.constant 0 : i32
    %dma_wait3A_35 = arith.constant 0 : i32
    %dma_wait3A_36 = arith.constant 0 : i32
    %dma_wait3A_37 = tpu.memref_slice %arg3[%dma_wait3A, %dma_wait3A_35, %dma_wait3A_36] : memref<2560x2x125xi32, #tpu.memory_space<hbm>> -> memref<1x2x125xi32, #tpu.memory_space<hbm>>
    %dma_wait3A_38 = tpu.memref_squeeze %dma_wait3A_37 : memref<1x2x125xi32, #tpu.memory_space<hbm>> -> memref<2x125xi32, #tpu.memory_space<hbm>>
    %dma_wait3A_39 = arith.constant 0 : i32
    %dma_wait3A_40 = arith.constant 0 : i32
    %dma_wait3A_41 = tpu.memref_slice %arg3[%dma_wait3A, %dma_wait3A_39, %dma_wait3A_40] : memref<2560x2x125xi32, #tpu.memory_space<hbm>> -> memref<1x2x125xi32, #tpu.memory_space<hbm>>
    %dma_wait3A_42 = tpu.memref_squeeze %dma_wait3A_41 : memref<1x2x125xi32, #tpu.memory_space<hbm>> -> memref<2x125xi32, #tpu.memory_space<hbm>>
    tpu.wait_dma2 semaphore(%arg16 : memref<!tpu.dma_semaphore, #tpu.memory_space<semaphore_mem>>) src(%dma_wait3A_42 : memref<2x125xi32, #tpu.memory_space<hbm>>) dst(%arg9 : memref<2x125xi32, #tpu.memory_space<vmem>>)
    %dma_start3A_43 = arith.constant 0 : i32
    %dma_start3A_44 = arith.constant 0 : i32
    %dma_start3A_45 = tpu.memref_slice %arg9[%dma_start3A_43, %dma_start3A_44] : memref<2x125xi32, #tpu.memory_space<vmem>> -> memref<1x125xi32, #tpu.memory_space<vmem>>
    %dma_start3A_46 = tpu.memref_squeeze %dma_start3A_45 : memref<1x125xi32, #tpu.memory_space<vmem>> -> memref<125xi32, #tpu.memory_space<vmem>>
    %dma_start3A_47 = arith.constant 0 : i32
    %dma_start3A_48 = arith.constant 0 : i32
    %dma_start3A_49 = tpu.memref_slice %arg2[%dma_start3A_47, %dma_start3A_48] : memref<10240x128xf32, #tpu.memory_space<hbm>> -> memref<10240x128xf32, #tpu.memory_space<hbm>>
    tpu.enqueue_indirect_dma source(%dma_start3A_49 : memref<10240x128xf32, #tpu.memory_space<hbm>>) target(%arg7 : memref<125x128xf32, #tpu.memory_space<vmem>>) offsets(%dma_start3A_46 : memref<125xi32, #tpu.memory_space<vmem>>) semaphore(%arg13 : memref<!tpu.dma_semaphore, #tpu.memory_space<semaphore_mem>>)
    %dma_wait3A_50 = arith.constant 0 : i32
    %dma_wait3A_51 = arith.constant 0 : i32
    %dma_wait3A_52 = tpu.memref_slice %arg9[%dma_wait3A_50, %dma_wait3A_51] : memref<2x125xi32, #tpu.memory_space<vmem>> -> memref<1x125xi32, #tpu.memory_space<vmem>>
    %dma_wait3A_53 = tpu.memref_squeeze %dma_wait3A_52 : memref<1x125xi32, #tpu.memory_space<vmem>> -> memref<125xi32, #tpu.memory_space<vmem>>
    %dma_wait3A_54 = arith.constant 0 : i32
    %dma_wait3A_55 = arith.constant 0 : i32
    %dma_wait3A_56 = tpu.memref_slice %arg2[%dma_wait3A_54, %dma_wait3A_55] : memref<10240x128xf32, #tpu.memory_space<hbm>> -> memref<10240x128xf32, #tpu.memory_space<hbm>>
    tpu.wait_indirect_dma semaphore(%arg12 : memref<!tpu.dma_semaphore, #tpu.memory_space<semaphore_mem>>) src(%dma_wait3A_56 : memref<10240x128xf32, #tpu.memory_space<hbm>>) dst(%arg6 : memref<125x128xf32, #tpu.memory_space<vmem>>)
    %dma_start3A_57 = arith.constant 1 : i32
    %dma_start3A_58 = arith.constant 0 : i32
    %dma_start3A_59 = tpu.memref_slice %arg8[%dma_start3A_57, %dma_start3A_58] : memref<2x125xi32, #tpu.memory_space<vmem>> -> memref<1x125xi32, #tpu.memory_space<vmem>>
    %dma_start3A_60 = tpu.memref_squeeze %dma_start3A_59 : memref<1x125xi32, #tpu.memory_space<vmem>> -> memref<125xi32, #tpu.memory_space<vmem>>
    %dma_start3A_61 = arith.constant 0 : i32
    %dma_start3A_62 = arith.constant 0 : i32
    %dma_start3A_63 = tpu.memref_slice %arg5[%dma_start3A_61, %dma_start3A_62] : memref<10240x128xf32, #tpu.memory_space<vmem_shared>> -> memref<10240x128xf32, #tpu.memory_space<vmem_shared>>
    tpu.enqueue_indirect_dma source(%arg6 : memref<125x128xf32, #tpu.memory_space<vmem>>) target(%dma_start3A_63 : memref<10240x128xf32, #tpu.memory_space<vmem_shared>>) offsets(%dma_start3A_60 : memref<125xi32, #tpu.memory_space<vmem>>) semaphore(%arg14 : memref<!tpu.dma_semaphore, #tpu.memory_space<semaphore_mem>>) {add = true}
    %mul3A_64 = arith.constant 80 : i32
    %mul3A_65 = arith.muli %add3A, %mul3A_64 : i32
    %add3A_66 = arith.constant 2 : i32
    %add3A_67 = arith.addi %mul3A_65, %add3A_66 : i32
    %dma_start3A_68 = arith.constant 0 : i32
    %dma_start3A_69 = arith.constant 0 : i32
    %dma_start3A_70 = tpu.memref_slice %arg3[%add3A_67, %dma_start3A_68, %dma_start3A_69] : memref<2560x2x125xi32, #tpu.memory_space<hbm>> -> memref<1x2x125xi32, #tpu.memory_space<hbm>>
    %dma_start3A_71 = tpu.memref_squeeze %dma_start3A_70 : memref<1x2x125xi32, #tpu.memory_space<hbm>> -> memref<2x125xi32, #tpu.memory_space<hbm>>
    %dma_start3A_72 = arith.constant 0 : i32
    %dma_start3A_73 = arith.constant 0 : i32
    %dma_start3A_74 = tpu.memref_slice %arg3[%add3A_67, %dma_start3A_72, %dma_start3A_73] : memref<2560x2x125xi32, #tpu.memory_space<hbm>> -> memref<1x2x125xi32, #tpu.memory_space<hbm>>
    %dma_start3A_75 = tpu.memref_squeeze %dma_start3A_74 : memref<1x2x125xi32, #tpu.memory_space<hbm>> -> memref<2x125xi32, #tpu.memory_space<hbm>>
    tpu.enqueue_dma source(%dma_start3A_75 : memref<2x125xi32, #tpu.memory_space<hbm>>) target(%arg10 : memref<2x125xi32, #tpu.memory_space<vmem>>) target_semaphore(%arg16 : memref<!tpu.dma_semaphore, #tpu.memory_space<semaphore_mem>>)
    %scan3A_76 = arith.constant 0 : i32
    %scan3A_77 = arith.constant 0 : i32
    %scan3A_78 = arith.constant 19 : i32
    %scan3A_79 = arith.addi %scan3A_77, %scan3A_78 : i32
    %scan3A_80 = arith.constant 1 : i32
    %scan3A_81 = scf.for %scan3A_202 = %scan3A_77 to %scan3A_79 step %scan3A_80 iter_args(%scan3A_203 = %scan3A_76) -> (i32)  : i32 {
      %mul3A_204 = arith.constant 4 : i32
      %mul3A_205 = arith.muli %mul3A_204, %scan3A_202 : i32
      %add3A_206 = arith.constant 2 : i32
      %add3A_207 = arith.addi %mul3A_205, %add3A_206 : i32
      %add3A_208 = arith.constant 1 : i32
      %add3A_209 = arith.addi %add3A_207, %add3A_208 : i32
      %dma_wait3A_210 = arith.constant 0 : i32
      %dma_wait3A_211 = arith.constant 0 : i32
      %dma_wait3A_212 = arith.constant 0 : i32
      %dma_wait3A_213 = tpu.memref_slice %arg3[%dma_wait3A_210, %dma_wait3A_211, %dma_wait3A_212] : memref<2560x2x125xi32, #tpu.memory_space<hbm>> -> memref<1x2x125xi32, #tpu.memory_space<hbm>>
      %dma_wait3A_214 = tpu.memref_squeeze %dma_wait3A_213 : memref<1x2x125xi32, #tpu.memory_space<hbm>> -> memref<2x125xi32, #tpu.memory_space<hbm>>
      %dma_wait3A_215 = arith.constant 0 : i32
      %dma_wait3A_216 = arith.constant 0 : i32
      %dma_wait3A_217 = tpu.memref_slice %arg3[%dma_wait3A_210, %dma_wait3A_215, %dma_wait3A_216] : memref<2560x2x125xi32, #tpu.memory_space<hbm>> -> memref<1x2x125xi32, #tpu.memory_space<hbm>>
      %dma_wait3A_218 = tpu.memref_squeeze %dma_wait3A_217 : memref<1x2x125xi32, #tpu.memory_space<hbm>> -> memref<2x125xi32, #tpu.memory_space<hbm>>
      tpu.wait_dma2 semaphore(%arg16 : memref<!tpu.dma_semaphore, #tpu.memory_space<semaphore_mem>>) src(%dma_wait3A_218 : memref<2x125xi32, #tpu.memory_space<hbm>>) dst(%arg10 : memref<2x125xi32, #tpu.memory_space<vmem>>)
      %dma_wait3A_219 = arith.constant 1 : i32
      %dma_wait3A_220 = arith.constant 0 : i32
      %dma_wait3A_221 = tpu.memref_slice %arg10[%dma_wait3A_219, %dma_wait3A_220] : memref<2x125xi32, #tpu.memory_space<vmem>> -> memref<1x125xi32, #tpu.memory_space<vmem>>
      %dma_wait3A_222 = tpu.memref_squeeze %dma_wait3A_221 : memref<1x125xi32, #tpu.memory_space<vmem>> -> memref<125xi32, #tpu.memory_space<vmem>>
      %dma_wait3A_223 = arith.constant 0 : i32
      %dma_wait3A_224 = arith.constant 0 : i32
      %dma_wait3A_225 = tpu.memref_slice %arg5[%dma_wait3A_223, %dma_wait3A_224] : memref<10240x128xf32, #tpu.memory_space<vmem_shared>> -> memref<10240x128xf32, #tpu.memory_space<vmem_shared>>
      tpu.wait_indirect_dma semaphore(%arg14 : memref<!tpu.dma_semaphore, #tpu.memory_space<semaphore_mem>>) src(%arg6 : memref<125x128xf32, #tpu.memory_space<vmem>>) dst(%dma_wait3A_225 : memref<10240x128xf32, #tpu.memory_space<vmem_shared>>)
      %dma_start3A_226 = arith.constant 0 : i32
      %dma_start3A_227 = arith.constant 0 : i32
      %dma_start3A_228 = tpu.memref_slice %arg10[%dma_start3A_226, %dma_start3A_227] : memref<2x125xi32, #tpu.memory_space<vmem>> -> memref<1x125xi32, #tpu.memory_space<vmem>>
      %dma_start3A_229 = tpu.memref_squeeze %dma_start3A_228 : memref<1x125xi32, #tpu.memory_space<vmem>> -> memref<125xi32, #tpu.memory_space<vmem>>
      %dma_start3A_230 = arith.constant 0 : i32
      %dma_start3A_231 = arith.constant 0 : i32
      %dma_start3A_232 = tpu.memref_slice %arg2[%dma_start3A_230, %dma_start3A_231] : memref<10240x128xf32, #tpu.memory_space<hbm>> -> memref<10240x128xf32, #tpu.memory_space<hbm>>
      tpu.enqueue_indirect_dma source(%dma_start3A_232 : memref<10240x128xf32, #tpu.memory_space<hbm>>) target(%arg6 : memref<125x128xf32, #tpu.memory_space<vmem>>) offsets(%dma_start3A_229 : memref<125xi32, #tpu.memory_space<vmem>>) semaphore(%arg12 : memref<!tpu.dma_semaphore, #tpu.memory_space<semaphore_mem>>)
      %dma_wait3A_233 = arith.constant 0 : i32
      %dma_wait3A_234 = arith.constant 0 : i32
      %dma_wait3A_235 = tpu.memref_slice %arg10[%dma_wait3A_233, %dma_wait3A_234] : memref<2x125xi32, #tpu.memory_space<vmem>> -> memref<1x125xi32, #tpu.memory_space<vmem>>
      %dma_wait3A_236 = tpu.memref_squeeze %dma_wait3A_235 : memref<1x125xi32, #tpu.memory_space<vmem>> -> memref<125xi32, #tpu.memory_space<vmem>>
      %dma_wait3A_237 = arith.constant 0 : i32
      %dma_wait3A_238 = arith.constant 0 : i32
      %dma_wait3A_239 = tpu.memref_slice %arg2[%dma_wait3A_237, %dma_wait3A_238] : memref<10240x128xf32, #tpu.memory_space<hbm>> -> memref<10240x128xf32, #tpu.memory_space<hbm>>
      tpu.wait_indirect_dma semaphore(%arg13 : memref<!tpu.dma_semaphore, #tpu.memory_space<semaphore_mem>>) src(%dma_wait3A_239 : memref<10240x128xf32, #tpu.memory_space<hbm>>) dst(%arg7 : memref<125x128xf32, #tpu.memory_space<vmem>>)
      %dma_start3A_240 = arith.constant 1 : i32
      %dma_start3A_241 = arith.constant 0 : i32
      %dma_start3A_242 = tpu.memref_slice %arg9[%dma_start3A_240, %dma_start3A_241] : memref<2x125xi32, #tpu.memory_space<vmem>> -> memref<1x125xi32, #tpu.memory_space<vmem>>
      %dma_start3A_243 = tpu.memref_squeeze %dma_start3A_242 : memref<1x125xi32, #tpu.memory_space<vmem>> -> memref<125xi32, #tpu.memory_space<vmem>>
      %dma_start3A_244 = arith.constant 0 : i32
      %dma_start3A_245 = arith.constant 0 : i32
      %dma_start3A_246 = tpu.memref_slice %arg5[%dma_start3A_244, %dma_start3A_245] : memref<10240x128xf32, #tpu.memory_space<vmem_shared>> -> memref<10240x128xf32, #tpu.memory_space<vmem_shared>>
      tpu.enqueue_indirect_dma source(%arg7 : memref<125x128xf32, #tpu.memory_space<vmem>>) target(%dma_start3A_246 : memref<10240x128xf32, #tpu.memory_space<vmem_shared>>) offsets(%dma_start3A_243 : memref<125xi32, #tpu.memory_space<vmem>>) semaphore(%arg15 : memref<!tpu.dma_semaphore, #tpu.memory_space<semaphore_mem>>) {add = true}
      %mul3A_247 = arith.constant 80 : i32
      %mul3A_248 = arith.muli %add3A, %mul3A_247 : i32
      %add3A_249 = arith.addi %mul3A_248, %add3A_209 : i32
      %dma_start3A_250 = arith.constant 0 : i32
      %dma_start3A_251 = arith.constant 0 : i32
      %dma_start3A_252 = tpu.memref_slice %arg3[%add3A_249, %dma_start3A_250, %dma_start3A_251] : memref<2560x2x125xi32, #tpu.memory_space<hbm>> -> memref<1x2x125xi32, #tpu.memory_space<hbm>>
      %dma_start3A_253 = tpu.memref_squeeze %dma_start3A_252 : memref<1x2x125xi32, #tpu.memory_space<hbm>> -> memref<2x125xi32, #tpu.memory_space<hbm>>
      %dma_start3A_254 = arith.constant 0 : i32
      %dma_start3A_255 = arith.constant 0 : i32
      %dma_start3A_256 = tpu.memref_slice %arg3[%add3A_249, %dma_start3A_254, %dma_start3A_255] : memref<2560x2x125xi32, #tpu.memory_space<hbm>> -> memref<1x2x125xi32, #tpu.memory_space<hbm>>
      %dma_start3A_257 = tpu.memref_squeeze %dma_start3A_256 : memref<1x2x125xi32, #tpu.memory_space<hbm>> -> memref<2x125xi32, #tpu.memory_space<hbm>>
      tpu.enqueue_dma source(%dma_start3A_257 : memref<2x125xi32, #tpu.memory_space<hbm>>) target(%arg11 : memref<2x125xi32, #tpu.memory_space<vmem>>) target_semaphore(%arg16 : memref<!tpu.dma_semaphore, #tpu.memory_space<semaphore_mem>>)
      %add3A_258 = arith.constant 2 : i32
      %add3A_259 = arith.addi %add3A_207, %add3A_258 : i32
      %dma_wait3A_260 = arith.constant 0 : i32
      %dma_wait3A_261 = arith.constant 0 : i32
      %dma_wait3A_262 = arith.constant 0 : i32
      %dma_wait3A_263 = tpu.memref_slice %arg3[%dma_wait3A_260, %dma_wait3A_261, %dma_wait3A_262] : memref<2560x2x125xi32, #tpu.memory_space<hbm>> -> memref<1x2x125xi32, #tpu.memory_space<hbm>>
      %dma_wait3A_264 = tpu.memref_squeeze %dma_wait3A_263 : memref<1x2x125xi32, #tpu.memory_space<hbm>> -> memref<2x125xi32, #tpu.memory_space<hbm>>
      %dma_wait3A_265 = arith.constant 0 : i32
      %dma_wait3A_266 = arith.constant 0 : i32
      %dma_wait3A_267 = tpu.memref_slice %arg3[%dma_wait3A_260, %dma_wait3A_265, %dma_wait3A_266] : memref<2560x2x125xi32, #tpu.memory_space<hbm>> -> memref<1x2x125xi32, #tpu.memory_space<hbm>>
      %dma_wait3A_268 = tpu.memref_squeeze %dma_wait3A_267 : memref<1x2x125xi32, #tpu.memory_space<hbm>> -> memref<2x125xi32, #tpu.memory_space<hbm>>
      tpu.wait_dma2 semaphore(%arg16 : memref<!tpu.dma_semaphore, #tpu.memory_space<semaphore_mem>>) src(%dma_wait3A_268 : memref<2x125xi32, #tpu.memory_space<hbm>>) dst(%arg11 : memref<2x125xi32, #tpu.memory_space<vmem>>)
      %dma_wait3A_269 = arith.constant 1 : i32
      %dma_wait3A_270 = arith.constant 0 : i32
      %dma_wait3A_271 = tpu.memref_slice %arg11[%dma_wait3A_269, %dma_wait3A_270] : memref<2x125xi32, #tpu.memory_space<vmem>> -> memref<1x125xi32, #tpu.memory_space<vmem>>
      %dma_wait3A_272 = tpu.memref_squeeze %dma_wait3A_271 : memref<1x125xi32, #tpu.memory_space<vmem>> -> memref<125xi32, #tpu.memory_space<vmem>>
      %dma_wait3A_273 = arith.constant 0 : i32
      %dma_wait3A_274 = arith.constant 0 : i32
      %dma_wait3A_275 = tpu.memref_slice %arg5[%dma_wait3A_273, %dma_wait3A_274] : memref<10240x128xf32, #tpu.memory_space<vmem_shared>> -> memref<10240x128xf32, #tpu.memory_space<vmem_shared>>
      tpu.wait_indirect_dma semaphore(%arg15 : memref<!tpu.dma_semaphore, #tpu.memory_space<semaphore_mem>>) src(%arg7 : memref<125x128xf32, #tpu.memory_space<vmem>>) dst(%dma_wait3A_275 : memref<10240x128xf32, #tpu.memory_space<vmem_shared>>)
      %dma_start3A_276 = arith.constant 0 : i32
      %dma_start3A_277 = arith.constant 0 : i32
      %dma_start3A_278 = tpu.memref_slice %arg11[%dma_start3A_276, %dma_start3A_277] : memref<2x125xi32, #tpu.memory_space<vmem>> -> memref<1x125xi32, #tpu.memory_space<vmem>>
      %dma_start3A_279 = tpu.memref_squeeze %dma_start3A_278 : memref<1x125xi32, #tpu.memory_space<vmem>> -> memref<125xi32, #tpu.memory_space<vmem>>
      %dma_start3A_280 = arith.constant 0 : i32
      %dma_start3A_281 = arith.constant 0 : i32
      %dma_start3A_282 = tpu.memref_slice %arg2[%dma_start3A_280, %dma_start3A_281] : memref<10240x128xf32, #tpu.memory_space<hbm>> -> memref<10240x128xf32, #tpu.memory_space<hbm>>
      tpu.enqueue_indirect_dma source(%dma_start3A_282 : memref<10240x128xf32, #tpu.memory_space<hbm>>) target(%arg7 : memref<125x128xf32, #tpu.memory_space<vmem>>) offsets(%dma_start3A_279 : memref<125xi32, #tpu.memory_space<vmem>>) semaphore(%arg13 : memref<!tpu.dma_semaphore, #tpu.memory_space<semaphore_mem>>)
      %dma_wait3A_283 = arith.constant 0 : i32
      %dma_wait3A_284 = arith.constant 0 : i32
      %dma_wait3A_285 = tpu.memref_slice %arg11[%dma_wait3A_283, %dma_wait3A_284] : memref<2x125xi32, #tpu.memory_space<vmem>> -> memref<1x125xi32, #tpu.memory_space<vmem>>
      %dma_wait3A_286 = tpu.memref_squeeze %dma_wait3A_285 : memref<1x125xi32, #tpu.memory_space<vmem>> -> memref<125xi32, #tpu.memory_space<vmem>>
      %dma_wait3A_287 = arith.constant 0 : i32
      %dma_wait3A_288 = arith.constant 0 : i32
      %dma_wait3A_289 = tpu.memref_slice %arg2[%dma_wait3A_287, %dma_wait3A_288] : memref<10240x128xf32, #tpu.memory_space<hbm>> -> memref<10240x128xf32, #tpu.memory_space<hbm>>
      tpu.wait_indirect_dma semaphore(%arg12 : memref<!tpu.dma_semaphore, #tpu.memory_space<semaphore_mem>>) src(%dma_wait3A_289 : memref<10240x128xf32, #tpu.memory_space<hbm>>) dst(%arg6 : memref<125x128xf32, #tpu.memory_space<vmem>>)
      %dma_start3A_290 = arith.constant 1 : i32
      %dma_start3A_291 = arith.constant 0 : i32
      %dma_start3A_292 = tpu.memref_slice %arg10[%dma_start3A_290, %dma_start3A_291] : memref<2x125xi32, #tpu.memory_space<vmem>> -> memref<1x125xi32, #tpu.memory_space<vmem>>
      %dma_start3A_293 = tpu.memref_squeeze %dma_start3A_292 : memref<1x125xi32, #tpu.memory_space<vmem>> -> memref<125xi32, #tpu.memory_space<vmem>>
      %dma_start3A_294 = arith.constant 0 : i32
      %dma_start3A_295 = arith.constant 0 : i32
      %dma_start3A_296 = tpu.memref_slice %arg5[%dma_start3A_294, %dma_start3A_295] : memref<10240x128xf32, #tpu.memory_space<vmem_shared>> -> memref<10240x128xf32, #tpu.memory_space<vmem_shared>>
      tpu.enqueue_indirect_dma source(%arg6 : memref<125x128xf32, #tpu.memory_space<vmem>>) target(%dma_start3A_296 : memref<10240x128xf32, #tpu.memory_space<vmem_shared>>) offsets(%dma_start3A_293 : memref<125xi32, #tpu.memory_space<vmem>>) semaphore(%arg14 : memref<!tpu.dma_semaphore, #tpu.memory_space<semaphore_mem>>) {add = true}
      %mul3A_297 = arith.constant 80 : i32
      %mul3A_298 = arith.muli %add3A, %mul3A_297 : i32
      %add3A_299 = arith.addi %mul3A_298, %add3A_259 : i32
      %dma_start3A_300 = arith.constant 0 : i32
      %dma_start3A_301 = arith.constant 0 : i32
      %dma_start3A_302 = tpu.memref_slice %arg3[%add3A_299, %dma_start3A_300, %dma_start3A_301] : memref<2560x2x125xi32, #tpu.memory_space<hbm>> -> memref<1x2x125xi32, #tpu.memory_space<hbm>>
      %dma_start3A_303 = tpu.memref_squeeze %dma_start3A_302 : memref<1x2x125xi32, #tpu.memory_space<hbm>> -> memref<2x125xi32, #tpu.memory_space<hbm>>
      %dma_start3A_304 = arith.constant 0 : i32
      %dma_start3A_305 = arith.constant 0 : i32
      %dma_start3A_306 = tpu.memref_slice %arg3[%add3A_299, %dma_start3A_304, %dma_start3A_305] : memref<2560x2x125xi32, #tpu.memory_space<hbm>> -> memref<1x2x125xi32, #tpu.memory_space<hbm>>
      %dma_start3A_307 = tpu.memref_squeeze %dma_start3A_306 : memref<1x2x125xi32, #tpu.memory_space<hbm>> -> memref<2x125xi32, #tpu.memory_space<hbm>>
      tpu.enqueue_dma source(%dma_start3A_307 : memref<2x125xi32, #tpu.memory_space<hbm>>) target(%arg8 : memref<2x125xi32, #tpu.memory_space<vmem>>) target_semaphore(%arg16 : memref<!tpu.dma_semaphore, #tpu.memory_space<semaphore_mem>>)
      %add3A_308 = arith.constant 3 : i32
      %add3A_309 = arith.addi %add3A_207, %add3A_308 : i32
      %dma_wait3A_310 = arith.constant 0 : i32
      %dma_wait3A_311 = arith.constant 0 : i32
      %dma_wait3A_312 = arith.constant 0 : i32
      %dma_wait3A_313 = tpu.memref_slice %arg3[%dma_wait3A_310, %dma_wait3A_311, %dma_wait3A_312] : memref<2560x2x125xi32, #tpu.memory_space<hbm>> -> memref<1x2x125xi32, #tpu.memory_space<hbm>>
      %dma_wait3A_314 = tpu.memref_squeeze %dma_wait3A_313 : memref<1x2x125xi32, #tpu.memory_space<hbm>> -> memref<2x125xi32, #tpu.memory_space<hbm>>
      %dma_wait3A_315 = arith.constant 0 : i32
      %dma_wait3A_316 = arith.constant 0 : i32
      %dma_wait3A_317 = tpu.memref_slice %arg3[%dma_wait3A_310, %dma_wait3A_315, %dma_wait3A_316] : memref<2560x2x125xi32, #tpu.memory_space<hbm>> -> memref<1x2x125xi32, #tpu.memory_space<hbm>>
      %dma_wait3A_318 = tpu.memref_squeeze %dma_wait3A_317 : memref<1x2x125xi32, #tpu.memory_space<hbm>> -> memref<2x125xi32, #tpu.memory_space<hbm>>
      tpu.wait_dma2 semaphore(%arg16 : memref<!tpu.dma_semaphore, #tpu.memory_space<semaphore_mem>>) src(%dma_wait3A_318 : memref<2x125xi32, #tpu.memory_space<hbm>>) dst(%arg8 : memref<2x125xi32, #tpu.memory_space<vmem>>)
      %dma_wait3A_319 = arith.constant 1 : i32
      %dma_wait3A_320 = arith.constant 0 : i32
      %dma_wait3A_321 = tpu.memref_slice %arg8[%dma_wait3A_319, %dma_wait3A_320] : memref<2x125xi32, #tpu.memory_space<vmem>> -> memref<1x125xi32, #tpu.memory_space<vmem>>
      %dma_wait3A_322 = tpu.memref_squeeze %dma_wait3A_321 : memref<1x125xi32, #tpu.memory_space<vmem>> -> memref<125xi32, #tpu.memory_space<vmem>>
      %dma_wait3A_323 = arith.constant 0 : i32
      %dma_wait3A_324 = arith.constant 0 : i32
      %dma_wait3A_325 = tpu.memref_slice %arg5[%dma_wait3A_323, %dma_wait3A_324] : memref<10240x128xf32, #tpu.memory_space<vmem_shared>> -> memref<10240x128xf32, #tpu.memory_space<vmem_shared>>
      tpu.wait_indirect_dma semaphore(%arg14 : memref<!tpu.dma_semaphore, #tpu.memory_space<semaphore_mem>>) src(%arg6 : memref<125x128xf32, #tpu.memory_space<vmem>>) dst(%dma_wait3A_325 : memref<10240x128xf32, #tpu.memory_space<vmem_shared>>)
      %dma_start3A_326 = arith.constant 0 : i32
      %dma_start3A_327 = arith.constant 0 : i32
      %dma_start3A_328 = tpu.memref_slice %arg8[%dma_start3A_326, %dma_start3A_327] : memref<2x125xi32, #tpu.memory_space<vmem>> -> memref<1x125xi32, #tpu.memory_space<vmem>>
      %dma_start3A_329 = tpu.memref_squeeze %dma_start3A_328 : memref<1x125xi32, #tpu.memory_space<vmem>> -> memref<125xi32, #tpu.memory_space<vmem>>
      %dma_start3A_330 = arith.constant 0 : i32
      %dma_start3A_331 = arith.constant 0 : i32
      %dma_start3A_332 = tpu.memref_slice %arg2[%dma_start3A_330, %dma_start3A_331] : memref<10240x128xf32, #tpu.memory_space<hbm>> -> memref<10240x128xf32, #tpu.memory_space<hbm>>
      tpu.enqueue_indirect_dma source(%dma_start3A_332 : memref<10240x128xf32, #tpu.memory_space<hbm>>) target(%arg6 : memref<125x128xf32, #tpu.memory_space<vmem>>) offsets(%dma_start3A_329 : memref<125xi32, #tpu.memory_space<vmem>>) semaphore(%arg12 : memref<!tpu.dma_semaphore, #tpu.memory_space<semaphore_mem>>)
      %dma_wait3A_333 = arith.constant 0 : i32
      %dma_wait3A_334 = arith.constant 0 : i32
      %dma_wait3A_335 = tpu.memref_slice %arg8[%dma_wait3A_333, %dma_wait3A_334] : memref<2x125xi32, #tpu.memory_space<vmem>> -> memref<1x125xi32, #tpu.memory_space<vmem>>
      %dma_wait3A_336 = tpu.memref_squeeze %dma_wait3A_335 : memref<1x125xi32, #tpu.memory_space<vmem>> -> memref<125xi32, #tpu.memory_space<vmem>>
      %dma_wait3A_337 = arith.constant 0 : i32
      %dma_wait3A_338 = arith.constant 0 : i32
      %dma_wait3A_339 = tpu.memref_slice %arg2[%dma_wait3A_337, %dma_wait3A_338] : memref<10240x128xf32, #tpu.memory_space<hbm>> -> memref<10240x128xf32, #tpu.memory_space<hbm>>
      tpu.wait_indirect_dma semaphore(%arg13 : memref<!tpu.dma_semaphore, #tpu.memory_space<semaphore_mem>>) src(%dma_wait3A_339 : memref<10240x128xf32, #tpu.memory_space<hbm>>) dst(%arg7 : memref<125x128xf32, #tpu.memory_space<vmem>>)
      %dma_start3A_340 = arith.constant 1 : i32
      %dma_start3A_341 = arith.constant 0 : i32
      %dma_start3A_342 = tpu.memref_slice %arg11[%dma_start3A_340, %dma_start3A_341] : memref<2x125xi32, #tpu.memory_space<vmem>> -> memref<1x125xi32, #tpu.memory_space<vmem>>
      %dma_start3A_343 = tpu.memref_squeeze %dma_start3A_342 : memref<1x125xi32, #tpu.memory_space<vmem>> -> memref<125xi32, #tpu.memory_space<vmem>>
      %dma_start3A_344 = arith.constant 0 : i32
      %dma_start3A_345 = arith.constant 0 : i32
      %dma_start3A_346 = tpu.memref_slice %arg5[%dma_start3A_344, %dma_start3A_345] : memref<10240x128xf32, #tpu.memory_space<vmem_shared>> -> memref<10240x128xf32, #tpu.memory_space<vmem_shared>>
      tpu.enqueue_indirect_dma source(%arg7 : memref<125x128xf32, #tpu.memory_space<vmem>>) target(%dma_start3A_346 : memref<10240x128xf32, #tpu.memory_space<vmem_shared>>) offsets(%dma_start3A_343 : memref<125xi32, #tpu.memory_space<vmem>>) semaphore(%arg15 : memref<!tpu.dma_semaphore, #tpu.memory_space<semaphore_mem>>) {add = true}
      %mul3A_347 = arith.constant 80 : i32
      %mul3A_348 = arith.muli %add3A, %mul3A_347 : i32
      %add3A_349 = arith.addi %mul3A_348, %add3A_309 : i32
      %dma_start3A_350 = arith.constant 0 : i32
      %dma_start3A_351 = arith.constant 0 : i32
      %dma_start3A_352 = tpu.memref_slice %arg3[%add3A_349, %dma_start3A_350, %dma_start3A_351] : memref<2560x2x125xi32, #tpu.memory_space<hbm>> -> memref<1x2x125xi32, #tpu.memory_space<hbm>>
      %dma_start3A_353 = tpu.memref_squeeze %dma_start3A_352 : memref<1x2x125xi32, #tpu.memory_space<hbm>> -> memref<2x125xi32, #tpu.memory_space<hbm>>
      %dma_start3A_354 = arith.constant 0 : i32
      %dma_start3A_355 = arith.constant 0 : i32
      %dma_start3A_356 = tpu.memref_slice %arg3[%add3A_349, %dma_start3A_354, %dma_start3A_355] : memref<2560x2x125xi32, #tpu.memory_space<hbm>> -> memref<1x2x125xi32, #tpu.memory_space<hbm>>
      %dma_start3A_357 = tpu.memref_squeeze %dma_start3A_356 : memref<1x2x125xi32, #tpu.memory_space<hbm>> -> memref<2x125xi32, #tpu.memory_space<hbm>>
      tpu.enqueue_dma source(%dma_start3A_357 : memref<2x125xi32, #tpu.memory_space<hbm>>) target(%arg9 : memref<2x125xi32, #tpu.memory_space<vmem>>) target_semaphore(%arg16 : memref<!tpu.dma_semaphore, #tpu.memory_space<semaphore_mem>>)
      %add3A_358 = arith.constant 4 : i32
      %add3A_359 = arith.addi %add3A_207, %add3A_358 : i32
      %dma_wait3A_360 = arith.constant 0 : i32
      %dma_wait3A_361 = arith.constant 0 : i32
      %dma_wait3A_362 = arith.constant 0 : i32
      %dma_wait3A_363 = tpu.memref_slice %arg3[%dma_wait3A_360, %dma_wait3A_361, %dma_wait3A_362] : memref<2560x2x125xi32, #tpu.memory_space<hbm>> -> memref<1x2x125xi32, #tpu.memory_space<hbm>>
      %dma_wait3A_364 = tpu.memref_squeeze %dma_wait3A_363 : memref<1x2x125xi32, #tpu.memory_space<hbm>> -> memref<2x125xi32, #tpu.memory_space<hbm>>
      %dma_wait3A_365 = arith.constant 0 : i32
      %dma_wait3A_366 = arith.constant 0 : i32
      %dma_wait3A_367 = tpu.memref_slice %arg3[%dma_wait3A_360, %dma_wait3A_365, %dma_wait3A_366] : memref<2560x2x125xi32, #tpu.memory_space<hbm>> -> memref<1x2x125xi32, #tpu.memory_space<hbm>>
      %dma_wait3A_368 = tpu.memref_squeeze %dma_wait3A_367 : memref<1x2x125xi32, #tpu.memory_space<hbm>> -> memref<2x125xi32, #tpu.memory_space<hbm>>
      tpu.wait_dma2 semaphore(%arg16 : memref<!tpu.dma_semaphore, #tpu.memory_space<semaphore_mem>>) src(%dma_wait3A_368 : memref<2x125xi32, #tpu.memory_space<hbm>>) dst(%arg9 : memref<2x125xi32, #tpu.memory_space<vmem>>)
      %dma_wait3A_369 = arith.constant 1 : i32
      %dma_wait3A_370 = arith.constant 0 : i32
      %dma_wait3A_371 = tpu.memref_slice %arg9[%dma_wait3A_369, %dma_wait3A_370] : memref<2x125xi32, #tpu.memory_space<vmem>> -> memref<1x125xi32, #tpu.memory_space<vmem>>
      %dma_wait3A_372 = tpu.memref_squeeze %dma_wait3A_371 : memref<1x125xi32, #tpu.memory_space<vmem>> -> memref<125xi32, #tpu.memory_space<vmem>>
      %dma_wait3A_373 = arith.constant 0 : i32
      %dma_wait3A_374 = arith.constant 0 : i32
      %dma_wait3A_375 = tpu.memref_slice %arg5[%dma_wait3A_373, %dma_wait3A_374] : memref<10240x128xf32, #tpu.memory_space<vmem_shared>> -> memref<10240x128xf32, #tpu.memory_space<vmem_shared>>
      tpu.wait_indirect_dma semaphore(%arg15 : memref<!tpu.dma_semaphore, #tpu.memory_space<semaphore_mem>>) src(%arg7 : memref<125x128xf32, #tpu.memory_space<vmem>>) dst(%dma_wait3A_375 : memref<10240x128xf32, #tpu.memory_space<vmem_shared>>)
      %dma_start3A_376 = arith.constant 0 : i32
      %dma_start3A_377 = arith.constant 0 : i32
      %dma_start3A_378 = tpu.memref_slice %arg9[%dma_start3A_376, %dma_start3A_377] : memref<2x125xi32, #tpu.memory_space<vmem>> -> memref<1x125xi32, #tpu.memory_space<vmem>>
      %dma_start3A_379 = tpu.memref_squeeze %dma_start3A_378 : memref<1x125xi32, #tpu.memory_space<vmem>> -> memref<125xi32, #tpu.memory_space<vmem>>
      %dma_start3A_380 = arith.constant 0 : i32
      %dma_start3A_381 = arith.constant 0 : i32
      %dma_start3A_382 = tpu.memref_slice %arg2[%dma_start3A_380, %dma_start3A_381] : memref<10240x128xf32, #tpu.memory_space<hbm>> -> memref<10240x128xf32, #tpu.memory_space<hbm>>
      tpu.enqueue_indirect_dma source(%dma_start3A_382 : memref<10240x128xf32, #tpu.memory_space<hbm>>) target(%arg7 : memref<125x128xf32, #tpu.memory_space<vmem>>) offsets(%dma_start3A_379 : memref<125xi32, #tpu.memory_space<vmem>>) semaphore(%arg13 : memref<!tpu.dma_semaphore, #tpu.memory_space<semaphore_mem>>)
      %dma_wait3A_383 = arith.constant 0 : i32
      %dma_wait3A_384 = arith.constant 0 : i32
      %dma_wait3A_385 = tpu.memref_slice %arg9[%dma_wait3A_383, %dma_wait3A_384] : memref<2x125xi32, #tpu.memory_space<vmem>> -> memref<1x125xi32, #tpu.memory_space<vmem>>
      %dma_wait3A_386 = tpu.memref_squeeze %dma_wait3A_385 : memref<1x125xi32, #tpu.memory_space<vmem>> -> memref<125xi32, #tpu.memory_space<vmem>>
      %dma_wait3A_387 = arith.constant 0 : i32
      %dma_wait3A_388 = arith.constant 0 : i32
      %dma_wait3A_389 = tpu.memref_slice %arg2[%dma_wait3A_387, %dma_wait3A_388] : memref<10240x128xf32, #tpu.memory_space<hbm>> -> memref<10240x128xf32, #tpu.memory_space<hbm>>
      tpu.wait_indirect_dma semaphore(%arg12 : memref<!tpu.dma_semaphore, #tpu.memory_space<semaphore_mem>>) src(%dma_wait3A_389 : memref<10240x128xf32, #tpu.memory_space<hbm>>) dst(%arg6 : memref<125x128xf32, #tpu.memory_space<vmem>>)
      %dma_start3A_390 = arith.constant 1 : i32
      %dma_start3A_391 = arith.constant 0 : i32
      %dma_start3A_392 = tpu.memref_slice %arg8[%dma_start3A_390, %dma_start3A_391] : memref<2x125xi32, #tpu.memory_space<vmem>> -> memref<1x125xi32, #tpu.memory_space<vmem>>
      %dma_start3A_393 = tpu.memref_squeeze %dma_start3A_392 : memref<1x125xi32, #tpu.memory_space<vmem>> -> memref<125xi32, #tpu.memory_space<vmem>>
      %dma_start3A_394 = arith.constant 0 : i32
      %dma_start3A_395 = arith.constant 0 : i32
      %dma_start3A_396 = tpu.memref_slice %arg5[%dma_start3A_394, %dma_start3A_395] : memref<10240x128xf32, #tpu.memory_space<vmem_shared>> -> memref<10240x128xf32, #tpu.memory_space<vmem_shared>>
      tpu.enqueue_indirect_dma source(%arg6 : memref<125x128xf32, #tpu.memory_space<vmem>>) target(%dma_start3A_396 : memref<10240x128xf32, #tpu.memory_space<vmem_shared>>) offsets(%dma_start3A_393 : memref<125xi32, #tpu.memory_space<vmem>>) semaphore(%arg14 : memref<!tpu.dma_semaphore, #tpu.memory_space<semaphore_mem>>) {add = true}
      %mul3A_397 = arith.constant 80 : i32
      %mul3A_398 = arith.muli %add3A, %mul3A_397 : i32
      %add3A_399 = arith.addi %mul3A_398, %add3A_359 : i32
      %dma_start3A_400 = arith.constant 0 : i32
      %dma_start3A_401 = arith.constant 0 : i32
      %dma_start3A_402 = tpu.memref_slice %arg3[%add3A_399, %dma_start3A_400, %dma_start3A_401] : memref<2560x2x125xi32, #tpu.memory_space<hbm>> -> memref<1x2x125xi32, #tpu.memory_space<hbm>>
      %dma_start3A_403 = tpu.memref_squeeze %dma_start3A_402 : memref<1x2x125xi32, #tpu.memory_space<hbm>> -> memref<2x125xi32, #tpu.memory_space<hbm>>
      %dma_start3A_404 = arith.constant 0 : i32
      %dma_start3A_405 = arith.constant 0 : i32
      %dma_start3A_406 = tpu.memref_slice %arg3[%add3A_399, %dma_start3A_404, %dma_start3A_405] : memref<2560x2x125xi32, #tpu.memory_space<hbm>> -> memref<1x2x125xi32, #tpu.memory_space<hbm>>
      %dma_start3A_407 = tpu.memref_squeeze %dma_start3A_406 : memref<1x2x125xi32, #tpu.memory_space<hbm>> -> memref<2x125xi32, #tpu.memory_space<hbm>>
      tpu.enqueue_dma source(%dma_start3A_407 : memref<2x125xi32, #tpu.memory_space<hbm>>) target(%arg10 : memref<2x125xi32, #tpu.memory_space<vmem>>) target_semaphore(%arg16 : memref<!tpu.dma_semaphore, #tpu.memory_space<semaphore_mem>>)
      %scan3A_408 = arith.constant 0 : i32
      scf.yield %scan3A_408 : i32
    }
    %scan3A_82 = arith.constant 19 : i32
    %dma_wait3A_83 = arith.constant 0 : i32
    %dma_wait3A_84 = arith.constant 0 : i32
    %dma_wait3A_85 = arith.constant 0 : i32
    %dma_wait3A_86 = tpu.memref_slice %arg3[%dma_wait3A_83, %dma_wait3A_84, %dma_wait3A_85] : memref<2560x2x125xi32, #tpu.memory_space<hbm>> -> memref<1x2x125xi32, #tpu.memory_space<hbm>>
    %dma_wait3A_87 = tpu.memref_squeeze %dma_wait3A_86 : memref<1x2x125xi32, #tpu.memory_space<hbm>> -> memref<2x125xi32, #tpu.memory_space<hbm>>
    %dma_wait3A_88 = arith.constant 0 : i32
    %dma_wait3A_89 = arith.constant 0 : i32
    %dma_wait3A_90 = tpu.memref_slice %arg3[%dma_wait3A_83, %dma_wait3A_88, %dma_wait3A_89] : memref<2560x2x125xi32, #tpu.memory_space<hbm>> -> memref<1x2x125xi32, #tpu.memory_space<hbm>>
    %dma_wait3A_91 = tpu.memref_squeeze %dma_wait3A_90 : memref<1x2x125xi32, #tpu.memory_space<hbm>> -> memref<2x125xi32, #tpu.memory_space<hbm>>
    tpu.wait_dma2 semaphore(%arg16 : memref<!tpu.dma_semaphore, #tpu.memory_space<semaphore_mem>>) src(%dma_wait3A_91 : memref<2x125xi32, #tpu.memory_space<hbm>>) dst(%arg10 : memref<2x125xi32, #tpu.memory_space<vmem>>)
    %dma_wait3A_92 = arith.constant 1 : i32
    %dma_wait3A_93 = arith.constant 0 : i32
    %dma_wait3A_94 = tpu.memref_slice %arg10[%dma_wait3A_92, %dma_wait3A_93] : memref<2x125xi32, #tpu.memory_space<vmem>> -> memref<1x125xi32, #tpu.memory_space<vmem>>
    %dma_wait3A_95 = tpu.memref_squeeze %dma_wait3A_94 : memref<1x125xi32, #tpu.memory_space<vmem>> -> memref<125xi32, #tpu.memory_space<vmem>>
    %dma_wait3A_96 = arith.constant 0 : i32
    %dma_wait3A_97 = arith.constant 0 : i32
    %dma_wait3A_98 = tpu.memref_slice %arg5[%dma_wait3A_96, %dma_wait3A_97] : memref<10240x128xf32, #tpu.memory_space<vmem_shared>> -> memref<10240x128xf32, #tpu.memory_space<vmem_shared>>
    tpu.wait_indirect_dma semaphore(%arg14 : memref<!tpu.dma_semaphore, #tpu.memory_space<semaphore_mem>>) src(%arg6 : memref<125x128xf32, #tpu.memory_space<vmem>>) dst(%dma_wait3A_98 : memref<10240x128xf32, #tpu.memory_space<vmem_shared>>)
    %dma_start3A_99 = arith.constant 0 : i32
    %dma_start3A_100 = arith.constant 0 : i32
    %dma_start3A_101 = tpu.memref_slice %arg10[%dma_start3A_99, %dma_start3A_100] : memref<2x125xi32, #tpu.memory_space<vmem>> -> memref<1x125xi32, #tpu.memory_space<vmem>>
    %dma_start3A_102 = tpu.memref_squeeze %dma_start3A_101 : memref<1x125xi32, #tpu.memory_space<vmem>> -> memref<125xi32, #tpu.memory_space<vmem>>
    %dma_start3A_103 = arith.constant 0 : i32
    %dma_start3A_104 = arith.constant 0 : i32
    %dma_start3A_105 = tpu.memref_slice %arg2[%dma_start3A_103, %dma_start3A_104] : memref<10240x128xf32, #tpu.memory_space<hbm>> -> memref<10240x128xf32, #tpu.memory_space<hbm>>
    tpu.enqueue_indirect_dma source(%dma_start3A_105 : memref<10240x128xf32, #tpu.memory_space<hbm>>) target(%arg6 : memref<125x128xf32, #tpu.memory_space<vmem>>) offsets(%dma_start3A_102 : memref<125xi32, #tpu.memory_space<vmem>>) semaphore(%arg12 : memref<!tpu.dma_semaphore, #tpu.memory_space<semaphore_mem>>)
    %dma_wait3A_106 = arith.constant 0 : i32
    %dma_wait3A_107 = arith.constant 0 : i32
    %dma_wait3A_108 = tpu.memref_slice %arg10[%dma_wait3A_106, %dma_wait3A_107] : memref<2x125xi32, #tpu.memory_space<vmem>> -> memref<1x125xi32, #tpu.memory_space<vmem>>
    %dma_wait3A_109 = tpu.memref_squeeze %dma_wait3A_108 : memref<1x125xi32, #tpu.memory_space<vmem>> -> memref<125xi32, #tpu.memory_space<vmem>>
    %dma_wait3A_110 = arith.constant 0 : i32
    %dma_wait3A_111 = arith.constant 0 : i32
    %dma_wait3A_112 = tpu.memref_slice %arg2[%dma_wait3A_110, %dma_wait3A_111] : memref<10240x128xf32, #tpu.memory_space<hbm>> -> memref<10240x128xf32, #tpu.memory_space<hbm>>
    tpu.wait_indirect_dma semaphore(%arg13 : memref<!tpu.dma_semaphore, #tpu.memory_space<semaphore_mem>>) src(%dma_wait3A_112 : memref<10240x128xf32, #tpu.memory_space<hbm>>) dst(%arg7 : memref<125x128xf32, #tpu.memory_space<vmem>>)
    %dma_start3A_113 = arith.constant 1 : i32
    %dma_start3A_114 = arith.constant 0 : i32
    %dma_start3A_115 = tpu.memref_slice %arg9[%dma_start3A_113, %dma_start3A_114] : memref<2x125xi32, #tpu.memory_space<vmem>> -> memref<1x125xi32, #tpu.memory_space<vmem>>
    %dma_start3A_116 = tpu.memref_squeeze %dma_start3A_115 : memref<1x125xi32, #tpu.memory_space<vmem>> -> memref<125xi32, #tpu.memory_space<vmem>>
    %dma_start3A_117 = arith.constant 0 : i32
    %dma_start3A_118 = arith.constant 0 : i32
    %dma_start3A_119 = tpu.memref_slice %arg5[%dma_start3A_117, %dma_start3A_118] : memref<10240x128xf32, #tpu.memory_space<vmem_shared>> -> memref<10240x128xf32, #tpu.memory_space<vmem_shared>>
    tpu.enqueue_indirect_dma source(%arg7 : memref<125x128xf32, #tpu.memory_space<vmem>>) target(%dma_start3A_119 : memref<10240x128xf32, #tpu.memory_space<vmem_shared>>) offsets(%dma_start3A_116 : memref<125xi32, #tpu.memory_space<vmem>>) semaphore(%arg15 : memref<!tpu.dma_semaphore, #tpu.memory_space<semaphore_mem>>) {add = true}
    %mul3A_120 = arith.constant 80 : i32
    %mul3A_121 = arith.muli %add3A, %mul3A_120 : i32
    %add3A_122 = arith.constant 79 : i32
    %add3A_123 = arith.addi %mul3A_121, %add3A_122 : i32
    %dma_start3A_124 = arith.constant 0 : i32
    %dma_start3A_125 = arith.constant 0 : i32
    %dma_start3A_126 = tpu.memref_slice %arg3[%add3A_123, %dma_start3A_124, %dma_start3A_125] : memref<2560x2x125xi32, #tpu.memory_space<hbm>> -> memref<1x2x125xi32, #tpu.memory_space<hbm>>
    %dma_start3A_127 = tpu.memref_squeeze %dma_start3A_126 : memref<1x2x125xi32, #tpu.memory_space<hbm>> -> memref<2x125xi32, #tpu.memory_space<hbm>>
    %dma_start3A_128 = arith.constant 0 : i32
    %dma_start3A_129 = arith.constant 0 : i32
    %dma_start3A_130 = tpu.memref_slice %arg3[%add3A_123, %dma_start3A_128, %dma_start3A_129] : memref<2560x2x125xi32, #tpu.memory_space<hbm>> -> memref<1x2x125xi32, #tpu.memory_space<hbm>>
    %dma_start3A_131 = tpu.memref_squeeze %dma_start3A_130 : memref<1x2x125xi32, #tpu.memory_space<hbm>> -> memref<2x125xi32, #tpu.memory_space<hbm>>
    tpu.enqueue_dma source(%dma_start3A_131 : memref<2x125xi32, #tpu.memory_space<hbm>>) target(%arg11 : memref<2x125xi32, #tpu.memory_space<vmem>>) target_semaphore(%arg16 : memref<!tpu.dma_semaphore, #tpu.memory_space<semaphore_mem>>)
    %dma_wait3A_132 = arith.constant 0 : i32
    %dma_wait3A_133 = arith.constant 0 : i32
    %dma_wait3A_134 = arith.constant 0 : i32
    %dma_wait3A_135 = tpu.memref_slice %arg3[%dma_wait3A_132, %dma_wait3A_133, %dma_wait3A_134] : memref<2560x2x125xi32, #tpu.memory_space<hbm>> -> memref<1x2x125xi32, #tpu.memory_space<hbm>>
    %dma_wait3A_136 = tpu.memref_squeeze %dma_wait3A_135 : memref<1x2x125xi32, #tpu.memory_space<hbm>> -> memref<2x125xi32, #tpu.memory_space<hbm>>
    %dma_wait3A_137 = arith.constant 0 : i32
    %dma_wait3A_138 = arith.constant 0 : i32
    %dma_wait3A_139 = tpu.memref_slice %arg3[%dma_wait3A_132, %dma_wait3A_137, %dma_wait3A_138] : memref<2560x2x125xi32, #tpu.memory_space<hbm>> -> memref<1x2x125xi32, #tpu.memory_space<hbm>>
    %dma_wait3A_140 = tpu.memref_squeeze %dma_wait3A_139 : memref<1x2x125xi32, #tpu.memory_space<hbm>> -> memref<2x125xi32, #tpu.memory_space<hbm>>
    tpu.wait_dma2 semaphore(%arg16 : memref<!tpu.dma_semaphore, #tpu.memory_space<semaphore_mem>>) src(%dma_wait3A_140 : memref<2x125xi32, #tpu.memory_space<hbm>>) dst(%arg11 : memref<2x125xi32, #tpu.memory_space<vmem>>)
    %dma_wait3A_141 = arith.constant 1 : i32
    %dma_wait3A_142 = arith.constant 0 : i32
    %dma_wait3A_143 = tpu.memref_slice %arg11[%dma_wait3A_141, %dma_wait3A_142] : memref<2x125xi32, #tpu.memory_space<vmem>> -> memref<1x125xi32, #tpu.memory_space<vmem>>
    %dma_wait3A_144 = tpu.memref_squeeze %dma_wait3A_143 : memref<1x125xi32, #tpu.memory_space<vmem>> -> memref<125xi32, #tpu.memory_space<vmem>>
    %dma_wait3A_145 = arith.constant 0 : i32
    %dma_wait3A_146 = arith.constant 0 : i32
    %dma_wait3A_147 = tpu.memref_slice %arg5[%dma_wait3A_145, %dma_wait3A_146] : memref<10240x128xf32, #tpu.memory_space<vmem_shared>> -> memref<10240x128xf32, #tpu.memory_space<vmem_shared>>
    tpu.wait_indirect_dma semaphore(%arg15 : memref<!tpu.dma_semaphore, #tpu.memory_space<semaphore_mem>>) src(%arg7 : memref<125x128xf32, #tpu.memory_space<vmem>>) dst(%dma_wait3A_147 : memref<10240x128xf32, #tpu.memory_space<vmem_shared>>)
    %dma_start3A_148 = arith.constant 0 : i32
    %dma_start3A_149 = arith.constant 0 : i32
    %dma_start3A_150 = tpu.memref_slice %arg11[%dma_start3A_148, %dma_start3A_149] : memref<2x125xi32, #tpu.memory_space<vmem>> -> memref<1x125xi32, #tpu.memory_space<vmem>>
    %dma_start3A_151 = tpu.memref_squeeze %dma_start3A_150 : memref<1x125xi32, #tpu.memory_space<vmem>> -> memref<125xi32, #tpu.memory_space<vmem>>
    %dma_start3A_152 = arith.constant 0 : i32
    %dma_start3A_153 = arith.constant 0 : i32
    %dma_start3A_154 = tpu.memref_slice %arg2[%dma_start3A_152, %dma_start3A_153] : memref<10240x128xf32, #tpu.memory_space<hbm>> -> memref<10240x128xf32, #tpu.memory_space<hbm>>
    tpu.enqueue_indirect_dma source(%dma_start3A_154 : memref<10240x128xf32, #tpu.memory_space<hbm>>) target(%arg7 : memref<125x128xf32, #tpu.memory_space<vmem>>) offsets(%dma_start3A_151 : memref<125xi32, #tpu.memory_space<vmem>>) semaphore(%arg13 : memref<!tpu.dma_semaphore, #tpu.memory_space<semaphore_mem>>)
    %dma_wait3A_155 = arith.constant 0 : i32
    %dma_wait3A_156 = arith.constant 0 : i32
    %dma_wait3A_157 = tpu.memref_slice %arg11[%dma_wait3A_155, %dma_wait3A_156] : memref<2x125xi32, #tpu.memory_space<vmem>> -> memref<1x125xi32, #tpu.memory_space<vmem>>
    %dma_wait3A_158 = tpu.memref_squeeze %dma_wait3A_157 : memref<1x125xi32, #tpu.memory_space<vmem>> -> memref<125xi32, #tpu.memory_space<vmem>>
    %dma_wait3A_159 = arith.constant 0 : i32
    %dma_wait3A_160 = arith.constant 0 : i32
    %dma_wait3A_161 = tpu.memref_slice %arg2[%dma_wait3A_159, %dma_wait3A_160] : memref<10240x128xf32, #tpu.memory_space<hbm>> -> memref<10240x128xf32, #tpu.memory_space<hbm>>
    tpu.wait_indirect_dma semaphore(%arg12 : memref<!tpu.dma_semaphore, #tpu.memory_space<semaphore_mem>>) src(%dma_wait3A_161 : memref<10240x128xf32, #tpu.memory_space<hbm>>) dst(%arg6 : memref<125x128xf32, #tpu.memory_space<vmem>>)
    %dma_start3A_162 = arith.constant 1 : i32
    %dma_start3A_163 = arith.constant 0 : i32
    %dma_start3A_164 = tpu.memref_slice %arg10[%dma_start3A_162, %dma_start3A_163] : memref<2x125xi32, #tpu.memory_space<vmem>> -> memref<1x125xi32, #tpu.memory_space<vmem>>
    %dma_start3A_165 = tpu.memref_squeeze %dma_start3A_164 : memref<1x125xi32, #tpu.memory_space<vmem>> -> memref<125xi32, #tpu.memory_space<vmem>>
    %dma_start3A_166 = arith.constant 0 : i32
    %dma_start3A_167 = arith.constant 0 : i32
    %dma_start3A_168 = tpu.memref_slice %arg5[%dma_start3A_166, %dma_start3A_167] : memref<10240x128xf32, #tpu.memory_space<vmem_shared>> -> memref<10240x128xf32, #tpu.memory_space<vmem_shared>>
    tpu.enqueue_indirect_dma source(%arg6 : memref<125x128xf32, #tpu.memory_space<vmem>>) target(%dma_start3A_168 : memref<10240x128xf32, #tpu.memory_space<vmem_shared>>) offsets(%dma_start3A_165 : memref<125xi32, #tpu.memory_space<vmem>>) semaphore(%arg14 : memref<!tpu.dma_semaphore, #tpu.memory_space<semaphore_mem>>) {add = true}
    %dma_wait3A_169 = arith.constant 0 : i32
    %dma_wait3A_170 = arith.constant 0 : i32
    %dma_wait3A_171 = tpu.memref_slice %arg11[%dma_wait3A_169, %dma_wait3A_170] : memref<2x125xi32, #tpu.memory_space<vmem>> -> memref<1x125xi32, #tpu.memory_space<vmem>>
    %dma_wait3A_172 = tpu.memref_squeeze %dma_wait3A_171 : memref<1x125xi32, #tpu.memory_space<vmem>> -> memref<125xi32, #tpu.memory_space<vmem>>
    %dma_wait3A_173 = arith.constant 0 : i32
    %dma_wait3A_174 = arith.constant 0 : i32
    %dma_wait3A_175 = tpu.memref_slice %arg2[%dma_wait3A_173, %dma_wait3A_174] : memref<10240x128xf32, #tpu.memory_space<hbm>> -> memref<10240x128xf32, #tpu.memory_space<hbm>>
    tpu.wait_indirect_dma semaphore(%arg13 : memref<!tpu.dma_semaphore, #tpu.memory_space<semaphore_mem>>) src(%dma_wait3A_175 : memref<10240x128xf32, #tpu.memory_space<hbm>>) dst(%arg7 : memref<125x128xf32, #tpu.memory_space<vmem>>)
    %dma_start3A_176 = arith.constant 1 : i32
    %dma_start3A_177 = arith.constant 0 : i32
    %dma_start3A_178 = tpu.memref_slice %arg11[%dma_start3A_176, %dma_start3A_177] : memref<2x125xi32, #tpu.memory_space<vmem>> -> memref<1x125xi32, #tpu.memory_space<vmem>>
    %dma_start3A_179 = tpu.memref_squeeze %dma_start3A_178 : memref<1x125xi32, #tpu.memory_space<vmem>> -> memref<125xi32, #tpu.memory_space<vmem>>
    %dma_start3A_180 = arith.constant 0 : i32
    %dma_start3A_181 = arith.constant 0 : i32
    %dma_start3A_182 = tpu.memref_slice %arg5[%dma_start3A_180, %dma_start3A_181] : memref<10240x128xf32, #tpu.memory_space<vmem_shared>> -> memref<10240x128xf32, #tpu.memory_space<vmem_shared>>
    tpu.enqueue_indirect_dma source(%arg7 : memref<125x128xf32, #tpu.memory_space<vmem>>) target(%dma_start3A_182 : memref<10240x128xf32, #tpu.memory_space<vmem_shared>>) offsets(%dma_start3A_179 : memref<125xi32, #tpu.memory_space<vmem>>) semaphore(%arg15 : memref<!tpu.dma_semaphore, #tpu.memory_space<semaphore_mem>>) {add = true}
    %dma_wait3A_183 = arith.constant 1 : i32
    %dma_wait3A_184 = arith.constant 0 : i32
    %dma_wait3A_185 = tpu.memref_slice %arg10[%dma_wait3A_183, %dma_wait3A_184] : memref<2x125xi32, #tpu.memory_space<vmem>> -> memref<1x125xi32, #tpu.memory_space<vmem>>
    %dma_wait3A_186 = tpu.memref_squeeze %dma_wait3A_185 : memref<1x125xi32, #tpu.memory_space<vmem>> -> memref<125xi32, #tpu.memory_space<vmem>>
    %dma_wait3A_187 = arith.constant 0 : i32
    %dma_wait3A_188 = arith.constant 0 : i32
    %dma_wait3A_189 = tpu.memref_slice %arg5[%dma_wait3A_187, %dma_wait3A_188] : memref<10240x128xf32, #tpu.memory_space<vmem_shared>> -> memref<10240x128xf32, #tpu.memory_space<vmem_shared>>
    tpu.wait_indirect_dma semaphore(%arg14 : memref<!tpu.dma_semaphore, #tpu.memory_space<semaphore_mem>>) src(%arg6 : memref<125x128xf32, #tpu.memory_space<vmem>>) dst(%dma_wait3A_189 : memref<10240x128xf32, #tpu.memory_space<vmem_shared>>)
    %dma_wait3A_190 = arith.constant 1 : i32
    %dma_wait3A_191 = arith.constant 0 : i32
    %dma_wait3A_192 = tpu.memref_slice %arg11[%dma_wait3A_190, %dma_wait3A_191] : memref<2x125xi32, #tpu.memory_space<vmem>> -> memref<1x125xi32, #tpu.memory_space<vmem>>
    %dma_wait3A_193 = tpu.memref_squeeze %dma_wait3A_192 : memref<1x125xi32, #tpu.memory_space<vmem>> -> memref<125xi32, #tpu.memory_space<vmem>>
    %dma_wait3A_194 = arith.constant 0 : i32
    %dma_wait3A_195 = arith.constant 0 : i32
    %dma_wait3A_196 = tpu.memref_slice %arg5[%dma_wait3A_194, %dma_wait3A_195] : memref<10240x128xf32, #tpu.memory_space<vmem_shared>> -> memref<10240x128xf32, #tpu.memory_space<vmem_shared>>
    tpu.wait_indirect_dma semaphore(%arg15 : memref<!tpu.dma_semaphore, #tpu.memory_space<semaphore_mem>>) src(%arg7 : memref<125x128xf32, #tpu.memory_space<vmem>>) dst(%dma_wait3A_196 : memref<10240x128xf32, #tpu.memory_space<vmem_shared>>)
    %barrier3A_197 = arith.constant 0 : index
    tpu.barrier barrier_id(%barrier3A_197)
    %mul3A_198 = arith.constant 640 : i32
    %mul3A_199 = arith.muli %arg1, %mul3A_198 : i32
    %mul3A_200 = arith.constant 640 : i32
    %mul3A_201 = arith.muli %arg1, %mul3A_200 : i32
    "tpu.region"() ({
      %run_scoped3A = tpu.sem_alloc : memref<!tpu.dma_semaphore, #tpu.memory_space<semaphore_mem>>
      %dma_start3A_202 = arith.constant 0 : i32
      %dma_start3A_203 = tpu.memref_slice %arg4[%arg0, %mul3A_201, %dma_start3A_202] : memref<2x10240x128xf32, #tpu.memory_space<hbm>> -> memref<1x640x128xf32, #tpu.memory_space<hbm>>
      %dma_start3A_204 = tpu.memref_squeeze %dma_start3A_203 : memref<1x640x128xf32, #tpu.memory_space<hbm>> -> memref<640x128xf32, #tpu.memory_space<hbm>>
      %dma_start3A_205 = arith.constant 0 : i32
      %dma_start3A_206 = tpu.memref_slice %arg5[%mul3A_199, %dma_start3A_205] : memref<10240x128xf32, #tpu.memory_space<vmem_shared>> -> memref<640x128xf32, #tpu.memory_space<vmem_shared>>
      tpu.enqueue_dma source(%dma_start3A_206 : memref<640x128xf32, #tpu.memory_space<vmem_shared>>) target(%dma_start3A_204 : memref<640x128xf32, #tpu.memory_space<hbm>>) target_semaphore(%run_scoped3A : memref<!tpu.dma_semaphore, #tpu.memory_space<semaphore_mem>>)
      %dma_wait3A_207 = arith.constant 0 : i32
      %dma_wait3A_208 = tpu.memref_slice %arg4[%arg0, %mul3A_201, %dma_wait3A_207] : memref<2x10240x128xf32, #tpu.memory_space<hbm>> -> memref<1x640x128xf32, #tpu.memory_space<hbm>>
      %dma_wait3A_209 = tpu.memref_squeeze %dma_wait3A_208 : memref<1x640x128xf32, #tpu.memory_space<hbm>> -> memref<640x128xf32, #tpu.memory_space<hbm>>
      %dma_wait3A_210 = arith.constant 0 : i32
      %dma_wait3A_211 = tpu.memref_slice %arg5[%mul3A_199, %dma_wait3A_210] : memref<10240x128xf32, #tpu.memory_space<vmem_shared>> -> memref<640x128xf32, #tpu.memory_space<vmem_shared>>
      tpu.wait_dma2 semaphore(%run_scoped3A : memref<!tpu.dma_semaphore, #tpu.memory_space<semaphore_mem>>) src(%dma_wait3A_211 : memref<640x128xf32, #tpu.memory_space<vmem_shared>>) dst(%dma_wait3A_209 : memref<640x128xf32, #tpu.memory_space<hbm>>)
      tpu.yield
    }) : () -> ()
    return
  }
}

#map = affine_map<(d0, d1) -> (0, 0, 0, 0)>
#map1 = affine_map<(d0, d1) -> (0, 0, 0)>
module attributes {stable_mosaic.version = 14 : i64} {
  func.func @_degrees(%arg0: i32, %arg1: i32, %arg2: memref<2x16x250x80xi32, #tpu.memory_space<hbm>>, %arg3: memref<2x1x10240xf32, #tpu.memory_space<hbm>>, %arg4: memref<10240xf32, #tpu.memory_space<vmem_shared>>, %arg5: memref<250x80xi32, #tpu.memory_space<vmem>>, %arg6: memref<80xf32, #tpu.memory_space<vmem>>, %arg7: memref<640xf32, #tpu.memory_space<vmem>>, %arg8: memref<!tpu.dma_semaphore, #tpu.memory_space<semaphore_mem>>, %arg9: memref<!tpu.dma_semaphore, #tpu.memory_space<semaphore_mem>>) attributes {dimension_semantics = [#tpu.dimension_semantics<core_parallel>, #tpu.dimension_semantics<subcore_parallel>], iteration_bounds = array<i64: 2, 16>, scalar_prefetch = 0 : i64, scratch_operands = 6 : i64, tpu.core_type = #tpu.core_type<sc_vector_subcore>, window_params = [{transform_indices = #map}, {transform_indices = #map1}]} {
    %scan3A = arith.constant 0 : i32
    %scan3A_0 = arith.constant 0 : i32
    %scan3A_1 = arith.constant 5 : i32
    %scan3A_2 = arith.addi %scan3A_0, %scan3A_1 : i32
    %scan3A_3 = arith.constant 1 : i32
    %scan3A_4 = scf.for %scan3A_48 = %scan3A_0 to %scan3A_2 step %scan3A_3 iter_args(%scan3A_49 = %scan3A) -> (i32)  : i32 {
      %broadcast_in_dim3A = arith.constant 1.000000e+00 : f32
      %broadcast_in_dim3A_50 = vector.broadcast %broadcast_in_dim3A : f32 to vector<16xf32>
      %mul3A_51 = arith.constant 16 : i32
      %mul3A_52 = arith.muli %scan3A_48, %mul3A_51 : i32
      %swap3A = arith.index_cast %mul3A_52 : i32 to index
      %swap3A_53 = tpu.vector_load %arg6[%swap3A] {strides = array<i32>} : memref<80xf32, #tpu.memory_space<vmem>>, vector<16xf32>,
      %swap3A_54 = vector.shape_cast %swap3A_53 : vector<16xf32> to vector<16xf32>
      %swap3A_55 = vector.shape_cast %broadcast_in_dim3A_50 : vector<16xf32> to vector<16xf32>
      tpu.vector_store %arg6[%swap3A], %swap3A_55 {strides = array<i32>} : memref<80xf32, #tpu.memory_space<vmem>>, vector<16xf32>,
      %scan3A_56 = arith.constant 0 : i32
      scf.yield %scan3A_56 : i32
    }
    %scan3A_5 = arith.constant 5 : i32
    %scan3A_6 = arith.constant 0 : i32
    %scan3A_7 = arith.constant 0 : i32
    %scan3A_8 = arith.constant 40 : i32
    %scan3A_9 = arith.addi %scan3A_7, %scan3A_8 : i32
    %scan3A_10 = arith.constant 1 : i32
    %scan3A_11 = scf.for %scan3A_48 = %scan3A_7 to %scan3A_9 step %scan3A_10 iter_args(%scan3A_49 = %scan3A_6) -> (i32)  : i32 {
      %broadcast_in_dim3A = arith.constant 0.000000e+00 : f32
      %broadcast_in_dim3A_50 = vector.broadcast %broadcast_in_dim3A : f32 to vector<16xf32>
      %mul3A_51 = arith.constant 16 : i32
      %mul3A_52 = arith.muli %scan3A_48, %mul3A_51 : i32
      %swap3A = arith.index_cast %mul3A_52 : i32 to index
      %swap3A_53 = tpu.vector_load %arg7[%swap3A] {strides = array<i32>} : memref<640xf32, #tpu.memory_space<vmem>>, vector<16xf32>,
      %swap3A_54 = vector.shape_cast %swap3A_53 : vector<16xf32> to vector<16xf32>
      %swap3A_55 = vector.shape_cast %broadcast_in_dim3A_50 : vector<16xf32> to vector<16xf32>
      tpu.vector_store %arg7[%swap3A], %swap3A_55 {strides = array<i32>} : memref<640xf32, #tpu.memory_space<vmem>>, vector<16xf32>,
      %scan3A_56 = arith.constant 0 : i32
      scf.yield %scan3A_56 : i32
    }
    %scan3A_12 = arith.constant 40 : i32
    %mul3A = arith.constant 640 : i32
    %mul3A_13 = arith.muli %arg1, %mul3A : i32
    "tpu.region"() ({
      %run_scoped3A_48 = tpu.sem_alloc : memref<!tpu.dma_semaphore, #tpu.memory_space<semaphore_mem>>
      %dma_start3A_49 = tpu.memref_slice %arg4[%mul3A_13] : memref<10240xf32, #tpu.memory_space<vmem_shared>> -> memref<640xf32, #tpu.memory_space<vmem_shared>>
      %dma_start3A_50 = tpu.memref_slice %arg4[%mul3A_13] : memref<10240xf32, #tpu.memory_space<vmem_shared>> -> memref<640xf32, #tpu.memory_space<vmem_shared>>
      tpu.enqueue_dma source(%arg7 : memref<640xf32, #tpu.memory_space<vmem>>) target(%dma_start3A_50 : memref<640xf32, #tpu.memory_space<vmem_shared>>) target_semaphore(%run_scoped3A_48 : memref<!tpu.dma_semaphore, #tpu.memory_space<semaphore_mem>>)
      %dma_wait3A_51 = tpu.memref_slice %arg4[%mul3A_13] : memref<10240xf32, #tpu.memory_space<vmem_shared>> -> memref<640xf32, #tpu.memory_space<vmem_shared>>
      %dma_wait3A_52 = tpu.memref_slice %arg4[%mul3A_13] : memref<10240xf32, #tpu.memory_space<vmem_shared>> -> memref<640xf32, #tpu.memory_space<vmem_shared>>
      tpu.wait_dma2 semaphore(%run_scoped3A_48 : memref<!tpu.dma_semaphore, #tpu.memory_space<semaphore_mem>>) src(%arg7 : memref<640xf32, #tpu.memory_space<vmem>>) dst(%dma_wait3A_52 : memref<640xf32, #tpu.memory_space<vmem_shared>>)
      tpu.yield
    }) : () -> ()
    %barrier3A = arith.constant 0 : index
    tpu.barrier barrier_id(%barrier3A)
    "tpu.region"() ({
      %run_scoped3A_48 = tpu.sem_alloc : memref<!tpu.dma_semaphore, #tpu.memory_space<semaphore_mem>>
      %dma_start3A_49 = arith.constant 0 : i32
      %dma_start3A_50 = arith.constant 0 : i32
      %dma_start3A_51 = tpu.memref_slice %arg2[%arg0, %arg1, %dma_start3A_49, %dma_start3A_50] : memref<2x16x250x80xi32, #tpu.memory_space<hbm>> -> memref<1x1x250x80xi32, #tpu.memory_space<hbm>>
      %dma_start3A_52 = tpu.memref_squeeze %dma_start3A_51 : memref<1x1x250x80xi32, #tpu.memory_space<hbm>> -> memref<250x80xi32, #tpu.memory_space<hbm>>
      %dma_start3A_53 = arith.constant 0 : i32
      %dma_start3A_54 = arith.constant 0 : i32
      %dma_start3A_55 = tpu.memref_slice %arg2[%arg0, %arg1, %dma_start3A_53, %dma_start3A_54] : memref<2x16x250x80xi32, #tpu.memory_space<hbm>> -> memref<1x1x250x80xi32, #tpu.memory_space<hbm>>
      %dma_start3A_56 = tpu.memref_squeeze %dma_start3A_55 : memref<1x1x250x80xi32, #tpu.memory_space<hbm>> -> memref<250x80xi32, #tpu.memory_space<hbm>>
      tpu.enqueue_dma source(%dma_start3A_56 : memref<250x80xi32, #tpu.memory_space<hbm>>) target(%arg5 : memref<250x80xi32, #tpu.memory_space<vmem>>) target_semaphore(%run_scoped3A_48 : memref<!tpu.dma_semaphore, #tpu.memory_space<semaphore_mem>>)
      %dma_wait3A_57 = arith.constant 0 : i32
      %dma_wait3A_58 = arith.constant 0 : i32
      %dma_wait3A_59 = tpu.memref_slice %arg2[%arg0, %arg1, %dma_wait3A_57, %dma_wait3A_58] : memref<2x16x250x80xi32, #tpu.memory_space<hbm>> -> memref<1x1x250x80xi32, #tpu.memory_space<hbm>>
      %dma_wait3A_60 = tpu.memref_squeeze %dma_wait3A_59 : memref<1x1x250x80xi32, #tpu.memory_space<hbm>> -> memref<250x80xi32, #tpu.memory_space<hbm>>
      %dma_wait3A_61 = arith.constant 0 : i32
      %dma_wait3A_62 = arith.constant 0 : i32
      %dma_wait3A_63 = tpu.memref_slice %arg2[%arg0, %arg1, %dma_wait3A_61, %dma_wait3A_62] : memref<2x16x250x80xi32, #tpu.memory_space<hbm>> -> memref<1x1x250x80xi32, #tpu.memory_space<hbm>>
      %dma_wait3A_64 = tpu.memref_squeeze %dma_wait3A_63 : memref<1x1x250x80xi32, #tpu.memory_space<hbm>> -> memref<250x80xi32, #tpu.memory_space<hbm>>
      tpu.wait_dma2 semaphore(%run_scoped3A_48 : memref<!tpu.dma_semaphore, #tpu.memory_space<semaphore_mem>>) src(%dma_wait3A_64 : memref<250x80xi32, #tpu.memory_space<hbm>>) dst(%arg5 : memref<250x80xi32, #tpu.memory_space<vmem>>)
      tpu.yield
    }) : () -> ()
    %dma_start3A = arith.constant 0 : i32
    %dma_start3A_14 = arith.constant 0 : i32
    %dma_start3A_15 = tpu.memref_slice %arg5[%dma_start3A, %dma_start3A_14] : memref<250x80xi32, #tpu.memory_space<vmem>> -> memref<1x80xi32, #tpu.memory_space<vmem>>
    %dma_start3A_16 = tpu.memref_squeeze %dma_start3A_15 : memref<1x80xi32, #tpu.memory_space<vmem>> -> memref<80xi32, #tpu.memory_space<vmem>>
    %dma_start3A_17 = arith.constant 0 : i32
    %dma_start3A_18 = tpu.memref_slice %arg4[%dma_start3A_17] : memref<10240xf32, #tpu.memory_space<vmem_shared>> -> memref<10240xf32, #tpu.memory_space<vmem_shared>>
    tpu.enqueue_indirect_dma source(%arg6 : memref<80xf32, #tpu.memory_space<vmem>>) target(%dma_start3A_18 : memref<10240xf32, #tpu.memory_space<vmem_shared>>) offsets(%dma_start3A_16 : memref<80xi32, #tpu.memory_space<vmem>>) semaphore(%arg8 : memref<!tpu.dma_semaphore, #tpu.memory_space<semaphore_mem>>) {add = true}
    %scan3A_19 = arith.constant 0 : i32
    %scan3A_20 = arith.constant 0 : i32
    %scan3A_21 = arith.constant 124 : i32
    %scan3A_22 = arith.addi %scan3A_20, %scan3A_21 : i32
    %scan3A_23 = arith.constant 1 : i32
    %scan3A_24 = scf.for %scan3A_48 = %scan3A_20 to %scan3A_22 step %scan3A_23 iter_args(%scan3A_49 = %scan3A_19) -> (i32)  : i32 {
      %mul3A_50 = arith.constant 2 : i32
      %mul3A_51 = arith.muli %mul3A_50, %scan3A_48 : i32
      %add3A = arith.constant 1 : i32
      %add3A_52 = arith.addi %mul3A_51, %add3A : i32
      %dma_start3A_53 = arith.constant 0 : i32
      %dma_start3A_54 = tpu.memref_slice %arg5[%add3A_52, %dma_start3A_53] : memref<250x80xi32, #tpu.memory_space<vmem>> -> memref<1x80xi32, #tpu.memory_space<vmem>>
      %dma_start3A_55 = tpu.memref_squeeze %dma_start3A_54 : memref<1x80xi32, #tpu.memory_space<vmem>> -> memref<80xi32, #tpu.memory_space<vmem>>
      %dma_start3A_56 = arith.constant 0 : i32
      %dma_start3A_57 = tpu.memref_slice %arg4[%dma_start3A_56] : memref<10240xf32, #tpu.memory_space<vmem_shared>> -> memref<10240xf32, #tpu.memory_space<vmem_shared>>
      tpu.enqueue_indirect_dma source(%arg6 : memref<80xf32, #tpu.memory_space<vmem>>) target(%dma_start3A_57 : memref<10240xf32, #tpu.memory_space<vmem_shared>>) offsets(%dma_start3A_55 : memref<80xi32, #tpu.memory_space<vmem>>) semaphore(%arg9 : memref<!tpu.dma_semaphore, #tpu.memory_space<semaphore_mem>>) {add = true}
      %sub3A = arith.constant 1 : i32
      %sub3A_58 = arith.subi %add3A_52, %sub3A : i32
      %dma_wait3A_59 = arith.constant 0 : i32
      %dma_wait3A_60 = tpu.memref_slice %arg5[%sub3A_58, %dma_wait3A_59] : memref<250x80xi32, #tpu.memory_space<vmem>> -> memref<1x80xi32, #tpu.memory_space<vmem>>
      %dma_wait3A_61 = tpu.memref_squeeze %dma_wait3A_60 : memref<1x80xi32, #tpu.memory_space<vmem>> -> memref<80xi32, #tpu.memory_space<vmem>>
      %dma_wait3A_62 = arith.constant 0 : i32
      %dma_wait3A_63 = tpu.memref_slice %arg4[%dma_wait3A_62] : memref<10240xf32, #tpu.memory_space<vmem_shared>> -> memref<10240xf32, #tpu.memory_space<vmem_shared>>
      tpu.wait_indirect_dma semaphore(%arg8 : memref<!tpu.dma_semaphore, #tpu.memory_space<semaphore_mem>>) src(%arg6 : memref<80xf32, #tpu.memory_space<vmem>>) dst(%dma_wait3A_63 : memref<10240xf32, #tpu.memory_space<vmem_shared>>)
      %add3A_64 = arith.constant 1 : i32
      %add3A_65 = arith.addi %add3A_52, %add3A_64 : i32
      %dma_start3A_66 = arith.constant 0 : i32
      %dma_start3A_67 = tpu.memref_slice %arg5[%add3A_65, %dma_start3A_66] : memref<250x80xi32, #tpu.memory_space<vmem>> -> memref<1x80xi32, #tpu.memory_space<vmem>>
      %dma_start3A_68 = tpu.memref_squeeze %dma_start3A_67 : memref<1x80xi32, #tpu.memory_space<vmem>> -> memref<80xi32, #tpu.memory_space<vmem>>
      %dma_start3A_69 = arith.constant 0 : i32
      %dma_start3A_70 = tpu.memref_slice %arg4[%dma_start3A_69] : memref<10240xf32, #tpu.memory_space<vmem_shared>> -> memref<10240xf32, #tpu.memory_space<vmem_shared>>
      tpu.enqueue_indirect_dma source(%arg6 : memref<80xf32, #tpu.memory_space<vmem>>) target(%dma_start3A_70 : memref<10240xf32, #tpu.memory_space<vmem_shared>>) offsets(%dma_start3A_68 : memref<80xi32, #tpu.memory_space<vmem>>) semaphore(%arg8 : memref<!tpu.dma_semaphore, #tpu.memory_space<semaphore_mem>>) {add = true}
      %dma_wait3A_71 = arith.constant 0 : i32
      %dma_wait3A_72 = tpu.memref_slice %arg5[%add3A_52, %dma_wait3A_71] : memref<250x80xi32, #tpu.memory_space<vmem>> -> memref<1x80xi32, #tpu.memory_space<vmem>>
      %dma_wait3A_73 = tpu.memref_squeeze %dma_wait3A_72 : memref<1x80xi32, #tpu.memory_space<vmem>> -> memref<80xi32, #tpu.memory_space<vmem>>
      %dma_wait3A_74 = arith.constant 0 : i32
      %dma_wait3A_75 = tpu.memref_slice %arg4[%dma_wait3A_74] : memref<10240xf32, #tpu.memory_space<vmem_shared>> -> memref<10240xf32, #tpu.memory_space<vmem_shared>>
      tpu.wait_indirect_dma semaphore(%arg9 : memref<!tpu.dma_semaphore, #tpu.memory_space<semaphore_mem>>) src(%arg6 : memref<80xf32, #tpu.memory_space<vmem>>) dst(%dma_wait3A_75 : memref<10240xf32, #tpu.memory_space<vmem_shared>>)
      %scan3A_76 = arith.constant 0 : i32
      scf.yield %scan3A_76 : i32
    }
    %scan3A_25 = arith.constant 124 : i32
    %dma_start3A_26 = arith.constant 249 : i32
    %dma_start3A_27 = arith.constant 0 : i32
    %dma_start3A_28 = tpu.memref_slice %arg5[%dma_start3A_26, %dma_start3A_27] : memref<250x80xi32, #tpu.memory_space<vmem>> -> memref<1x80xi32, #tpu.memory_space<vmem>>
    %dma_start3A_29 = tpu.memref_squeeze %dma_start3A_28 : memref<1x80xi32, #tpu.memory_space<vmem>> -> memref<80xi32, #tpu.memory_space<vmem>>
    %dma_start3A_30 = arith.constant 0 : i32
    %dma_start3A_31 = tpu.memref_slice %arg4[%dma_start3A_30] : memref<10240xf32, #tpu.memory_space<vmem_shared>> -> memref<10240xf32, #tpu.memory_space<vmem_shared>>
    tpu.enqueue_indirect_dma source(%arg6 : memref<80xf32, #tpu.memory_space<vmem>>) target(%dma_start3A_31 : memref<10240xf32, #tpu.memory_space<vmem_shared>>) offsets(%dma_start3A_29 : memref<80xi32, #tpu.memory_space<vmem>>) semaphore(%arg9 : memref<!tpu.dma_semaphore, #tpu.memory_space<semaphore_mem>>) {add = true}
    %dma_wait3A = arith.constant 248 : i32
    %dma_wait3A_32 = arith.constant 0 : i32
    %dma_wait3A_33 = tpu.memref_slice %arg5[%dma_wait3A, %dma_wait3A_32] : memref<250x80xi32, #tpu.memory_space<vmem>> -> memref<1x80xi32, #tpu.memory_space<vmem>>
    %dma_wait3A_34 = tpu.memref_squeeze %dma_wait3A_33 : memref<1x80xi32, #tpu.memory_space<vmem>> -> memref<80xi32, #tpu.memory_space<vmem>>
    %dma_wait3A_35 = arith.constant 0 : i32
    %dma_wait3A_36 = tpu.memref_slice %arg4[%dma_wait3A_35] : memref<10240xf32, #tpu.memory_space<vmem_shared>> -> memref<10240xf32, #tpu.memory_space<vmem_shared>>
    tpu.wait_indirect_dma semaphore(%arg8 : memref<!tpu.dma_semaphore, #tpu.memory_space<semaphore_mem>>) src(%arg6 : memref<80xf32, #tpu.memory_space<vmem>>) dst(%dma_wait3A_36 : memref<10240xf32, #tpu.memory_space<vmem_shared>>)
    %dma_wait3A_37 = arith.constant 249 : i32
    %dma_wait3A_38 = arith.constant 0 : i32
    %dma_wait3A_39 = tpu.memref_slice %arg5[%dma_wait3A_37, %dma_wait3A_38] : memref<250x80xi32, #tpu.memory_space<vmem>> -> memref<1x80xi32, #tpu.memory_space<vmem>>
    %dma_wait3A_40 = tpu.memref_squeeze %dma_wait3A_39 : memref<1x80xi32, #tpu.memory_space<vmem>> -> memref<80xi32, #tpu.memory_space<vmem>>
    %dma_wait3A_41 = arith.constant 0 : i32
    %dma_wait3A_42 = tpu.memref_slice %arg4[%dma_wait3A_41] : memref<10240xf32, #tpu.memory_space<vmem_shared>> -> memref<10240xf32, #tpu.memory_space<vmem_shared>>
    tpu.wait_indirect_dma semaphore(%arg9 : memref<!tpu.dma_semaphore, #tpu.memory_space<semaphore_mem>>) src(%arg6 : memref<80xf32, #tpu.memory_space<vmem>>) dst(%dma_wait3A_42 : memref<10240xf32, #tpu.memory_space<vmem_shared>>)
    %barrier3A_43 = arith.constant 0 : index
    tpu.barrier barrier_id(%barrier3A_43)
    %mul3A_44 = arith.constant 640 : i32
    %mul3A_45 = arith.muli %arg1, %mul3A_44 : i32
    %mul3A_46 = arith.constant 640 : i32
    %mul3A_47 = arith.muli %arg1, %mul3A_46 : i32
    %run_scoped3A = arith.constant 0 : i32
    "tpu.region"() ({
      %run_scoped3A_48 = tpu.sem_alloc : memref<!tpu.dma_semaphore, #tpu.memory_space<semaphore_mem>>
      %dma_start3A_49 = tpu.memref_slice %arg3[%arg0, %run_scoped3A, %mul3A_47] : memref<2x1x10240xf32, #tpu.memory_space<hbm>> -> memref<1x1x640xf32, #tpu.memory_space<hbm>>
      %dma_start3A_50 = tpu.memref_squeeze %dma_start3A_49 : memref<1x1x640xf32, #tpu.memory_space<hbm>> -> memref<640xf32, #tpu.memory_space<hbm>>
      %dma_start3A_51 = tpu.memref_slice %arg4[%mul3A_45] : memref<10240xf32, #tpu.memory_space<vmem_shared>> -> memref<640xf32, #tpu.memory_space<vmem_shared>>
      tpu.enqueue_dma source(%dma_start3A_51 : memref<640xf32, #tpu.memory_space<vmem_shared>>) target(%dma_start3A_50 : memref<640xf32, #tpu.memory_space<hbm>>) target_semaphore(%run_scoped3A_48 : memref<!tpu.dma_semaphore, #tpu.memory_space<semaphore_mem>>)
      %dma_wait3A_52 = tpu.memref_slice %arg3[%arg0, %run_scoped3A, %mul3A_47] : memref<2x1x10240xf32, #tpu.memory_space<hbm>> -> memref<1x1x640xf32, #tpu.memory_space<hbm>>
      %dma_wait3A_53 = tpu.memref_squeeze %dma_wait3A_52 : memref<1x1x640xf32, #tpu.memory_space<hbm>> -> memref<640xf32, #tpu.memory_space<hbm>>
      %dma_wait3A_54 = tpu.memref_slice %arg4[%mul3A_45] : memref<10240xf32, #tpu.memory_space<vmem_shared>> -> memref<640xf32, #tpu.memory_space<vmem_shared>>
      tpu.wait_dma2 semaphore(%run_scoped3A_48 : memref<!tpu.dma_semaphore, #tpu.memory_space<semaphore_mem>>) src(%dma_wait3A_54 : memref<640xf32, #tpu.memory_space<vmem_shared>>) dst(%dma_wait3A_53 : memref<640xf32, #tpu.memory_space<hbm>>)
      tpu.yield
    }) : () -> ()
    return
  }
}

#map = affine_map<(d0, d1) -> (0, 0)>
#map1 = affine_map<(d0, d1) -> (0, 0, 0)>
module attributes {stable_mosaic.version = 14 : i64} {
  func.func @agg(%arg0: i32, %arg1: i32, %arg2: memref<10240x128xf32, #tpu.memory_space<hbm>>, %arg3: memref<2560x2x125xi32, #tpu.memory_space<hbm>>, %arg4: memref<2x10240x128xf32, #tpu.memory_space<hbm>>, %arg5: memref<10240x128xf32, #tpu.memory_space<vmem_shared>>, %arg6: memref<125x128xf32, #tpu.memory_space<vmem>>, %arg7: memref<125x128xf32, #tpu.memory_space<vmem>>, %arg8: memref<2x125xi32, #tpu.memory_space<vmem>>, %arg9: memref<2x125xi32, #tpu.memory_space<vmem>>, %arg10: memref<2x125xi32, #tpu.memory_space<vmem>>, %arg11: memref<2x125xi32, #tpu.memory_space<vmem>>, %arg12: memref<!tpu.dma_semaphore, #tpu.memory_space<semaphore_mem>>, %arg13: memref<!tpu.dma_semaphore, #tpu.memory_space<semaphore_mem>>, %arg14: memref<!tpu.dma_semaphore, #tpu.memory_space<semaphore_mem>>, %arg15: memref<!tpu.dma_semaphore, #tpu.memory_space<semaphore_mem>>, %arg16: memref<!tpu.dma_semaphore, #tpu.memory_space<semaphore_mem>>) attributes {dimension_semantics = [#tpu.dimension_semantics<core_parallel>, #tpu.dimension_semantics<subcore_parallel>], iteration_bounds = array<i64: 2, 16>, scalar_prefetch = 0 : i64, scratch_operands = 12 : i64, tpu.core_type = #tpu.core_type<sc_vector_subcore>, window_params = [{transform_indices = #map}, {transform_indices = #map1}, {transform_indices = #map1}]} {
    %mul3A = arith.constant 16 : i32
    %mul3A_0 = arith.muli %arg0, %mul3A : i32
    %add3A = arith.addi %mul3A_0, %arg1 : i32
    %broadcast_in_dim3A = arith.constant 0.000000e+00 : f32
    %broadcast_in_dim3A_1 = vector.broadcast %broadcast_in_dim3A : f32 to vector<16xf32>
    %scan3A = arith.constant 0 : i32
    %scan3A_2 = arith.constant 0 : i32
    %scan3A_3 = arith.constant 320 : i32
    %scan3A_4 = arith.addi %scan3A_2, %scan3A_3 : i32
    %scan3A_5 = arith.constant 1 : i32
    %scan3A_6 = scf.for %scan3A_202 = %scan3A_2 to %scan3A_4 step %scan3A_5 iter_args(%scan3A_203 = %scan3A) -> (i32)  : i32 {
      %jit3A = arith.constant 8 : i32
      %div3A = arith.divsi %scan3A_202, %jit3A : i32
      %sign3A = arith.constant 0 : i32
      %sign3A_204 = arith.cmpi sgt, %scan3A_202, %sign3A : i32
      %sign3A_205 = arith.extui %sign3A_204 : i1 to i32
      %sign3A_206 = arith.constant 0 : i32
      %sign3A_207 = arith.cmpi slt, %scan3A_202, %sign3A_206 : i32
      %sign3A_208 = arith.extui %sign3A_207 : i1 to i32
      %sign3A_209 = arith.subi %sign3A_205, %sign3A_208 : i32
      %sign3A_210 = arith.constant 0 : i32
      %sign3A_211 = arith.cmpi sgt, %jit3A, %sign3A_210 : i32
      %sign3A_212 = arith.extui %sign3A_211 : i1 to i32
      %sign3A_213 = arith.constant 0 : i32
      %sign3A_214 = arith.cmpi slt, %jit3A, %sign3A_213 : i32
      %sign3A_215 = arith.extui %sign3A_214 : i1 to i32
      %sign3A_216 = arith.subi %sign3A_212, %sign3A_215 : i32
      %ne3A = arith.cmpi ne, %sign3A_209, %sign3A_216 : i32
      %rem3A = arith.remsi %scan3A_202, %jit3A : i32
      %ne3A_217 = arith.constant 0 : i32
      %ne3A_218 = arith.cmpi ne, %rem3A, %ne3A_217 : i32
      %and3A = arith.andi %ne3A, %ne3A_218 : i1
      %sub3A = arith.constant 1 : i32
      %sub3A_219 = arith.subi %div3A, %sub3A : i32
      %select_n3A = arith.select %and3A, %sub3A_219, %div3A : i32
      %jit3A_220 = arith.constant 8 : i32
      %eq3A = arith.constant 0 : i32
      %eq3A_221 = arith.cmpi eq, %jit3A_220, %eq3A : i32
      %jit3A_222 = arith.constant 1 : i32
      %select_n3A_223 = arith.select %eq3A_221, %jit3A_222, %jit3A_220 : i32
      %rem3A_224 = arith.remsi %scan3A_202, %select_n3A_223 : i32
      %ne3A_225 = arith.constant 0 : i32
      %ne3A_226 = arith.cmpi ne, %rem3A_224, %ne3A_225 : i32
      %lt3A = arith.constant 0 : i32
      %lt3A_227 = arith.cmpi slt, %rem3A_224, %lt3A : i32
      %lt3A_228 = arith.constant 0 : i32
      %lt3A_229 = arith.cmpi slt, %select_n3A_223, %lt3A_228 : i32
      %ne3A_230 = arith.xori %lt3A_227, %lt3A_229 : i1
      %and3A_231 = arith.andi %ne3A_230, %ne3A_226 : i1
      %add3A_232 = arith.addi %rem3A_224, %select_n3A_223 : i32
      %select_n3A_233 = arith.select %and3A_231, %add3A_232, %rem3A_224 : i32
      %mul3A_234 = arith.constant 16 : i32
      %mul3A_235 = arith.muli %select_n3A_233, %mul3A_234 : i32
      %swap3A = arith.index_cast %select_n3A : i32 to index
      %swap3A_236 = arith.index_cast %mul3A_235 : i32 to index
      %swap3A_237 = tpu.vector_load %arg6[%swap3A, %swap3A_236] {strides = array<i32>} : memref<125x128xf32, #tpu.memory_space<vmem>>, vector<1x16xf32>,
      %swap3A_238 = vector.shape_cast %swap3A_237 : vector<1x16xf32> to vector<16xf32>
      %swap3A_239 = vector.shape_cast %broadcast_in_dim3A_1 : vector<16xf32> to vector<1x16xf32>
      tpu.vector_store %arg6[%swap3A, %swap3A_236], %swap3A_239 {strides = array<i32>} : memref<125x128xf32, #tpu.memory_space<vmem>>, vector<1x16xf32>,
      %scan3A_240 = arith.constant 0 : i32
      scf.yield %scan3A_240 : i32
    }
    %scan3A_7 = arith.constant 320 : i32
    %scan3A_8 = arith.constant 0 : i32
    %scan3A_9 = arith.constant 0 : i32
    %scan3A_10 = arith.constant 16 : i32
    %scan3A_11 = arith.addi %scan3A_9, %scan3A_10 : i32
    %scan3A_12 = arith.constant 1 : i32
    %scan3A_13 = scf.for %scan3A_202 = %scan3A_9 to %scan3A_11 step %scan3A_12 iter_args(%scan3A_203 = %scan3A_8) -> (i32)  : i32 {
      %mul3A_204 = arith.constant 640 : i32
      %mul3A_205 = arith.muli %arg1, %mul3A_204 : i32
      %mul3A_206 = arith.constant 40 : i32
      %mul3A_207 = arith.muli %scan3A_202, %mul3A_206 : i32
      %add3A_208 = arith.addi %mul3A_205, %mul3A_207 : i32
      "tpu.region"() ({
        %run_scoped3A = tpu.sem_alloc : memref<!tpu.dma_semaphore, #tpu.memory_space<semaphore_mem>>
        %dma_start3A_210 = arith.constant 0 : i32
        %dma_start3A_211 = arith.constant 0 : i32
        %dma_start3A_212 = tpu.memref_slice %arg6[%dma_start3A_210, %dma_start3A_211] : memref<125x128xf32, #tpu.memory_space<vmem>> -> memref<40x128xf32, #tpu.memory_space<vmem>>
        %dma_start3A_213 = arith.constant 0 : i32
        %dma_start3A_214 = tpu.memref_slice %arg5[%add3A_208, %dma_start3A_213] : memref<10240x128xf32, #tpu.memory_space<vmem_shared>> -> memref<40x128xf32, #tpu.memory_space<vmem_shared>>
        %dma_start3A_215 = arith.constant 0 : i32
        %dma_start3A_216 = tpu.memref_slice %arg5[%add3A_208, %dma_start3A_215] : memref<10240x128xf32, #tpu.memory_space<vmem_shared>> -> memref<40x128xf32, #tpu.memory_space<vmem_shared>>
        %dma_start3A_217 = arith.constant 0 : i32
        %dma_start3A_218 = arith.constant 0 : i32
        %dma_start3A_219 = tpu.memref_slice %arg6[%dma_start3A_217, %dma_start3A_218] : memref<125x128xf32, #tpu.memory_space<vmem>> -> memref<40x128xf32, #tpu.memory_space<vmem>>
        tpu.enqueue_dma source(%dma_start3A_219 : memref<40x128xf32, #tpu.memory_space<vmem>>) target(%dma_start3A_216 : memref<40x128xf32, #tpu.memory_space<vmem_shared>>) target_semaphore(%run_scoped3A : memref<!tpu.dma_semaphore, #tpu.memory_space<semaphore_mem>>)
        %dma_wait3A_220 = arith.constant 0 : i32
        %dma_wait3A_221 = arith.constant 0 : i32
        %dma_wait3A_222 = tpu.memref_slice %arg6[%dma_wait3A_220, %dma_wait3A_221] : memref<125x128xf32, #tpu.memory_space<vmem>> -> memref<40x128xf32, #tpu.memory_space<vmem>>
        %dma_wait3A_223 = arith.constant 0 : i32
        %dma_wait3A_224 = tpu.memref_slice %arg5[%add3A_208, %dma_wait3A_223] : memref<10240x128xf32, #tpu.memory_space<vmem_shared>> -> memref<40x128xf32, #tpu.memory_space<vmem_shared>>
        %dma_wait3A_225 = arith.constant 0 : i32
        %dma_wait3A_226 = tpu.memref_slice %arg5[%add3A_208, %dma_wait3A_225] : memref<10240x128xf32, #tpu.memory_space<vmem_shared>> -> memref<40x128xf32, #tpu.memory_space<vmem_shared>>
        %dma_wait3A_227 = arith.constant 0 : i32
        %dma_wait3A_228 = arith.constant 0 : i32
        %dma_wait3A_229 = tpu.memref_slice %arg6[%dma_wait3A_227, %dma_wait3A_228] : memref<125x128xf32, #tpu.memory_space<vmem>> -> memref<40x128xf32, #tpu.memory_space<vmem>>
        tpu.wait_dma2 semaphore(%run_scoped3A : memref<!tpu.dma_semaphore, #tpu.memory_space<semaphore_mem>>) src(%dma_wait3A_229 : memref<40x128xf32, #tpu.memory_space<vmem>>) dst(%dma_wait3A_226 : memref<40x128xf32, #tpu.memory_space<vmem_shared>>)
        tpu.yield
      }) : () -> ()
      %scan3A_209 = arith.constant 0 : i32
      scf.yield %scan3A_209 : i32
    }
    %scan3A_14 = arith.constant 16 : i32
    %barrier3A = arith.constant 0 : index
    tpu.barrier barrier_id(%barrier3A)
    %mul3A_15 = arith.constant 80 : i32
    %mul3A_16 = arith.muli %add3A, %mul3A_15 : i32
    "tpu.region"() ({
      %run_scoped3A = tpu.sem_alloc : memref<!tpu.dma_semaphore, #tpu.memory_space<semaphore_mem>>
      %dma_start3A_202 = arith.constant 0 : i32
      %dma_start3A_203 = arith.constant 0 : i32
      %dma_start3A_204 = tpu.memref_slice %arg3[%mul3A_16, %dma_start3A_202, %dma_start3A_203] : memref<2560x2x125xi32, #tpu.memory_space<hbm>> -> memref<1x2x125xi32, #tpu.memory_space<hbm>>
      %dma_start3A_205 = tpu.memref_squeeze %dma_start3A_204 : memref<1x2x125xi32, #tpu.memory_space<hbm>> -> memref<2x125xi32, #tpu.memory_space<hbm>>
      %dma_start3A_206 = arith.constant 0 : i32
      %dma_start3A_207 = arith.constant 0 : i32
      %dma_start3A_208 = tpu.memref_slice %arg3[%mul3A_16, %dma_start3A_206, %dma_start3A_207] : memref<2560x2x125xi32, #tpu.memory_space<hbm>> -> memref<1x2x125xi32, #tpu.memory_space<hbm>>
      %dma_start3A_209 = tpu.memref_squeeze %dma_start3A_208 : memref<1x2x125xi32, #tpu.memory_space<hbm>> -> memref<2x125xi32, #tpu.memory_space<hbm>>
      tpu.enqueue_dma source(%dma_start3A_209 : memref<2x125xi32, #tpu.memory_space<hbm>>) target(%arg8 : memref<2x125xi32, #tpu.memory_space<vmem>>) target_semaphore(%run_scoped3A : memref<!tpu.dma_semaphore, #tpu.memory_space<semaphore_mem>>)
      %dma_wait3A_210 = arith.constant 0 : i32
      %dma_wait3A_211 = arith.constant 0 : i32
      %dma_wait3A_212 = tpu.memref_slice %arg3[%mul3A_16, %dma_wait3A_210, %dma_wait3A_211] : memref<2560x2x125xi32, #tpu.memory_space<hbm>> -> memref<1x2x125xi32, #tpu.memory_space<hbm>>
      %dma_wait3A_213 = tpu.memref_squeeze %dma_wait3A_212 : memref<1x2x125xi32, #tpu.memory_space<hbm>> -> memref<2x125xi32, #tpu.memory_space<hbm>>
      %dma_wait3A_214 = arith.constant 0 : i32
      %dma_wait3A_215 = arith.constant 0 : i32
      %dma_wait3A_216 = tpu.memref_slice %arg3[%mul3A_16, %dma_wait3A_214, %dma_wait3A_215] : memref<2560x2x125xi32, #tpu.memory_space<hbm>> -> memref<1x2x125xi32, #tpu.memory_space<hbm>>
      %dma_wait3A_217 = tpu.memref_squeeze %dma_wait3A_216 : memref<1x2x125xi32, #tpu.memory_space<hbm>> -> memref<2x125xi32, #tpu.memory_space<hbm>>
      tpu.wait_dma2 semaphore(%run_scoped3A : memref<!tpu.dma_semaphore, #tpu.memory_space<semaphore_mem>>) src(%dma_wait3A_217 : memref<2x125xi32, #tpu.memory_space<hbm>>) dst(%arg8 : memref<2x125xi32, #tpu.memory_space<vmem>>)
      tpu.yield
    }) : () -> ()
    %dma_start3A = arith.constant 0 : i32
    %dma_start3A_17 = arith.constant 0 : i32
    %dma_start3A_18 = tpu.memref_slice %arg8[%dma_start3A, %dma_start3A_17] : memref<2x125xi32, #tpu.memory_space<vmem>> -> memref<1x125xi32, #tpu.memory_space<vmem>>
    %dma_start3A_19 = tpu.memref_squeeze %dma_start3A_18 : memref<1x125xi32, #tpu.memory_space<vmem>> -> memref<125xi32, #tpu.memory_space<vmem>>
    %dma_start3A_20 = arith.constant 0 : i32
    %dma_start3A_21 = arith.constant 0 : i32
    %dma_start3A_22 = tpu.memref_slice %arg2[%dma_start3A_20, %dma_start3A_21] : memref<10240x128xf32, #tpu.memory_space<hbm>> -> memref<10240x128xf32, #tpu.memory_space<hbm>>
    tpu.enqueue_indirect_dma source(%dma_start3A_22 : memref<10240x128xf32, #tpu.memory_space<hbm>>) target(%arg6 : memref<125x128xf32, #tpu.memory_space<vmem>>) offsets(%dma_start3A_19 : memref<125xi32, #tpu.memory_space<vmem>>) semaphore(%arg12 : memref<!tpu.dma_semaphore, #tpu.memory_space<semaphore_mem>>)
    %mul3A_23 = arith.constant 80 : i32
    %mul3A_24 = arith.muli %add3A, %mul3A_23 : i32
    %add3A_25 = arith.constant 1 : i32
    %add3A_26 = arith.addi %mul3A_24, %add3A_25 : i32
    %dma_start3A_27 = arith.constant 0 : i32
    %dma_start3A_28 = arith.constant 0 : i32
    %dma_start3A_29 = tpu.memref_slice %arg3[%add3A_26, %dma_start3A_27, %dma_start3A_28] : memref<2560x2x125xi32, #tpu.memory_space<hbm>> -> memref<1x2x125xi32, #tpu.memory_space<hbm>>
    %dma_start3A_30 = tpu.memref_squeeze %dma_start3A_29 : memref<1x2x125xi32, #tpu.memory_space<hbm>> -> memref<2x125xi32, #tpu.memory_space<hbm>>
    %dma_start3A_31 = arith.constant 0 : i32
    %dma_start3A_32 = arith.constant 0 : i32
    %dma_start3A_33 = tpu.memref_slice %arg3[%add3A_26, %dma_start3A_31, %dma_start3A_32] : memref<2560x2x125xi32, #tpu.memory_space<hbm>> -> memref<1x2x125xi32, #tpu.memory_space<hbm>>
    %dma_start3A_34 = tpu.memref_squeeze %dma_start3A_33 : memref<1x2x125xi32, #tpu.memory_space<hbm>> -> memref<2x125xi32, #tpu.memory_space<hbm>>
    tpu.enqueue_dma source(%dma_start3A_34 : memref<2x125xi32, #tpu.memory_space<hbm>>) target(%arg9 : memref<2x125xi32, #tpu.memory_space<vmem>>) target_semaphore(%arg16 : memref<!tpu.dma_semaphore, #tpu.memory_space<semaphore_mem>>)
    %dma_wait3A = arith.constant 0 : i32
    %dma_wait3A_35 = arith.constant 0 : i32
    %dma_wait3A_36 = arith.constant 0 : i32
    %dma_wait3A_37 = tpu.memref_slice %arg3[%dma_wait3A, %dma_wait3A_35, %dma_wait3A_36] : memref<2560x2x125xi32, #tpu.memory_space<hbm>> -> memref<1x2x125xi32, #tpu.memory_space<hbm>>
    %dma_wait3A_38 = tpu.memref_squeeze %dma_wait3A_37 : memref<1x2x125xi32, #tpu.memory_space<hbm>> -> memref<2x125xi32, #tpu.memory_space<hbm>>
    %dma_wait3A_39 = arith.constant 0 : i32
    %dma_wait3A_40 = arith.constant 0 : i32
    %dma_wait3A_41 = tpu.memref_slice %arg3[%dma_wait3A, %dma_wait3A_39, %dma_wait3A_40] : memref<2560x2x125xi32, #tpu.memory_space<hbm>> -> memref<1x2x125xi32, #tpu.memory_space<hbm>>
    %dma_wait3A_42 = tpu.memref_squeeze %dma_wait3A_41 : memref<1x2x125xi32, #tpu.memory_space<hbm>> -> memref<2x125xi32, #tpu.memory_space<hbm>>
    tpu.wait_dma2 semaphore(%arg16 : memref<!tpu.dma_semaphore, #tpu.memory_space<semaphore_mem>>) src(%dma_wait3A_42 : memref<2x125xi32, #tpu.memory_space<hbm>>) dst(%arg9 : memref<2x125xi32, #tpu.memory_space<vmem>>)
    %dma_start3A_43 = arith.constant 0 : i32
    %dma_start3A_44 = arith.constant 0 : i32
    %dma_start3A_45 = tpu.memref_slice %arg9[%dma_start3A_43, %dma_start3A_44] : memref<2x125xi32, #tpu.memory_space<vmem>> -> memref<1x125xi32, #tpu.memory_space<vmem>>
    %dma_start3A_46 = tpu.memref_squeeze %dma_start3A_45 : memref<1x125xi32, #tpu.memory_space<vmem>> -> memref<125xi32, #tpu.memory_space<vmem>>
    %dma_start3A_47 = arith.constant 0 : i32
    %dma_start3A_48 = arith.constant 0 : i32
    %dma_start3A_49 = tpu.memref_slice %arg2[%dma_start3A_47, %dma_start3A_48] : memref<10240x128xf32, #tpu.memory_space<hbm>> -> memref<10240x128xf32, #tpu.memory_space<hbm>>
    tpu.enqueue_indirect_dma source(%dma_start3A_49 : memref<10240x128xf32, #tpu.memory_space<hbm>>) target(%arg7 : memref<125x128xf32, #tpu.memory_space<vmem>>) offsets(%dma_start3A_46 : memref<125xi32, #tpu.memory_space<vmem>>) semaphore(%arg13 : memref<!tpu.dma_semaphore, #tpu.memory_space<semaphore_mem>>)
    %dma_wait3A_50 = arith.constant 0 : i32
    %dma_wait3A_51 = arith.constant 0 : i32
    %dma_wait3A_52 = tpu.memref_slice %arg9[%dma_wait3A_50, %dma_wait3A_51] : memref<2x125xi32, #tpu.memory_space<vmem>> -> memref<1x125xi32, #tpu.memory_space<vmem>>
    %dma_wait3A_53 = tpu.memref_squeeze %dma_wait3A_52 : memref<1x125xi32, #tpu.memory_space<vmem>> -> memref<125xi32, #tpu.memory_space<vmem>>
    %dma_wait3A_54 = arith.constant 0 : i32
    %dma_wait3A_55 = arith.constant 0 : i32
    %dma_wait3A_56 = tpu.memref_slice %arg2[%dma_wait3A_54, %dma_wait3A_55] : memref<10240x128xf32, #tpu.memory_space<hbm>> -> memref<10240x128xf32, #tpu.memory_space<hbm>>
    tpu.wait_indirect_dma semaphore(%arg12 : memref<!tpu.dma_semaphore, #tpu.memory_space<semaphore_mem>>) src(%dma_wait3A_56 : memref<10240x128xf32, #tpu.memory_space<hbm>>) dst(%arg6 : memref<125x128xf32, #tpu.memory_space<vmem>>)
    %dma_start3A_57 = arith.constant 1 : i32
    %dma_start3A_58 = arith.constant 0 : i32
    %dma_start3A_59 = tpu.memref_slice %arg8[%dma_start3A_57, %dma_start3A_58] : memref<2x125xi32, #tpu.memory_space<vmem>> -> memref<1x125xi32, #tpu.memory_space<vmem>>
    %dma_start3A_60 = tpu.memref_squeeze %dma_start3A_59 : memref<1x125xi32, #tpu.memory_space<vmem>> -> memref<125xi32, #tpu.memory_space<vmem>>
    %dma_start3A_61 = arith.constant 0 : i32
    %dma_start3A_62 = arith.constant 0 : i32
    %dma_start3A_63 = tpu.memref_slice %arg5[%dma_start3A_61, %dma_start3A_62] : memref<10240x128xf32, #tpu.memory_space<vmem_shared>> -> memref<10240x128xf32, #tpu.memory_space<vmem_shared>>
    tpu.enqueue_indirect_dma source(%arg6 : memref<125x128xf32, #tpu.memory_space<vmem>>) target(%dma_start3A_63 : memref<10240x128xf32, #tpu.memory_space<vmem_shared>>) offsets(%dma_start3A_60 : memref<125xi32, #tpu.memory_space<vmem>>) semaphore(%arg14 : memref<!tpu.dma_semaphore, #tpu.memory_space<semaphore_mem>>) {add = true}
    %mul3A_64 = arith.constant 80 : i32
    %mul3A_65 = arith.muli %add3A, %mul3A_64 : i32
    %add3A_66 = arith.constant 2 : i32
    %add3A_67 = arith.addi %mul3A_65, %add3A_66 : i32
    %dma_start3A_68 = arith.constant 0 : i32
    %dma_start3A_69 = arith.constant 0 : i32
    %dma_start3A_70 = tpu.memref_slice %arg3[%add3A_67, %dma_start3A_68, %dma_start3A_69] : memref<2560x2x125xi32, #tpu.memory_space<hbm>> -> memref<1x2x125xi32, #tpu.memory_space<hbm>>
    %dma_start3A_71 = tpu.memref_squeeze %dma_start3A_70 : memref<1x2x125xi32, #tpu.memory_space<hbm>> -> memref<2x125xi32, #tpu.memory_space<hbm>>
    %dma_start3A_72 = arith.constant 0 : i32
    %dma_start3A_73 = arith.constant 0 : i32
    %dma_start3A_74 = tpu.memref_slice %arg3[%add3A_67, %dma_start3A_72, %dma_start3A_73] : memref<2560x2x125xi32, #tpu.memory_space<hbm>> -> memref<1x2x125xi32, #tpu.memory_space<hbm>>
    %dma_start3A_75 = tpu.memref_squeeze %dma_start3A_74 : memref<1x2x125xi32, #tpu.memory_space<hbm>> -> memref<2x125xi32, #tpu.memory_space<hbm>>
    tpu.enqueue_dma source(%dma_start3A_75 : memref<2x125xi32, #tpu.memory_space<hbm>>) target(%arg10 : memref<2x125xi32, #tpu.memory_space<vmem>>) target_semaphore(%arg16 : memref<!tpu.dma_semaphore, #tpu.memory_space<semaphore_mem>>)
    %scan3A_76 = arith.constant 0 : i32
    %scan3A_77 = arith.constant 0 : i32
    %scan3A_78 = arith.constant 19 : i32
    %scan3A_79 = arith.addi %scan3A_77, %scan3A_78 : i32
    %scan3A_80 = arith.constant 1 : i32
    %scan3A_81 = scf.for %scan3A_202 = %scan3A_77 to %scan3A_79 step %scan3A_80 iter_args(%scan3A_203 = %scan3A_76) -> (i32)  : i32 {
      %mul3A_204 = arith.constant 4 : i32
      %mul3A_205 = arith.muli %mul3A_204, %scan3A_202 : i32
      %add3A_206 = arith.constant 2 : i32
      %add3A_207 = arith.addi %mul3A_205, %add3A_206 : i32
      %add3A_208 = arith.constant 1 : i32
      %add3A_209 = arith.addi %add3A_207, %add3A_208 : i32
      %dma_wait3A_210 = arith.constant 0 : i32
      %dma_wait3A_211 = arith.constant 0 : i32
      %dma_wait3A_212 = arith.constant 0 : i32
      %dma_wait3A_213 = tpu.memref_slice %arg3[%dma_wait3A_210, %dma_wait3A_211, %dma_wait3A_212] : memref<2560x2x125xi32, #tpu.memory_space<hbm>> -> memref<1x2x125xi32, #tpu.memory_space<hbm>>
      %dma_wait3A_214 = tpu.memref_squeeze %dma_wait3A_213 : memref<1x2x125xi32, #tpu.memory_space<hbm>> -> memref<2x125xi32, #tpu.memory_space<hbm>>
      %dma_wait3A_215 = arith.constant 0 : i32
      %dma_wait3A_216 = arith.constant 0 : i32
      %dma_wait3A_217 = tpu.memref_slice %arg3[%dma_wait3A_210, %dma_wait3A_215, %dma_wait3A_216] : memref<2560x2x125xi32, #tpu.memory_space<hbm>> -> memref<1x2x125xi32, #tpu.memory_space<hbm>>
      %dma_wait3A_218 = tpu.memref_squeeze %dma_wait3A_217 : memref<1x2x125xi32, #tpu.memory_space<hbm>> -> memref<2x125xi32, #tpu.memory_space<hbm>>
      tpu.wait_dma2 semaphore(%arg16 : memref<!tpu.dma_semaphore, #tpu.memory_space<semaphore_mem>>) src(%dma_wait3A_218 : memref<2x125xi32, #tpu.memory_space<hbm>>) dst(%arg10 : memref<2x125xi32, #tpu.memory_space<vmem>>)
      %dma_wait3A_219 = arith.constant 1 : i32
      %dma_wait3A_220 = arith.constant 0 : i32
      %dma_wait3A_221 = tpu.memref_slice %arg10[%dma_wait3A_219, %dma_wait3A_220] : memref<2x125xi32, #tpu.memory_space<vmem>> -> memref<1x125xi32, #tpu.memory_space<vmem>>
      %dma_wait3A_222 = tpu.memref_squeeze %dma_wait3A_221 : memref<1x125xi32, #tpu.memory_space<vmem>> -> memref<125xi32, #tpu.memory_space<vmem>>
      %dma_wait3A_223 = arith.constant 0 : i32
      %dma_wait3A_224 = arith.constant 0 : i32
      %dma_wait3A_225 = tpu.memref_slice %arg5[%dma_wait3A_223, %dma_wait3A_224] : memref<10240x128xf32, #tpu.memory_space<vmem_shared>> -> memref<10240x128xf32, #tpu.memory_space<vmem_shared>>
      tpu.wait_indirect_dma semaphore(%arg14 : memref<!tpu.dma_semaphore, #tpu.memory_space<semaphore_mem>>) src(%arg6 : memref<125x128xf32, #tpu.memory_space<vmem>>) dst(%dma_wait3A_225 : memref<10240x128xf32, #tpu.memory_space<vmem_shared>>)
      %dma_start3A_226 = arith.constant 0 : i32
      %dma_start3A_227 = arith.constant 0 : i32
      %dma_start3A_228 = tpu.memref_slice %arg10[%dma_start3A_226, %dma_start3A_227] : memref<2x125xi32, #tpu.memory_space<vmem>> -> memref<1x125xi32, #tpu.memory_space<vmem>>
      %dma_start3A_229 = tpu.memref_squeeze %dma_start3A_228 : memref<1x125xi32, #tpu.memory_space<vmem>> -> memref<125xi32, #tpu.memory_space<vmem>>
      %dma_start3A_230 = arith.constant 0 : i32
      %dma_start3A_231 = arith.constant 0 : i32
      %dma_start3A_232 = tpu.memref_slice %arg2[%dma_start3A_230, %dma_start3A_231] : memref<10240x128xf32, #tpu.memory_space<hbm>> -> memref<10240x128xf32, #tpu.memory_space<hbm>>
      tpu.enqueue_indirect_dma source(%dma_start3A_232 : memref<10240x128xf32, #tpu.memory_space<hbm>>) target(%arg6 : memref<125x128xf32, #tpu.memory_space<vmem>>) offsets(%dma_start3A_229 : memref<125xi32, #tpu.memory_space<vmem>>) semaphore(%arg12 : memref<!tpu.dma_semaphore, #tpu.memory_space<semaphore_mem>>)
      %dma_wait3A_233 = arith.constant 0 : i32
      %dma_wait3A_234 = arith.constant 0 : i32
      %dma_wait3A_235 = tpu.memref_slice %arg10[%dma_wait3A_233, %dma_wait3A_234] : memref<2x125xi32, #tpu.memory_space<vmem>> -> memref<1x125xi32, #tpu.memory_space<vmem>>
      %dma_wait3A_236 = tpu.memref_squeeze %dma_wait3A_235 : memref<1x125xi32, #tpu.memory_space<vmem>> -> memref<125xi32, #tpu.memory_space<vmem>>
      %dma_wait3A_237 = arith.constant 0 : i32
      %dma_wait3A_238 = arith.constant 0 : i32
      %dma_wait3A_239 = tpu.memref_slice %arg2[%dma_wait3A_237, %dma_wait3A_238] : memref<10240x128xf32, #tpu.memory_space<hbm>> -> memref<10240x128xf32, #tpu.memory_space<hbm>>
      tpu.wait_indirect_dma semaphore(%arg13 : memref<!tpu.dma_semaphore, #tpu.memory_space<semaphore_mem>>) src(%dma_wait3A_239 : memref<10240x128xf32, #tpu.memory_space<hbm>>) dst(%arg7 : memref<125x128xf32, #tpu.memory_space<vmem>>)
      %dma_start3A_240 = arith.constant 1 : i32
      %dma_start3A_241 = arith.constant 0 : i32
      %dma_start3A_242 = tpu.memref_slice %arg9[%dma_start3A_240, %dma_start3A_241] : memref<2x125xi32, #tpu.memory_space<vmem>> -> memref<1x125xi32, #tpu.memory_space<vmem>>
      %dma_start3A_243 = tpu.memref_squeeze %dma_start3A_242 : memref<1x125xi32, #tpu.memory_space<vmem>> -> memref<125xi32, #tpu.memory_space<vmem>>
      %dma_start3A_244 = arith.constant 0 : i32
      %dma_start3A_245 = arith.constant 0 : i32
      %dma_start3A_246 = tpu.memref_slice %arg5[%dma_start3A_244, %dma_start3A_245] : memref<10240x128xf32, #tpu.memory_space<vmem_shared>> -> memref<10240x128xf32, #tpu.memory_space<vmem_shared>>
      tpu.enqueue_indirect_dma source(%arg7 : memref<125x128xf32, #tpu.memory_space<vmem>>) target(%dma_start3A_246 : memref<10240x128xf32, #tpu.memory_space<vmem_shared>>) offsets(%dma_start3A_243 : memref<125xi32, #tpu.memory_space<vmem>>) semaphore(%arg15 : memref<!tpu.dma_semaphore, #tpu.memory_space<semaphore_mem>>) {add = true}
      %mul3A_247 = arith.constant 80 : i32
      %mul3A_248 = arith.muli %add3A, %mul3A_247 : i32
      %add3A_249 = arith.addi %mul3A_248, %add3A_209 : i32
      %dma_start3A_250 = arith.constant 0 : i32
      %dma_start3A_251 = arith.constant 0 : i32
      %dma_start3A_252 = tpu.memref_slice %arg3[%add3A_249, %dma_start3A_250, %dma_start3A_251] : memref<2560x2x125xi32, #tpu.memory_space<hbm>> -> memref<1x2x125xi32, #tpu.memory_space<hbm>>
      %dma_start3A_253 = tpu.memref_squeeze %dma_start3A_252 : memref<1x2x125xi32, #tpu.memory_space<hbm>> -> memref<2x125xi32, #tpu.memory_space<hbm>>
      %dma_start3A_254 = arith.constant 0 : i32
      %dma_start3A_255 = arith.constant 0 : i32
      %dma_start3A_256 = tpu.memref_slice %arg3[%add3A_249, %dma_start3A_254, %dma_start3A_255] : memref<2560x2x125xi32, #tpu.memory_space<hbm>> -> memref<1x2x125xi32, #tpu.memory_space<hbm>>
      %dma_start3A_257 = tpu.memref_squeeze %dma_start3A_256 : memref<1x2x125xi32, #tpu.memory_space<hbm>> -> memref<2x125xi32, #tpu.memory_space<hbm>>
      tpu.enqueue_dma source(%dma_start3A_257 : memref<2x125xi32, #tpu.memory_space<hbm>>) target(%arg11 : memref<2x125xi32, #tpu.memory_space<vmem>>) target_semaphore(%arg16 : memref<!tpu.dma_semaphore, #tpu.memory_space<semaphore_mem>>)
      %add3A_258 = arith.constant 2 : i32
      %add3A_259 = arith.addi %add3A_207, %add3A_258 : i32
      %dma_wait3A_260 = arith.constant 0 : i32
      %dma_wait3A_261 = arith.constant 0 : i32
      %dma_wait3A_262 = arith.constant 0 : i32
      %dma_wait3A_263 = tpu.memref_slice %arg3[%dma_wait3A_260, %dma_wait3A_261, %dma_wait3A_262] : memref<2560x2x125xi32, #tpu.memory_space<hbm>> -> memref<1x2x125xi32, #tpu.memory_space<hbm>>
      %dma_wait3A_264 = tpu.memref_squeeze %dma_wait3A_263 : memref<1x2x125xi32, #tpu.memory_space<hbm>> -> memref<2x125xi32, #tpu.memory_space<hbm>>
      %dma_wait3A_265 = arith.constant 0 : i32
      %dma_wait3A_266 = arith.constant 0 : i32
      %dma_wait3A_267 = tpu.memref_slice %arg3[%dma_wait3A_260, %dma_wait3A_265, %dma_wait3A_266] : memref<2560x2x125xi32, #tpu.memory_space<hbm>> -> memref<1x2x125xi32, #tpu.memory_space<hbm>>
      %dma_wait3A_268 = tpu.memref_squeeze %dma_wait3A_267 : memref<1x2x125xi32, #tpu.memory_space<hbm>> -> memref<2x125xi32, #tpu.memory_space<hbm>>
      tpu.wait_dma2 semaphore(%arg16 : memref<!tpu.dma_semaphore, #tpu.memory_space<semaphore_mem>>) src(%dma_wait3A_268 : memref<2x125xi32, #tpu.memory_space<hbm>>) dst(%arg11 : memref<2x125xi32, #tpu.memory_space<vmem>>)
      %dma_wait3A_269 = arith.constant 1 : i32
      %dma_wait3A_270 = arith.constant 0 : i32
      %dma_wait3A_271 = tpu.memref_slice %arg11[%dma_wait3A_269, %dma_wait3A_270] : memref<2x125xi32, #tpu.memory_space<vmem>> -> memref<1x125xi32, #tpu.memory_space<vmem>>
      %dma_wait3A_272 = tpu.memref_squeeze %dma_wait3A_271 : memref<1x125xi32, #tpu.memory_space<vmem>> -> memref<125xi32, #tpu.memory_space<vmem>>
      %dma_wait3A_273 = arith.constant 0 : i32
      %dma_wait3A_274 = arith.constant 0 : i32
      %dma_wait3A_275 = tpu.memref_slice %arg5[%dma_wait3A_273, %dma_wait3A_274] : memref<10240x128xf32, #tpu.memory_space<vmem_shared>> -> memref<10240x128xf32, #tpu.memory_space<vmem_shared>>
      tpu.wait_indirect_dma semaphore(%arg15 : memref<!tpu.dma_semaphore, #tpu.memory_space<semaphore_mem>>) src(%arg7 : memref<125x128xf32, #tpu.memory_space<vmem>>) dst(%dma_wait3A_275 : memref<10240x128xf32, #tpu.memory_space<vmem_shared>>)
      %dma_start3A_276 = arith.constant 0 : i32
      %dma_start3A_277 = arith.constant 0 : i32
      %dma_start3A_278 = tpu.memref_slice %arg11[%dma_start3A_276, %dma_start3A_277] : memref<2x125xi32, #tpu.memory_space<vmem>> -> memref<1x125xi32, #tpu.memory_space<vmem>>
      %dma_start3A_279 = tpu.memref_squeeze %dma_start3A_278 : memref<1x125xi32, #tpu.memory_space<vmem>> -> memref<125xi32, #tpu.memory_space<vmem>>
      %dma_start3A_280 = arith.constant 0 : i32
      %dma_start3A_281 = arith.constant 0 : i32
      %dma_start3A_282 = tpu.memref_slice %arg2[%dma_start3A_280, %dma_start3A_281] : memref<10240x128xf32, #tpu.memory_space<hbm>> -> memref<10240x128xf32, #tpu.memory_space<hbm>>
      tpu.enqueue_indirect_dma source(%dma_start3A_282 : memref<10240x128xf32, #tpu.memory_space<hbm>>) target(%arg7 : memref<125x128xf32, #tpu.memory_space<vmem>>) offsets(%dma_start3A_279 : memref<125xi32, #tpu.memory_space<vmem>>) semaphore(%arg13 : memref<!tpu.dma_semaphore, #tpu.memory_space<semaphore_mem>>)
      %dma_wait3A_283 = arith.constant 0 : i32
      %dma_wait3A_284 = arith.constant 0 : i32
      %dma_wait3A_285 = tpu.memref_slice %arg11[%dma_wait3A_283, %dma_wait3A_284] : memref<2x125xi32, #tpu.memory_space<vmem>> -> memref<1x125xi32, #tpu.memory_space<vmem>>
      %dma_wait3A_286 = tpu.memref_squeeze %dma_wait3A_285 : memref<1x125xi32, #tpu.memory_space<vmem>> -> memref<125xi32, #tpu.memory_space<vmem>>
      %dma_wait3A_287 = arith.constant 0 : i32
      %dma_wait3A_288 = arith.constant 0 : i32
      %dma_wait3A_289 = tpu.memref_slice %arg2[%dma_wait3A_287, %dma_wait3A_288] : memref<10240x128xf32, #tpu.memory_space<hbm>> -> memref<10240x128xf32, #tpu.memory_space<hbm>>
      tpu.wait_indirect_dma semaphore(%arg12 : memref<!tpu.dma_semaphore, #tpu.memory_space<semaphore_mem>>) src(%dma_wait3A_289 : memref<10240x128xf32, #tpu.memory_space<hbm>>) dst(%arg6 : memref<125x128xf32, #tpu.memory_space<vmem>>)
      %dma_start3A_290 = arith.constant 1 : i32
      %dma_start3A_291 = arith.constant 0 : i32
      %dma_start3A_292 = tpu.memref_slice %arg10[%dma_start3A_290, %dma_start3A_291] : memref<2x125xi32, #tpu.memory_space<vmem>> -> memref<1x125xi32, #tpu.memory_space<vmem>>
      %dma_start3A_293 = tpu.memref_squeeze %dma_start3A_292 : memref<1x125xi32, #tpu.memory_space<vmem>> -> memref<125xi32, #tpu.memory_space<vmem>>
      %dma_start3A_294 = arith.constant 0 : i32
      %dma_start3A_295 = arith.constant 0 : i32
      %dma_start3A_296 = tpu.memref_slice %arg5[%dma_start3A_294, %dma_start3A_295] : memref<10240x128xf32, #tpu.memory_space<vmem_shared>> -> memref<10240x128xf32, #tpu.memory_space<vmem_shared>>
      tpu.enqueue_indirect_dma source(%arg6 : memref<125x128xf32, #tpu.memory_space<vmem>>) target(%dma_start3A_296 : memref<10240x128xf32, #tpu.memory_space<vmem_shared>>) offsets(%dma_start3A_293 : memref<125xi32, #tpu.memory_space<vmem>>) semaphore(%arg14 : memref<!tpu.dma_semaphore, #tpu.memory_space<semaphore_mem>>) {add = true}
      %mul3A_297 = arith.constant 80 : i32
      %mul3A_298 = arith.muli %add3A, %mul3A_297 : i32
      %add3A_299 = arith.addi %mul3A_298, %add3A_259 : i32
      %dma_start3A_300 = arith.constant 0 : i32
      %dma_start3A_301 = arith.constant 0 : i32
      %dma_start3A_302 = tpu.memref_slice %arg3[%add3A_299, %dma_start3A_300, %dma_start3A_301] : memref<2560x2x125xi32, #tpu.memory_space<hbm>> -> memref<1x2x125xi32, #tpu.memory_space<hbm>>
      %dma_start3A_303 = tpu.memref_squeeze %dma_start3A_302 : memref<1x2x125xi32, #tpu.memory_space<hbm>> -> memref<2x125xi32, #tpu.memory_space<hbm>>
      %dma_start3A_304 = arith.constant 0 : i32
      %dma_start3A_305 = arith.constant 0 : i32
      %dma_start3A_306 = tpu.memref_slice %arg3[%add3A_299, %dma_start3A_304, %dma_start3A_305] : memref<2560x2x125xi32, #tpu.memory_space<hbm>> -> memref<1x2x125xi32, #tpu.memory_space<hbm>>
      %dma_start3A_307 = tpu.memref_squeeze %dma_start3A_306 : memref<1x2x125xi32, #tpu.memory_space<hbm>> -> memref<2x125xi32, #tpu.memory_space<hbm>>
      tpu.enqueue_dma source(%dma_start3A_307 : memref<2x125xi32, #tpu.memory_space<hbm>>) target(%arg8 : memref<2x125xi32, #tpu.memory_space<vmem>>) target_semaphore(%arg16 : memref<!tpu.dma_semaphore, #tpu.memory_space<semaphore_mem>>)
      %add3A_308 = arith.constant 3 : i32
      %add3A_309 = arith.addi %add3A_207, %add3A_308 : i32
      %dma_wait3A_310 = arith.constant 0 : i32
      %dma_wait3A_311 = arith.constant 0 : i32
      %dma_wait3A_312 = arith.constant 0 : i32
      %dma_wait3A_313 = tpu.memref_slice %arg3[%dma_wait3A_310, %dma_wait3A_311, %dma_wait3A_312] : memref<2560x2x125xi32, #tpu.memory_space<hbm>> -> memref<1x2x125xi32, #tpu.memory_space<hbm>>
      %dma_wait3A_314 = tpu.memref_squeeze %dma_wait3A_313 : memref<1x2x125xi32, #tpu.memory_space<hbm>> -> memref<2x125xi32, #tpu.memory_space<hbm>>
      %dma_wait3A_315 = arith.constant 0 : i32
      %dma_wait3A_316 = arith.constant 0 : i32
      %dma_wait3A_317 = tpu.memref_slice %arg3[%dma_wait3A_310, %dma_wait3A_315, %dma_wait3A_316] : memref<2560x2x125xi32, #tpu.memory_space<hbm>> -> memref<1x2x125xi32, #tpu.memory_space<hbm>>
      %dma_wait3A_318 = tpu.memref_squeeze %dma_wait3A_317 : memref<1x2x125xi32, #tpu.memory_space<hbm>> -> memref<2x125xi32, #tpu.memory_space<hbm>>
      tpu.wait_dma2 semaphore(%arg16 : memref<!tpu.dma_semaphore, #tpu.memory_space<semaphore_mem>>) src(%dma_wait3A_318 : memref<2x125xi32, #tpu.memory_space<hbm>>) dst(%arg8 : memref<2x125xi32, #tpu.memory_space<vmem>>)
      %dma_wait3A_319 = arith.constant 1 : i32
      %dma_wait3A_320 = arith.constant 0 : i32
      %dma_wait3A_321 = tpu.memref_slice %arg8[%dma_wait3A_319, %dma_wait3A_320] : memref<2x125xi32, #tpu.memory_space<vmem>> -> memref<1x125xi32, #tpu.memory_space<vmem>>
      %dma_wait3A_322 = tpu.memref_squeeze %dma_wait3A_321 : memref<1x125xi32, #tpu.memory_space<vmem>> -> memref<125xi32, #tpu.memory_space<vmem>>
      %dma_wait3A_323 = arith.constant 0 : i32
      %dma_wait3A_324 = arith.constant 0 : i32
      %dma_wait3A_325 = tpu.memref_slice %arg5[%dma_wait3A_323, %dma_wait3A_324] : memref<10240x128xf32, #tpu.memory_space<vmem_shared>> -> memref<10240x128xf32, #tpu.memory_space<vmem_shared>>
      tpu.wait_indirect_dma semaphore(%arg14 : memref<!tpu.dma_semaphore, #tpu.memory_space<semaphore_mem>>) src(%arg6 : memref<125x128xf32, #tpu.memory_space<vmem>>) dst(%dma_wait3A_325 : memref<10240x128xf32, #tpu.memory_space<vmem_shared>>)
      %dma_start3A_326 = arith.constant 0 : i32
      %dma_start3A_327 = arith.constant 0 : i32
      %dma_start3A_328 = tpu.memref_slice %arg8[%dma_start3A_326, %dma_start3A_327] : memref<2x125xi32, #tpu.memory_space<vmem>> -> memref<1x125xi32, #tpu.memory_space<vmem>>
      %dma_start3A_329 = tpu.memref_squeeze %dma_start3A_328 : memref<1x125xi32, #tpu.memory_space<vmem>> -> memref<125xi32, #tpu.memory_space<vmem>>
      %dma_start3A_330 = arith.constant 0 : i32
      %dma_start3A_331 = arith.constant 0 : i32
      %dma_start3A_332 = tpu.memref_slice %arg2[%dma_start3A_330, %dma_start3A_331] : memref<10240x128xf32, #tpu.memory_space<hbm>> -> memref<10240x128xf32, #tpu.memory_space<hbm>>
      tpu.enqueue_indirect_dma source(%dma_start3A_332 : memref<10240x128xf32, #tpu.memory_space<hbm>>) target(%arg6 : memref<125x128xf32, #tpu.memory_space<vmem>>) offsets(%dma_start3A_329 : memref<125xi32, #tpu.memory_space<vmem>>) semaphore(%arg12 : memref<!tpu.dma_semaphore, #tpu.memory_space<semaphore_mem>>)
      %dma_wait3A_333 = arith.constant 0 : i32
      %dma_wait3A_334 = arith.constant 0 : i32
      %dma_wait3A_335 = tpu.memref_slice %arg8[%dma_wait3A_333, %dma_wait3A_334] : memref<2x125xi32, #tpu.memory_space<vmem>> -> memref<1x125xi32, #tpu.memory_space<vmem>>
      %dma_wait3A_336 = tpu.memref_squeeze %dma_wait3A_335 : memref<1x125xi32, #tpu.memory_space<vmem>> -> memref<125xi32, #tpu.memory_space<vmem>>
      %dma_wait3A_337 = arith.constant 0 : i32
      %dma_wait3A_338 = arith.constant 0 : i32
      %dma_wait3A_339 = tpu.memref_slice %arg2[%dma_wait3A_337, %dma_wait3A_338] : memref<10240x128xf32, #tpu.memory_space<hbm>> -> memref<10240x128xf32, #tpu.memory_space<hbm>>
      tpu.wait_indirect_dma semaphore(%arg13 : memref<!tpu.dma_semaphore, #tpu.memory_space<semaphore_mem>>) src(%dma_wait3A_339 : memref<10240x128xf32, #tpu.memory_space<hbm>>) dst(%arg7 : memref<125x128xf32, #tpu.memory_space<vmem>>)
      %dma_start3A_340 = arith.constant 1 : i32
      %dma_start3A_341 = arith.constant 0 : i32
      %dma_start3A_342 = tpu.memref_slice %arg11[%dma_start3A_340, %dma_start3A_341] : memref<2x125xi32, #tpu.memory_space<vmem>> -> memref<1x125xi32, #tpu.memory_space<vmem>>
      %dma_start3A_343 = tpu.memref_squeeze %dma_start3A_342 : memref<1x125xi32, #tpu.memory_space<vmem>> -> memref<125xi32, #tpu.memory_space<vmem>>
      %dma_start3A_344 = arith.constant 0 : i32
      %dma_start3A_345 = arith.constant 0 : i32
      %dma_start3A_346 = tpu.memref_slice %arg5[%dma_start3A_344, %dma_start3A_345] : memref<10240x128xf32, #tpu.memory_space<vmem_shared>> -> memref<10240x128xf32, #tpu.memory_space<vmem_shared>>
      tpu.enqueue_indirect_dma source(%arg7 : memref<125x128xf32, #tpu.memory_space<vmem>>) target(%dma_start3A_346 : memref<10240x128xf32, #tpu.memory_space<vmem_shared>>) offsets(%dma_start3A_343 : memref<125xi32, #tpu.memory_space<vmem>>) semaphore(%arg15 : memref<!tpu.dma_semaphore, #tpu.memory_space<semaphore_mem>>) {add = true}
      %mul3A_347 = arith.constant 80 : i32
      %mul3A_348 = arith.muli %add3A, %mul3A_347 : i32
      %add3A_349 = arith.addi %mul3A_348, %add3A_309 : i32
      %dma_start3A_350 = arith.constant 0 : i32
      %dma_start3A_351 = arith.constant 0 : i32
      %dma_start3A_352 = tpu.memref_slice %arg3[%add3A_349, %dma_start3A_350, %dma_start3A_351] : memref<2560x2x125xi32, #tpu.memory_space<hbm>> -> memref<1x2x125xi32, #tpu.memory_space<hbm>>
      %dma_start3A_353 = tpu.memref_squeeze %dma_start3A_352 : memref<1x2x125xi32, #tpu.memory_space<hbm>> -> memref<2x125xi32, #tpu.memory_space<hbm>>
      %dma_start3A_354 = arith.constant 0 : i32
      %dma_start3A_355 = arith.constant 0 : i32
      %dma_start3A_356 = tpu.memref_slice %arg3[%add3A_349, %dma_start3A_354, %dma_start3A_355] : memref<2560x2x125xi32, #tpu.memory_space<hbm>> -> memref<1x2x125xi32, #tpu.memory_space<hbm>>
      %dma_start3A_357 = tpu.memref_squeeze %dma_start3A_356 : memref<1x2x125xi32, #tpu.memory_space<hbm>> -> memref<2x125xi32, #tpu.memory_space<hbm>>
      tpu.enqueue_dma source(%dma_start3A_357 : memref<2x125xi32, #tpu.memory_space<hbm>>) target(%arg9 : memref<2x125xi32, #tpu.memory_space<vmem>>) target_semaphore(%arg16 : memref<!tpu.dma_semaphore, #tpu.memory_space<semaphore_mem>>)
      %add3A_358 = arith.constant 4 : i32
      %add3A_359 = arith.addi %add3A_207, %add3A_358 : i32
      %dma_wait3A_360 = arith.constant 0 : i32
      %dma_wait3A_361 = arith.constant 0 : i32
      %dma_wait3A_362 = arith.constant 0 : i32
      %dma_wait3A_363 = tpu.memref_slice %arg3[%dma_wait3A_360, %dma_wait3A_361, %dma_wait3A_362] : memref<2560x2x125xi32, #tpu.memory_space<hbm>> -> memref<1x2x125xi32, #tpu.memory_space<hbm>>
      %dma_wait3A_364 = tpu.memref_squeeze %dma_wait3A_363 : memref<1x2x125xi32, #tpu.memory_space<hbm>> -> memref<2x125xi32, #tpu.memory_space<hbm>>
      %dma_wait3A_365 = arith.constant 0 : i32
      %dma_wait3A_366 = arith.constant 0 : i32
      %dma_wait3A_367 = tpu.memref_slice %arg3[%dma_wait3A_360, %dma_wait3A_365, %dma_wait3A_366] : memref<2560x2x125xi32, #tpu.memory_space<hbm>> -> memref<1x2x125xi32, #tpu.memory_space<hbm>>
      %dma_wait3A_368 = tpu.memref_squeeze %dma_wait3A_367 : memref<1x2x125xi32, #tpu.memory_space<hbm>> -> memref<2x125xi32, #tpu.memory_space<hbm>>
      tpu.wait_dma2 semaphore(%arg16 : memref<!tpu.dma_semaphore, #tpu.memory_space<semaphore_mem>>) src(%dma_wait3A_368 : memref<2x125xi32, #tpu.memory_space<hbm>>) dst(%arg9 : memref<2x125xi32, #tpu.memory_space<vmem>>)
      %dma_wait3A_369 = arith.constant 1 : i32
      %dma_wait3A_370 = arith.constant 0 : i32
      %dma_wait3A_371 = tpu.memref_slice %arg9[%dma_wait3A_369, %dma_wait3A_370] : memref<2x125xi32, #tpu.memory_space<vmem>> -> memref<1x125xi32, #tpu.memory_space<vmem>>
      %dma_wait3A_372 = tpu.memref_squeeze %dma_wait3A_371 : memref<1x125xi32, #tpu.memory_space<vmem>> -> memref<125xi32, #tpu.memory_space<vmem>>
      %dma_wait3A_373 = arith.constant 0 : i32
      %dma_wait3A_374 = arith.constant 0 : i32
      %dma_wait3A_375 = tpu.memref_slice %arg5[%dma_wait3A_373, %dma_wait3A_374] : memref<10240x128xf32, #tpu.memory_space<vmem_shared>> -> memref<10240x128xf32, #tpu.memory_space<vmem_shared>>
      tpu.wait_indirect_dma semaphore(%arg15 : memref<!tpu.dma_semaphore, #tpu.memory_space<semaphore_mem>>) src(%arg7 : memref<125x128xf32, #tpu.memory_space<vmem>>) dst(%dma_wait3A_375 : memref<10240x128xf32, #tpu.memory_space<vmem_shared>>)
      %dma_start3A_376 = arith.constant 0 : i32
      %dma_start3A_377 = arith.constant 0 : i32
      %dma_start3A_378 = tpu.memref_slice %arg9[%dma_start3A_376, %dma_start3A_377] : memref<2x125xi32, #tpu.memory_space<vmem>> -> memref<1x125xi32, #tpu.memory_space<vmem>>
      %dma_start3A_379 = tpu.memref_squeeze %dma_start3A_378 : memref<1x125xi32, #tpu.memory_space<vmem>> -> memref<125xi32, #tpu.memory_space<vmem>>
      %dma_start3A_380 = arith.constant 0 : i32
      %dma_start3A_381 = arith.constant 0 : i32
      %dma_start3A_382 = tpu.memref_slice %arg2[%dma_start3A_380, %dma_start3A_381] : memref<10240x128xf32, #tpu.memory_space<hbm>> -> memref<10240x128xf32, #tpu.memory_space<hbm>>
      tpu.enqueue_indirect_dma source(%dma_start3A_382 : memref<10240x128xf32, #tpu.memory_space<hbm>>) target(%arg7 : memref<125x128xf32, #tpu.memory_space<vmem>>) offsets(%dma_start3A_379 : memref<125xi32, #tpu.memory_space<vmem>>) semaphore(%arg13 : memref<!tpu.dma_semaphore, #tpu.memory_space<semaphore_mem>>)
      %dma_wait3A_383 = arith.constant 0 : i32
      %dma_wait3A_384 = arith.constant 0 : i32
      %dma_wait3A_385 = tpu.memref_slice %arg9[%dma_wait3A_383, %dma_wait3A_384] : memref<2x125xi32, #tpu.memory_space<vmem>> -> memref<1x125xi32, #tpu.memory_space<vmem>>
      %dma_wait3A_386 = tpu.memref_squeeze %dma_wait3A_385 : memref<1x125xi32, #tpu.memory_space<vmem>> -> memref<125xi32, #tpu.memory_space<vmem>>
      %dma_wait3A_387 = arith.constant 0 : i32
      %dma_wait3A_388 = arith.constant 0 : i32
      %dma_wait3A_389 = tpu.memref_slice %arg2[%dma_wait3A_387, %dma_wait3A_388] : memref<10240x128xf32, #tpu.memory_space<hbm>> -> memref<10240x128xf32, #tpu.memory_space<hbm>>
      tpu.wait_indirect_dma semaphore(%arg12 : memref<!tpu.dma_semaphore, #tpu.memory_space<semaphore_mem>>) src(%dma_wait3A_389 : memref<10240x128xf32, #tpu.memory_space<hbm>>) dst(%arg6 : memref<125x128xf32, #tpu.memory_space<vmem>>)
      %dma_start3A_390 = arith.constant 1 : i32
      %dma_start3A_391 = arith.constant 0 : i32
      %dma_start3A_392 = tpu.memref_slice %arg8[%dma_start3A_390, %dma_start3A_391] : memref<2x125xi32, #tpu.memory_space<vmem>> -> memref<1x125xi32, #tpu.memory_space<vmem>>
      %dma_start3A_393 = tpu.memref_squeeze %dma_start3A_392 : memref<1x125xi32, #tpu.memory_space<vmem>> -> memref<125xi32, #tpu.memory_space<vmem>>
      %dma_start3A_394 = arith.constant 0 : i32
      %dma_start3A_395 = arith.constant 0 : i32
      %dma_start3A_396 = tpu.memref_slice %arg5[%dma_start3A_394, %dma_start3A_395] : memref<10240x128xf32, #tpu.memory_space<vmem_shared>> -> memref<10240x128xf32, #tpu.memory_space<vmem_shared>>
      tpu.enqueue_indirect_dma source(%arg6 : memref<125x128xf32, #tpu.memory_space<vmem>>) target(%dma_start3A_396 : memref<10240x128xf32, #tpu.memory_space<vmem_shared>>) offsets(%dma_start3A_393 : memref<125xi32, #tpu.memory_space<vmem>>) semaphore(%arg14 : memref<!tpu.dma_semaphore, #tpu.memory_space<semaphore_mem>>) {add = true}
      %mul3A_397 = arith.constant 80 : i32
      %mul3A_398 = arith.muli %add3A, %mul3A_397 : i32
      %add3A_399 = arith.addi %mul3A_398, %add3A_359 : i32
      %dma_start3A_400 = arith.constant 0 : i32
      %dma_start3A_401 = arith.constant 0 : i32
      %dma_start3A_402 = tpu.memref_slice %arg3[%add3A_399, %dma_start3A_400, %dma_start3A_401] : memref<2560x2x125xi32, #tpu.memory_space<hbm>> -> memref<1x2x125xi32, #tpu.memory_space<hbm>>
      %dma_start3A_403 = tpu.memref_squeeze %dma_start3A_402 : memref<1x2x125xi32, #tpu.memory_space<hbm>> -> memref<2x125xi32, #tpu.memory_space<hbm>>
      %dma_start3A_404 = arith.constant 0 : i32
      %dma_start3A_405 = arith.constant 0 : i32
      %dma_start3A_406 = tpu.memref_slice %arg3[%add3A_399, %dma_start3A_404, %dma_start3A_405] : memref<2560x2x125xi32, #tpu.memory_space<hbm>> -> memref<1x2x125xi32, #tpu.memory_space<hbm>>
      %dma_start3A_407 = tpu.memref_squeeze %dma_start3A_406 : memref<1x2x125xi32, #tpu.memory_space<hbm>> -> memref<2x125xi32, #tpu.memory_space<hbm>>
      tpu.enqueue_dma source(%dma_start3A_407 : memref<2x125xi32, #tpu.memory_space<hbm>>) target(%arg10 : memref<2x125xi32, #tpu.memory_space<vmem>>) target_semaphore(%arg16 : memref<!tpu.dma_semaphore, #tpu.memory_space<semaphore_mem>>)
      %scan3A_408 = arith.constant 0 : i32
      scf.yield %scan3A_408 : i32
    }
    %scan3A_82 = arith.constant 19 : i32
    %dma_wait3A_83 = arith.constant 0 : i32
    %dma_wait3A_84 = arith.constant 0 : i32
    %dma_wait3A_85 = arith.constant 0 : i32
    %dma_wait3A_86 = tpu.memref_slice %arg3[%dma_wait3A_83, %dma_wait3A_84, %dma_wait3A_85] : memref<2560x2x125xi32, #tpu.memory_space<hbm>> -> memref<1x2x125xi32, #tpu.memory_space<hbm>>
    %dma_wait3A_87 = tpu.memref_squeeze %dma_wait3A_86 : memref<1x2x125xi32, #tpu.memory_space<hbm>> -> memref<2x125xi32, #tpu.memory_space<hbm>>
    %dma_wait3A_88 = arith.constant 0 : i32
    %dma_wait3A_89 = arith.constant 0 : i32
    %dma_wait3A_90 = tpu.memref_slice %arg3[%dma_wait3A_83, %dma_wait3A_88, %dma_wait3A_89] : memref<2560x2x125xi32, #tpu.memory_space<hbm>> -> memref<1x2x125xi32, #tpu.memory_space<hbm>>
    %dma_wait3A_91 = tpu.memref_squeeze %dma_wait3A_90 : memref<1x2x125xi32, #tpu.memory_space<hbm>> -> memref<2x125xi32, #tpu.memory_space<hbm>>
    tpu.wait_dma2 semaphore(%arg16 : memref<!tpu.dma_semaphore, #tpu.memory_space<semaphore_mem>>) src(%dma_wait3A_91 : memref<2x125xi32, #tpu.memory_space<hbm>>) dst(%arg10 : memref<2x125xi32, #tpu.memory_space<vmem>>)
    %dma_wait3A_92 = arith.constant 1 : i32
    %dma_wait3A_93 = arith.constant 0 : i32
    %dma_wait3A_94 = tpu.memref_slice %arg10[%dma_wait3A_92, %dma_wait3A_93] : memref<2x125xi32, #tpu.memory_space<vmem>> -> memref<1x125xi32, #tpu.memory_space<vmem>>
    %dma_wait3A_95 = tpu.memref_squeeze %dma_wait3A_94 : memref<1x125xi32, #tpu.memory_space<vmem>> -> memref<125xi32, #tpu.memory_space<vmem>>
    %dma_wait3A_96 = arith.constant 0 : i32
    %dma_wait3A_97 = arith.constant 0 : i32
    %dma_wait3A_98 = tpu.memref_slice %arg5[%dma_wait3A_96, %dma_wait3A_97] : memref<10240x128xf32, #tpu.memory_space<vmem_shared>> -> memref<10240x128xf32, #tpu.memory_space<vmem_shared>>
    tpu.wait_indirect_dma semaphore(%arg14 : memref<!tpu.dma_semaphore, #tpu.memory_space<semaphore_mem>>) src(%arg6 : memref<125x128xf32, #tpu.memory_space<vmem>>) dst(%dma_wait3A_98 : memref<10240x128xf32, #tpu.memory_space<vmem_shared>>)
    %dma_start3A_99 = arith.constant 0 : i32
    %dma_start3A_100 = arith.constant 0 : i32
    %dma_start3A_101 = tpu.memref_slice %arg10[%dma_start3A_99, %dma_start3A_100] : memref<2x125xi32, #tpu.memory_space<vmem>> -> memref<1x125xi32, #tpu.memory_space<vmem>>
    %dma_start3A_102 = tpu.memref_squeeze %dma_start3A_101 : memref<1x125xi32, #tpu.memory_space<vmem>> -> memref<125xi32, #tpu.memory_space<vmem>>
    %dma_start3A_103 = arith.constant 0 : i32
    %dma_start3A_104 = arith.constant 0 : i32
    %dma_start3A_105 = tpu.memref_slice %arg2[%dma_start3A_103, %dma_start3A_104] : memref<10240x128xf32, #tpu.memory_space<hbm>> -> memref<10240x128xf32, #tpu.memory_space<hbm>>
    tpu.enqueue_indirect_dma source(%dma_start3A_105 : memref<10240x128xf32, #tpu.memory_space<hbm>>) target(%arg6 : memref<125x128xf32, #tpu.memory_space<vmem>>) offsets(%dma_start3A_102 : memref<125xi32, #tpu.memory_space<vmem>>) semaphore(%arg12 : memref<!tpu.dma_semaphore, #tpu.memory_space<semaphore_mem>>)
    %dma_wait3A_106 = arith.constant 0 : i32
    %dma_wait3A_107 = arith.constant 0 : i32
    %dma_wait3A_108 = tpu.memref_slice %arg10[%dma_wait3A_106, %dma_wait3A_107] : memref<2x125xi32, #tpu.memory_space<vmem>> -> memref<1x125xi32, #tpu.memory_space<vmem>>
    %dma_wait3A_109 = tpu.memref_squeeze %dma_wait3A_108 : memref<1x125xi32, #tpu.memory_space<vmem>> -> memref<125xi32, #tpu.memory_space<vmem>>
    %dma_wait3A_110 = arith.constant 0 : i32
    %dma_wait3A_111 = arith.constant 0 : i32
    %dma_wait3A_112 = tpu.memref_slice %arg2[%dma_wait3A_110, %dma_wait3A_111] : memref<10240x128xf32, #tpu.memory_space<hbm>> -> memref<10240x128xf32, #tpu.memory_space<hbm>>
    tpu.wait_indirect_dma semaphore(%arg13 : memref<!tpu.dma_semaphore, #tpu.memory_space<semaphore_mem>>) src(%dma_wait3A_112 : memref<10240x128xf32, #tpu.memory_space<hbm>>) dst(%arg7 : memref<125x128xf32, #tpu.memory_space<vmem>>)
    %dma_start3A_113 = arith.constant 1 : i32
    %dma_start3A_114 = arith.constant 0 : i32
    %dma_start3A_115 = tpu.memref_slice %arg9[%dma_start3A_113, %dma_start3A_114] : memref<2x125xi32, #tpu.memory_space<vmem>> -> memref<1x125xi32, #tpu.memory_space<vmem>>
    %dma_start3A_116 = tpu.memref_squeeze %dma_start3A_115 : memref<1x125xi32, #tpu.memory_space<vmem>> -> memref<125xi32, #tpu.memory_space<vmem>>
    %dma_start3A_117 = arith.constant 0 : i32
    %dma_start3A_118 = arith.constant 0 : i32
    %dma_start3A_119 = tpu.memref_slice %arg5[%dma_start3A_117, %dma_start3A_118] : memref<10240x128xf32, #tpu.memory_space<vmem_shared>> -> memref<10240x128xf32, #tpu.memory_space<vmem_shared>>
    tpu.enqueue_indirect_dma source(%arg7 : memref<125x128xf32, #tpu.memory_space<vmem>>) target(%dma_start3A_119 : memref<10240x128xf32, #tpu.memory_space<vmem_shared>>) offsets(%dma_start3A_116 : memref<125xi32, #tpu.memory_space<vmem>>) semaphore(%arg15 : memref<!tpu.dma_semaphore, #tpu.memory_space<semaphore_mem>>) {add = true}
    %mul3A_120 = arith.constant 80 : i32
    %mul3A_121 = arith.muli %add3A, %mul3A_120 : i32
    %add3A_122 = arith.constant 79 : i32
    %add3A_123 = arith.addi %mul3A_121, %add3A_122 : i32
    %dma_start3A_124 = arith.constant 0 : i32
    %dma_start3A_125 = arith.constant 0 : i32
    %dma_start3A_126 = tpu.memref_slice %arg3[%add3A_123, %dma_start3A_124, %dma_start3A_125] : memref<2560x2x125xi32, #tpu.memory_space<hbm>> -> memref<1x2x125xi32, #tpu.memory_space<hbm>>
    %dma_start3A_127 = tpu.memref_squeeze %dma_start3A_126 : memref<1x2x125xi32, #tpu.memory_space<hbm>> -> memref<2x125xi32, #tpu.memory_space<hbm>>
    %dma_start3A_128 = arith.constant 0 : i32
    %dma_start3A_129 = arith.constant 0 : i32
    %dma_start3A_130 = tpu.memref_slice %arg3[%add3A_123, %dma_start3A_128, %dma_start3A_129] : memref<2560x2x125xi32, #tpu.memory_space<hbm>> -> memref<1x2x125xi32, #tpu.memory_space<hbm>>
    %dma_start3A_131 = tpu.memref_squeeze %dma_start3A_130 : memref<1x2x125xi32, #tpu.memory_space<hbm>> -> memref<2x125xi32, #tpu.memory_space<hbm>>
    tpu.enqueue_dma source(%dma_start3A_131 : memref<2x125xi32, #tpu.memory_space<hbm>>) target(%arg11 : memref<2x125xi32, #tpu.memory_space<vmem>>) target_semaphore(%arg16 : memref<!tpu.dma_semaphore, #tpu.memory_space<semaphore_mem>>)
    %dma_wait3A_132 = arith.constant 0 : i32
    %dma_wait3A_133 = arith.constant 0 : i32
    %dma_wait3A_134 = arith.constant 0 : i32
    %dma_wait3A_135 = tpu.memref_slice %arg3[%dma_wait3A_132, %dma_wait3A_133, %dma_wait3A_134] : memref<2560x2x125xi32, #tpu.memory_space<hbm>> -> memref<1x2x125xi32, #tpu.memory_space<hbm>>
    %dma_wait3A_136 = tpu.memref_squeeze %dma_wait3A_135 : memref<1x2x125xi32, #tpu.memory_space<hbm>> -> memref<2x125xi32, #tpu.memory_space<hbm>>
    %dma_wait3A_137 = arith.constant 0 : i32
    %dma_wait3A_138 = arith.constant 0 : i32
    %dma_wait3A_139 = tpu.memref_slice %arg3[%dma_wait3A_132, %dma_wait3A_137, %dma_wait3A_138] : memref<2560x2x125xi32, #tpu.memory_space<hbm>> -> memref<1x2x125xi32, #tpu.memory_space<hbm>>
    %dma_wait3A_140 = tpu.memref_squeeze %dma_wait3A_139 : memref<1x2x125xi32, #tpu.memory_space<hbm>> -> memref<2x125xi32, #tpu.memory_space<hbm>>
    tpu.wait_dma2 semaphore(%arg16 : memref<!tpu.dma_semaphore, #tpu.memory_space<semaphore_mem>>) src(%dma_wait3A_140 : memref<2x125xi32, #tpu.memory_space<hbm>>) dst(%arg11 : memref<2x125xi32, #tpu.memory_space<vmem>>)
    %dma_wait3A_141 = arith.constant 1 : i32
    %dma_wait3A_142 = arith.constant 0 : i32
    %dma_wait3A_143 = tpu.memref_slice %arg11[%dma_wait3A_141, %dma_wait3A_142] : memref<2x125xi32, #tpu.memory_space<vmem>> -> memref<1x125xi32, #tpu.memory_space<vmem>>
    %dma_wait3A_144 = tpu.memref_squeeze %dma_wait3A_143 : memref<1x125xi32, #tpu.memory_space<vmem>> -> memref<125xi32, #tpu.memory_space<vmem>>
    %dma_wait3A_145 = arith.constant 0 : i32
    %dma_wait3A_146 = arith.constant 0 : i32
    %dma_wait3A_147 = tpu.memref_slice %arg5[%dma_wait3A_145, %dma_wait3A_146] : memref<10240x128xf32, #tpu.memory_space<vmem_shared>> -> memref<10240x128xf32, #tpu.memory_space<vmem_shared>>
    tpu.wait_indirect_dma semaphore(%arg15 : memref<!tpu.dma_semaphore, #tpu.memory_space<semaphore_mem>>) src(%arg7 : memref<125x128xf32, #tpu.memory_space<vmem>>) dst(%dma_wait3A_147 : memref<10240x128xf32, #tpu.memory_space<vmem_shared>>)
    %dma_start3A_148 = arith.constant 0 : i32
    %dma_start3A_149 = arith.constant 0 : i32
    %dma_start3A_150 = tpu.memref_slice %arg11[%dma_start3A_148, %dma_start3A_149] : memref<2x125xi32, #tpu.memory_space<vmem>> -> memref<1x125xi32, #tpu.memory_space<vmem>>
    %dma_start3A_151 = tpu.memref_squeeze %dma_start3A_150 : memref<1x125xi32, #tpu.memory_space<vmem>> -> memref<125xi32, #tpu.memory_space<vmem>>
    %dma_start3A_152 = arith.constant 0 : i32
    %dma_start3A_153 = arith.constant 0 : i32
    %dma_start3A_154 = tpu.memref_slice %arg2[%dma_start3A_152, %dma_start3A_153] : memref<10240x128xf32, #tpu.memory_space<hbm>> -> memref<10240x128xf32, #tpu.memory_space<hbm>>
    tpu.enqueue_indirect_dma source(%dma_start3A_154 : memref<10240x128xf32, #tpu.memory_space<hbm>>) target(%arg7 : memref<125x128xf32, #tpu.memory_space<vmem>>) offsets(%dma_start3A_151 : memref<125xi32, #tpu.memory_space<vmem>>) semaphore(%arg13 : memref<!tpu.dma_semaphore, #tpu.memory_space<semaphore_mem>>)
    %dma_wait3A_155 = arith.constant 0 : i32
    %dma_wait3A_156 = arith.constant 0 : i32
    %dma_wait3A_157 = tpu.memref_slice %arg11[%dma_wait3A_155, %dma_wait3A_156] : memref<2x125xi32, #tpu.memory_space<vmem>> -> memref<1x125xi32, #tpu.memory_space<vmem>>
    %dma_wait3A_158 = tpu.memref_squeeze %dma_wait3A_157 : memref<1x125xi32, #tpu.memory_space<vmem>> -> memref<125xi32, #tpu.memory_space<vmem>>
    %dma_wait3A_159 = arith.constant 0 : i32
    %dma_wait3A_160 = arith.constant 0 : i32
    %dma_wait3A_161 = tpu.memref_slice %arg2[%dma_wait3A_159, %dma_wait3A_160] : memref<10240x128xf32, #tpu.memory_space<hbm>> -> memref<10240x128xf32, #tpu.memory_space<hbm>>
    tpu.wait_indirect_dma semaphore(%arg12 : memref<!tpu.dma_semaphore, #tpu.memory_space<semaphore_mem>>) src(%dma_wait3A_161 : memref<10240x128xf32, #tpu.memory_space<hbm>>) dst(%arg6 : memref<125x128xf32, #tpu.memory_space<vmem>>)
    %dma_start3A_162 = arith.constant 1 : i32
    %dma_start3A_163 = arith.constant 0 : i32
    %dma_start3A_164 = tpu.memref_slice %arg10[%dma_start3A_162, %dma_start3A_163] : memref<2x125xi32, #tpu.memory_space<vmem>> -> memref<1x125xi32, #tpu.memory_space<vmem>>
    %dma_start3A_165 = tpu.memref_squeeze %dma_start3A_164 : memref<1x125xi32, #tpu.memory_space<vmem>> -> memref<125xi32, #tpu.memory_space<vmem>>
    %dma_start3A_166 = arith.constant 0 : i32
    %dma_start3A_167 = arith.constant 0 : i32
    %dma_start3A_168 = tpu.memref_slice %arg5[%dma_start3A_166, %dma_start3A_167] : memref<10240x128xf32, #tpu.memory_space<vmem_shared>> -> memref<10240x128xf32, #tpu.memory_space<vmem_shared>>
    tpu.enqueue_indirect_dma source(%arg6 : memref<125x128xf32, #tpu.memory_space<vmem>>) target(%dma_start3A_168 : memref<10240x128xf32, #tpu.memory_space<vmem_shared>>) offsets(%dma_start3A_165 : memref<125xi32, #tpu.memory_space<vmem>>) semaphore(%arg14 : memref<!tpu.dma_semaphore, #tpu.memory_space<semaphore_mem>>) {add = true}
    %dma_wait3A_169 = arith.constant 0 : i32
    %dma_wait3A_170 = arith.constant 0 : i32
    %dma_wait3A_171 = tpu.memref_slice %arg11[%dma_wait3A_169, %dma_wait3A_170] : memref<2x125xi32, #tpu.memory_space<vmem>> -> memref<1x125xi32, #tpu.memory_space<vmem>>
    %dma_wait3A_172 = tpu.memref_squeeze %dma_wait3A_171 : memref<1x125xi32, #tpu.memory_space<vmem>> -> memref<125xi32, #tpu.memory_space<vmem>>
    %dma_wait3A_173 = arith.constant 0 : i32
    %dma_wait3A_174 = arith.constant 0 : i32
    %dma_wait3A_175 = tpu.memref_slice %arg2[%dma_wait3A_173, %dma_wait3A_174] : memref<10240x128xf32, #tpu.memory_space<hbm>> -> memref<10240x128xf32, #tpu.memory_space<hbm>>
    tpu.wait_indirect_dma semaphore(%arg13 : memref<!tpu.dma_semaphore, #tpu.memory_space<semaphore_mem>>) src(%dma_wait3A_175 : memref<10240x128xf32, #tpu.memory_space<hbm>>) dst(%arg7 : memref<125x128xf32, #tpu.memory_space<vmem>>)
    %dma_start3A_176 = arith.constant 1 : i32
    %dma_start3A_177 = arith.constant 0 : i32
    %dma_start3A_178 = tpu.memref_slice %arg11[%dma_start3A_176, %dma_start3A_177] : memref<2x125xi32, #tpu.memory_space<vmem>> -> memref<1x125xi32, #tpu.memory_space<vmem>>
    %dma_start3A_179 = tpu.memref_squeeze %dma_start3A_178 : memref<1x125xi32, #tpu.memory_space<vmem>> -> memref<125xi32, #tpu.memory_space<vmem>>
    %dma_start3A_180 = arith.constant 0 : i32
    %dma_start3A_181 = arith.constant 0 : i32
    %dma_start3A_182 = tpu.memref_slice %arg5[%dma_start3A_180, %dma_start3A_181] : memref<10240x128xf32, #tpu.memory_space<vmem_shared>> -> memref<10240x128xf32, #tpu.memory_space<vmem_shared>>
    tpu.enqueue_indirect_dma source(%arg7 : memref<125x128xf32, #tpu.memory_space<vmem>>) target(%dma_start3A_182 : memref<10240x128xf32, #tpu.memory_space<vmem_shared>>) offsets(%dma_start3A_179 : memref<125xi32, #tpu.memory_space<vmem>>) semaphore(%arg15 : memref<!tpu.dma_semaphore, #tpu.memory_space<semaphore_mem>>) {add = true}
    %dma_wait3A_183 = arith.constant 1 : i32
    %dma_wait3A_184 = arith.constant 0 : i32
    %dma_wait3A_185 = tpu.memref_slice %arg10[%dma_wait3A_183, %dma_wait3A_184] : memref<2x125xi32, #tpu.memory_space<vmem>> -> memref<1x125xi32, #tpu.memory_space<vmem>>
    %dma_wait3A_186 = tpu.memref_squeeze %dma_wait3A_185 : memref<1x125xi32, #tpu.memory_space<vmem>> -> memref<125xi32, #tpu.memory_space<vmem>>
    %dma_wait3A_187 = arith.constant 0 : i32
    %dma_wait3A_188 = arith.constant 0 : i32
    %dma_wait3A_189 = tpu.memref_slice %arg5[%dma_wait3A_187, %dma_wait3A_188] : memref<10240x128xf32, #tpu.memory_space<vmem_shared>> -> memref<10240x128xf32, #tpu.memory_space<vmem_shared>>
    tpu.wait_indirect_dma semaphore(%arg14 : memref<!tpu.dma_semaphore, #tpu.memory_space<semaphore_mem>>) src(%arg6 : memref<125x128xf32, #tpu.memory_space<vmem>>) dst(%dma_wait3A_189 : memref<10240x128xf32, #tpu.memory_space<vmem_shared>>)
    %dma_wait3A_190 = arith.constant 1 : i32
    %dma_wait3A_191 = arith.constant 0 : i32
    %dma_wait3A_192 = tpu.memref_slice %arg11[%dma_wait3A_190, %dma_wait3A_191] : memref<2x125xi32, #tpu.memory_space<vmem>> -> memref<1x125xi32, #tpu.memory_space<vmem>>
    %dma_wait3A_193 = tpu.memref_squeeze %dma_wait3A_192 : memref<1x125xi32, #tpu.memory_space<vmem>> -> memref<125xi32, #tpu.memory_space<vmem>>
    %dma_wait3A_194 = arith.constant 0 : i32
    %dma_wait3A_195 = arith.constant 0 : i32
    %dma_wait3A_196 = tpu.memref_slice %arg5[%dma_wait3A_194, %dma_wait3A_195] : memref<10240x128xf32, #tpu.memory_space<vmem_shared>> -> memref<10240x128xf32, #tpu.memory_space<vmem_shared>>
    tpu.wait_indirect_dma semaphore(%arg15 : memref<!tpu.dma_semaphore, #tpu.memory_space<semaphore_mem>>) src(%arg7 : memref<125x128xf32, #tpu.memory_space<vmem>>) dst(%dma_wait3A_196 : memref<10240x128xf32, #tpu.memory_space<vmem_shared>>)
    %barrier3A_197 = arith.constant 0 : index
    tpu.barrier barrier_id(%barrier3A_197)
    %mul3A_198 = arith.constant 640 : i32
    %mul3A_199 = arith.muli %arg1, %mul3A_198 : i32
    %mul3A_200 = arith.constant 640 : i32
    %mul3A_201 = arith.muli %arg1, %mul3A_200 : i32
    "tpu.region"() ({
      %run_scoped3A = tpu.sem_alloc : memref<!tpu.dma_semaphore, #tpu.memory_space<semaphore_mem>>
      %dma_start3A_202 = arith.constant 0 : i32
      %dma_start3A_203 = tpu.memref_slice %arg4[%arg0, %mul3A_201, %dma_start3A_202] : memref<2x10240x128xf32, #tpu.memory_space<hbm>> -> memref<1x640x128xf32, #tpu.memory_space<hbm>>
      %dma_start3A_204 = tpu.memref_squeeze %dma_start3A_203 : memref<1x640x128xf32, #tpu.memory_space<hbm>> -> memref<640x128xf32, #tpu.memory_space<hbm>>
      %dma_start3A_205 = arith.constant 0 : i32
      %dma_start3A_206 = tpu.memref_slice %arg5[%mul3A_199, %dma_start3A_205] : memref<10240x128xf32, #tpu.memory_space<vmem_shared>> -> memref<640x128xf32, #tpu.memory_space<vmem_shared>>
      tpu.enqueue_dma source(%dma_start3A_206 : memref<640x128xf32, #tpu.memory_space<vmem_shared>>) target(%dma_start3A_204 : memref<640x128xf32, #tpu.memory_space<hbm>>) target_semaphore(%run_scoped3A : memref<!tpu.dma_semaphore, #tpu.memory_space<semaphore_mem>>)
      %dma_wait3A_207 = arith.constant 0 : i32
      %dma_wait3A_208 = tpu.memref_slice %arg4[%arg0, %mul3A_201, %dma_wait3A_207] : memref<2x10240x128xf32, #tpu.memory_space<hbm>> -> memref<1x640x128xf32, #tpu.memory_space<hbm>>
      %dma_wait3A_209 = tpu.memref_squeeze %dma_wait3A_208 : memref<1x640x128xf32, #tpu.memory_space<hbm>> -> memref<640x128xf32, #tpu.memory_space<hbm>>
      %dma_wait3A_210 = arith.constant 0 : i32
      %dma_wait3A_211 = tpu.memref_slice %arg5[%mul3A_199, %dma_wait3A_210] : memref<10240x128xf32, #tpu.memory_space<vmem_shared>> -> memref<640x128xf32, #tpu.memory_space<vmem_shared>>
      tpu.wait_dma2 semaphore(%run_scoped3A : memref<!tpu.dma_semaphore, #tpu.memory_space<semaphore_mem>>) src(%dma_wait3A_211 : memref<640x128xf32, #tpu.memory_space<vmem_shared>>) dst(%dma_wait3A_209 : memref<640x128xf32, #tpu.memory_space<hbm>>)
      tpu.yield
    }) : () -> ()
    return
  }
}

#map = affine_map<(d0, d1) -> (0, 0)>
#map1 = affine_map<(d0, d1) -> (0, 0, 0)>
module attributes {stable_mosaic.version = 14 : i64} {
  func.func @agg(%arg0: i32, %arg1: i32, %arg2: memref<10240x128xf32, #tpu.memory_space<hbm>>, %arg3: memref<2560x2x125xi32, #tpu.memory_space<hbm>>, %arg4: memref<2x10240x128xf32, #tpu.memory_space<hbm>>, %arg5: memref<10240x128xf32, #tpu.memory_space<vmem_shared>>, %arg6: memref<125x128xf32, #tpu.memory_space<vmem>>, %arg7: memref<125x128xf32, #tpu.memory_space<vmem>>, %arg8: memref<2x125xi32, #tpu.memory_space<vmem>>, %arg9: memref<2x125xi32, #tpu.memory_space<vmem>>, %arg10: memref<2x125xi32, #tpu.memory_space<vmem>>, %arg11: memref<2x125xi32, #tpu.memory_space<vmem>>, %arg12: memref<!tpu.dma_semaphore, #tpu.memory_space<semaphore_mem>>, %arg13: memref<!tpu.dma_semaphore, #tpu.memory_space<semaphore_mem>>, %arg14: memref<!tpu.dma_semaphore, #tpu.memory_space<semaphore_mem>>, %arg15: memref<!tpu.dma_semaphore, #tpu.memory_space<semaphore_mem>>, %arg16: memref<!tpu.dma_semaphore, #tpu.memory_space<semaphore_mem>>) attributes {dimension_semantics = [#tpu.dimension_semantics<core_parallel>, #tpu.dimension_semantics<subcore_parallel>], iteration_bounds = array<i64: 2, 16>, scalar_prefetch = 0 : i64, scratch_operands = 12 : i64, tpu.core_type = #tpu.core_type<sc_vector_subcore>, window_params = [{transform_indices = #map}, {transform_indices = #map1}, {transform_indices = #map1}]} {
    %mul3A = arith.constant 16 : i32
    %mul3A_0 = arith.muli %arg0, %mul3A : i32
    %add3A = arith.addi %mul3A_0, %arg1 : i32
    %broadcast_in_dim3A = arith.constant 0.000000e+00 : f32
    %broadcast_in_dim3A_1 = vector.broadcast %broadcast_in_dim3A : f32 to vector<16xf32>
    %scan3A = arith.constant 0 : i32
    %scan3A_2 = arith.constant 0 : i32
    %scan3A_3 = arith.constant 320 : i32
    %scan3A_4 = arith.addi %scan3A_2, %scan3A_3 : i32
    %scan3A_5 = arith.constant 1 : i32
    %scan3A_6 = scf.for %scan3A_202 = %scan3A_2 to %scan3A_4 step %scan3A_5 iter_args(%scan3A_203 = %scan3A) -> (i32)  : i32 {
      %jit3A = arith.constant 8 : i32
      %div3A = arith.divsi %scan3A_202, %jit3A : i32
      %sign3A = arith.constant 0 : i32
      %sign3A_204 = arith.cmpi sgt, %scan3A_202, %sign3A : i32
      %sign3A_205 = arith.extui %sign3A_204 : i1 to i32
      %sign3A_206 = arith.constant 0 : i32
      %sign3A_207 = arith.cmpi slt, %scan3A_202, %sign3A_206 : i32
      %sign3A_208 = arith.extui %sign3A_207 : i1 to i32
      %sign3A_209 = arith.subi %sign3A_205, %sign3A_208 : i32
      %sign3A_210 = arith.constant 0 : i32
      %sign3A_211 = arith.cmpi sgt, %jit3A, %sign3A_210 : i32
      %sign3A_212 = arith.extui %sign3A_211 : i1 to i32
      %sign3A_213 = arith.constant 0 : i32
      %sign3A_214 = arith.cmpi slt, %jit3A, %sign3A_213 : i32
      %sign3A_215 = arith.extui %sign3A_214 : i1 to i32
      %sign3A_216 = arith.subi %sign3A_212, %sign3A_215 : i32
      %ne3A = arith.cmpi ne, %sign3A_209, %sign3A_216 : i32
      %rem3A = arith.remsi %scan3A_202, %jit3A : i32
      %ne3A_217 = arith.constant 0 : i32
      %ne3A_218 = arith.cmpi ne, %rem3A, %ne3A_217 : i32
      %and3A = arith.andi %ne3A, %ne3A_218 : i1
      %sub3A = arith.constant 1 : i32
      %sub3A_219 = arith.subi %div3A, %sub3A : i32
      %select_n3A = arith.select %and3A, %sub3A_219, %div3A : i32
      %jit3A_220 = arith.constant 8 : i32
      %eq3A = arith.constant 0 : i32
      %eq3A_221 = arith.cmpi eq, %jit3A_220, %eq3A : i32
      %jit3A_222 = arith.constant 1 : i32
      %select_n3A_223 = arith.select %eq3A_221, %jit3A_222, %jit3A_220 : i32
      %rem3A_224 = arith.remsi %scan3A_202, %select_n3A_223 : i32
      %ne3A_225 = arith.constant 0 : i32
      %ne3A_226 = arith.cmpi ne, %rem3A_224, %ne3A_225 : i32
      %lt3A = arith.constant 0 : i32
      %lt3A_227 = arith.cmpi slt, %rem3A_224, %lt3A : i32
      %lt3A_228 = arith.constant 0 : i32
      %lt3A_229 = arith.cmpi slt, %select_n3A_223, %lt3A_228 : i32
      %ne3A_230 = arith.xori %lt3A_227, %lt3A_229 : i1
      %and3A_231 = arith.andi %ne3A_230, %ne3A_226 : i1
      %add3A_232 = arith.addi %rem3A_224, %select_n3A_223 : i32
      %select_n3A_233 = arith.select %and3A_231, %add3A_232, %rem3A_224 : i32
      %mul3A_234 = arith.constant 16 : i32
      %mul3A_235 = arith.muli %select_n3A_233, %mul3A_234 : i32
      %swap3A = arith.index_cast %select_n3A : i32 to index
      %swap3A_236 = arith.index_cast %mul3A_235 : i32 to index
      %swap3A_237 = tpu.vector_load %arg6[%swap3A, %swap3A_236] {strides = array<i32>} : memref<125x128xf32, #tpu.memory_space<vmem>>, vector<1x16xf32>,
      %swap3A_238 = vector.shape_cast %swap3A_237 : vector<1x16xf32> to vector<16xf32>
      %swap3A_239 = vector.shape_cast %broadcast_in_dim3A_1 : vector<16xf32> to vector<1x16xf32>
      tpu.vector_store %arg6[%swap3A, %swap3A_236], %swap3A_239 {strides = array<i32>} : memref<125x128xf32, #tpu.memory_space<vmem>>, vector<1x16xf32>,
      %scan3A_240 = arith.constant 0 : i32
      scf.yield %scan3A_240 : i32
    }
    %scan3A_7 = arith.constant 320 : i32
    %scan3A_8 = arith.constant 0 : i32
    %scan3A_9 = arith.constant 0 : i32
    %scan3A_10 = arith.constant 16 : i32
    %scan3A_11 = arith.addi %scan3A_9, %scan3A_10 : i32
    %scan3A_12 = arith.constant 1 : i32
    %scan3A_13 = scf.for %scan3A_202 = %scan3A_9 to %scan3A_11 step %scan3A_12 iter_args(%scan3A_203 = %scan3A_8) -> (i32)  : i32 {
      %mul3A_204 = arith.constant 640 : i32
      %mul3A_205 = arith.muli %arg1, %mul3A_204 : i32
      %mul3A_206 = arith.constant 40 : i32
      %mul3A_207 = arith.muli %scan3A_202, %mul3A_206 : i32
      %add3A_208 = arith.addi %mul3A_205, %mul3A_207 : i32
      "tpu.region"() ({
        %run_scoped3A = tpu.sem_alloc : memref<!tpu.dma_semaphore, #tpu.memory_space<semaphore_mem>>
        %dma_start3A_210 = arith.constant 0 : i32
        %dma_start3A_211 = arith.constant 0 : i32
        %dma_start3A_212 = tpu.memref_slice %arg6[%dma_start3A_210, %dma_start3A_211] : memref<125x128xf32, #tpu.memory_space<vmem>> -> memref<40x128xf32, #tpu.memory_space<vmem>>
        %dma_start3A_213 = arith.constant 0 : i32
        %dma_start3A_214 = tpu.memref_slice %arg5[%add3A_208, %dma_start3A_213] : memref<10240x128xf32, #tpu.memory_space<vmem_shared>> -> memref<40x128xf32, #tpu.memory_space<vmem_shared>>
        %dma_start3A_215 = arith.constant 0 : i32
        %dma_start3A_216 = tpu.memref_slice %arg5[%add3A_208, %dma_start3A_215] : memref<10240x128xf32, #tpu.memory_space<vmem_shared>> -> memref<40x128xf32, #tpu.memory_space<vmem_shared>>
        %dma_start3A_217 = arith.constant 0 : i32
        %dma_start3A_218 = arith.constant 0 : i32
        %dma_start3A_219 = tpu.memref_slice %arg6[%dma_start3A_217, %dma_start3A_218] : memref<125x128xf32, #tpu.memory_space<vmem>> -> memref<40x128xf32, #tpu.memory_space<vmem>>
        tpu.enqueue_dma source(%dma_start3A_219 : memref<40x128xf32, #tpu.memory_space<vmem>>) target(%dma_start3A_216 : memref<40x128xf32, #tpu.memory_space<vmem_shared>>) target_semaphore(%run_scoped3A : memref<!tpu.dma_semaphore, #tpu.memory_space<semaphore_mem>>)
        %dma_wait3A_220 = arith.constant 0 : i32
        %dma_wait3A_221 = arith.constant 0 : i32
        %dma_wait3A_222 = tpu.memref_slice %arg6[%dma_wait3A_220, %dma_wait3A_221] : memref<125x128xf32, #tpu.memory_space<vmem>> -> memref<40x128xf32, #tpu.memory_space<vmem>>
        %dma_wait3A_223 = arith.constant 0 : i32
        %dma_wait3A_224 = tpu.memref_slice %arg5[%add3A_208, %dma_wait3A_223] : memref<10240x128xf32, #tpu.memory_space<vmem_shared>> -> memref<40x128xf32, #tpu.memory_space<vmem_shared>>
        %dma_wait3A_225 = arith.constant 0 : i32
        %dma_wait3A_226 = tpu.memref_slice %arg5[%add3A_208, %dma_wait3A_225] : memref<10240x128xf32, #tpu.memory_space<vmem_shared>> -> memref<40x128xf32, #tpu.memory_space<vmem_shared>>
        %dma_wait3A_227 = arith.constant 0 : i32
        %dma_wait3A_228 = arith.constant 0 : i32
        %dma_wait3A_229 = tpu.memref_slice %arg6[%dma_wait3A_227, %dma_wait3A_228] : memref<125x128xf32, #tpu.memory_space<vmem>> -> memref<40x128xf32, #tpu.memory_space<vmem>>
        tpu.wait_dma2 semaphore(%run_scoped3A : memref<!tpu.dma_semaphore, #tpu.memory_space<semaphore_mem>>) src(%dma_wait3A_229 : memref<40x128xf32, #tpu.memory_space<vmem>>) dst(%dma_wait3A_226 : memref<40x128xf32, #tpu.memory_space<vmem_shared>>)
        tpu.yield
      }) : () -> ()
      %scan3A_209 = arith.constant 0 : i32
      scf.yield %scan3A_209 : i32
    }
    %scan3A_14 = arith.constant 16 : i32
    %barrier3A = arith.constant 0 : index
    tpu.barrier barrier_id(%barrier3A)
    %mul3A_15 = arith.constant 80 : i32
    %mul3A_16 = arith.muli %add3A, %mul3A_15 : i32
    "tpu.region"() ({
      %run_scoped3A = tpu.sem_alloc : memref<!tpu.dma_semaphore, #tpu.memory_space<semaphore_mem>>
      %dma_start3A_202 = arith.constant 0 : i32
      %dma_start3A_203 = arith.constant 0 : i32
      %dma_start3A_204 = tpu.memref_slice %arg3[%mul3A_16, %dma_start3A_202, %dma_start3A_203] : memref<2560x2x125xi32, #tpu.memory_space<hbm>> -> memref<1x2x125xi32, #tpu.memory_space<hbm>>
      %dma_start3A_205 = tpu.memref_squeeze %dma_start3A_204 : memref<1x2x125xi32, #tpu.memory_space<hbm>> -> memref<2x125xi32, #tpu.memory_space<hbm>>
      %dma_start3A_206 = arith.constant 0 : i32
      %dma_start3A_207 = arith.constant 0 : i32
      %dma_start3A_208 = tpu.memref_slice %arg3[%mul3A_16, %dma_start3A_206, %dma_start3A_207] : memref<2560x2x125xi32, #tpu.memory_space<hbm>> -> memref<1x2x125xi32, #tpu.memory_space<hbm>>
      %dma_start3A_209 = tpu.memref_squeeze %dma_start3A_208 : memref<1x2x125xi32, #tpu.memory_space<hbm>> -> memref<2x125xi32, #tpu.memory_space<hbm>>
      tpu.enqueue_dma source(%dma_start3A_209 : memref<2x125xi32, #tpu.memory_space<hbm>>) target(%arg8 : memref<2x125xi32, #tpu.memory_space<vmem>>) target_semaphore(%run_scoped3A : memref<!tpu.dma_semaphore, #tpu.memory_space<semaphore_mem>>)
      %dma_wait3A_210 = arith.constant 0 : i32
      %dma_wait3A_211 = arith.constant 0 : i32
      %dma_wait3A_212 = tpu.memref_slice %arg3[%mul3A_16, %dma_wait3A_210, %dma_wait3A_211] : memref<2560x2x125xi32, #tpu.memory_space<hbm>> -> memref<1x2x125xi32, #tpu.memory_space<hbm>>
      %dma_wait3A_213 = tpu.memref_squeeze %dma_wait3A_212 : memref<1x2x125xi32, #tpu.memory_space<hbm>> -> memref<2x125xi32, #tpu.memory_space<hbm>>
      %dma_wait3A_214 = arith.constant 0 : i32
      %dma_wait3A_215 = arith.constant 0 : i32
      %dma_wait3A_216 = tpu.memref_slice %arg3[%mul3A_16, %dma_wait3A_214, %dma_wait3A_215] : memref<2560x2x125xi32, #tpu.memory_space<hbm>> -> memref<1x2x125xi32, #tpu.memory_space<hbm>>
      %dma_wait3A_217 = tpu.memref_squeeze %dma_wait3A_216 : memref<1x2x125xi32, #tpu.memory_space<hbm>> -> memref<2x125xi32, #tpu.memory_space<hbm>>
      tpu.wait_dma2 semaphore(%run_scoped3A : memref<!tpu.dma_semaphore, #tpu.memory_space<semaphore_mem>>) src(%dma_wait3A_217 : memref<2x125xi32, #tpu.memory_space<hbm>>) dst(%arg8 : memref<2x125xi32, #tpu.memory_space<vmem>>)
      tpu.yield
    }) : () -> ()
    %dma_start3A = arith.constant 0 : i32
    %dma_start3A_17 = arith.constant 0 : i32
    %dma_start3A_18 = tpu.memref_slice %arg8[%dma_start3A, %dma_start3A_17] : memref<2x125xi32, #tpu.memory_space<vmem>> -> memref<1x125xi32, #tpu.memory_space<vmem>>
    %dma_start3A_19 = tpu.memref_squeeze %dma_start3A_18 : memref<1x125xi32, #tpu.memory_space<vmem>> -> memref<125xi32, #tpu.memory_space<vmem>>
    %dma_start3A_20 = arith.constant 0 : i32
    %dma_start3A_21 = arith.constant 0 : i32
    %dma_start3A_22 = tpu.memref_slice %arg2[%dma_start3A_20, %dma_start3A_21] : memref<10240x128xf32, #tpu.memory_space<hbm>> -> memref<10240x128xf32, #tpu.memory_space<hbm>>
    tpu.enqueue_indirect_dma source(%dma_start3A_22 : memref<10240x128xf32, #tpu.memory_space<hbm>>) target(%arg6 : memref<125x128xf32, #tpu.memory_space<vmem>>) offsets(%dma_start3A_19 : memref<125xi32, #tpu.memory_space<vmem>>) semaphore(%arg12 : memref<!tpu.dma_semaphore, #tpu.memory_space<semaphore_mem>>)
    %mul3A_23 = arith.constant 80 : i32
    %mul3A_24 = arith.muli %add3A, %mul3A_23 : i32
    %add3A_25 = arith.constant 1 : i32
    %add3A_26 = arith.addi %mul3A_24, %add3A_25 : i32
    %dma_start3A_27 = arith.constant 0 : i32
    %dma_start3A_28 = arith.constant 0 : i32
    %dma_start3A_29 = tpu.memref_slice %arg3[%add3A_26, %dma_start3A_27, %dma_start3A_28] : memref<2560x2x125xi32, #tpu.memory_space<hbm>> -> memref<1x2x125xi32, #tpu.memory_space<hbm>>
    %dma_start3A_30 = tpu.memref_squeeze %dma_start3A_29 : memref<1x2x125xi32, #tpu.memory_space<hbm>> -> memref<2x125xi32, #tpu.memory_space<hbm>>
    %dma_start3A_31 = arith.constant 0 : i32
    %dma_start3A_32 = arith.constant 0 : i32
    %dma_start3A_33 = tpu.memref_slice %arg3[%add3A_26, %dma_start3A_31, %dma_start3A_32] : memref<2560x2x125xi32, #tpu.memory_space<hbm>> -> memref<1x2x125xi32, #tpu.memory_space<hbm>>
    %dma_start3A_34 = tpu.memref_squeeze %dma_start3A_33 : memref<1x2x125xi32, #tpu.memory_space<hbm>> -> memref<2x125xi32, #tpu.memory_space<hbm>>
    tpu.enqueue_dma source(%dma_start3A_34 : memref<2x125xi32, #tpu.memory_space<hbm>>) target(%arg9 : memref<2x125xi32, #tpu.memory_space<vmem>>) target_semaphore(%arg16 : memref<!tpu.dma_semaphore, #tpu.memory_space<semaphore_mem>>)
    %dma_wait3A = arith.constant 0 : i32
    %dma_wait3A_35 = arith.constant 0 : i32
    %dma_wait3A_36 = arith.constant 0 : i32
    %dma_wait3A_37 = tpu.memref_slice %arg3[%dma_wait3A, %dma_wait3A_35, %dma_wait3A_36] : memref<2560x2x125xi32, #tpu.memory_space<hbm>> -> memref<1x2x125xi32, #tpu.memory_space<hbm>>
    %dma_wait3A_38 = tpu.memref_squeeze %dma_wait3A_37 : memref<1x2x125xi32, #tpu.memory_space<hbm>> -> memref<2x125xi32, #tpu.memory_space<hbm>>
    %dma_wait3A_39 = arith.constant 0 : i32
    %dma_wait3A_40 = arith.constant 0 : i32
    %dma_wait3A_41 = tpu.memref_slice %arg3[%dma_wait3A, %dma_wait3A_39, %dma_wait3A_40] : memref<2560x2x125xi32, #tpu.memory_space<hbm>> -> memref<1x2x125xi32, #tpu.memory_space<hbm>>
    %dma_wait3A_42 = tpu.memref_squeeze %dma_wait3A_41 : memref<1x2x125xi32, #tpu.memory_space<hbm>> -> memref<2x125xi32, #tpu.memory_space<hbm>>
    tpu.wait_dma2 semaphore(%arg16 : memref<!tpu.dma_semaphore, #tpu.memory_space<semaphore_mem>>) src(%dma_wait3A_42 : memref<2x125xi32, #tpu.memory_space<hbm>>) dst(%arg9 : memref<2x125xi32, #tpu.memory_space<vmem>>)
    %dma_start3A_43 = arith.constant 0 : i32
    %dma_start3A_44 = arith.constant 0 : i32
    %dma_start3A_45 = tpu.memref_slice %arg9[%dma_start3A_43, %dma_start3A_44] : memref<2x125xi32, #tpu.memory_space<vmem>> -> memref<1x125xi32, #tpu.memory_space<vmem>>
    %dma_start3A_46 = tpu.memref_squeeze %dma_start3A_45 : memref<1x125xi32, #tpu.memory_space<vmem>> -> memref<125xi32, #tpu.memory_space<vmem>>
    %dma_start3A_47 = arith.constant 0 : i32
    %dma_start3A_48 = arith.constant 0 : i32
    %dma_start3A_49 = tpu.memref_slice %arg2[%dma_start3A_47, %dma_start3A_48] : memref<10240x128xf32, #tpu.memory_space<hbm>> -> memref<10240x128xf32, #tpu.memory_space<hbm>>
    tpu.enqueue_indirect_dma source(%dma_start3A_49 : memref<10240x128xf32, #tpu.memory_space<hbm>>) target(%arg7 : memref<125x128xf32, #tpu.memory_space<vmem>>) offsets(%dma_start3A_46 : memref<125xi32, #tpu.memory_space<vmem>>) semaphore(%arg13 : memref<!tpu.dma_semaphore, #tpu.memory_space<semaphore_mem>>)
    %dma_wait3A_50 = arith.constant 0 : i32
    %dma_wait3A_51 = arith.constant 0 : i32
    %dma_wait3A_52 = tpu.memref_slice %arg9[%dma_wait3A_50, %dma_wait3A_51] : memref<2x125xi32, #tpu.memory_space<vmem>> -> memref<1x125xi32, #tpu.memory_space<vmem>>
    %dma_wait3A_53 = tpu.memref_squeeze %dma_wait3A_52 : memref<1x125xi32, #tpu.memory_space<vmem>> -> memref<125xi32, #tpu.memory_space<vmem>>
    %dma_wait3A_54 = arith.constant 0 : i32
    %dma_wait3A_55 = arith.constant 0 : i32
    %dma_wait3A_56 = tpu.memref_slice %arg2[%dma_wait3A_54, %dma_wait3A_55] : memref<10240x128xf32, #tpu.memory_space<hbm>> -> memref<10240x128xf32, #tpu.memory_space<hbm>>
    tpu.wait_indirect_dma semaphore(%arg12 : memref<!tpu.dma_semaphore, #tpu.memory_space<semaphore_mem>>) src(%dma_wait3A_56 : memref<10240x128xf32, #tpu.memory_space<hbm>>) dst(%arg6 : memref<125x128xf32, #tpu.memory_space<vmem>>)
    %dma_start3A_57 = arith.constant 1 : i32
    %dma_start3A_58 = arith.constant 0 : i32
    %dma_start3A_59 = tpu.memref_slice %arg8[%dma_start3A_57, %dma_start3A_58] : memref<2x125xi32, #tpu.memory_space<vmem>> -> memref<1x125xi32, #tpu.memory_space<vmem>>
    %dma_start3A_60 = tpu.memref_squeeze %dma_start3A_59 : memref<1x125xi32, #tpu.memory_space<vmem>> -> memref<125xi32, #tpu.memory_space<vmem>>
    %dma_start3A_61 = arith.constant 0 : i32
    %dma_start3A_62 = arith.constant 0 : i32
    %dma_start3A_63 = tpu.memref_slice %arg5[%dma_start3A_61, %dma_start3A_62] : memref<10240x128xf32, #tpu.memory_space<vmem_shared>> -> memref<10240x128xf32, #tpu.memory_space<vmem_shared>>
    tpu.enqueue_indirect_dma source(%arg6 : memref<125x128xf32, #tpu.memory_space<vmem>>) target(%dma_start3A_63 : memref<10240x128xf32, #tpu.memory_space<vmem_shared>>) offsets(%dma_start3A_60 : memref<125xi32, #tpu.memory_space<vmem>>) semaphore(%arg14 : memref<!tpu.dma_semaphore, #tpu.memory_space<semaphore_mem>>) {add = true}
    %mul3A_64 = arith.constant 80 : i32
    %mul3A_65 = arith.muli %add3A, %mul3A_64 : i32
    %add3A_66 = arith.constant 2 : i32
    %add3A_67 = arith.addi %mul3A_65, %add3A_66 : i32
    %dma_start3A_68 = arith.constant 0 : i32
    %dma_start3A_69 = arith.constant 0 : i32
    %dma_start3A_70 = tpu.memref_slice %arg3[%add3A_67, %dma_start3A_68, %dma_start3A_69] : memref<2560x2x125xi32, #tpu.memory_space<hbm>> -> memref<1x2x125xi32, #tpu.memory_space<hbm>>
    %dma_start3A_71 = tpu.memref_squeeze %dma_start3A_70 : memref<1x2x125xi32, #tpu.memory_space<hbm>> -> memref<2x125xi32, #tpu.memory_space<hbm>>
    %dma_start3A_72 = arith.constant 0 : i32
    %dma_start3A_73 = arith.constant 0 : i32
    %dma_start3A_74 = tpu.memref_slice %arg3[%add3A_67, %dma_start3A_72, %dma_start3A_73] : memref<2560x2x125xi32, #tpu.memory_space<hbm>> -> memref<1x2x125xi32, #tpu.memory_space<hbm>>
    %dma_start3A_75 = tpu.memref_squeeze %dma_start3A_74 : memref<1x2x125xi32, #tpu.memory_space<hbm>> -> memref<2x125xi32, #tpu.memory_space<hbm>>
    tpu.enqueue_dma source(%dma_start3A_75 : memref<2x125xi32, #tpu.memory_space<hbm>>) target(%arg10 : memref<2x125xi32, #tpu.memory_space<vmem>>) target_semaphore(%arg16 : memref<!tpu.dma_semaphore, #tpu.memory_space<semaphore_mem>>)
    %scan3A_76 = arith.constant 0 : i32
    %scan3A_77 = arith.constant 0 : i32
    %scan3A_78 = arith.constant 19 : i32
    %scan3A_79 = arith.addi %scan3A_77, %scan3A_78 : i32
    %scan3A_80 = arith.constant 1 : i32
    %scan3A_81 = scf.for %scan3A_202 = %scan3A_77 to %scan3A_79 step %scan3A_80 iter_args(%scan3A_203 = %scan3A_76) -> (i32)  : i32 {
      %mul3A_204 = arith.constant 4 : i32
      %mul3A_205 = arith.muli %mul3A_204, %scan3A_202 : i32
      %add3A_206 = arith.constant 2 : i32
      %add3A_207 = arith.addi %mul3A_205, %add3A_206 : i32
      %add3A_208 = arith.constant 1 : i32
      %add3A_209 = arith.addi %add3A_207, %add3A_208 : i32
      %dma_wait3A_210 = arith.constant 0 : i32
      %dma_wait3A_211 = arith.constant 0 : i32
      %dma_wait3A_212 = arith.constant 0 : i32
      %dma_wait3A_213 = tpu.memref_slice %arg3[%dma_wait3A_210, %dma_wait3A_211, %dma_wait3A_212] : memref<2560x2x125xi32, #tpu.memory_space<hbm>> -> memref<1x2x125xi32, #tpu.memory_space<hbm>>
      %dma_wait3A_214 = tpu.memref_squeeze %dma_wait3A_213 : memref<1x2x125xi32, #tpu.memory_space<hbm>> -> memref<2x125xi32, #tpu.memory_space<hbm>>
      %dma_wait3A_215 = arith.constant 0 : i32
      %dma_wait3A_216 = arith.constant 0 : i32
      %dma_wait3A_217 = tpu.memref_slice %arg3[%dma_wait3A_210, %dma_wait3A_215, %dma_wait3A_216] : memref<2560x2x125xi32, #tpu.memory_space<hbm>> -> memref<1x2x125xi32, #tpu.memory_space<hbm>>
      %dma_wait3A_218 = tpu.memref_squeeze %dma_wait3A_217 : memref<1x2x125xi32, #tpu.memory_space<hbm>> -> memref<2x125xi32, #tpu.memory_space<hbm>>
      tpu.wait_dma2 semaphore(%arg16 : memref<!tpu.dma_semaphore, #tpu.memory_space<semaphore_mem>>) src(%dma_wait3A_218 : memref<2x125xi32, #tpu.memory_space<hbm>>) dst(%arg10 : memref<2x125xi32, #tpu.memory_space<vmem>>)
      %dma_wait3A_219 = arith.constant 1 : i32
      %dma_wait3A_220 = arith.constant 0 : i32
      %dma_wait3A_221 = tpu.memref_slice %arg10[%dma_wait3A_219, %dma_wait3A_220] : memref<2x125xi32, #tpu.memory_space<vmem>> -> memref<1x125xi32, #tpu.memory_space<vmem>>
      %dma_wait3A_222 = tpu.memref_squeeze %dma_wait3A_221 : memref<1x125xi32, #tpu.memory_space<vmem>> -> memref<125xi32, #tpu.memory_space<vmem>>
      %dma_wait3A_223 = arith.constant 0 : i32
      %dma_wait3A_224 = arith.constant 0 : i32
      %dma_wait3A_225 = tpu.memref_slice %arg5[%dma_wait3A_223, %dma_wait3A_224] : memref<10240x128xf32, #tpu.memory_space<vmem_shared>> -> memref<10240x128xf32, #tpu.memory_space<vmem_shared>>
      tpu.wait_indirect_dma semaphore(%arg14 : memref<!tpu.dma_semaphore, #tpu.memory_space<semaphore_mem>>) src(%arg6 : memref<125x128xf32, #tpu.memory_space<vmem>>) dst(%dma_wait3A_225 : memref<10240x128xf32, #tpu.memory_space<vmem_shared>>)
      %dma_start3A_226 = arith.constant 0 : i32
      %dma_start3A_227 = arith.constant 0 : i32
      %dma_start3A_228 = tpu.memref_slice %arg10[%dma_start3A_226, %dma_start3A_227] : memref<2x125xi32, #tpu.memory_space<vmem>> -> memref<1x125xi32, #tpu.memory_space<vmem>>
      %dma_start3A_229 = tpu.memref_squeeze %dma_start3A_228 : memref<1x125xi32, #tpu.memory_space<vmem>> -> memref<125xi32, #tpu.memory_space<vmem>>
      %dma_start3A_230 = arith.constant 0 : i32
      %dma_start3A_231 = arith.constant 0 : i32
      %dma_start3A_232 = tpu.memref_slice %arg2[%dma_start3A_230, %dma_start3A_231] : memref<10240x128xf32, #tpu.memory_space<hbm>> -> memref<10240x128xf32, #tpu.memory_space<hbm>>
      tpu.enqueue_indirect_dma source(%dma_start3A_232 : memref<10240x128xf32, #tpu.memory_space<hbm>>) target(%arg6 : memref<125x128xf32, #tpu.memory_space<vmem>>) offsets(%dma_start3A_229 : memref<125xi32, #tpu.memory_space<vmem>>) semaphore(%arg12 : memref<!tpu.dma_semaphore, #tpu.memory_space<semaphore_mem>>)
      %dma_wait3A_233 = arith.constant 0 : i32
      %dma_wait3A_234 = arith.constant 0 : i32
      %dma_wait3A_235 = tpu.memref_slice %arg10[%dma_wait3A_233, %dma_wait3A_234] : memref<2x125xi32, #tpu.memory_space<vmem>> -> memref<1x125xi32, #tpu.memory_space<vmem>>
      %dma_wait3A_236 = tpu.memref_squeeze %dma_wait3A_235 : memref<1x125xi32, #tpu.memory_space<vmem>> -> memref<125xi32, #tpu.memory_space<vmem>>
      %dma_wait3A_237 = arith.constant 0 : i32
      %dma_wait3A_238 = arith.constant 0 : i32
      %dma_wait3A_239 = tpu.memref_slice %arg2[%dma_wait3A_237, %dma_wait3A_238] : memref<10240x128xf32, #tpu.memory_space<hbm>> -> memref<10240x128xf32, #tpu.memory_space<hbm>>
      tpu.wait_indirect_dma semaphore(%arg13 : memref<!tpu.dma_semaphore, #tpu.memory_space<semaphore_mem>>) src(%dma_wait3A_239 : memref<10240x128xf32, #tpu.memory_space<hbm>>) dst(%arg7 : memref<125x128xf32, #tpu.memory_space<vmem>>)
      %dma_start3A_240 = arith.constant 1 : i32
      %dma_start3A_241 = arith.constant 0 : i32
      %dma_start3A_242 = tpu.memref_slice %arg9[%dma_start3A_240, %dma_start3A_241] : memref<2x125xi32, #tpu.memory_space<vmem>> -> memref<1x125xi32, #tpu.memory_space<vmem>>
      %dma_start3A_243 = tpu.memref_squeeze %dma_start3A_242 : memref<1x125xi32, #tpu.memory_space<vmem>> -> memref<125xi32, #tpu.memory_space<vmem>>
      %dma_start3A_244 = arith.constant 0 : i32
      %dma_start3A_245 = arith.constant 0 : i32
      %dma_start3A_246 = tpu.memref_slice %arg5[%dma_start3A_244, %dma_start3A_245] : memref<10240x128xf32, #tpu.memory_space<vmem_shared>> -> memref<10240x128xf32, #tpu.memory_space<vmem_shared>>
      tpu.enqueue_indirect_dma source(%arg7 : memref<125x128xf32, #tpu.memory_space<vmem>>) target(%dma_start3A_246 : memref<10240x128xf32, #tpu.memory_space<vmem_shared>>) offsets(%dma_start3A_243 : memref<125xi32, #tpu.memory_space<vmem>>) semaphore(%arg15 : memref<!tpu.dma_semaphore, #tpu.memory_space<semaphore_mem>>) {add = true}
      %mul3A_247 = arith.constant 80 : i32
      %mul3A_248 = arith.muli %add3A, %mul3A_247 : i32
      %add3A_249 = arith.addi %mul3A_248, %add3A_209 : i32
      %dma_start3A_250 = arith.constant 0 : i32
      %dma_start3A_251 = arith.constant 0 : i32
      %dma_start3A_252 = tpu.memref_slice %arg3[%add3A_249, %dma_start3A_250, %dma_start3A_251] : memref<2560x2x125xi32, #tpu.memory_space<hbm>> -> memref<1x2x125xi32, #tpu.memory_space<hbm>>
      %dma_start3A_253 = tpu.memref_squeeze %dma_start3A_252 : memref<1x2x125xi32, #tpu.memory_space<hbm>> -> memref<2x125xi32, #tpu.memory_space<hbm>>
      %dma_start3A_254 = arith.constant 0 : i32
      %dma_start3A_255 = arith.constant 0 : i32
      %dma_start3A_256 = tpu.memref_slice %arg3[%add3A_249, %dma_start3A_254, %dma_start3A_255] : memref<2560x2x125xi32, #tpu.memory_space<hbm>> -> memref<1x2x125xi32, #tpu.memory_space<hbm>>
      %dma_start3A_257 = tpu.memref_squeeze %dma_start3A_256 : memref<1x2x125xi32, #tpu.memory_space<hbm>> -> memref<2x125xi32, #tpu.memory_space<hbm>>
      tpu.enqueue_dma source(%dma_start3A_257 : memref<2x125xi32, #tpu.memory_space<hbm>>) target(%arg11 : memref<2x125xi32, #tpu.memory_space<vmem>>) target_semaphore(%arg16 : memref<!tpu.dma_semaphore, #tpu.memory_space<semaphore_mem>>)
      %add3A_258 = arith.constant 2 : i32
      %add3A_259 = arith.addi %add3A_207, %add3A_258 : i32
      %dma_wait3A_260 = arith.constant 0 : i32
      %dma_wait3A_261 = arith.constant 0 : i32
      %dma_wait3A_262 = arith.constant 0 : i32
      %dma_wait3A_263 = tpu.memref_slice %arg3[%dma_wait3A_260, %dma_wait3A_261, %dma_wait3A_262] : memref<2560x2x125xi32, #tpu.memory_space<hbm>> -> memref<1x2x125xi32, #tpu.memory_space<hbm>>
      %dma_wait3A_264 = tpu.memref_squeeze %dma_wait3A_263 : memref<1x2x125xi32, #tpu.memory_space<hbm>> -> memref<2x125xi32, #tpu.memory_space<hbm>>
      %dma_wait3A_265 = arith.constant 0 : i32
      %dma_wait3A_266 = arith.constant 0 : i32
      %dma_wait3A_267 = tpu.memref_slice %arg3[%dma_wait3A_260, %dma_wait3A_265, %dma_wait3A_266] : memref<2560x2x125xi32, #tpu.memory_space<hbm>> -> memref<1x2x125xi32, #tpu.memory_space<hbm>>
      %dma_wait3A_268 = tpu.memref_squeeze %dma_wait3A_267 : memref<1x2x125xi32, #tpu.memory_space<hbm>> -> memref<2x125xi32, #tpu.memory_space<hbm>>
      tpu.wait_dma2 semaphore(%arg16 : memref<!tpu.dma_semaphore, #tpu.memory_space<semaphore_mem>>) src(%dma_wait3A_268 : memref<2x125xi32, #tpu.memory_space<hbm>>) dst(%arg11 : memref<2x125xi32, #tpu.memory_space<vmem>>)
      %dma_wait3A_269 = arith.constant 1 : i32
      %dma_wait3A_270 = arith.constant 0 : i32
      %dma_wait3A_271 = tpu.memref_slice %arg11[%dma_wait3A_269, %dma_wait3A_270] : memref<2x125xi32, #tpu.memory_space<vmem>> -> memref<1x125xi32, #tpu.memory_space<vmem>>
      %dma_wait3A_272 = tpu.memref_squeeze %dma_wait3A_271 : memref<1x125xi32, #tpu.memory_space<vmem>> -> memref<125xi32, #tpu.memory_space<vmem>>
      %dma_wait3A_273 = arith.constant 0 : i32
      %dma_wait3A_274 = arith.constant 0 : i32
      %dma_wait3A_275 = tpu.memref_slice %arg5[%dma_wait3A_273, %dma_wait3A_274] : memref<10240x128xf32, #tpu.memory_space<vmem_shared>> -> memref<10240x128xf32, #tpu.memory_space<vmem_shared>>
      tpu.wait_indirect_dma semaphore(%arg15 : memref<!tpu.dma_semaphore, #tpu.memory_space<semaphore_mem>>) src(%arg7 : memref<125x128xf32, #tpu.memory_space<vmem>>) dst(%dma_wait3A_275 : memref<10240x128xf32, #tpu.memory_space<vmem_shared>>)
      %dma_start3A_276 = arith.constant 0 : i32
      %dma_start3A_277 = arith.constant 0 : i32
      %dma_start3A_278 = tpu.memref_slice %arg11[%dma_start3A_276, %dma_start3A_277] : memref<2x125xi32, #tpu.memory_space<vmem>> -> memref<1x125xi32, #tpu.memory_space<vmem>>
      %dma_start3A_279 = tpu.memref_squeeze %dma_start3A_278 : memref<1x125xi32, #tpu.memory_space<vmem>> -> memref<125xi32, #tpu.memory_space<vmem>>
      %dma_start3A_280 = arith.constant 0 : i32
      %dma_start3A_281 = arith.constant 0 : i32
      %dma_start3A_282 = tpu.memref_slice %arg2[%dma_start3A_280, %dma_start3A_281] : memref<10240x128xf32, #tpu.memory_space<hbm>> -> memref<10240x128xf32, #tpu.memory_space<hbm>>
      tpu.enqueue_indirect_dma source(%dma_start3A_282 : memref<10240x128xf32, #tpu.memory_space<hbm>>) target(%arg7 : memref<125x128xf32, #tpu.memory_space<vmem>>) offsets(%dma_start3A_279 : memref<125xi32, #tpu.memory_space<vmem>>) semaphore(%arg13 : memref<!tpu.dma_semaphore, #tpu.memory_space<semaphore_mem>>)
      %dma_wait3A_283 = arith.constant 0 : i32
      %dma_wait3A_284 = arith.constant 0 : i32
      %dma_wait3A_285 = tpu.memref_slice %arg11[%dma_wait3A_283, %dma_wait3A_284] : memref<2x125xi32, #tpu.memory_space<vmem>> -> memref<1x125xi32, #tpu.memory_space<vmem>>
      %dma_wait3A_286 = tpu.memref_squeeze %dma_wait3A_285 : memref<1x125xi32, #tpu.memory_space<vmem>> -> memref<125xi32, #tpu.memory_space<vmem>>
      %dma_wait3A_287 = arith.constant 0 : i32
      %dma_wait3A_288 = arith.constant 0 : i32
      %dma_wait3A_289 = tpu.memref_slice %arg2[%dma_wait3A_287, %dma_wait3A_288] : memref<10240x128xf32, #tpu.memory_space<hbm>> -> memref<10240x128xf32, #tpu.memory_space<hbm>>
      tpu.wait_indirect_dma semaphore(%arg12 : memref<!tpu.dma_semaphore, #tpu.memory_space<semaphore_mem>>) src(%dma_wait3A_289 : memref<10240x128xf32, #tpu.memory_space<hbm>>) dst(%arg6 : memref<125x128xf32, #tpu.memory_space<vmem>>)
      %dma_start3A_290 = arith.constant 1 : i32
      %dma_start3A_291 = arith.constant 0 : i32
      %dma_start3A_292 = tpu.memref_slice %arg10[%dma_start3A_290, %dma_start3A_291] : memref<2x125xi32, #tpu.memory_space<vmem>> -> memref<1x125xi32, #tpu.memory_space<vmem>>
      %dma_start3A_293 = tpu.memref_squeeze %dma_start3A_292 : memref<1x125xi32, #tpu.memory_space<vmem>> -> memref<125xi32, #tpu.memory_space<vmem>>
      %dma_start3A_294 = arith.constant 0 : i32
      %dma_start3A_295 = arith.constant 0 : i32
      %dma_start3A_296 = tpu.memref_slice %arg5[%dma_start3A_294, %dma_start3A_295] : memref<10240x128xf32, #tpu.memory_space<vmem_shared>> -> memref<10240x128xf32, #tpu.memory_space<vmem_shared>>
      tpu.enqueue_indirect_dma source(%arg6 : memref<125x128xf32, #tpu.memory_space<vmem>>) target(%dma_start3A_296 : memref<10240x128xf32, #tpu.memory_space<vmem_shared>>) offsets(%dma_start3A_293 : memref<125xi32, #tpu.memory_space<vmem>>) semaphore(%arg14 : memref<!tpu.dma_semaphore, #tpu.memory_space<semaphore_mem>>) {add = true}
      %mul3A_297 = arith.constant 80 : i32
      %mul3A_298 = arith.muli %add3A, %mul3A_297 : i32
      %add3A_299 = arith.addi %mul3A_298, %add3A_259 : i32
      %dma_start3A_300 = arith.constant 0 : i32
      %dma_start3A_301 = arith.constant 0 : i32
      %dma_start3A_302 = tpu.memref_slice %arg3[%add3A_299, %dma_start3A_300, %dma_start3A_301] : memref<2560x2x125xi32, #tpu.memory_space<hbm>> -> memref<1x2x125xi32, #tpu.memory_space<hbm>>
      %dma_start3A_303 = tpu.memref_squeeze %dma_start3A_302 : memref<1x2x125xi32, #tpu.memory_space<hbm>> -> memref<2x125xi32, #tpu.memory_space<hbm>>
      %dma_start3A_304 = arith.constant 0 : i32
      %dma_start3A_305 = arith.constant 0 : i32
      %dma_start3A_306 = tpu.memref_slice %arg3[%add3A_299, %dma_start3A_304, %dma_start3A_305] : memref<2560x2x125xi32, #tpu.memory_space<hbm>> -> memref<1x2x125xi32, #tpu.memory_space<hbm>>
      %dma_start3A_307 = tpu.memref_squeeze %dma_start3A_306 : memref<1x2x125xi32, #tpu.memory_space<hbm>> -> memref<2x125xi32, #tpu.memory_space<hbm>>
      tpu.enqueue_dma source(%dma_start3A_307 : memref<2x125xi32, #tpu.memory_space<hbm>>) target(%arg8 : memref<2x125xi32, #tpu.memory_space<vmem>>) target_semaphore(%arg16 : memref<!tpu.dma_semaphore, #tpu.memory_space<semaphore_mem>>)
      %add3A_308 = arith.constant 3 : i32
      %add3A_309 = arith.addi %add3A_207, %add3A_308 : i32
      %dma_wait3A_310 = arith.constant 0 : i32
      %dma_wait3A_311 = arith.constant 0 : i32
      %dma_wait3A_312 = arith.constant 0 : i32
      %dma_wait3A_313 = tpu.memref_slice %arg3[%dma_wait3A_310, %dma_wait3A_311, %dma_wait3A_312] : memref<2560x2x125xi32, #tpu.memory_space<hbm>> -> memref<1x2x125xi32, #tpu.memory_space<hbm>>
      %dma_wait3A_314 = tpu.memref_squeeze %dma_wait3A_313 : memref<1x2x125xi32, #tpu.memory_space<hbm>> -> memref<2x125xi32, #tpu.memory_space<hbm>>
      %dma_wait3A_315 = arith.constant 0 : i32
      %dma_wait3A_316 = arith.constant 0 : i32
      %dma_wait3A_317 = tpu.memref_slice %arg3[%dma_wait3A_310, %dma_wait3A_315, %dma_wait3A_316] : memref<2560x2x125xi32, #tpu.memory_space<hbm>> -> memref<1x2x125xi32, #tpu.memory_space<hbm>>
      %dma_wait3A_318 = tpu.memref_squeeze %dma_wait3A_317 : memref<1x2x125xi32, #tpu.memory_space<hbm>> -> memref<2x125xi32, #tpu.memory_space<hbm>>
      tpu.wait_dma2 semaphore(%arg16 : memref<!tpu.dma_semaphore, #tpu.memory_space<semaphore_mem>>) src(%dma_wait3A_318 : memref<2x125xi32, #tpu.memory_space<hbm>>) dst(%arg8 : memref<2x125xi32, #tpu.memory_space<vmem>>)
      %dma_wait3A_319 = arith.constant 1 : i32
      %dma_wait3A_320 = arith.constant 0 : i32
      %dma_wait3A_321 = tpu.memref_slice %arg8[%dma_wait3A_319, %dma_wait3A_320] : memref<2x125xi32, #tpu.memory_space<vmem>> -> memref<1x125xi32, #tpu.memory_space<vmem>>
      %dma_wait3A_322 = tpu.memref_squeeze %dma_wait3A_321 : memref<1x125xi32, #tpu.memory_space<vmem>> -> memref<125xi32, #tpu.memory_space<vmem>>
      %dma_wait3A_323 = arith.constant 0 : i32
      %dma_wait3A_324 = arith.constant 0 : i32
      %dma_wait3A_325 = tpu.memref_slice %arg5[%dma_wait3A_323, %dma_wait3A_324] : memref<10240x128xf32, #tpu.memory_space<vmem_shared>> -> memref<10240x128xf32, #tpu.memory_space<vmem_shared>>
      tpu.wait_indirect_dma semaphore(%arg14 : memref<!tpu.dma_semaphore, #tpu.memory_space<semaphore_mem>>) src(%arg6 : memref<125x128xf32, #tpu.memory_space<vmem>>) dst(%dma_wait3A_325 : memref<10240x128xf32, #tpu.memory_space<vmem_shared>>)
      %dma_start3A_326 = arith.constant 0 : i32
      %dma_start3A_327 = arith.constant 0 : i32
      %dma_start3A_328 = tpu.memref_slice %arg8[%dma_start3A_326, %dma_start3A_327] : memref<2x125xi32, #tpu.memory_space<vmem>> -> memref<1x125xi32, #tpu.memory_space<vmem>>
      %dma_start3A_329 = tpu.memref_squeeze %dma_start3A_328 : memref<1x125xi32, #tpu.memory_space<vmem>> -> memref<125xi32, #tpu.memory_space<vmem>>
      %dma_start3A_330 = arith.constant 0 : i32
      %dma_start3A_331 = arith.constant 0 : i32
      %dma_start3A_332 = tpu.memref_slice %arg2[%dma_start3A_330, %dma_start3A_331] : memref<10240x128xf32, #tpu.memory_space<hbm>> -> memref<10240x128xf32, #tpu.memory_space<hbm>>
      tpu.enqueue_indirect_dma source(%dma_start3A_332 : memref<10240x128xf32, #tpu.memory_space<hbm>>) target(%arg6 : memref<125x128xf32, #tpu.memory_space<vmem>>) offsets(%dma_start3A_329 : memref<125xi32, #tpu.memory_space<vmem>>) semaphore(%arg12 : memref<!tpu.dma_semaphore, #tpu.memory_space<semaphore_mem>>)
      %dma_wait3A_333 = arith.constant 0 : i32
      %dma_wait3A_334 = arith.constant 0 : i32
      %dma_wait3A_335 = tpu.memref_slice %arg8[%dma_wait3A_333, %dma_wait3A_334] : memref<2x125xi32, #tpu.memory_space<vmem>> -> memref<1x125xi32, #tpu.memory_space<vmem>>
      %dma_wait3A_336 = tpu.memref_squeeze %dma_wait3A_335 : memref<1x125xi32, #tpu.memory_space<vmem>> -> memref<125xi32, #tpu.memory_space<vmem>>
      %dma_wait3A_337 = arith.constant 0 : i32
      %dma_wait3A_338 = arith.constant 0 : i32
      %dma_wait3A_339 = tpu.memref_slice %arg2[%dma_wait3A_337, %dma_wait3A_338] : memref<10240x128xf32, #tpu.memory_space<hbm>> -> memref<10240x128xf32, #tpu.memory_space<hbm>>
      tpu.wait_indirect_dma semaphore(%arg13 : memref<!tpu.dma_semaphore, #tpu.memory_space<semaphore_mem>>) src(%dma_wait3A_339 : memref<10240x128xf32, #tpu.memory_space<hbm>>) dst(%arg7 : memref<125x128xf32, #tpu.memory_space<vmem>>)
      %dma_start3A_340 = arith.constant 1 : i32
      %dma_start3A_341 = arith.constant 0 : i32
      %dma_start3A_342 = tpu.memref_slice %arg11[%dma_start3A_340, %dma_start3A_341] : memref<2x125xi32, #tpu.memory_space<vmem>> -> memref<1x125xi32, #tpu.memory_space<vmem>>
      %dma_start3A_343 = tpu.memref_squeeze %dma_start3A_342 : memref<1x125xi32, #tpu.memory_space<vmem>> -> memref<125xi32, #tpu.memory_space<vmem>>
      %dma_start3A_344 = arith.constant 0 : i32
      %dma_start3A_345 = arith.constant 0 : i32
      %dma_start3A_346 = tpu.memref_slice %arg5[%dma_start3A_344, %dma_start3A_345] : memref<10240x128xf32, #tpu.memory_space<vmem_shared>> -> memref<10240x128xf32, #tpu.memory_space<vmem_shared>>
      tpu.enqueue_indirect_dma source(%arg7 : memref<125x128xf32, #tpu.memory_space<vmem>>) target(%dma_start3A_346 : memref<10240x128xf32, #tpu.memory_space<vmem_shared>>) offsets(%dma_start3A_343 : memref<125xi32, #tpu.memory_space<vmem>>) semaphore(%arg15 : memref<!tpu.dma_semaphore, #tpu.memory_space<semaphore_mem>>) {add = true}
      %mul3A_347 = arith.constant 80 : i32
      %mul3A_348 = arith.muli %add3A, %mul3A_347 : i32
      %add3A_349 = arith.addi %mul3A_348, %add3A_309 : i32
      %dma_start3A_350 = arith.constant 0 : i32
      %dma_start3A_351 = arith.constant 0 : i32
      %dma_start3A_352 = tpu.memref_slice %arg3[%add3A_349, %dma_start3A_350, %dma_start3A_351] : memref<2560x2x125xi32, #tpu.memory_space<hbm>> -> memref<1x2x125xi32, #tpu.memory_space<hbm>>
      %dma_start3A_353 = tpu.memref_squeeze %dma_start3A_352 : memref<1x2x125xi32, #tpu.memory_space<hbm>> -> memref<2x125xi32, #tpu.memory_space<hbm>>
      %dma_start3A_354 = arith.constant 0 : i32
      %dma_start3A_355 = arith.constant 0 : i32
      %dma_start3A_356 = tpu.memref_slice %arg3[%add3A_349, %dma_start3A_354, %dma_start3A_355] : memref<2560x2x125xi32, #tpu.memory_space<hbm>> -> memref<1x2x125xi32, #tpu.memory_space<hbm>>
      %dma_start3A_357 = tpu.memref_squeeze %dma_start3A_356 : memref<1x2x125xi32, #tpu.memory_space<hbm>> -> memref<2x125xi32, #tpu.memory_space<hbm>>
      tpu.enqueue_dma source(%dma_start3A_357 : memref<2x125xi32, #tpu.memory_space<hbm>>) target(%arg9 : memref<2x125xi32, #tpu.memory_space<vmem>>) target_semaphore(%arg16 : memref<!tpu.dma_semaphore, #tpu.memory_space<semaphore_mem>>)
      %add3A_358 = arith.constant 4 : i32
      %add3A_359 = arith.addi %add3A_207, %add3A_358 : i32
      %dma_wait3A_360 = arith.constant 0 : i32
      %dma_wait3A_361 = arith.constant 0 : i32
      %dma_wait3A_362 = arith.constant 0 : i32
      %dma_wait3A_363 = tpu.memref_slice %arg3[%dma_wait3A_360, %dma_wait3A_361, %dma_wait3A_362] : memref<2560x2x125xi32, #tpu.memory_space<hbm>> -> memref<1x2x125xi32, #tpu.memory_space<hbm>>
      %dma_wait3A_364 = tpu.memref_squeeze %dma_wait3A_363 : memref<1x2x125xi32, #tpu.memory_space<hbm>> -> memref<2x125xi32, #tpu.memory_space<hbm>>
      %dma_wait3A_365 = arith.constant 0 : i32
      %dma_wait3A_366 = arith.constant 0 : i32
      %dma_wait3A_367 = tpu.memref_slice %arg3[%dma_wait3A_360, %dma_wait3A_365, %dma_wait3A_366] : memref<2560x2x125xi32, #tpu.memory_space<hbm>> -> memref<1x2x125xi32, #tpu.memory_space<hbm>>
      %dma_wait3A_368 = tpu.memref_squeeze %dma_wait3A_367 : memref<1x2x125xi32, #tpu.memory_space<hbm>> -> memref<2x125xi32, #tpu.memory_space<hbm>>
      tpu.wait_dma2 semaphore(%arg16 : memref<!tpu.dma_semaphore, #tpu.memory_space<semaphore_mem>>) src(%dma_wait3A_368 : memref<2x125xi32, #tpu.memory_space<hbm>>) dst(%arg9 : memref<2x125xi32, #tpu.memory_space<vmem>>)
      %dma_wait3A_369 = arith.constant 1 : i32
      %dma_wait3A_370 = arith.constant 0 : i32
      %dma_wait3A_371 = tpu.memref_slice %arg9[%dma_wait3A_369, %dma_wait3A_370] : memref<2x125xi32, #tpu.memory_space<vmem>> -> memref<1x125xi32, #tpu.memory_space<vmem>>
      %dma_wait3A_372 = tpu.memref_squeeze %dma_wait3A_371 : memref<1x125xi32, #tpu.memory_space<vmem>> -> memref<125xi32, #tpu.memory_space<vmem>>
      %dma_wait3A_373 = arith.constant 0 : i32
      %dma_wait3A_374 = arith.constant 0 : i32
      %dma_wait3A_375 = tpu.memref_slice %arg5[%dma_wait3A_373, %dma_wait3A_374] : memref<10240x128xf32, #tpu.memory_space<vmem_shared>> -> memref<10240x128xf32, #tpu.memory_space<vmem_shared>>
      tpu.wait_indirect_dma semaphore(%arg15 : memref<!tpu.dma_semaphore, #tpu.memory_space<semaphore_mem>>) src(%arg7 : memref<125x128xf32, #tpu.memory_space<vmem>>) dst(%dma_wait3A_375 : memref<10240x128xf32, #tpu.memory_space<vmem_shared>>)
      %dma_start3A_376 = arith.constant 0 : i32
      %dma_start3A_377 = arith.constant 0 : i32
      %dma_start3A_378 = tpu.memref_slice %arg9[%dma_start3A_376, %dma_start3A_377] : memref<2x125xi32, #tpu.memory_space<vmem>> -> memref<1x125xi32, #tpu.memory_space<vmem>>
      %dma_start3A_379 = tpu.memref_squeeze %dma_start3A_378 : memref<1x125xi32, #tpu.memory_space<vmem>> -> memref<125xi32, #tpu.memory_space<vmem>>
      %dma_start3A_380 = arith.constant 0 : i32
      %dma_start3A_381 = arith.constant 0 : i32
      %dma_start3A_382 = tpu.memref_slice %arg2[%dma_start3A_380, %dma_start3A_381] : memref<10240x128xf32, #tpu.memory_space<hbm>> -> memref<10240x128xf32, #tpu.memory_space<hbm>>
      tpu.enqueue_indirect_dma source(%dma_start3A_382 : memref<10240x128xf32, #tpu.memory_space<hbm>>) target(%arg7 : memref<125x128xf32, #tpu.memory_space<vmem>>) offsets(%dma_start3A_379 : memref<125xi32, #tpu.memory_space<vmem>>) semaphore(%arg13 : memref<!tpu.dma_semaphore, #tpu.memory_space<semaphore_mem>>)
      %dma_wait3A_383 = arith.constant 0 : i32
      %dma_wait3A_384 = arith.constant 0 : i32
      %dma_wait3A_385 = tpu.memref_slice %arg9[%dma_wait3A_383, %dma_wait3A_384] : memref<2x125xi32, #tpu.memory_space<vmem>> -> memref<1x125xi32, #tpu.memory_space<vmem>>
      %dma_wait3A_386 = tpu.memref_squeeze %dma_wait3A_385 : memref<1x125xi32, #tpu.memory_space<vmem>> -> memref<125xi32, #tpu.memory_space<vmem>>
      %dma_wait3A_387 = arith.constant 0 : i32
      %dma_wait3A_388 = arith.constant 0 : i32
      %dma_wait3A_389 = tpu.memref_slice %arg2[%dma_wait3A_387, %dma_wait3A_388] : memref<10240x128xf32, #tpu.memory_space<hbm>> -> memref<10240x128xf32, #tpu.memory_space<hbm>>
      tpu.wait_indirect_dma semaphore(%arg12 : memref<!tpu.dma_semaphore, #tpu.memory_space<semaphore_mem>>) src(%dma_wait3A_389 : memref<10240x128xf32, #tpu.memory_space<hbm>>) dst(%arg6 : memref<125x128xf32, #tpu.memory_space<vmem>>)
      %dma_start3A_390 = arith.constant 1 : i32
      %dma_start3A_391 = arith.constant 0 : i32
      %dma_start3A_392 = tpu.memref_slice %arg8[%dma_start3A_390, %dma_start3A_391] : memref<2x125xi32, #tpu.memory_space<vmem>> -> memref<1x125xi32, #tpu.memory_space<vmem>>
      %dma_start3A_393 = tpu.memref_squeeze %dma_start3A_392 : memref<1x125xi32, #tpu.memory_space<vmem>> -> memref<125xi32, #tpu.memory_space<vmem>>
      %dma_start3A_394 = arith.constant 0 : i32
      %dma_start3A_395 = arith.constant 0 : i32
      %dma_start3A_396 = tpu.memref_slice %arg5[%dma_start3A_394, %dma_start3A_395] : memref<10240x128xf32, #tpu.memory_space<vmem_shared>> -> memref<10240x128xf32, #tpu.memory_space<vmem_shared>>
      tpu.enqueue_indirect_dma source(%arg6 : memref<125x128xf32, #tpu.memory_space<vmem>>) target(%dma_start3A_396 : memref<10240x128xf32, #tpu.memory_space<vmem_shared>>) offsets(%dma_start3A_393 : memref<125xi32, #tpu.memory_space<vmem>>) semaphore(%arg14 : memref<!tpu.dma_semaphore, #tpu.memory_space<semaphore_mem>>) {add = true}
      %mul3A_397 = arith.constant 80 : i32
      %mul3A_398 = arith.muli %add3A, %mul3A_397 : i32
      %add3A_399 = arith.addi %mul3A_398, %add3A_359 : i32
      %dma_start3A_400 = arith.constant 0 : i32
      %dma_start3A_401 = arith.constant 0 : i32
      %dma_start3A_402 = tpu.memref_slice %arg3[%add3A_399, %dma_start3A_400, %dma_start3A_401] : memref<2560x2x125xi32, #tpu.memory_space<hbm>> -> memref<1x2x125xi32, #tpu.memory_space<hbm>>
      %dma_start3A_403 = tpu.memref_squeeze %dma_start3A_402 : memref<1x2x125xi32, #tpu.memory_space<hbm>> -> memref<2x125xi32, #tpu.memory_space<hbm>>
      %dma_start3A_404 = arith.constant 0 : i32
      %dma_start3A_405 = arith.constant 0 : i32
      %dma_start3A_406 = tpu.memref_slice %arg3[%add3A_399, %dma_start3A_404, %dma_start3A_405] : memref<2560x2x125xi32, #tpu.memory_space<hbm>> -> memref<1x2x125xi32, #tpu.memory_space<hbm>>
      %dma_start3A_407 = tpu.memref_squeeze %dma_start3A_406 : memref<1x2x125xi32, #tpu.memory_space<hbm>> -> memref<2x125xi32, #tpu.memory_space<hbm>>
      tpu.enqueue_dma source(%dma_start3A_407 : memref<2x125xi32, #tpu.memory_space<hbm>>) target(%arg10 : memref<2x125xi32, #tpu.memory_space<vmem>>) target_semaphore(%arg16 : memref<!tpu.dma_semaphore, #tpu.memory_space<semaphore_mem>>)
      %scan3A_408 = arith.constant 0 : i32
      scf.yield %scan3A_408 : i32
    }
    %scan3A_82 = arith.constant 19 : i32
    %dma_wait3A_83 = arith.constant 0 : i32
    %dma_wait3A_84 = arith.constant 0 : i32
    %dma_wait3A_85 = arith.constant 0 : i32
    %dma_wait3A_86 = tpu.memref_slice %arg3[%dma_wait3A_83, %dma_wait3A_84, %dma_wait3A_85] : memref<2560x2x125xi32, #tpu.memory_space<hbm>> -> memref<1x2x125xi32, #tpu.memory_space<hbm>>
    %dma_wait3A_87 = tpu.memref_squeeze %dma_wait3A_86 : memref<1x2x125xi32, #tpu.memory_space<hbm>> -> memref<2x125xi32, #tpu.memory_space<hbm>>
    %dma_wait3A_88 = arith.constant 0 : i32
    %dma_wait3A_89 = arith.constant 0 : i32
    %dma_wait3A_90 = tpu.memref_slice %arg3[%dma_wait3A_83, %dma_wait3A_88, %dma_wait3A_89] : memref<2560x2x125xi32, #tpu.memory_space<hbm>> -> memref<1x2x125xi32, #tpu.memory_space<hbm>>
    %dma_wait3A_91 = tpu.memref_squeeze %dma_wait3A_90 : memref<1x2x125xi32, #tpu.memory_space<hbm>> -> memref<2x125xi32, #tpu.memory_space<hbm>>
    tpu.wait_dma2 semaphore(%arg16 : memref<!tpu.dma_semaphore, #tpu.memory_space<semaphore_mem>>) src(%dma_wait3A_91 : memref<2x125xi32, #tpu.memory_space<hbm>>) dst(%arg10 : memref<2x125xi32, #tpu.memory_space<vmem>>)
    %dma_wait3A_92 = arith.constant 1 : i32
    %dma_wait3A_93 = arith.constant 0 : i32
    %dma_wait3A_94 = tpu.memref_slice %arg10[%dma_wait3A_92, %dma_wait3A_93] : memref<2x125xi32, #tpu.memory_space<vmem>> -> memref<1x125xi32, #tpu.memory_space<vmem>>
    %dma_wait3A_95 = tpu.memref_squeeze %dma_wait3A_94 : memref<1x125xi32, #tpu.memory_space<vmem>> -> memref<125xi32, #tpu.memory_space<vmem>>
    %dma_wait3A_96 = arith.constant 0 : i32
    %dma_wait3A_97 = arith.constant 0 : i32
    %dma_wait3A_98 = tpu.memref_slice %arg5[%dma_wait3A_96, %dma_wait3A_97] : memref<10240x128xf32, #tpu.memory_space<vmem_shared>> -> memref<10240x128xf32, #tpu.memory_space<vmem_shared>>
    tpu.wait_indirect_dma semaphore(%arg14 : memref<!tpu.dma_semaphore, #tpu.memory_space<semaphore_mem>>) src(%arg6 : memref<125x128xf32, #tpu.memory_space<vmem>>) dst(%dma_wait3A_98 : memref<10240x128xf32, #tpu.memory_space<vmem_shared>>)
    %dma_start3A_99 = arith.constant 0 : i32
    %dma_start3A_100 = arith.constant 0 : i32
    %dma_start3A_101 = tpu.memref_slice %arg10[%dma_start3A_99, %dma_start3A_100] : memref<2x125xi32, #tpu.memory_space<vmem>> -> memref<1x125xi32, #tpu.memory_space<vmem>>
    %dma_start3A_102 = tpu.memref_squeeze %dma_start3A_101 : memref<1x125xi32, #tpu.memory_space<vmem>> -> memref<125xi32, #tpu.memory_space<vmem>>
    %dma_start3A_103 = arith.constant 0 : i32
    %dma_start3A_104 = arith.constant 0 : i32
    %dma_start3A_105 = tpu.memref_slice %arg2[%dma_start3A_103, %dma_start3A_104] : memref<10240x128xf32, #tpu.memory_space<hbm>> -> memref<10240x128xf32, #tpu.memory_space<hbm>>
    tpu.enqueue_indirect_dma source(%dma_start3A_105 : memref<10240x128xf32, #tpu.memory_space<hbm>>) target(%arg6 : memref<125x128xf32, #tpu.memory_space<vmem>>) offsets(%dma_start3A_102 : memref<125xi32, #tpu.memory_space<vmem>>) semaphore(%arg12 : memref<!tpu.dma_semaphore, #tpu.memory_space<semaphore_mem>>)
    %dma_wait3A_106 = arith.constant 0 : i32
    %dma_wait3A_107 = arith.constant 0 : i32
    %dma_wait3A_108 = tpu.memref_slice %arg10[%dma_wait3A_106, %dma_wait3A_107] : memref<2x125xi32, #tpu.memory_space<vmem>> -> memref<1x125xi32, #tpu.memory_space<vmem>>
    %dma_wait3A_109 = tpu.memref_squeeze %dma_wait3A_108 : memref<1x125xi32, #tpu.memory_space<vmem>> -> memref<125xi32, #tpu.memory_space<vmem>>
    %dma_wait3A_110 = arith.constant 0 : i32
    %dma_wait3A_111 = arith.constant 0 : i32
    %dma_wait3A_112 = tpu.memref_slice %arg2[%dma_wait3A_110, %dma_wait3A_111] : memref<10240x128xf32, #tpu.memory_space<hbm>> -> memref<10240x128xf32, #tpu.memory_space<hbm>>
    tpu.wait_indirect_dma semaphore(%arg13 : memref<!tpu.dma_semaphore, #tpu.memory_space<semaphore_mem>>) src(%dma_wait3A_112 : memref<10240x128xf32, #tpu.memory_space<hbm>>) dst(%arg7 : memref<125x128xf32, #tpu.memory_space<vmem>>)
    %dma_start3A_113 = arith.constant 1 : i32
    %dma_start3A_114 = arith.constant 0 : i32
    %dma_start3A_115 = tpu.memref_slice %arg9[%dma_start3A_113, %dma_start3A_114] : memref<2x125xi32, #tpu.memory_space<vmem>> -> memref<1x125xi32, #tpu.memory_space<vmem>>
    %dma_start3A_116 = tpu.memref_squeeze %dma_start3A_115 : memref<1x125xi32, #tpu.memory_space<vmem>> -> memref<125xi32, #tpu.memory_space<vmem>>
    %dma_start3A_117 = arith.constant 0 : i32
    %dma_start3A_118 = arith.constant 0 : i32
    %dma_start3A_119 = tpu.memref_slice %arg5[%dma_start3A_117, %dma_start3A_118] : memref<10240x128xf32, #tpu.memory_space<vmem_shared>> -> memref<10240x128xf32, #tpu.memory_space<vmem_shared>>
    tpu.enqueue_indirect_dma source(%arg7 : memref<125x128xf32, #tpu.memory_space<vmem>>) target(%dma_start3A_119 : memref<10240x128xf32, #tpu.memory_space<vmem_shared>>) offsets(%dma_start3A_116 : memref<125xi32, #tpu.memory_space<vmem>>) semaphore(%arg15 : memref<!tpu.dma_semaphore, #tpu.memory_space<semaphore_mem>>) {add = true}
    %mul3A_120 = arith.constant 80 : i32
    %mul3A_121 = arith.muli %add3A, %mul3A_120 : i32
    %add3A_122 = arith.constant 79 : i32
    %add3A_123 = arith.addi %mul3A_121, %add3A_122 : i32
    %dma_start3A_124 = arith.constant 0 : i32
    %dma_start3A_125 = arith.constant 0 : i32
    %dma_start3A_126 = tpu.memref_slice %arg3[%add3A_123, %dma_start3A_124, %dma_start3A_125] : memref<2560x2x125xi32, #tpu.memory_space<hbm>> -> memref<1x2x125xi32, #tpu.memory_space<hbm>>
    %dma_start3A_127 = tpu.memref_squeeze %dma_start3A_126 : memref<1x2x125xi32, #tpu.memory_space<hbm>> -> memref<2x125xi32, #tpu.memory_space<hbm>>
    %dma_start3A_128 = arith.constant 0 : i32
    %dma_start3A_129 = arith.constant 0 : i32
    %dma_start3A_130 = tpu.memref_slice %arg3[%add3A_123, %dma_start3A_128, %dma_start3A_129] : memref<2560x2x125xi32, #tpu.memory_space<hbm>> -> memref<1x2x125xi32, #tpu.memory_space<hbm>>
    %dma_start3A_131 = tpu.memref_squeeze %dma_start3A_130 : memref<1x2x125xi32, #tpu.memory_space<hbm>> -> memref<2x125xi32, #tpu.memory_space<hbm>>
    tpu.enqueue_dma source(%dma_start3A_131 : memref<2x125xi32, #tpu.memory_space<hbm>>) target(%arg11 : memref<2x125xi32, #tpu.memory_space<vmem>>) target_semaphore(%arg16 : memref<!tpu.dma_semaphore, #tpu.memory_space<semaphore_mem>>)
    %dma_wait3A_132 = arith.constant 0 : i32
    %dma_wait3A_133 = arith.constant 0 : i32
    %dma_wait3A_134 = arith.constant 0 : i32
    %dma_wait3A_135 = tpu.memref_slice %arg3[%dma_wait3A_132, %dma_wait3A_133, %dma_wait3A_134] : memref<2560x2x125xi32, #tpu.memory_space<hbm>> -> memref<1x2x125xi32, #tpu.memory_space<hbm>>
    %dma_wait3A_136 = tpu.memref_squeeze %dma_wait3A_135 : memref<1x2x125xi32, #tpu.memory_space<hbm>> -> memref<2x125xi32, #tpu.memory_space<hbm>>
    %dma_wait3A_137 = arith.constant 0 : i32
    %dma_wait3A_138 = arith.constant 0 : i32
    %dma_wait3A_139 = tpu.memref_slice %arg3[%dma_wait3A_132, %dma_wait3A_137, %dma_wait3A_138] : memref<2560x2x125xi32, #tpu.memory_space<hbm>> -> memref<1x2x125xi32, #tpu.memory_space<hbm>>
    %dma_wait3A_140 = tpu.memref_squeeze %dma_wait3A_139 : memref<1x2x125xi32, #tpu.memory_space<hbm>> -> memref<2x125xi32, #tpu.memory_space<hbm>>
    tpu.wait_dma2 semaphore(%arg16 : memref<!tpu.dma_semaphore, #tpu.memory_space<semaphore_mem>>) src(%dma_wait3A_140 : memref<2x125xi32, #tpu.memory_space<hbm>>) dst(%arg11 : memref<2x125xi32, #tpu.memory_space<vmem>>)
    %dma_wait3A_141 = arith.constant 1 : i32
    %dma_wait3A_142 = arith.constant 0 : i32
    %dma_wait3A_143 = tpu.memref_slice %arg11[%dma_wait3A_141, %dma_wait3A_142] : memref<2x125xi32, #tpu.memory_space<vmem>> -> memref<1x125xi32, #tpu.memory_space<vmem>>
    %dma_wait3A_144 = tpu.memref_squeeze %dma_wait3A_143 : memref<1x125xi32, #tpu.memory_space<vmem>> -> memref<125xi32, #tpu.memory_space<vmem>>
    %dma_wait3A_145 = arith.constant 0 : i32
    %dma_wait3A_146 = arith.constant 0 : i32
    %dma_wait3A_147 = tpu.memref_slice %arg5[%dma_wait3A_145, %dma_wait3A_146] : memref<10240x128xf32, #tpu.memory_space<vmem_shared>> -> memref<10240x128xf32, #tpu.memory_space<vmem_shared>>
    tpu.wait_indirect_dma semaphore(%arg15 : memref<!tpu.dma_semaphore, #tpu.memory_space<semaphore_mem>>) src(%arg7 : memref<125x128xf32, #tpu.memory_space<vmem>>) dst(%dma_wait3A_147 : memref<10240x128xf32, #tpu.memory_space<vmem_shared>>)
    %dma_start3A_148 = arith.constant 0 : i32
    %dma_start3A_149 = arith.constant 0 : i32
    %dma_start3A_150 = tpu.memref_slice %arg11[%dma_start3A_148, %dma_start3A_149] : memref<2x125xi32, #tpu.memory_space<vmem>> -> memref<1x125xi32, #tpu.memory_space<vmem>>
    %dma_start3A_151 = tpu.memref_squeeze %dma_start3A_150 : memref<1x125xi32, #tpu.memory_space<vmem>> -> memref<125xi32, #tpu.memory_space<vmem>>
    %dma_start3A_152 = arith.constant 0 : i32
    %dma_start3A_153 = arith.constant 0 : i32
    %dma_start3A_154 = tpu.memref_slice %arg2[%dma_start3A_152, %dma_start3A_153] : memref<10240x128xf32, #tpu.memory_space<hbm>> -> memref<10240x128xf32, #tpu.memory_space<hbm>>
    tpu.enqueue_indirect_dma source(%dma_start3A_154 : memref<10240x128xf32, #tpu.memory_space<hbm>>) target(%arg7 : memref<125x128xf32, #tpu.memory_space<vmem>>) offsets(%dma_start3A_151 : memref<125xi32, #tpu.memory_space<vmem>>) semaphore(%arg13 : memref<!tpu.dma_semaphore, #tpu.memory_space<semaphore_mem>>)
    %dma_wait3A_155 = arith.constant 0 : i32
    %dma_wait3A_156 = arith.constant 0 : i32
    %dma_wait3A_157 = tpu.memref_slice %arg11[%dma_wait3A_155, %dma_wait3A_156] : memref<2x125xi32, #tpu.memory_space<vmem>> -> memref<1x125xi32, #tpu.memory_space<vmem>>
    %dma_wait3A_158 = tpu.memref_squeeze %dma_wait3A_157 : memref<1x125xi32, #tpu.memory_space<vmem>> -> memref<125xi32, #tpu.memory_space<vmem>>
    %dma_wait3A_159 = arith.constant 0 : i32
    %dma_wait3A_160 = arith.constant 0 : i32
    %dma_wait3A_161 = tpu.memref_slice %arg2[%dma_wait3A_159, %dma_wait3A_160] : memref<10240x128xf32, #tpu.memory_space<hbm>> -> memref<10240x128xf32, #tpu.memory_space<hbm>>
    tpu.wait_indirect_dma semaphore(%arg12 : memref<!tpu.dma_semaphore, #tpu.memory_space<semaphore_mem>>) src(%dma_wait3A_161 : memref<10240x128xf32, #tpu.memory_space<hbm>>) dst(%arg6 : memref<125x128xf32, #tpu.memory_space<vmem>>)
    %dma_start3A_162 = arith.constant 1 : i32
    %dma_start3A_163 = arith.constant 0 : i32
    %dma_start3A_164 = tpu.memref_slice %arg10[%dma_start3A_162, %dma_start3A_163] : memref<2x125xi32, #tpu.memory_space<vmem>> -> memref<1x125xi32, #tpu.memory_space<vmem>>
    %dma_start3A_165 = tpu.memref_squeeze %dma_start3A_164 : memref<1x125xi32, #tpu.memory_space<vmem>> -> memref<125xi32, #tpu.memory_space<vmem>>
    %dma_start3A_166 = arith.constant 0 : i32
    %dma_start3A_167 = arith.constant 0 : i32
    %dma_start3A_168 = tpu.memref_slice %arg5[%dma_start3A_166, %dma_start3A_167] : memref<10240x128xf32, #tpu.memory_space<vmem_shared>> -> memref<10240x128xf32, #tpu.memory_space<vmem_shared>>
    tpu.enqueue_indirect_dma source(%arg6 : memref<125x128xf32, #tpu.memory_space<vmem>>) target(%dma_start3A_168 : memref<10240x128xf32, #tpu.memory_space<vmem_shared>>) offsets(%dma_start3A_165 : memref<125xi32, #tpu.memory_space<vmem>>) semaphore(%arg14 : memref<!tpu.dma_semaphore, #tpu.memory_space<semaphore_mem>>) {add = true}
    %dma_wait3A_169 = arith.constant 0 : i32
    %dma_wait3A_170 = arith.constant 0 : i32
    %dma_wait3A_171 = tpu.memref_slice %arg11[%dma_wait3A_169, %dma_wait3A_170] : memref<2x125xi32, #tpu.memory_space<vmem>> -> memref<1x125xi32, #tpu.memory_space<vmem>>
    %dma_wait3A_172 = tpu.memref_squeeze %dma_wait3A_171 : memref<1x125xi32, #tpu.memory_space<vmem>> -> memref<125xi32, #tpu.memory_space<vmem>>
    %dma_wait3A_173 = arith.constant 0 : i32
    %dma_wait3A_174 = arith.constant 0 : i32
    %dma_wait3A_175 = tpu.memref_slice %arg2[%dma_wait3A_173, %dma_wait3A_174] : memref<10240x128xf32, #tpu.memory_space<hbm>> -> memref<10240x128xf32, #tpu.memory_space<hbm>>
    tpu.wait_indirect_dma semaphore(%arg13 : memref<!tpu.dma_semaphore, #tpu.memory_space<semaphore_mem>>) src(%dma_wait3A_175 : memref<10240x128xf32, #tpu.memory_space<hbm>>) dst(%arg7 : memref<125x128xf32, #tpu.memory_space<vmem>>)
    %dma_start3A_176 = arith.constant 1 : i32
    %dma_start3A_177 = arith.constant 0 : i32
    %dma_start3A_178 = tpu.memref_slice %arg11[%dma_start3A_176, %dma_start3A_177] : memref<2x125xi32, #tpu.memory_space<vmem>> -> memref<1x125xi32, #tpu.memory_space<vmem>>
    %dma_start3A_179 = tpu.memref_squeeze %dma_start3A_178 : memref<1x125xi32, #tpu.memory_space<vmem>> -> memref<125xi32, #tpu.memory_space<vmem>>
    %dma_start3A_180 = arith.constant 0 : i32
    %dma_start3A_181 = arith.constant 0 : i32
    %dma_start3A_182 = tpu.memref_slice %arg5[%dma_start3A_180, %dma_start3A_181] : memref<10240x128xf32, #tpu.memory_space<vmem_shared>> -> memref<10240x128xf32, #tpu.memory_space<vmem_shared>>
    tpu.enqueue_indirect_dma source(%arg7 : memref<125x128xf32, #tpu.memory_space<vmem>>) target(%dma_start3A_182 : memref<10240x128xf32, #tpu.memory_space<vmem_shared>>) offsets(%dma_start3A_179 : memref<125xi32, #tpu.memory_space<vmem>>) semaphore(%arg15 : memref<!tpu.dma_semaphore, #tpu.memory_space<semaphore_mem>>) {add = true}
    %dma_wait3A_183 = arith.constant 1 : i32
    %dma_wait3A_184 = arith.constant 0 : i32
    %dma_wait3A_185 = tpu.memref_slice %arg10[%dma_wait3A_183, %dma_wait3A_184] : memref<2x125xi32, #tpu.memory_space<vmem>> -> memref<1x125xi32, #tpu.memory_space<vmem>>
    %dma_wait3A_186 = tpu.memref_squeeze %dma_wait3A_185 : memref<1x125xi32, #tpu.memory_space<vmem>> -> memref<125xi32, #tpu.memory_space<vmem>>
    %dma_wait3A_187 = arith.constant 0 : i32
    %dma_wait3A_188 = arith.constant 0 : i32
    %dma_wait3A_189 = tpu.memref_slice %arg5[%dma_wait3A_187, %dma_wait3A_188] : memref<10240x128xf32, #tpu.memory_space<vmem_shared>> -> memref<10240x128xf32, #tpu.memory_space<vmem_shared>>
    tpu.wait_indirect_dma semaphore(%arg14 : memref<!tpu.dma_semaphore, #tpu.memory_space<semaphore_mem>>) src(%arg6 : memref<125x128xf32, #tpu.memory_space<vmem>>) dst(%dma_wait3A_189 : memref<10240x128xf32, #tpu.memory_space<vmem_shared>>)
    %dma_wait3A_190 = arith.constant 1 : i32
    %dma_wait3A_191 = arith.constant 0 : i32
    %dma_wait3A_192 = tpu.memref_slice %arg11[%dma_wait3A_190, %dma_wait3A_191] : memref<2x125xi32, #tpu.memory_space<vmem>> -> memref<1x125xi32, #tpu.memory_space<vmem>>
    %dma_wait3A_193 = tpu.memref_squeeze %dma_wait3A_192 : memref<1x125xi32, #tpu.memory_space<vmem>> -> memref<125xi32, #tpu.memory_space<vmem>>
    %dma_wait3A_194 = arith.constant 0 : i32
    %dma_wait3A_195 = arith.constant 0 : i32
    %dma_wait3A_196 = tpu.memref_slice %arg5[%dma_wait3A_194, %dma_wait3A_195] : memref<10240x128xf32, #tpu.memory_space<vmem_shared>> -> memref<10240x128xf32, #tpu.memory_space<vmem_shared>>
    tpu.wait_indirect_dma semaphore(%arg15 : memref<!tpu.dma_semaphore, #tpu.memory_space<semaphore_mem>>) src(%arg7 : memref<125x128xf32, #tpu.memory_space<vmem>>) dst(%dma_wait3A_196 : memref<10240x128xf32, #tpu.memory_space<vmem_shared>>)
    %barrier3A_197 = arith.constant 0 : index
    tpu.barrier barrier_id(%barrier3A_197)
    %mul3A_198 = arith.constant 640 : i32
    %mul3A_199 = arith.muli %arg1, %mul3A_198 : i32
    %mul3A_200 = arith.constant 640 : i32
    %mul3A_201 = arith.muli %arg1, %mul3A_200 : i32
    "tpu.region"() ({
      %run_scoped3A = tpu.sem_alloc : memref<!tpu.dma_semaphore, #tpu.memory_space<semaphore_mem>>
      %dma_start3A_202 = arith.constant 0 : i32
      %dma_start3A_203 = tpu.memref_slice %arg4[%arg0, %mul3A_201, %dma_start3A_202] : memref<2x10240x128xf32, #tpu.memory_space<hbm>> -> memref<1x640x128xf32, #tpu.memory_space<hbm>>
      %dma_start3A_204 = tpu.memref_squeeze %dma_start3A_203 : memref<1x640x128xf32, #tpu.memory_space<hbm>> -> memref<640x128xf32, #tpu.memory_space<hbm>>
      %dma_start3A_205 = arith.constant 0 : i32
      %dma_start3A_206 = tpu.memref_slice %arg5[%mul3A_199, %dma_start3A_205] : memref<10240x128xf32, #tpu.memory_space<vmem_shared>> -> memref<640x128xf32, #tpu.memory_space<vmem_shared>>
      tpu.enqueue_dma source(%dma_start3A_206 : memref<640x128xf32, #tpu.memory_space<vmem_shared>>) target(%dma_start3A_204 : memref<640x128xf32, #tpu.memory_space<hbm>>) target_semaphore(%run_scoped3A : memref<!tpu.dma_semaphore, #tpu.memory_space<semaphore_mem>>)
      %dma_wait3A_207 = arith.constant 0 : i32
      %dma_wait3A_208 = tpu.memref_slice %arg4[%arg0, %mul3A_201, %dma_wait3A_207] : memref<2x10240x128xf32, #tpu.memory_space<hbm>> -> memref<1x640x128xf32, #tpu.memory_space<hbm>>
      %dma_wait3A_209 = tpu.memref_squeeze %dma_wait3A_208 : memref<1x640x128xf32, #tpu.memory_space<hbm>> -> memref<640x128xf32, #tpu.memory_space<hbm>>
      %dma_wait3A_210 = arith.constant 0 : i32
      %dma_wait3A_211 = tpu.memref_slice %arg5[%mul3A_199, %dma_wait3A_210] : memref<10240x128xf32, #tpu.memory_space<vmem_shared>> -> memref<640x128xf32, #tpu.memory_space<vmem_shared>>
      tpu.wait_dma2 semaphore(%run_scoped3A : memref<!tpu.dma_semaphore, #tpu.memory_space<semaphore_mem>>) src(%dma_wait3A_211 : memref<640x128xf32, #tpu.memory_space<vmem_shared>>) dst(%dma_wait3A_209 : memref<640x128xf32, #tpu.memory_space<hbm>>)
      tpu.yield
    }) : () -> ()
    return
  }
}

module attributes {stable_mosaic.version = 14 : i64} {
  func.func @_mm_scale_body(%arg0: i32, %arg1: memref<1024x128xf32, #tpu.memory_space<vmem>>, %arg2: memref<128x128xf32, #tpu.memory_space<vmem>>, %arg3: memref<1024x1xf32, #tpu.memory_space<vmem>>, %arg4: memref<1024x128xf32, #tpu.memory_space<vmem>>) attributes {dimension_semantics = [#tpu.dimension_semantics<arbitrary>], iteration_bounds = array<i64: 10>, scalar_prefetch = 0 : i64, scratch_operands = 0 : i64, tpu.core_type = #tpu.core_type<tc>, window_params = [{transform_indices = @transform_0, window_bounds = array<i64: 1024, 128>}, {pipeline_mode = #tpu.pipeline_mode<synchronous>, transform_indices = @transform_1, window_bounds = array<i64: 128, 128>}, {transform_indices = @transform_2, window_bounds = array<i64: 1024, 1>}, {transform_indices = @transform_3, window_bounds = array<i64: 1024, 128>}]} {
    %get3A = arith.constant 0 : index
    %get3A_0 = arith.constant 0 : index
    %get3A_1 = vector.load %arg3[%get3A, %get3A_0] : memref<1024x1xf32, #tpu.memory_space<vmem>>, vector<1024x1xf32>
    %max3A = arith.constant 1.000000e+00 : f32
    %max3A_2 = vector.broadcast %max3A : f32 to vector<1024x1xf32>
    %max3A_3 = arith.maximumf %get3A_1, %max3A_2 : vector<1024x1xf32>
    %rsqrt3A = math.rsqrt %max3A_3 : vector<1024x1xf32>
    %get3A_4 = arith.constant 0 : index
    %get3A_5 = arith.constant 0 : index
    %get3A_6 = vector.load %arg1[%get3A_4, %get3A_5] : memref<1024x128xf32, #tpu.memory_space<vmem>>, vector<1024x128xf32>
    %get3A_7 = arith.constant 0 : index
    %get3A_8 = arith.constant 0 : index
    %get3A_9 = vector.load %arg2[%get3A_7, %get3A_8] : memref<128x128xf32, #tpu.memory_space<vmem>>, vector<128x128xf32>
    %dot_general3A = arith.constant dense<0.000000e+00> : vector<1024x128xf32>
    %dot_general3A_10 = tpu.matmul %get3A_6, %get3A_9, %dot_general3A {dimension_numbers = #tpu.dot_dimension_numbers<[1], [0], [0], [1], [0, 0, 1, 1], [], []>, transpose_lhs_hint = false} : vector<1024x128xf32>, vector<128x128xf32>, vector<1024x128xf32> -> vector<1024x128xf32>
    %mul3A = vector.broadcast %rsqrt3A : vector<1024x1xf32> to vector<1024x128xf32>
    %mul3A_11 = arith.mulf %dot_general3A_10, %mul3A : vector<1024x128xf32>
    %swap3A = arith.constant 0 : index
    %swap3A_12 = arith.constant 0 : index
    %swap3A_13 = vector.load %arg4[%swap3A, %swap3A_12] : memref<1024x128xf32, #tpu.memory_space<vmem>>, vector<1024x128xf32>
    tpu.vector_store %arg4[%swap3A, %swap3A_12], %mul3A_11 {strides = array<i32>} : memref<1024x128xf32, #tpu.memory_space<vmem>>, vector<1024x128xf32>,
    return
  }
  func.func @transform_0(%arg0: i32) -> (i32, i32) {
    %c0_i32 = arith.constant 0 : i32
    %c0_i32_0 = arith.constant 0 : i32
    return %arg0, %c0_i32 : i32, i32
  }
  func.func @transform_1(%arg0: i32) -> (i32, i32) {
    %c0_i32 = arith.constant 0 : i32
    %c0_i32_0 = arith.constant 0 : i32
    %c0_i32_1 = arith.constant 0 : i32
    return %c0_i32, %c0_i32_0 : i32, i32
  }
  func.func @transform_2(%arg0: i32) -> (i32, i32) {
    %c0_i32 = arith.constant 0 : i32
    %c0_i32_0 = arith.constant 0 : i32
    return %arg0, %c0_i32 : i32, i32
  }
  func.func @transform_3(%arg0: i32) -> (i32, i32) {
    %c0_i32 = arith.constant 0 : i32
    %c0_i32_0 = arith.constant 0 : i32
    return %arg0, %c0_i32 : i32, i32
  }
}

module attributes {stable_mosaic.version = 14 : i64} {
  func.func @_combine_mm_body(%arg0: i32, %arg1: memref<2x1024x128xf32, #tpu.memory_space<vmem>>, %arg2: memref<1x128xf32, #tpu.memory_space<vmem>>, %arg3: memref<1024x1xf32, #tpu.memory_space<vmem>>, %arg4: memref<1024x1xf32, #tpu.memory_space<vmem>>, %arg5: memref<128x128xf32, #tpu.memory_space<vmem>>, %arg6: memref<1024x128xf32, #tpu.memory_space<vmem>>) attributes {dimension_semantics = [#tpu.dimension_semantics<arbitrary>], iteration_bounds = array<i64: 10>, scalar_prefetch = 0 : i64, scratch_operands = 0 : i64, tpu.core_type = #tpu.core_type<tc>, window_params = [{transform_indices = @transform_0, window_bounds = array<i64: 2, 1024, 128>}, {pipeline_mode = #tpu.pipeline_mode<synchronous>, transform_indices = @transform_1, window_bounds = array<i64: 1, 128>}, {transform_indices = @transform_2, window_bounds = array<i64: 1024, 1>}, {transform_indices = @transform_3, window_bounds = array<i64: 1024, 1>}, {pipeline_mode = #tpu.pipeline_mode<synchronous>, transform_indices = @transform_4, window_bounds = array<i64: 128, 128>}, {transform_indices = @transform_5, window_bounds = array<i64: 1024, 128>}]} {
    %get3A = arith.constant 0 : index
    %get3A_0 = arith.constant 0 : index
    %get3A_1 = vector.load %arg3[%get3A, %get3A_0] : memref<1024x1xf32, #tpu.memory_space<vmem>>, vector<1024x1xf32>
    %max3A = arith.constant 1.000000e+00 : f32
    %max3A_2 = vector.broadcast %max3A : f32 to vector<1024x1xf32>
    %max3A_3 = arith.maximumf %get3A_1, %max3A_2 : vector<1024x1xf32>
    %rsqrt3A = math.rsqrt %max3A_3 : vector<1024x1xf32>
    %get3A_4 = arith.constant 0 : index
    %get3A_5 = arith.constant 0 : index
    %get3A_6 = vector.load %arg4[%get3A_4, %get3A_5] : memref<1024x1xf32, #tpu.memory_space<vmem>>, vector<1024x1xf32>
    %max3A_7 = arith.constant 1.000000e+00 : f32
    %max3A_8 = vector.broadcast %max3A_7 : f32 to vector<1024x1xf32>
    %max3A_9 = arith.maximumf %get3A_6, %max3A_8 : vector<1024x1xf32>
    %rsqrt3A_10 = math.rsqrt %max3A_9 : vector<1024x1xf32>
    %get3A_11 = arith.constant 0 : index
    %get3A_12 = arith.constant 0 : index
    %get3A_13 = arith.constant 0 : index
    %get3A_14 = vector.load %arg1[%get3A_11, %get3A_12, %get3A_13] : memref<2x1024x128xf32, #tpu.memory_space<vmem>>, vector<1x1024x128xf32>
    %get3A_15 = vector.shape_cast %get3A_14 : vector<1x1024x128xf32> to vector<1024x128xf32>
    %get3A_16 = arith.constant 1 : index
    %get3A_17 = arith.constant 0 : index
    %get3A_18 = arith.constant 0 : index
    %get3A_19 = vector.load %arg1[%get3A_16, %get3A_17, %get3A_18] : memref<2x1024x128xf32, #tpu.memory_space<vmem>>, vector<1x1024x128xf32>
    %get3A_20 = vector.shape_cast %get3A_19 : vector<1x1024x128xf32> to vector<1024x128xf32>
    %add3A = arith.addf %get3A_15, %get3A_20 : vector<1024x128xf32>
    %mul3A = vector.broadcast %rsqrt3A : vector<1024x1xf32> to vector<1024x128xf32>
    %mul3A_21 = arith.mulf %add3A, %mul3A : vector<1024x128xf32>
    %get3A_22 = arith.constant 0 : index
    %get3A_23 = arith.constant 0 : index
    %get3A_24 = vector.load %arg2[%get3A_22, %get3A_23] : memref<1x128xf32, #tpu.memory_space<vmem>>, vector<1x128xf32>
    %add3A_25 = vector.broadcast %get3A_24 : vector<1x128xf32> to vector<1024x128xf32>
    %add3A_26 = arith.addf %mul3A_21, %add3A_25 : vector<1024x128xf32>
    %max3A_27 = arith.constant 0.000000e+00 : f32
    %max3A_28 = vector.broadcast %max3A_27 : f32 to vector<1024x128xf32>
    %max3A_29 = arith.maximumf %add3A_26, %max3A_28 : vector<1024x128xf32>
    %get3A_30 = arith.constant 0 : index
    %get3A_31 = arith.constant 0 : index
    %get3A_32 = vector.load %arg5[%get3A_30, %get3A_31] : memref<128x128xf32, #tpu.memory_space<vmem>>, vector<128x128xf32>
    %dot_general3A = arith.constant dense<0.000000e+00> : vector<1024x128xf32>
    %dot_general3A_33 = tpu.matmul %max3A_29, %get3A_32, %dot_general3A {dimension_numbers = #tpu.dot_dimension_numbers<[1], [0], [0], [1], [0, 0, 1, 1], [], []>, transpose_lhs_hint = false} : vector<1024x128xf32>, vector<128x128xf32>, vector<1024x128xf32> -> vector<1024x128xf32>
    %mul3A_34 = vector.broadcast %rsqrt3A_10 : vector<1024x1xf32> to vector<1024x128xf32>
    %mul3A_35 = arith.mulf %dot_general3A_33, %mul3A_34 : vector<1024x128xf32>
    %swap3A = arith.constant 0 : index
    %swap3A_36 = arith.constant 0 : index
    %swap3A_37 = vector.load %arg6[%swap3A, %swap3A_36] : memref<1024x128xf32, #tpu.memory_space<vmem>>, vector<1024x128xf32>
    tpu.vector_store %arg6[%swap3A, %swap3A_36], %mul3A_35 {strides = array<i32>} : memref<1024x128xf32, #tpu.memory_space<vmem>>, vector<1024x128xf32>,
    return
  }
  func.func @transform_0(%arg0: i32) -> (i32, i32, i32) {
    %c0_i32 = arith.constant 0 : i32
    %c0_i32_0 = arith.constant 0 : i32
    %c0_i32_1 = arith.constant 0 : i32
    return %c0_i32, %arg0, %c0_i32_0 : i32, i32, i32
  }
  func.func @transform_1(%arg0: i32) -> (i32, i32) {
    %c0_i32 = arith.constant 0 : i32
    %c0_i32_0 = arith.constant 0 : i32
    %c0_i32_1 = arith.constant 0 : i32
    return %c0_i32, %c0_i32_0 : i32, i32
  }
  func.func @transform_2(%arg0: i32) -> (i32, i32) {
    %c0_i32 = arith.constant 0 : i32
    %c0_i32_0 = arith.constant 0 : i32
    return %arg0, %c0_i32 : i32, i32
  }
  func.func @transform_3(%arg0: i32) -> (i32, i32) {
    %c0_i32 = arith.constant 0 : i32
    %c0_i32_0 = arith.constant 0 : i32
    return %arg0, %c0_i32 : i32, i32
  }
  func.func @transform_4(%arg0: i32) -> (i32, i32) {
    %c0_i32 = arith.constant 0 : i32
    %c0_i32_0 = arith.constant 0 : i32
    %c0_i32_1 = arith.constant 0 : i32
    return %c0_i32, %c0_i32_0 : i32, i32
  }
  func.func @transform_5(%arg0: i32) -> (i32, i32) {
    %c0_i32 = arith.constant 0 : i32
    %c0_i32_0 = arith.constant 0 : i32
    return %arg0, %c0_i32 : i32, i32
  }
}

module attributes {stable_mosaic.version = 14 : i64} {
  func.func @_final_body(%arg0: i32, %arg1: memref<2x1024x128xf32, #tpu.memory_space<vmem>>, %arg2: memref<1x128xf32, #tpu.memory_space<vmem>>, %arg3: memref<1024x1xf32, #tpu.memory_space<vmem>>, %arg4: memref<1024x128xf32, #tpu.memory_space<vmem>>) attributes {dimension_semantics = [#tpu.dimension_semantics<arbitrary>], iteration_bounds = array<i64: 10>, scalar_prefetch = 0 : i64, scratch_operands = 0 : i64, tpu.core_type = #tpu.core_type<tc>, window_params = [{transform_indices = @transform_0, window_bounds = array<i64: 2, 1024, 128>}, {pipeline_mode = #tpu.pipeline_mode<synchronous>, transform_indices = @transform_1, window_bounds = array<i64: 1, 128>}, {transform_indices = @transform_2, window_bounds = array<i64: 1024, 1>}, {transform_indices = @transform_3, window_bounds = array<i64: 1024, 128>}]} {
    %get3A = arith.constant 0 : index
    %get3A_0 = arith.constant 0 : index
    %get3A_1 = vector.load %arg3[%get3A, %get3A_0] : memref<1024x1xf32, #tpu.memory_space<vmem>>, vector<1024x1xf32>
    %max3A = arith.constant 1.000000e+00 : f32
    %max3A_2 = vector.broadcast %max3A : f32 to vector<1024x1xf32>
    %max3A_3 = arith.maximumf %get3A_1, %max3A_2 : vector<1024x1xf32>
    %rsqrt3A = math.rsqrt %max3A_3 : vector<1024x1xf32>
    %get3A_4 = arith.constant 0 : index
    %get3A_5 = arith.constant 0 : index
    %get3A_6 = arith.constant 0 : index
    %get3A_7 = vector.load %arg1[%get3A_4, %get3A_5, %get3A_6] : memref<2x1024x128xf32, #tpu.memory_space<vmem>>, vector<1x1024x128xf32>
    %get3A_8 = vector.shape_cast %get3A_7 : vector<1x1024x128xf32> to vector<1024x128xf32>
    %get3A_9 = arith.constant 1 : index
    %get3A_10 = arith.constant 0 : index
    %get3A_11 = arith.constant 0 : index
    %get3A_12 = vector.load %arg1[%get3A_9, %get3A_10, %get3A_11] : memref<2x1024x128xf32, #tpu.memory_space<vmem>>, vector<1x1024x128xf32>
    %get3A_13 = vector.shape_cast %get3A_12 : vector<1x1024x128xf32> to vector<1024x128xf32>
    %add3A = arith.addf %get3A_8, %get3A_13 : vector<1024x128xf32>
    %mul3A = vector.broadcast %rsqrt3A : vector<1024x1xf32> to vector<1024x128xf32>
    %mul3A_14 = arith.mulf %add3A, %mul3A : vector<1024x128xf32>
    %get3A_15 = arith.constant 0 : index
    %get3A_16 = arith.constant 0 : index
    %get3A_17 = vector.load %arg2[%get3A_15, %get3A_16] : memref<1x128xf32, #tpu.memory_space<vmem>>, vector<1x128xf32>
    %add3A_18 = vector.broadcast %get3A_17 : vector<1x128xf32> to vector<1024x128xf32>
    %add3A_19 = arith.addf %mul3A_14, %add3A_18 : vector<1024x128xf32>
    %swap3A = arith.constant 0 : index
    %swap3A_20 = arith.constant 0 : index
    %swap3A_21 = vector.load %arg4[%swap3A, %swap3A_20] : memref<1024x128xf32, #tpu.memory_space<vmem>>, vector<1024x128xf32>
    tpu.vector_store %arg4[%swap3A, %swap3A_20], %add3A_19 {strides = array<i32>} : memref<1024x128xf32, #tpu.memory_space<vmem>>, vector<1024x128xf32>,
    return
  }
  func.func @transform_0(%arg0: i32) -> (i32, i32, i32) {
    %c0_i32 = arith.constant 0 : i32
    %c0_i32_0 = arith.constant 0 : i32
    %c0_i32_1 = arith.constant 0 : i32
    return %c0_i32, %arg0, %c0_i32_0 : i32, i32, i32
  }
  func.func @transform_1(%arg0: i32) -> (i32, i32) {
    %c0_i32 = arith.constant 0 : i32
    %c0_i32_0 = arith.constant 0 : i32
    %c0_i32_1 = arith.constant 0 : i32
    return %c0_i32, %c0_i32_0 : i32, i32
  }
  func.func @transform_2(%arg0: i32) -> (i32, i32) {
    %c0_i32 = arith.constant 0 : i32
    %c0_i32_0 = arith.constant 0 : i32
    return %arg0, %c0_i32 : i32, i32
  }
  func.func @transform_3(%arg0: i32) -> (i32, i32) {
    %c0_i32 = arith.constant 0 : i32
    %c0_i32_0 = arith.constant 0 : i32
    return %arg0, %c0_i32 : i32, i32
  }
}

</mosaic_0001>

<sc_bundles>
// kernel: kernel.10.cloned.1.call-start
scs
__scs_entry_jumppad:
0x0: {  	(pc) =	sbr.rel $0x88, $3  }
0x1: {  	(tag) =	ssettag $0x0;
	lr =	simm.s32 $0x1  }
0x2: {  	[smem:$0x3F99] =	sst lr;
	_ =	strace $0xD0000000  }
0x3: {  	_ = 	snop  }
0x4: {  	_ = 	snop  }
0x5: {  	_ = 	snop  }
0x6: {  	_ = 	snop  }
0x7: {  	_ = 	snop  }
__scs_overlays_trampoline_lowered:
0x8: {  	[smem:$0x3FA8] =	sst s0  }
0x9: {  	[smem:$0x3FA9] =	sst s1  }
0xa: {  	[smem:$0x3FAA] =	sst s2  }
0xb: {  	[smem:$0x3FAB] =	sst s3  }
0xc: {  	[smem:$0x3FAC] =	sst s4  }
0xd: {  	[smem:$0x3FAD] =	sst s5  }
0xe: {  	[smem:$0x3FAE] =	sst s6  }
0xf: {  	[smem:$0x3FAF] =	sst s7  }
0x10: {  	[smem:$0x3FB0] =	sst s8  }
0x11: {  	[smem:$0x3FB1] =	sst s9;
	s0 =	simm.s32 @!p0 $0x0  }
0x12: {  	s1 =	sld [smem:$0x3F97];
	s0 =	simm.s32 @p0 $0x1  }
0x13: {  	[smem:$0x3FB2] =	sst s0;
	s0 =	simm.s32 @!p1 $0x0  }
0x14: {  	s2 =	sld [smem:$0x3F96];
	s0 =	simm.s32 @p1 $0x1  }
0x15: {  	[smem:$0x3FB3] =	sst s0;
	s0 =	simm.s32 @!p2 $0x0  }
0x16: {  	s3 =	sld [smem:$0x3FDB];
	s0 =	simm.s32 @p2 $0x1  }
0x17: {  	s4 =	simm.s32 $0x1BF5;
	[smem:$0x3FB5] =	sst s0  }
0x18: {  	s0 =	sld [smem:$0x3F98];
	_ =	swait.ge [sflag:s4], $0x0  }
0x19: {  	s7 =	sld [smem:$0x3F99]  }
0x1a: {  	s8 =	sadd.s32 $0xFFFFE003, lr  }
0x1b: {  	s9 =	sadd.s32 $0xFFFFFEF7, lr;
	s5 =	simm.s32 $0xFFFFFFFF;
	p2 =	slt.u32 s8, $0xFFFFF086  }
0x1c: {  	p1 =	slt.u32 s9, $0xF7A;
	s5 =	simm.s32 @!p2 $0x0  }
0x1d: {  	s5 =	simm.s32 @p1 $0x1;
	p0 =	seq.s32 s7, s2  }
0x1e: {  	s7 =	smul.u32 @!p0 $0xF7A, s2;
	p2 =	seq.s32 @!p0 s5, $0x0  }
0x1f: {  	s9 =	smul.u32 $0xF7A, s1;
	s8 =	simm.s32 @!p0 $0x1BF5;
	p2 =	por !p2, p0  }
0x20: {  	[sflag:s8] =	ssyncset.s32 @!p0 $0xFFFFF086;
	s6 =	sadd.s32 @!p0 s3, s7;
	s7 =	simm.s32 @!p0 $0x108  }
0x21: {  	s3 =	sadd.s32 s3, s9;
	s6 =	sadd.s32 @!p0 $0x88, s6;
	s7 =	simm.s32 @p2 $0x1082  }
0x22: {  	[simem:s7], [sflag:s8] =	dma.local @!p0 [hbm:s6], $0xF7A  }
0x23: {  	s9 =	sor.u32 $0xD0000000, s2;
	s6 =	simm.s32 $0x108;
	_ =	swait.ge @!p0 [sflag:s8], $0x0  }
0x24: {  	s3 =	sadd.s32 $0x88, s3;
	s6 =	simm.s32 @!p1 $0x1082;
	[sflag:s4] =	ssyncset.s32 $0xFFFFF086  }
0x25: {  	[simem:s6], [sflag:s4] =	dma.local [hbm:s3], $0xF7A  }
0x26: {  	[smem:$0x3F99] =	sst s1;
	(tag) =	ssettag s2;
	_ =	strace s9  }
0x27: {  	s1 =	sld [smem:$0x3FA9]  }
0x28: {  	s2 =	sld [smem:$0x3FAA]  }
0x29: {  	s4 =	sld [smem:$0x3FAC]  }
0x2a: {  	p0 =	seq.s32 s5, $0x0;
	s5 =	sld [smem:$0x3FAD]  }
0x2b: {  	s6 =	sld [smem:$0x3FAE]  }
0x2c: {  	s7 =	sld [smem:$0x3FAF]  }
0x2d: {  	s3 =	simm.s32 $0x108;
	s8 =	sld [smem:$0x3FB0]  }
0x2e: {  	s3 =	simm.s32 @!p0 $0x1082;
	s9 =	sld [smem:$0x3FB1]  }
0x2f: {  	lr =	sadd.s32 s0, s3;
	s0 =	sld [smem:$0x3FA8]  }
0x30: {  	s3 =	sld [smem:$0x3FAB]  }
0x31: {  	[smem:$0x3FB4] =	sst s10  }
0x32: {  	s10 =	sld [smem:$0x3FB2];
	_ =	sdelay $0x3  }
0x33: {  	p0 =	seq.s32 s10, $0x1;
	s10 =	sld [smem:$0x3FB4];
	_ =	sdelay $0x3  }
0x34: {  	[smem:$0x3FB4] =	sst s10  }
0x35: {  	s10 =	sld [smem:$0x3FB3];
	_ =	sdelay $0x3  }
0x36: {  	p1 =	seq.s32 s10, $0x1;
	s10 =	sld [smem:$0x3FB4];
	_ =	sdelay $0x3  }
0x37: {  	[smem:$0x3FB4] =	sst s10  }
0x38: {  	s10 =	sld [smem:$0x3FB5]  }
0x39: {  	_ = 	snop;
	(pc) =	sbr.ind lr, $3  }
0x3a: {  	_ = 	snop  }
0x3b: {  	_ = 	snop  }
0x3c: {  	p2 =	seq.s32 s10, $0x1;
	s10 =	sld [smem:$0x3FB4]  }
0x3d: {  	_ =	shalt  }
0x3e: {  	_ =	shalt  }
0x3f: {  	_ =	shalt  }
0x40: {  	_ =	shalt  }
0x41: {  	_ =	shalt  }
0x42: {  	_ =	shalt  }
0x43: {  	_ =	shalt  }
0x44: {  	_ =	shalt  }
0x45: {  	_ =	shalt  }
0x46: {  	_ =	shalt  }
0x47: {  	_ =	shalt  }
0x48: {  	_ =	shalt  }
0x49: {  	_ =	shalt  }
0x4a: {  	_ =	shalt  }
0x4b: {  	_ =	shalt  }
0x4c: {  	_ =	shalt  }
0x4d: {  	_ =	shalt  }
0x4e: {  	_ =	shalt  }
0x4f: {  	_ =	shalt  }
0x50: {  	_ =	shalt  }
0x51: {  	_ =	shalt  }
0x52: {  	_ =	shalt  }
0x53: {  	_ =	shalt  }
0x54: {  	_ =	shalt  }
0x55: {  	_ =	shalt  }
0x56: {  	_ =	shalt  }
0x57: {  	_ =	shalt  }
0x58: {  	_ =	shalt  }
0x59: {  	_ =	shalt  }
0x5a: {  	_ =	shalt  }
0x5b: {  	_ =	shalt  }
0x5c: {  	_ =	shalt  }
0x5d: {  	_ =	shalt  }
0x5e: {  	_ =	shalt  }
0x5f: {  	_ =	shalt  }
0x60: {  	_ =	shalt  }
0x61: {  	_ =	shalt  }
0x62: {  	_ =	shalt  }
0x63: {  	_ =	shalt  }
0x64: {  	_ =	shalt  }
0x65: {  	_ =	shalt  }
0x66: {  	_ =	shalt  }
0x67: {  	_ =	shalt  }
0x68: {  	_ =	shalt  }
0x69: {  	_ =	shalt  }
0x6a: {  	_ =	shalt  }
0x6b: {  	_ =	shalt  }
0x6c: {  	_ =	shalt  }
0x6d: {  	_ =	shalt  }
0x6e: {  	_ =	shalt  }
0x6f: {  	_ =	shalt  }
0x70: {  	_ =	shalt  }
0x71: {  	_ =	shalt  }
0x72: {  	_ =	shalt  }
0x73: {  	_ =	shalt  }
0x74: {  	_ =	shalt  }
0x75: {  	_ =	shalt  }
0x76: {  	_ =	shalt  }
0x77: {  	_ =	shalt  }
0x78: {  	_ =	shalt  }
0x79: {  	_ =	shalt  }
0x7a: {  	_ =	shalt  }
0x7b: {  	_ =	shalt  }
0x7c: {  	_ =	shalt  }
0x7d: {  	_ =	shalt  }
0x7e: {  	_ =	shalt  }
0x7f: {  	_ =	shalt  }
0x80: {  	_ =	shalt  }
0x81: {  	_ =	shalt  }
0x82: {  	_ =	shalt  }
0x83: {  	_ =	shalt  }
0x84: {  	_ =	shalt  }
0x85: {  	_ =	shalt  }
0x86: {  	_ =	shalt  }
0x87: {  	_ =	shalt  }
.Lfunc_end0:
.L_simem_size_0:
called_computation_lowered:
.L_overlay_start_0:
0x88: {  	s2 =	sld [smem:$0x3FD9]  }
0x89: {  	s3 =	sld [smem:$0x3FFE];
	_ =	sdelay $0x1  }
0x8a: {  	s1 =	srdreg.scid  }
0x8b: {  	s0 =	sand.u32 $0x1, s1  }
0x8c: {  	s17 =	sshll.u32 s0, $0xA;
	s2 =	sadd.s32 s3, s2  }
0x8d: {  	s2 =	sadd.s32 s2, s17  }
0x8e: {  	[smem:$0x3FC0] =	sst s2  }
0x8f: {  	_ = 	snop  }
0x90: {  	s2 =	sld [smem:$0x3FD0];
	(tm) =	ssettm $0x1  }
0x91: {  	s18 =	sld [smem:$0x3FFB];
	_ =	sdelay $0x3  }
0x92: {  	_ =	strace s18  }
0x93: {  	s3 =	sld [smem:$0x3FFC];
	_ =	sdelay $0x3  }
0x94: {  	_ =	strace s3  }
0x95: {  	s3 =	sld [smem:$0x3FFD];
	_ =	sdelay $0x3  }
0x96: {  	_ =	strace s3  }
0x97: {  	_ =	strace $0x8FFFFFFF  }
0x98: {  	s19 =	sld [smem:$0x3FDB];
	_ =	sdelay $0x1  }
0x99: {  	s4 =	simm.s32 $_scs_section_size  }
0x9a: {  	s5 =	simm.s32 $_size__tile_overlayer_lowered;
	s6 =	simm.s32 $_tile_overlayer_lowered  }
0x9b: {  	s22 =	simm.s32 $0x1BFF;
	s21 =	sshll.u32 s6, $0x1;
	s3 =	sadd.s32 s4, s19  }
0x9c: {  	s7 =	simm.s32 $0x0;
	s20 =	sshll.u32 s5, $0x1;
	s5 =	sadd.s32 s21, s3  }
0x9d: {  	[timem:s7], [sflag:s22] =	dma.local [hbm:s5], s20  }
0x9e: {  	_ =	swait.ge [sflag:s22], s20  }
0x9f: {  	s4 =	ssub.s32 $0x0, s20;
	[sflag:s22] =	ssyncset.done $0x0  }
0xa0: {  	[sflag:s22] =	ssyncadd.s32 s4;
	_ =	sdelay $0x1  }
0xa1: {  	s23 =	simm.s32 $0x1B8B  }
0xa2: {  	_ =	swait.ge [sflag:s23], $0x1  }
0xa3: {  	[sflag:s23] =	ssyncset.done $0x0  }
0xa4: {  	s25 =	simm.s32 $0x1B8E;
	s24 =	sld [smem:$0x3FFE];
	[sflag:s23] =	ssyncadd.s32 $0xFFFFFFFF  }
0xa5: {  	s26 =	simm.s32 $execute0_lowered;
	[smem:$0x3FD2] =	sst s25  }
0xa6: {  	s5 =	sshll.u32 s26, $0x1;
	_ =	strace $0x80000046;
	[dreg:$0x1] =	wrdreg $0xFFFFFFFF  }
0xa7: {  	s28 =	simm.s32 $_size_execute0_lowered;
	s3 =	sadd.s32 s3, s5;
	[dreg:$0x0] =	wrdreg $0x0  }
0xa8: {  	s5 =	sshll.u32 s28, $0x1;
	[dreg:$0x2] =	wrdreg s3  }
0xa9: {  	[dreg:$0x3] =	wrdreg s5  }
0xaa: {  	[dreg:$0x4] =	wrdreg $0xC0  }
0xab: {  	_ =	task [dreg:s7], $0x5FFFF  }
0xac: {  	[dreg:$0x1] =	wrdreg $0xFFFFFFFF  }
0xad: {  	[dreg:$0x0] =	wrdreg $0x60  }
0xae: {  	[dreg:$0x2] =	wrdreg s24  }
0xaf: {  	[dreg:$0x3] =	wrdreg s2  }
0xb0: {  	[dreg:$0x4] =	wrdreg $0x0  }
0xb1: {  	[dreg:$0x5] =	wrdreg $0x9  }
0xb2: {  	_ =	task.clear_ibuf [dreg:s7], $0x6FFFF;
	_ =	strace $0x90000046  }
0xb3: {  	s29 =	simm.s32 $0x9;
	_ =	strace $0x80000048  }
0xb4: {  	_ =	swait.ge [sflag:s29], $0x1  }
0xb5: {  	[sflag:s29] =	ssyncadd.s32 $0xFFFFFFFF  }
0xb6: {  	_ =	strace $0x90000048  }
0xb7: {  	_ =	sfence  }
0xb8: {  	s30 =	sld [smem:$0x0];
	_ =	sdelay $0x2  }
0xb9: {  	s31 =	sshll.u32 s1, $0xD;
	s1 =	sshrl.u32 s1, $0x2  }
0xba: {  	s3 =	sand.u32 $0x4000, s31;
	s1 =	sadd.s32 s1, s30  }
0xbb: {  	s0 =	sor.u32 s3, s0;
	s1 =	sshll.u32 s1, $0x11  }
0xbc: {  	s0 =	sor.u32 s1, s0  }
0xbd: {  	s0 =	sadd.s32 $0x8F2B, s0  }
0xbe: {  	[sflag:s0] =	ssyncadd.remote.s32 $0x1  }
0xbf: {  	_ =	sfence.sel $0xFFFF  }
0xc0: {  	[dreg:$0x0] =	wrdreg $0xFFFFFFFF;
	(pc) =	sbr.abs _section_cstart, $3  }
0xc1: {  	[dreg:$0x1] =	wrdreg $0xFFFFFFFF  }
0xc2: {  	_ =	task.clear_ibuf [dreg:s7], $0x2FFFF;
	_ =	strace $0x9FFFFFFF  }
0xc3: {  	(tm) =	ssettm $0x7FFFFFFF  }
tec
execute0_lowered:
.L_overlay_start_1:
0x0: {  	(tag) =	ssettag $0x1  }
0x1: {  	s4 =	rddreg [dreg:$0x0]  }
0x2: {  	s6 =	rddreg [dreg:$0x1]  }
0x3: {  	s2 =	rddreg [dreg:$0x2]  }
0x4: {  	s0 =	rddreg [dreg:$0x3]  }
0x5: {  	s3 =	simm.s32 $0x0;
	s1 =	stileid.u32;
	s5 =	srdreg.scid  }
0x6: {  	s11 =	simm.s32 $0x50;
	s12 =	simm.s32 $0x8280;
	s13 =	simm.s32 $0x1  }
0x7: {  	s14 =	simm.s32 $0x2;
	s15 =	simm.s32 $0x7F00;
	s18 =	simm.s32 $0x0  }
0x8: {  	[smem:$0x7FF] =	sst s3;
	s5 =	sand.u32 $0x1, s5;
	s7 =	smul.u32 $0x280, s1  }
0x9: {  	s8 =	sshll.u32 s1, $0xC;
	s16 =	sshll.u32 s1, $0x6;
	s9 =	ssub.s32 $0x2, s5  }
0xa: {  	s10 =	smul.u32 $0x2800, s5;
	_ =	strace $0x80000047;
	s8 =	sadd.s32 s8, s4  }
0xb: {  	s5 =	sshll.u32 s5, $0x10;
	s16 =	sor.u32 $0x1C03, s16;
	s30 =	sshrl.u32 s9, $0x1  }
0xc: {  	s4 =	sadd.s32 s7, s2;
	s5 =	sadd.s32 s5, s8;
	s8 =	simm.s32 $0x8300  }
0xd: {  	s9 =	ssub.s32 s9, s30;
	s10 =	sadd.s32 s7, s10;
	s5 =	sadd.s32 $0x2800, s5  }
0xe: {  	s17 =	sshrl.u32 s4, $0x3;
	s31 =	sshrl.u32 s10, $0x3;
	s7 =	smax.u32 s9, $0x1  }
0xf: {  	v0 =	vimm.f32 $1.000000000e+00;
	v1 =	vimm.f32 $0.0e+00;
	s9 =	simm.s32 $0x3;
	s10 =	simm.s32 $0x280;
	s6 =	sadd.s32 s6, s31  }
.LBB2_1:
0x10: {  	[tilespmem:$0x8280] =	vst v0  }
0x11: {  	[tilespmem:$0x8290] =	vst v0  }
0x12: {  	[tilespmem:$0x82A0] =	vst v0  }
0x13: {  	[tilespmem:$0x82B0] =	vst v0  }
0x14: {  	[tilespmem:$0x82C0] =	vst v0  }
0x15: {  	[tilespmem:$0x8300] =	vst v1  }
0x16: {  	[tilespmem:$0x8310] =	vst v1  }
0x17: {  	[tilespmem:$0x8320] =	vst v1  }
0x18: {  	[tilespmem:$0x8330] =	vst v1  }
0x19: {  	[tilespmem:$0x8340] =	vst v1  }
0x1a: {  	[tilespmem:$0x8350] =	vst v1  }
0x1b: {  	[tilespmem:$0x8360] =	vst v1  }
0x1c: {  	[tilespmem:$0x8370] =	vst v1  }
0x1d: {  	[tilespmem:$0x8380] =	vst v1  }
0x1e: {  	[tilespmem:$0x8390] =	vst v1  }
0x1f: {  	[tilespmem:$0x83A0] =	vst v1  }
0x20: {  	[tilespmem:$0x83B0] =	vst v1  }
0x21: {  	[tilespmem:$0x83C0] =	vst v1  }
0x22: {  	[tilespmem:$0x83D0] =	vst v1  }
0x23: {  	[tilespmem:$0x83E0] =	vst v1  }
0x24: {  	[tilespmem:$0x83F0] =	vst v1  }
0x25: {  	[tilespmem:$0x8400] =	vst v1  }
0x26: {  	[tilespmem:$0x8410] =	vst v1  }
0x27: {  	[tilespmem:$0x8420] =	vst v1  }
0x28: {  	[tilespmem:$0x8430] =	vst v1  }
0x29: {  	[tilespmem:$0x8440] =	vst v1  }
0x2a: {  	[tilespmem:$0x8450] =	vst v1  }
0x2b: {  	[tilespmem:$0x8460] =	vst v1  }
0x2c: {  	[tilespmem:$0x8470] =	vst v1  }
0x2d: {  	[tilespmem:$0x8480] =	vst v1  }
0x2e: {  	[tilespmem:$0x8490] =	vst v1  }
0x2f: {  	[tilespmem:$0x84A0] =	vst v1  }
0x30: {  	[tilespmem:$0x84B0] =	vst v1  }
0x31: {  	[tilespmem:$0x84C0] =	vst v1  }
0x32: {  	[tilespmem:$0x84D0] =	vst v1  }
0x33: {  	[tilespmem:$0x84E0] =	vst v1  }
0x34: {  	[tilespmem:$0x84F0] =	vst v1  }
0x35: {  	[tilespmem:$0x8500] =	vst v1  }
0x36: {  	[tilespmem:$0x8510] =	vst v1  }
0x37: {  	[tilespmem:$0x8520] =	vst v1  }
0x38: {  	[tilespmem:$0x8530] =	vst v1  }
0x39: {  	[tilespmem:$0x8540] =	vst v1  }
0x3a: {  	[tilespmem:$0x8550] =	vst v1  }
0x3b: {  	[tilespmem:$0x8560] =	vst v1  }
0x3c: {  	[tilespmem:$0x8570] =	vst v1  }
0x3d: {  	[spmem:s4] =	stream.linear.scatter [tilespmem:s8], [sflag:$0x3], $0x280, $0x38;
	[tilespmem:$0x8580] =	vst v63  }
0x3e: {  	_ =	swait.ge [sflag:s9], $0x280  }
0x3f: {  	[sflag:s9] =	ssyncset.done $0x0  }
0x40: {  	[sflag:s9] =	ssyncadd.s32 $0xFFFFFD80  }
0x41: {  	[bflag:$0x0] =	sbarrier.arrive $0xFFFF  }
0x42: {  	[tilespmem:s10], [sflag:$0x3] =	stream.linear.gather [hbm4b:s5+s3], $0x7D00, $0x38;
	[tilespmem:$0x8580] =	vst v63  }
0x43: {  	_ =	swait.ge [sflag:s9], $0x7D00  }
0x44: {  	[sflag:s9] =	ssyncset.done $0x0  }
0x45: {  	[sflag:s9] =	ssyncadd.s32 $0xFFFF8300  }
0x46: {  	[spmem:s2] =	stream.indirect.scatter.add.f32 [tilespmem:s12], [sflag:$0x1], $0x1, s10, s11, $0xb8;
	[tilespmem:$0x8580] =	vst v63  }
0x47: {  	s19 =	simm.s32 $0x300  }
0x48: {  	[spmem:s2] =	stream.indirect.scatter.add.f32 [tilespmem:s12], [sflag:$0x2], $0x1, s19, s11, $0xb8;
	[tilespmem:$0x8580] =	vst v63  }
0x49: {  	_ =	swait.ge [sflag:s13], $0x50  }
0x4a: {  	[sflag:s13] =	ssyncset.done $0x0  }
0x4b: {  	s31 =	simm.s32 $0x380;
	[sflag:s13] =	ssyncadd.s32 $0xFFFFFFB0  }
0x4c: {  	[spmem:s2] =	stream.indirect.scatter.add.f32 [tilespmem:s12], [sflag:$0x1], $0x1, s31, s11, $0xb8;
	[tilespmem:$0x8580] =	vst v63  }
0x4d: {  	_ =	swait.ge [sflag:s14], $0x50  }
0x4e: {  	s20 =	simm.s32 $0xFFFE1800;
	s19 =	simm.s32 $0xFFFF8500;
	[sflag:s14] =	ssyncset.done $0x0  }
.LBB2_2:
0x4f: {  	s21 =	sadd.s32 $0x7F00, s19  }
0x50: {  	[sflag:s14] =	ssyncadd.s32 $0xFFFFFFB0;
	s22 =	smov.u32 s20;
	s23 =	sadd.s32 $0x400, s20  }
0x51: {  	[spmem:s2] =	stream.indirect.scatter.add.f32 [tilespmem:s12], [sflag:$0x2], $0x1, s21, s11, $0xb8;
	[tilespmem:$0x8580] =	vst v63  }
0x52: {  	p0 =	sne.s32 s20, $0xFFFFFC00;
	_ =	swait.ge [sflag:s13], $0x50  }
.Ltmp0:
0x53: {  	[sflag:s13] =	ssyncset.done $0x0;
	(pc) =	sbr.rel @p0 .LBB2_2-.Ltmp0, $4  }
0x54: {  	s19 =	sadd.s32 $0x7F80, s19;
	[sflag:s13] =	ssyncadd.s32 $0xFFFFFFB0  }
0x55: {  	[spmem:s2] =	stream.indirect.scatter.add.f32 [tilespmem:s12], [sflag:$0x1], $0x1, s19, s11, $0xb8;
	[tilespmem:$0x8580] =	vst v63  }
0x56: {  	_ =	swait.ge [sflag:s14], $0x50  }
0x57: {  	s20 =	smov.u32 s23;
	s19 =	sshra.s32 s22, $0x2;
	[sflag:s14] =	ssyncset.done $0x0  }
0x58: {  	s20 =	sadd.s32 $0x7F00, s19;
	[sflag:s14] =	ssyncadd.s32 $0xFFFFFFB0  }
0x59: {  	[spmem:s2] =	stream.indirect.scatter.add.f32 [tilespmem:s12], [sflag:$0x2], $0x1, s20, s11, $0xb8;
	[tilespmem:$0x8580] =	vst v63  }
0x5a: {  	_ =	swait.ge [sflag:s13], $0x50  }
0x5b: {  	[sflag:s13] =	ssyncset.done $0x0  }
0x5c: {  	s31 =	sadd.s32 $0x7F80, s19;
	[sflag:s13] =	ssyncadd.s32 $0xFFFFFFB0  }
0x5d: {  	[spmem:s2] =	stream.indirect.scatter.add.f32 [tilespmem:s12], [sflag:$0x1], $0x1, s31, s11, $0xb8;
	[tilespmem:$0x8580] =	vst v63  }
0x5e: {  	_ =	swait.ge [sflag:s14], $0x50  }
0x5f: {  	[sflag:s14] =	ssyncset.done $0x0  }
0x60: {  	[sflag:s14] =	ssyncadd.s32 $0xFFFFFFB0  }
0x61: {  	[spmem:s2] =	stream.indirect.scatter.add.f32 [tilespmem:s12], [sflag:$0x2], $0x1, s15, s11, $0xb8;
	[tilespmem:$0x8580] =	vst v63  }
0x62: {  	_ =	swait.ge [sflag:s13], $0x50  }
0x63: {  	[sflag:s13] =	ssyncset.done $0x0  }
0x64: {  	[sflag:s13] =	ssyncadd.s32 $0xFFFFFFB0  }
0x65: {  	_ =	swait.ge [sflag:s14], $0x50  }
0x66: {  	s18 =	sadd.s32 $0x1, s18;
	[sflag:s14] =	ssyncset.done $0x0  }
0x67: {  	p0 =	sne.s32 s18, s7;
	[sflag:s14] =	ssyncadd.s32 $0xFFFFFFB0  }
.Ltmp1:
0x68: {  	[bflag:$0x0] =	sbarrier.arrive $0xFFFF;
	(pc) =	sbr.rel @p0 .LBB2_1-.Ltmp1, $4  }
0x69: {  	[hbm:s6], [sflag:s16] =	dma.local [spmem:s17], $0x50  }
0x6a: {  	_ =	swait.ge [sflag:s9], $0x50  }
0x6b: {  	[sflag:s9] =	ssyncset.done $0x0  }
0x6c: {  	[sflag:s9] =	ssyncadd.s32 $0xFFFFFFB0  }
0x6d: {  	_ =	sfence.sel $0x180000  }
0x6e: {  	[bflag:$0x0] =	sbarrier.arrive $0xFFFF  }
0x6f: {  	p0 =	sne.s32 s1, $0x0;
	_ =	strace $0x90000047  }
0x70: {  	s0 =	sadd.s32 @!p0 $0x100000, s0;
	[bflag:$0x2] =	sbarrier.arrive $0xFFFF  }
0x71: {  	[sflag:s0] =	ssyncadd.tile.s32 @!p0 $0x1;
	_ =	shalt  }
.Lfunc_end2:
_tile_overlayer_lowered:
.L_overlay_start_2:
0x72: {  	(tag) =	ssettag $0x2  }
0x73: {  	s0 =	rddreg [dreg:$0x0];
	s2 =	stileid.u32  }
0x74: {  	s1 =	rddreg [dreg:$0x1];
	p0 =	sne.s32 s2, $0x0  }
0x75: {  	s3 =	rddreg [dreg:$0x2];
	[bflag:$0x3] =	sbarrier.arrive $0xFFFF;
	s2 =	simm.s32 @!p0 $0x1C03  }
0x76: {  	[timem:s3], [sflag:s2] =	dma.local @!p0 [hbm:s0], s1  }
0x77: {  	s0 =	simm.s32 @!p0 $0x3  }
0x78: {  	_ =	swait.ge @!p0 [sflag:s0], s1  }
0x79: {  	s1 =	ssub.s32 @!p0 $0x0, s1;
	[sflag:s0] =	ssyncset.done @!p0 $0x0  }
0x7a: {  	[sflag:s0] =	ssyncadd.s32 @!p0 s1  }
0x7b: {  	[bflag:$0x3] =	sbarrier.arrive $0xFFFF  }
0x7c: {  	_ =	shalt  }

// kernel: kernel.13.cloned.1.call-start
scs
__scs_entry_jumppad:
0x0: {  	(pc) =	sbr.rel $0x88, $3  }
0x1: {  	(tag) =	ssettag $0x0;
	lr =	simm.s32 $0x1  }
0x2: {  	[smem:$0x3F99] =	sst lr;
	_ =	strace $0xD0000000  }
0x3: {  	_ = 	snop  }
0x4: {  	_ = 	snop  }
0x5: {  	_ = 	snop  }
0x6: {  	_ = 	snop  }
0x7: {  	_ = 	snop  }
__scs_overlays_trampoline_lowered:
0x8: {  	[smem:$0x3FA8] =	sst s0  }
0x9: {  	[smem:$0x3FA9] =	sst s1  }
0xa: {  	[smem:$0x3FAA] =	sst s2  }
0xb: {  	[smem:$0x3FAB] =	sst s3  }
0xc: {  	[smem:$0x3FAC] =	sst s4  }
0xd: {  	[smem:$0x3FAD] =	sst s5  }
0xe: {  	[smem:$0x3FAE] =	sst s6  }
0xf: {  	[smem:$0x3FAF] =	sst s7  }
0x10: {  	[smem:$0x3FB0] =	sst s8  }
0x11: {  	[smem:$0x3FB1] =	sst s9;
	s0 =	simm.s32 @!p0 $0x0  }
0x12: {  	s1 =	sld [smem:$0x3F97];
	s0 =	simm.s32 @p0 $0x1  }
0x13: {  	[smem:$0x3FB2] =	sst s0;
	s0 =	simm.s32 @!p1 $0x0  }
0x14: {  	s2 =	sld [smem:$0x3F96];
	s0 =	simm.s32 @p1 $0x1  }
0x15: {  	[smem:$0x3FB3] =	sst s0;
	s0 =	simm.s32 @!p2 $0x0  }
0x16: {  	s3 =	sld [smem:$0x3FDB];
	s0 =	simm.s32 @p2 $0x1  }
0x17: {  	s4 =	simm.s32 $0x1BF5;
	[smem:$0x3FB5] =	sst s0  }
0x18: {  	s0 =	sld [smem:$0x3F98];
	_ =	swait.ge [sflag:s4], $0x0  }
0x19: {  	s7 =	sld [smem:$0x3F99]  }
0x1a: {  	s8 =	sadd.s32 $0xFFFFE003, lr  }
0x1b: {  	s9 =	sadd.s32 $0xFFFFFEF7, lr;
	s5 =	simm.s32 $0xFFFFFFFF;
	p2 =	slt.u32 s8, $0xFFFFF086  }
0x1c: {  	p1 =	slt.u32 s9, $0xF7A;
	s5 =	simm.s32 @!p2 $0x0  }
0x1d: {  	s5 =	simm.s32 @p1 $0x1;
	p0 =	seq.s32 s7, s2  }
0x1e: {  	s7 =	smul.u32 @!p0 $0xF7A, s2;
	p2 =	seq.s32 @!p0 s5, $0x0  }
0x1f: {  	s9 =	smul.u32 $0xF7A, s1;
	s8 =	simm.s32 @!p0 $0x1BF5;
	p2 =	por !p2, p0  }
0x20: {  	[sflag:s8] =	ssyncset.s32 @!p0 $0xFFFFF086;
	s6 =	sadd.s32 @!p0 s3, s7;
	s7 =	simm.s32 @!p0 $0x108  }
0x21: {  	s3 =	sadd.s32 s3, s9;
	s6 =	sadd.s32 @!p0 $0x88, s6;
	s7 =	simm.s32 @p2 $0x1082  }
0x22: {  	[simem:s7], [sflag:s8] =	dma.local @!p0 [hbm:s6], $0xF7A  }
0x23: {  	s9 =	sor.u32 $0xD0000000, s2;
	s6 =	simm.s32 $0x108;
	_ =	swait.ge @!p0 [sflag:s8], $0x0  }
0x24: {  	s3 =	sadd.s32 $0x88, s3;
	s6 =	simm.s32 @!p1 $0x1082;
	[sflag:s4] =	ssyncset.s32 $0xFFFFF086  }
0x25: {  	[simem:s6], [sflag:s4] =	dma.local [hbm:s3], $0xF7A  }
0x26: {  	[smem:$0x3F99] =	sst s1;
	(tag) =	ssettag s2;
	_ =	strace s9  }
0x27: {  	s1 =	sld [smem:$0x3FA9]  }
0x28: {  	s2 =	sld [smem:$0x3FAA]  }
0x29: {  	s4 =	sld [smem:$0x3FAC]  }
0x2a: {  	p0 =	seq.s32 s5, $0x0;
	s5 =	sld [smem:$0x3FAD]  }
0x2b: {  	s6 =	sld [smem:$0x3FAE]  }
0x2c: {  	s7 =	sld [smem:$0x3FAF]  }
0x2d: {  	s3 =	simm.s32 $0x108;
	s8 =	sld [smem:$0x3FB0]  }
0x2e: {  	s3 =	simm.s32 @!p0 $0x1082;
	s9 =	sld [smem:$0x3FB1]  }
0x2f: {  	lr =	sadd.s32 s0, s3;
	s0 =	sld [smem:$0x3FA8]  }
0x30: {  	s3 =	sld [smem:$0x3FAB]  }
0x31: {  	[smem:$0x3FB4] =	sst s10  }
0x32: {  	s10 =	sld [smem:$0x3FB2];
	_ =	sdelay $0x3  }
0x33: {  	p0 =	seq.s32 s10, $0x1;
	s10 =	sld [smem:$0x3FB4];
	_ =	sdelay $0x3  }
0x34: {  	[smem:$0x3FB4] =	sst s10  }
0x35: {  	s10 =	sld [smem:$0x3FB3];
	_ =	sdelay $0x3  }
0x36: {  	p1 =	seq.s32 s10, $0x1;
	s10 =	sld [smem:$0x3FB4];
	_ =	sdelay $0x3  }
0x37: {  	[smem:$0x3FB4] =	sst s10  }
0x38: {  	s10 =	sld [smem:$0x3FB5]  }
0x39: {  	_ = 	snop;
	(pc) =	sbr.ind lr, $3  }
0x3a: {  	_ = 	snop  }
0x3b: {  	_ = 	snop  }
0x3c: {  	p2 =	seq.s32 s10, $0x1;
	s10 =	sld [smem:$0x3FB4]  }
0x3d: {  	_ =	shalt  }
0x3e: {  	_ =	shalt  }
0x3f: {  	_ =	shalt  }
0x40: {  	_ =	shalt  }
0x41: {  	_ =	shalt  }
0x42: {  	_ =	shalt  }
0x43: {  	_ =	shalt  }
0x44: {  	_ =	shalt  }
0x45: {  	_ =	shalt  }
0x46: {  	_ =	shalt  }
0x47: {  	_ =	shalt  }
0x48: {  	_ =	shalt  }
0x49: {  	_ =	shalt  }
0x4a: {  	_ =	shalt  }
0x4b: {  	_ =	shalt  }
0x4c: {  	_ =	shalt  }
0x4d: {  	_ =	shalt  }
0x4e: {  	_ =	shalt  }
0x4f: {  	_ =	shalt  }
0x50: {  	_ =	shalt  }
0x51: {  	_ =	shalt  }
0x52: {  	_ =	shalt  }
0x53: {  	_ =	shalt  }
0x54: {  	_ =	shalt  }
0x55: {  	_ =	shalt  }
0x56: {  	_ =	shalt  }
0x57: {  	_ =	shalt  }
0x58: {  	_ =	shalt  }
0x59: {  	_ =	shalt  }
0x5a: {  	_ =	shalt  }
0x5b: {  	_ =	shalt  }
0x5c: {  	_ =	shalt  }
0x5d: {  	_ =	shalt  }
0x5e: {  	_ =	shalt  }
0x5f: {  	_ =	shalt  }
0x60: {  	_ =	shalt  }
0x61: {  	_ =	shalt  }
0x62: {  	_ =	shalt  }
0x63: {  	_ =	shalt  }
0x64: {  	_ =	shalt  }
0x65: {  	_ =	shalt  }
0x66: {  	_ =	shalt  }
0x67: {  	_ =	shalt  }
0x68: {  	_ =	shalt  }
0x69: {  	_ =	shalt  }
0x6a: {  	_ =	shalt  }
0x6b: {  	_ =	shalt  }
0x6c: {  	_ =	shalt  }
0x6d: {  	_ =	shalt  }
0x6e: {  	_ =	shalt  }
0x6f: {  	_ =	shalt  }
0x70: {  	_ =	shalt  }
0x71: {  	_ =	shalt  }
0x72: {  	_ =	shalt  }
0x73: {  	_ =	shalt  }
0x74: {  	_ =	shalt  }
0x75: {  	_ =	shalt  }
0x76: {  	_ =	shalt  }
0x77: {  	_ =	shalt  }
0x78: {  	_ =	shalt  }
0x79: {  	_ =	shalt  }
0x7a: {  	_ =	shalt  }
0x7b: {  	_ =	shalt  }
0x7c: {  	_ =	shalt  }
0x7d: {  	_ =	shalt  }
0x7e: {  	_ =	shalt  }
0x7f: {  	_ =	shalt  }
0x80: {  	_ =	shalt  }
0x81: {  	_ =	shalt  }
0x82: {  	_ =	shalt  }
0x83: {  	_ =	shalt  }
0x84: {  	_ =	shalt  }
0x85: {  	_ =	shalt  }
0x86: {  	_ =	shalt  }
0x87: {  	_ =	shalt  }
.Lfunc_end0:
.L_simem_size_0:
called_computation.1_lowered:
.L_overlay_start_0:
0x88: {  	s2 =	sld [smem:$0x3FD9]  }
0x89: {  	s3 =	sld [smem:$0x3FFE];
	_ =	sdelay $0x1  }
0x8a: {  	s1 =	srdreg.scid  }
0x8b: {  	s0 =	sand.u32 $0x1, s1  }
0x8c: {  	s16 =	sshll.u32 s0, $0xA;
	s2 =	sadd.s32 s3, s2  }
0x8d: {  	s2 =	sadd.s32 s2, s16  }
0x8e: {  	[smem:$0x3FC0] =	sst s2  }
0x8f: {  	_ = 	snop  }
0x90: {  	(tm) =	ssettm $0x1  }
0x91: {  	s17 =	sld [smem:$0x3FFB];
	_ =	sdelay $0x3  }
0x92: {  	_ =	strace s17  }
0x93: {  	s2 =	sld [smem:$0x3FFC];
	_ =	sdelay $0x3  }
0x94: {  	_ =	strace s2  }
0x95: {  	s2 =	sld [smem:$0x3FFD];
	_ =	sdelay $0x3  }
0x96: {  	_ =	strace s2  }
0x97: {  	_ =	strace $0x8FFFFFFF  }
0x98: {  	s18 =	sld [smem:$0x3FDB];
	_ =	sdelay $0x1  }
0x99: {  	s19 =	simm.s32 $_scs_section_size  }
0x9a: {  	s4 =	simm.s32 $_size__tile_overlayer_lowered;
	s5 =	simm.s32 $_tile_overlayer_lowered  }
0x9b: {  	s22 =	simm.s32 $0x1BFF;
	s21 =	sshll.u32 s5, $0x1;
	s2 =	sadd.s32 s19, s18  }
0x9c: {  	s6 =	simm.s32 $0x0;
	s20 =	sshll.u32 s4, $0x1;
	s4 =	sadd.s32 s21, s2  }
0x9d: {  	[timem:s6], [sflag:s22] =	dma.local [hbm:s4], s20  }
0x9e: {  	_ =	swait.ge [sflag:s22], s20  }
0x9f: {  	s3 =	ssub.s32 $0x0, s20;
	[sflag:s22] =	ssyncset.done $0x0  }
0xa0: {  	[sflag:s22] =	ssyncadd.s32 s3;
	_ =	sdelay $0x1  }
0xa1: {  	s23 =	simm.s32 $0x1B8B  }
0xa2: {  	_ =	swait.ge [sflag:s23], $0x1  }
0xa3: {  	[sflag:s23] =	ssyncset.done $0x0  }
0xa4: {  	s25 =	simm.s32 $0x1B8E;
	s24 =	sld [smem:$0x3FFE];
	[sflag:s23] =	ssyncadd.s32 $0xFFFFFFFF  }
0xa5: {  	s26 =	simm.s32 $execute0_lowered;
	[smem:$0x3FD2] =	sst s25  }
0xa6: {  	s4 =	sshll.u32 s26, $0x1;
	_ =	strace $0x80000049;
	[dreg:$0x1] =	wrdreg $0xFFFFFFFF  }
0xa7: {  	s28 =	simm.s32 $_size_execute0_lowered;
	s2 =	sadd.s32 s2, s4;
	[dreg:$0x0] =	wrdreg $0x0  }
0xa8: {  	s4 =	sshll.u32 s28, $0x1;
	[dreg:$0x2] =	wrdreg s2  }
0xa9: {  	[dreg:$0x3] =	wrdreg s4  }
0xaa: {  	[dreg:$0x4] =	wrdreg $0xC0  }
0xab: {  	_ =	task [dreg:s6], $0x5FFFF  }
0xac: {  	[dreg:$0x1] =	wrdreg $0xFFFFFFFF  }
0xad: {  	[dreg:$0x0] =	wrdreg $0x60  }
0xae: {  	[dreg:$0x2] =	wrdreg s24  }
0xaf: {  	[dreg:$0x3] =	wrdreg $0x0  }
0xb0: {  	[dreg:$0x4] =	wrdreg $0x9  }
0xb1: {  	_ =	task.clear_ibuf [dreg:s6], $0x5FFFF;
	_ =	strace $0x90000049  }
0xb2: {  	s29 =	simm.s32 $0x9;
	_ =	strace $0x8000004B  }
0xb3: {  	_ =	swait.ge [sflag:s29], $0x1  }
0xb4: {  	[sflag:s29] =	ssyncadd.s32 $0xFFFFFFFF  }
0xb5: {  	_ =	strace $0x9000004B  }
0xb6: {  	_ =	sfence  }
0xb7: {  	s30 =	sld [smem:$0x0];
	_ =	sdelay $0x2  }
0xb8: {  	s31 =	sshll.u32 s1, $0xD;
	s1 =	sshrl.u32 s1, $0x2  }
0xb9: {  	s3 =	sand.u32 $0x4000, s31;
	s1 =	sadd.s32 s1, s30  }
0xba: {  	s0 =	sor.u32 s3, s0;
	s1 =	sshll.u32 s1, $0x11  }
0xbb: {  	s0 =	sor.u32 s1, s0  }
0xbc: {  	s0 =	sadd.s32 $0x8F2B, s0  }
0xbd: {  	[sflag:s0] =	ssyncadd.remote.s32 $0x1  }
0xbe: {  	_ =	sfence.sel $0xFFFF  }
0xbf: {  	[dreg:$0x0] =	wrdreg $0xFFFFFFFF;
	(pc) =	sbr.abs _section_cstart, $3  }
0xc0: {  	[dreg:$0x1] =	wrdreg $0xFFFFFFFF  }
0xc1: {  	_ =	task.clear_ibuf [dreg:s6], $0x2FFFF;
	_ =	strace $0x9FFFFFFF  }
0xc2: {  	(tm) =	ssettm $0x7FFFFFFF  }
0xc3: {  	_ =	shalt  }
tec
execute0_lowered:
.L_overlay_start_1:
0x0: {  	(tag) =	ssettag $0x1  }
0x1: {  	s0 =	rddreg [dreg:$0x0]  }
0x2: {  	s1 =	rddreg [dreg:$0x1]  }
0x3: {  	s2 =	srdreg.scid;
	s3 =	simm.s32 $0x0;
	s11 =	stileid.u32  }
0x4: {  	s2 =	sand.u32 $0x1, s2;
	[smem:$0x7FF] =	sst s3;
	s6 =	smul.u32 $0x14000, s11  }
0x5: {  	s4 =	sadd.s32 $0x36800, s0;
	s10 =	smul.u32 $0x50000, s11;
	s7 =	sshll.u32 s2, $0x4  }
0x6: {  	s8 =	sadd.s32 $0x22800, s0;
	s5 =	smul.u32 $0x140000, s2;
	s7 =	sor.u32 s11, s7  }
0x7: {  	_ =	strace $0x8000004A;
	s9 =	ssub.s32 $0x2, s2;
	s21 =	smul.u32 $0xA00, s7  }
0x8: {  	s22 =	sshrl.u32 s9, $0x1;
	s26 =	sshrl.u32 s10, $0x2;
	s5 =	sadd.s32 s6, s5  }
0x9: {  	s7 =	smul.u32 $0x5000, s7;
	s5 =	sshrl.u32 s5, $0x3;
	s23 =	sadd.s32 s8, s21  }
0xa: {  	s0 =	sadd.s32 s5, s0;
	s25 =	sadd.s32 $0x20, s23;
	[dreg:$0x3] =	wrdreg s23  }
0xb: {  	s5 =	ssub.s32 s9, s22;
	s9 =	sadd.s32 $0x40, s23;
	[dreg:$0x4] =	wrdreg s25  }
0xc: {  	s24 =	sshrl.u32 s7, $0x3;
	s0 =	sadd.s32 $0x5E800, s0;
	[dreg:$0x5] =	wrdreg s9  }
0xd: {  	s6 =	sadd.s32 s8, s24;
	s10 =	smax.u32 s5, $0x1;
	[dreg:$0x7] =	wrdreg s0  }
0xe: {  	s6 =	sadd.s32 $0x9E0, s6;
	s9 =	sadd.s32 s26, s1;
	[dreg:$0x8] =	wrdreg s10  }
0xf: {  	s31 =	simm.s32 $0x14000;
	[dreg:$0x6] =	wrdreg s6;
	s12 =	sadd.s32 $0x1400, s9  }
0x10: {  	s18 =	smul.u32 $0x50, s11;
	s13 =	sadd.s32 $0x2800, s9;
	[dreg:$0x9] =	wrdreg s12  }
0x11: {  	s15 =	smul.u32 $0x500, s2;
	s14 =	sadd.s32 $0x3C00, s9;
	[dreg:$0xa] =	wrdreg s13  }
0x12: {  	s2 =	simm.s32 $0x1C000;
	s16 =	sadd.s32 $0x5000, s9;
	[dreg:$0xb] =	wrdreg s14  }
0x13: {  	s11 =	simm.s32 $0x1;
	s17 =	sadd.s32 $0x6400, s9;
	[dreg:$0xc] =	wrdreg s16  }
0x14: {  	s7 =	simm.s32 $0x1C100;
	s19 =	sadd.s32 $0x7800, s9;
	[dreg:$0xd] =	wrdreg s17  }
0x15: {  	s0 =	sadd.s32 s18, s15;
	s20 =	sadd.s32 $0x8C00, s9;
	[dreg:$0xe] =	wrdreg s19  }
0x16: {  	s10 =	simm.s32 $0x18000;
	s21 =	sadd.s32 $0xA000, s9;
	[dreg:$0xf] =	wrdreg s20  }
0x17: {  	s15 =	simm.s32 $0x2;
	s22 =	sadd.s32 $0xB400, s9;
	[dreg:$0x10] =	wrdreg s21  }
0x18: {  	s18 =	simm.s32 $0x4;
	s23 =	sadd.s32 $0xC800, s9;
	[dreg:$0x11] =	wrdreg s22  }
0x19: {  	s24 =	sadd.s32 $0xDC00, s9;
	s25 =	sadd.s32 $0xF000, s9;
	[dreg:$0x12] =	wrdreg s23  }
0x1a: {  	s0 =	sshll.u32 s0, $0x5;
	s26 =	sadd.s32 $0x10400, s9;
	[dreg:$0x13] =	wrdreg s24  }
0x1b: {  	s28 =	sadd.s32 $0x12C00, s9;
	s6 =	simm.s32 $0x7D;
	[dreg:$0x14] =	wrdreg s25  }
0x1c: {  	s24 =	sadd.s32 s0, s8;
	[dreg:$0x15] =	wrdreg s26;
	s26 =	sadd.s32 $0x11800, s9  }
0x1d: {  	s0 =	simm.s32 $0x6;
	s8 =	simm.s32 $0x5;
	s12 =	simm.s32 $0x1C080  }
0x1e: {  	s13 =	simm.s32 $0x1C200;
	s14 =	simm.s32 $0x3;
	s16 =	simm.s32 $0x1C180  }
0x1f: {  	s17 =	simm.s32 $0x1C300;
	s19 =	simm.s32 $0x1C280;
	s20 =	simm.s32 $0x1C380  }
0x20: {  	v0 =	vimm.f32 $0.0e+00;
	s21 =	simm.s32 $0x0;
	s29 =	sadd.s32 $0xC0, s24;
	s30 =	sadd.s32 $0x80, s24  }
.LBB2_1:
0x21: {  	s5 =	sand.u32 $0x7E00, s3  }
0x22: {  	s22 =	sand.u32 $0x70, s3;
	s23 =	sshrl.u32 s5, $0x2  }
0x23: {  	s5 =	simm.s32 $0x40;
	s23 =	sor.u32 s22, s23;
	s22 =	simm.s32 $0x0  }
.LBB2_2:
0x24: {  	p0 =	sne.s32 s5, $0x4FC0  }
0x25: {  	[tilespmem:s23+$0x14000] =	vst v0;
	s22 =	sadd.s32 $0x10, s22;
	s23 =	smov.u32 s5;
	s5 =	sadd.s32 $0x40, s5  }
.Ltmp0:
0x26: {  	(pc) =	sbr.rel @p0 .LBB2_2-.Ltmp0, $4  }
0x27: {  	_ = 	snop  }
0x28: {  	s23 =	sand.u32 $0x7E00, s23  }
0x29: {  	s25 =	sand.u32 $0x70, s22;
	s23 =	sshrl.u32 s23, $0x2  }
0x2a: {  	s23 =	sor.u32 s25, s23  }
0x2b: {  	[tilespmem:s23+$0x14000] =	vst v0  }
0x2c: {  	[spmem:s9] =	stream.linear.scatter [tilespmem:s31], [sflag:$0x6], $0x1400, $0x38;
	[tilespmem:$0x1C400] =	vst v63  }
0x2d: {  	_ =	swait.ge [sflag:s0], $0x1400  }
0x2e: {  	[sflag:s0] =	ssyncset.done $0x0  }
0x2f: {  	s5 =	rddreg [dreg:$0x9];
	[sflag:s0] =	ssyncadd.s32 $0xFFFFEC00  }
0x30: {  	[spmem:s5] =	stream.linear.scatter [tilespmem:s31], [sflag:$0x6], $0x1400, $0x38;
	[tilespmem:$0x1C400] =	vst v63  }
0x31: {  	_ =	swait.ge [sflag:s0], $0x1400  }
0x32: {  	[sflag:s0] =	ssyncset.done $0x0  }
0x33: {  	s23 =	rddreg [dreg:$0xa];
	[sflag:s0] =	ssyncadd.s32 $0xFFFFEC00  }
0x34: {  	[spmem:s23] =	stream.linear.scatter [tilespmem:s31], [sflag:$0x6], $0x1400, $0x38;
	[tilespmem:$0x1C400] =	vst v63  }
0x35: {  	_ =	swait.ge [sflag:s0], $0x1400  }
0x36: {  	[sflag:s0] =	ssyncset.done $0x0  }
0x37: {  	s25 =	rddreg [dreg:$0xb];
	[sflag:s0] =	ssyncadd.s32 $0xFFFFEC00  }
0x38: {  	[spmem:s25] =	stream.linear.scatter [tilespmem:s31], [sflag:$0x6], $0x1400, $0x38;
	[tilespmem:$0x1C400] =	vst v63  }
0x39: {  	_ =	swait.ge [sflag:s0], $0x1400  }
0x3a: {  	[sflag:s0] =	ssyncset.done $0x0  }
0x3b: {  	s22 =	rddreg [dreg:$0xc];
	[sflag:s0] =	ssyncadd.s32 $0xFFFFEC00  }
0x3c: {  	[spmem:s22] =	stream.linear.scatter [tilespmem:s31], [sflag:$0x6], $0x1400, $0x38;
	[tilespmem:$0x1C400] =	vst v63  }
0x3d: {  	_ =	swait.ge [sflag:s0], $0x1400  }
0x3e: {  	[sflag:s0] =	ssyncset.done $0x0  }
0x3f: {  	s23 =	rddreg [dreg:$0xd];
	[sflag:s0] =	ssyncadd.s32 $0xFFFFEC00  }
0x40: {  	[spmem:s23] =	stream.linear.scatter [tilespmem:s31], [sflag:$0x6], $0x1400, $0x38;
	[tilespmem:$0x1C400] =	vst v63  }
0x41: {  	_ =	swait.ge [sflag:s0], $0x1400  }
0x42: {  	[sflag:s0] =	ssyncset.done $0x0  }
0x43: {  	s25 =	rddreg [dreg:$0xe];
	[sflag:s0] =	ssyncadd.s32 $0xFFFFEC00  }
0x44: {  	[spmem:s25] =	stream.linear.scatter [tilespmem:s31], [sflag:$0x6], $0x1400, $0x38;
	[tilespmem:$0x1C400] =	vst v63  }
0x45: {  	_ =	swait.ge [sflag:s0], $0x1400  }
0x46: {  	[sflag:s0] =	ssyncset.done $0x0  }
0x47: {  	s22 =	rddreg [dreg:$0xf];
	[sflag:s0] =	ssyncadd.s32 $0xFFFFEC00  }
0x48: {  	[spmem:s22] =	stream.linear.scatter [tilespmem:s31], [sflag:$0x6], $0x1400, $0x38;
	[tilespmem:$0x1C400] =	vst v63  }
0x49: {  	_ =	swait.ge [sflag:s0], $0x1400  }
0x4a: {  	[sflag:s0] =	ssyncset.done $0x0  }
0x4b: {  	s23 =	rddreg [dreg:$0x10];
	[sflag:s0] =	ssyncadd.s32 $0xFFFFEC00  }
0x4c: {  	[spmem:s23] =	stream.linear.scatter [tilespmem:s31], [sflag:$0x6], $0x1400, $0x38;
	[tilespmem:$0x1C400] =	vst v63  }
0x4d: {  	_ =	swait.ge [sflag:s0], $0x1400  }
0x4e: {  	[sflag:s0] =	ssyncset.done $0x0  }
0x4f: {  	s25 =	rddreg [dreg:$0x11];
	[sflag:s0] =	ssyncadd.s32 $0xFFFFEC00  }
0x50: {  	[spmem:s25] =	stream.linear.scatter [tilespmem:s31], [sflag:$0x6], $0x1400, $0x38;
	[tilespmem:$0x1C400] =	vst v63  }
0x51: {  	_ =	swait.ge [sflag:s0], $0x1400  }
0x52: {  	[sflag:s0] =	ssyncset.done $0x0  }
0x53: {  	s22 =	rddreg [dreg:$0x12];
	[sflag:s0] =	ssyncadd.s32 $0xFFFFEC00  }
0x54: {  	[spmem:s22] =	stream.linear.scatter [tilespmem:s31], [sflag:$0x6], $0x1400, $0x38;
	[tilespmem:$0x1C400] =	vst v63  }
0x55: {  	_ =	swait.ge [sflag:s0], $0x1400  }
0x56: {  	[sflag:s0] =	ssyncset.done $0x0  }
0x57: {  	s23 =	rddreg [dreg:$0x13];
	[sflag:s0] =	ssyncadd.s32 $0xFFFFEC00  }
0x58: {  	[spmem:s23] =	stream.linear.scatter [tilespmem:s31], [sflag:$0x6], $0x1400, $0x38;
	[tilespmem:$0x1C400] =	vst v63  }
0x59: {  	_ =	swait.ge [sflag:s0], $0x1400  }
0x5a: {  	[sflag:s0] =	ssyncset.done $0x0  }
0x5b: {  	s25 =	rddreg [dreg:$0x14];
	[sflag:s0] =	ssyncadd.s32 $0xFFFFEC00  }
0x5c: {  	[spmem:s25] =	stream.linear.scatter [tilespmem:s31], [sflag:$0x6], $0x1400, $0x38;
	[tilespmem:$0x1C400] =	vst v63  }
0x5d: {  	_ =	swait.ge [sflag:s0], $0x1400  }
0x5e: {  	[sflag:s0] =	ssyncset.done $0x0  }
0x5f: {  	s22 =	rddreg [dreg:$0x15];
	[sflag:s0] =	ssyncadd.s32 $0xFFFFEC00  }
0x60: {  	[spmem:s22] =	stream.linear.scatter [tilespmem:s31], [sflag:$0x6], $0x1400, $0x38;
	[tilespmem:$0x1C400] =	vst v63  }
0x61: {  	_ =	swait.ge [sflag:s0], $0x1400  }
0x62: {  	[sflag:s0] =	ssyncset.done $0x0  }
0x63: {  	[sflag:s0] =	ssyncadd.s32 $0xFFFFEC00  }
0x64: {  	[spmem:s26] =	stream.linear.scatter [tilespmem:s31], [sflag:$0x6], $0x1400, $0x38;
	[tilespmem:$0x1C400] =	vst v63  }
0x65: {  	_ =	swait.ge [sflag:s0], $0x1400  }
0x66: {  	[sflag:s0] =	ssyncset.done $0x0  }
0x67: {  	[sflag:s0] =	ssyncadd.s32 $0xFFFFEC00  }
0x68: {  	[spmem:s28] =	stream.linear.scatter [tilespmem:s31], [sflag:$0x6], $0x1400, $0x38;
	[tilespmem:$0x1C400] =	vst v63  }
0x69: {  	_ =	swait.ge [sflag:s0], $0x1400  }
0x6a: {  	[sflag:s0] =	ssyncset.done $0x0  }
0x6b: {  	[sflag:s0] =	ssyncadd.s32 $0xFFFFEC00  }
0x6c: {  	[bflag:$0x0] =	sbarrier.arrive $0xFFFF  }
0x6d: {  	s5 =	simm.s32 $0x0;
	s22 =	rddreg [dreg:$0x3]  }
0x6e: {  	[tilespmem:s2], [sflag:$0x6] =	stream.linear.gather [hbm4b:s22+s5], $0x100, $0x38;
	[tilespmem:$0x1C400] =	vst v63  }
0x6f: {  	_ =	swait.ge [sflag:s0], $0x100  }
0x70: {  	[sflag:s0] =	ssyncset.done $0x0  }
0x71: {  	[sflag:s0] =	ssyncadd.s32 $0xFFFFFF00  }
0x72: {  	[tilespmem:s31], [sflag:$0x1] =	stream.indirect.gather [hbm4b:s4+s6], $0x80, s2, s6, $0xb8;
	[tilespmem:$0x1C400] =	vst v63  }
0x73: {  	s23 =	rddreg [dreg:$0x4]  }
0x74: {  	[tilespmem:s7], [sflag:$0x5] =	stream.linear.gather [hbm4b:s23+s5], $0x100, $0x38;
	[tilespmem:$0x1C400] =	vst v63  }
0x75: {  	_ =	swait.ge [sflag:s8], $0x100  }
0x76: {  	[sflag:s8] =	ssyncset.done $0x0  }
0x77: {  	[sflag:s8] =	ssyncadd.s32 $0xFFFFFF00  }
0x78: {  	[tilespmem:s10], [sflag:$0x2] =	stream.indirect.gather [hbm4b:s4+s6], $0x80, s7, s6, $0xb8;
	[tilespmem:$0x1C400] =	vst v63  }
0x79: {  	_ =	swait.ge [sflag:s11], $0x3E80  }
0x7a: {  	[sflag:s11] =	ssyncset.done $0x0  }
0x7b: {  	[sflag:s11] =	ssyncadd.s32 $0xFFFFC180  }
0x7c: {  	[spmem:s1] =	stream.indirect.scatter.add.f32 [tilespmem:s31], [sflag:$0x3], $0x80, s12, s6, $0xb8;
	[tilespmem:$0x1C400] =	vst v63  }
0x7d: {  	s25 =	rddreg [dreg:$0x5]  }
0x7e: {  	[tilespmem:s13], [sflag:$0x5] =	stream.linear.gather [hbm4b:s25+s5], $0x100, $0x38;
	[tilespmem:$0x1C400] =	vst v63  }
0x7f: {  	_ =	swait.ge [sflag:s8], $0x100  }
0x80: {  	[sflag:s8] =	ssyncset.done $0x0  }
0x81: {  	[sflag:s8] =	ssyncadd.s32 $0xFFFFFF00  }
0x82: {  	_ =	swait.ge [sflag:s14], $0x3E80  }
0x83: {  	[sflag:s14] =	ssyncset.done $0x0  }
0x84: {  	[sflag:s14] =	ssyncadd.s32 $0xFFFFC180  }
0x85: {  	[tilespmem:s31], [sflag:$0x1] =	stream.indirect.gather [hbm4b:s4+s6], $0x80, s13, s6, $0xb8;
	[tilespmem:$0x1C400] =	vst v63  }
0x86: {  	_ =	swait.ge [sflag:s15], $0x3E80  }
0x87: {  	[sflag:s15] =	ssyncset.done $0x0  }
0x88: {  	s5 =	sadd.s32 $0x0, s24;
	[sflag:s15] =	ssyncadd.s32 $0xFFFFC180  }
0x89: {  	[spmem:s1] =	stream.indirect.scatter.add.f32 [tilespmem:s10], [sflag:$0x4], $0x80, s16, s6, $0xb8;
	[tilespmem:$0x1C400] =	vst v63  }
0x8a: {  	s23 =	sadd.s32 $0x60, s5  }
0x8b: {  	[tilespmem:s17], [sflag:$0x5] =	stream.linear.gather [hbm4b:s23+s3], $0x100, $0x38;
	[tilespmem:$0x1C400] =	vst v63  }
0x8c: {  	_ =	swait.ge [sflag:s8], $0x100  }
0x8d: {  	[sflag:s8] =	ssyncset.done $0x0  }
0x8e: {  	[sflag:s8] =	ssyncadd.s32 $0xFFFFFF00  }
0x8f: {  	_ =	swait.ge [sflag:s18], $0x3E80  }
0x90: {  	[sflag:s18] =	ssyncset.done $0x0  }
0x91: {  	[sflag:s18] =	ssyncadd.s32 $0xFFFFC180  }
0x92: {  	[tilespmem:s10], [sflag:$0x2] =	stream.indirect.gather [hbm4b:s4+s6], $0x80, s17, s6, $0xb8;
	[tilespmem:$0x1C400] =	vst v63  }
0x93: {  	_ =	swait.ge [sflag:s11], $0x3E80  }
0x94: {  	[sflag:s11] =	ssyncset.done $0x0  }
0x95: {  	[sflag:s11] =	ssyncadd.s32 $0xFFFFC180  }
0x96: {  	[spmem:s1] =	stream.indirect.scatter.add.f32 [tilespmem:s31], [sflag:$0x3], $0x80, s19, s6, $0xb8;
	[tilespmem:$0x1C400] =	vst v63  }
0x97: {  	s25 =	sadd.s32 $0x0, s30  }
0x98: {  	[tilespmem:s2], [sflag:$0x5] =	stream.linear.gather [hbm4b:s25+s3], $0x100, $0x38;
	[tilespmem:$0x1C400] =	vst v63  }
0x99: {  	_ =	swait.ge [sflag:s8], $0x100  }
0x9a: {  	[sflag:s8] =	ssyncset.done $0x0  }
0x9b: {  	[sflag:s8] =	ssyncadd.s32 $0xFFFFFF00  }
0x9c: {  	_ =	swait.ge [sflag:s14], $0x3E80  }
0x9d: {  	[sflag:s14] =	ssyncset.done $0x0  }
0x9e: {  	[sflag:s14] =	ssyncadd.s32 $0xFFFFC180  }
0x9f: {  	[tilespmem:s31], [sflag:$0x1] =	stream.indirect.gather [hbm4b:s4+s6], $0x80, s2, s6, $0xb8;
	[tilespmem:$0x1C400] =	vst v63  }
0xa0: {  	_ =	swait.ge [sflag:s15], $0x3E80  }
0xa1: {  	[sflag:s15] =	ssyncset.done $0x0  }
0xa2: {  	[sflag:s15] =	ssyncadd.s32 $0xFFFFC180  }
0xa3: {  	[spmem:s1] =	stream.indirect.scatter.add.f32 [tilespmem:s10], [sflag:$0x4], $0x80, s20, s6, $0xb8;
	[tilespmem:$0x1C400] =	vst v63  }
0xa4: {  	s5 =	sadd.s32 $0xA0, s5  }
0xa5: {  	[tilespmem:s7], [sflag:$0x5] =	stream.linear.gather [hbm4b:s5+s3], $0x100, $0x38;
	[tilespmem:$0x1C400] =	vst v63  }
0xa6: {  	_ =	swait.ge [sflag:s8], $0x100  }
0xa7: {  	[sflag:s8] =	ssyncset.done $0x0  }
0xa8: {  	[sflag:s8] =	ssyncadd.s32 $0xFFFFFF00  }
0xa9: {  	_ =	swait.ge [sflag:s18], $0x3E80  }
0xaa: {  	[sflag:s18] =	ssyncset.done $0x0  }
0xab: {  	[sflag:s18] =	ssyncadd.s32 $0xFFFFC180  }
0xac: {  	[tilespmem:s10], [sflag:$0x2] =	stream.indirect.gather [hbm4b:s4+s6], $0x80, s7, s6, $0xb8;
	[tilespmem:$0x1C400] =	vst v63  }
0xad: {  	_ =	swait.ge [sflag:s11], $0x3E80  }
0xae: {  	[sflag:s11] =	ssyncset.done $0x0  }
0xaf: {  	s22 =	sadd.s32 $0x0, s29;
	s5 =	simm.s32 $0x80;
	[sflag:s11] =	ssyncadd.s32 $0xFFFFC180  }
0xb0: {  	[spmem:s1] =	stream.indirect.scatter.add.f32 [tilespmem:s31], [sflag:$0x3], $0x80, s12, s6, $0xb8;
	[tilespmem:$0x1C400] =	vst v63  }
.LBB2_4:
0xb1: {  	[tilespmem:s13], [sflag:$0x5] =	stream.linear.gather [hbm4b:s22+s3], $0x100, $0x38;
	[tilespmem:$0x1C400] =	vst v63  }
0xb2: {  	s22 =	smov.u32 s5  }
0xb3: {  	p0 =	sne.s32 s5, $0x900;
	s5 =	sadd.s32 $0x80, s5;
	_ =	swait.ge [sflag:s8], $0x100  }
0xb4: {  	[sflag:s8] =	ssyncset.done $0x0  }
0xb5: {  	[sflag:s8] =	ssyncadd.s32 $0xFFFFFF00  }
0xb6: {  	_ =	swait.ge [sflag:s14], $0x3E80  }
0xb7: {  	[sflag:s14] =	ssyncset.done $0x0  }
0xb8: {  	[sflag:s14] =	ssyncadd.s32 $0xFFFFC180  }
0xb9: {  	[tilespmem:s31], [sflag:$0x1] =	stream.indirect.gather [hbm4b:s4+s6], $0x80, s13, s6, $0xb8;
	[tilespmem:$0x1C400] =	vst v63  }
0xba: {  	_ =	swait.ge [sflag:s15], $0x3E80  }
0xbb: {  	[sflag:s15] =	ssyncset.done $0x0  }
0xbc: {  	s23 =	sadd.s32 s22, s24;
	[sflag:s15] =	ssyncadd.s32 $0xFFFFC180  }
0xbd: {  	[spmem:s1] =	stream.indirect.scatter.add.f32 [tilespmem:s10], [sflag:$0x4], $0x80, s16, s6, $0xb8;
	[tilespmem:$0x1C400] =	vst v63  }
0xbe: {  	s25 =	sadd.s32 $0x60, s23  }
0xbf: {  	[tilespmem:s17], [sflag:$0x5] =	stream.linear.gather [hbm4b:s25+s3], $0x100, $0x38;
	[tilespmem:$0x1C400] =	vst v63  }
0xc0: {  	_ =	swait.ge [sflag:s8], $0x100  }
0xc1: {  	[sflag:s8] =	ssyncset.done $0x0  }
0xc2: {  	[sflag:s8] =	ssyncadd.s32 $0xFFFFFF00  }
0xc3: {  	_ =	swait.ge [sflag:s18], $0x3E80  }
0xc4: {  	[sflag:s18] =	ssyncset.done $0x0  }
0xc5: {  	[sflag:s18] =	ssyncadd.s32 $0xFFFFC180  }
0xc6: {  	[tilespmem:s10], [sflag:$0x2] =	stream.indirect.gather [hbm4b:s4+s6], $0x80, s17, s6, $0xb8;
	[tilespmem:$0x1C400] =	vst v63  }
0xc7: {  	_ =	swait.ge [sflag:s11], $0x3E80  }
0xc8: {  	[sflag:s11] =	ssyncset.done $0x0  }
0xc9: {  	[sflag:s11] =	ssyncadd.s32 $0xFFFFC180  }
0xca: {  	[spmem:s1] =	stream.indirect.scatter.add.f32 [tilespmem:s31], [sflag:$0x3], $0x80, s19, s6, $0xb8;
	[tilespmem:$0x1C400] =	vst v63  }
0xcb: {  	s25 =	sadd.s32 s22, s30  }
0xcc: {  	[tilespmem:s2], [sflag:$0x5] =	stream.linear.gather [hbm4b:s25+s3], $0x100, $0x38;
	[tilespmem:$0x1C400] =	vst v63  }
0xcd: {  	_ =	swait.ge [sflag:s8], $0x100  }
0xce: {  	[sflag:s8] =	ssyncset.done $0x0  }
0xcf: {  	[sflag:s8] =	ssyncadd.s32 $0xFFFFFF00  }
0xd0: {  	_ =	swait.ge [sflag:s14], $0x3E80  }
0xd1: {  	[sflag:s14] =	ssyncset.done $0x0  }
0xd2: {  	[sflag:s14] =	ssyncadd.s32 $0xFFFFC180  }
0xd3: {  	[tilespmem:s31], [sflag:$0x1] =	stream.indirect.gather [hbm4b:s4+s6], $0x80, s2, s6, $0xb8;
	[tilespmem:$0x1C400] =	vst v63  }
0xd4: {  	_ =	swait.ge [sflag:s15], $0x3E80  }
0xd5: {  	[sflag:s15] =	ssyncset.done $0x0  }
0xd6: {  	[sflag:s15] =	ssyncadd.s32 $0xFFFFC180  }
0xd7: {  	[spmem:s1] =	stream.indirect.scatter.add.f32 [tilespmem:s10], [sflag:$0x4], $0x80, s20, s6, $0xb8;
	[tilespmem:$0x1C400] =	vst v63  }
0xd8: {  	s23 =	sadd.s32 $0xA0, s23  }
0xd9: {  	[tilespmem:s7], [sflag:$0x5] =	stream.linear.gather [hbm4b:s23+s3], $0x100, $0x38;
	[tilespmem:$0x1C400] =	vst v63  }
0xda: {  	_ =	swait.ge [sflag:s8], $0x100  }
0xdb: {  	[sflag:s8] =	ssyncset.done $0x0  }
0xdc: {  	[sflag:s8] =	ssyncadd.s32 $0xFFFFFF00  }
0xdd: {  	_ =	swait.ge [sflag:s18], $0x3E80  }
0xde: {  	[sflag:s18] =	ssyncset.done $0x0  }
0xdf: {  	[sflag:s18] =	ssyncadd.s32 $0xFFFFC180  }
0xe0: {  	[tilespmem:s10], [sflag:$0x2] =	stream.indirect.gather [hbm4b:s4+s6], $0x80, s7, s6, $0xb8;
	[tilespmem:$0x1C400] =	vst v63  }
.Ltmp1:
0xe1: {  	_ =	swait.ge [sflag:s11], $0x3E80;
	(pc) =	sbr.rel @p0 .LBB2_4-.Ltmp1, $4  }
0xe2: {  	[sflag:s11] =	ssyncset.done $0x0  }
0xe3: {  	[sflag:s11] =	ssyncadd.s32 $0xFFFFC180  }
0xe4: {  	[spmem:s1] =	stream.indirect.scatter.add.f32 [tilespmem:s31], [sflag:$0x3], $0x80, s12, s6, $0xb8;
	[tilespmem:$0x1C400] =	vst v63  }
0xe5: {  	s22 =	sadd.s32 s22, s29  }
0xe6: {  	[tilespmem:s13], [sflag:$0x5] =	stream.linear.gather [hbm4b:s22+s3], $0x100, $0x38;
	[tilespmem:$0x1C400] =	vst v63  }
0xe7: {  	_ =	swait.ge [sflag:s8], $0x100  }
0xe8: {  	[sflag:s8] =	ssyncset.done $0x0  }
0xe9: {  	[sflag:s8] =	ssyncadd.s32 $0xFFFFFF00  }
0xea: {  	_ =	swait.ge [sflag:s14], $0x3E80  }
0xeb: {  	[sflag:s14] =	ssyncset.done $0x0  }
0xec: {  	[sflag:s14] =	ssyncadd.s32 $0xFFFFC180  }
0xed: {  	[tilespmem:s31], [sflag:$0x1] =	stream.indirect.gather [hbm4b:s4+s6], $0x80, s13, s6, $0xb8;
	[tilespmem:$0x1C400] =	vst v63  }
0xee: {  	_ =	swait.ge [sflag:s15], $0x3E80  }
0xef: {  	[sflag:s15] =	ssyncset.done $0x0  }
0xf0: {  	[sflag:s15] =	ssyncadd.s32 $0xFFFFC180  }
0xf1: {  	[spmem:s1] =	stream.indirect.scatter.add.f32 [tilespmem:s10], [sflag:$0x4], $0x80, s16, s6, $0xb8;
	[tilespmem:$0x1C400] =	vst v63  }
0xf2: {  	s5 =	rddreg [dreg:$0x6]  }
0xf3: {  	[tilespmem:s17], [sflag:$0x5] =	stream.linear.gather [hbm4b:s5+s3], $0x100, $0x38;
	[tilespmem:$0x1C400] =	vst v63  }
0xf4: {  	_ =	swait.ge [sflag:s8], $0x100  }
0xf5: {  	[sflag:s8] =	ssyncset.done $0x0  }
0xf6: {  	[sflag:s8] =	ssyncadd.s32 $0xFFFFFF00  }
0xf7: {  	_ =	swait.ge [sflag:s18], $0x3E80  }
0xf8: {  	[sflag:s18] =	ssyncset.done $0x0  }
0xf9: {  	[sflag:s18] =	ssyncadd.s32 $0xFFFFC180  }
0xfa: {  	[tilespmem:s10], [sflag:$0x2] =	stream.indirect.gather [hbm4b:s4+s6], $0x80, s17, s6, $0xb8;
	[tilespmem:$0x1C400] =	vst v63  }
0xfb: {  	_ =	swait.ge [sflag:s11], $0x3E80  }
0xfc: {  	[sflag:s11] =	ssyncset.done $0x0  }
0xfd: {  	[sflag:s11] =	ssyncadd.s32 $0xFFFFC180  }
0xfe: {  	[spmem:s1] =	stream.indirect.scatter.add.f32 [tilespmem:s31], [sflag:$0x3], $0x80, s19, s6, $0xb8;
	[tilespmem:$0x1C400] =	vst v63  }
0xff: {  	_ =	swait.ge [sflag:s15], $0x3E80  }
0x100: {  	[sflag:s15] =	ssyncset.done $0x0  }
0x101: {  	[sflag:s15] =	ssyncadd.s32 $0xFFFFC180  }
0x102: {  	[spmem:s1] =	stream.indirect.scatter.add.f32 [tilespmem:s10], [sflag:$0x4], $0x80, s20, s6, $0xb8;
	[tilespmem:$0x1C400] =	vst v63  }
0x103: {  	_ =	swait.ge [sflag:s14], $0x3E80  }
0x104: {  	[sflag:s14] =	ssyncset.done $0x0  }
0x105: {  	[sflag:s14] =	ssyncadd.s32 $0xFFFFC180  }
0x106: {  	_ =	swait.ge [sflag:s18], $0x3E80  }
0x107: {  	[sflag:s18] =	ssyncset.done $0x0  }
0x108: {  	s23 =	stileid.u32;
	[sflag:s18] =	ssyncadd.s32 $0xFFFFC180  }
0x109: {  	s5 =	sshll.u32 s23, $0x6;
	[bflag:$0x0] =	sbarrier.arrive $0xFFFF  }
0x10a: {  	s25 =	sshrl.u32 s9, $0x3;
	s5 =	sor.u32 $0x1C06, s5;
	s23 =	rddreg [dreg:$0x7]  }
0x10b: {  	[hbm:s23], [sflag:s5] =	dma.local [spmem:s25], $0x2800  }
0x10c: {  	_ =	swait.ge [sflag:s0], $0x2800  }
0x10d: {  	s21 =	sadd.s32 $0x1, s21;
	s25 =	rddreg [dreg:$0x8]  }
0x10e: {  	p0 =	sne.s32 s21, s25  }
.Ltmp2:
0x10f: {  	_ = 	snop;
	(pc) =	sbr.rel @p0 .LBB2_1-.Ltmp2, $3  }
0x110: {  	_ =	sdelay $0x1  }
0x111: {  	[sflag:s0] =	ssyncset.done $0x0  }
0x112: {  	[sflag:s0] =	ssyncadd.s32 $0xFFFFD800  }
0x113: {  	_ =	sfence.sel $0x180000  }
0x114: {  	[bflag:$0x0] =	sbarrier.arrive $0xFFFF  }
0x115: {  	_ =	strace $0x9000004A  }
0x116: {  	s0 =	stileid.u32;
	[bflag:$0x2] =	sbarrier.arrive $0xFFFF  }
0x117: {  	p0 =	sne.s32 s0, $0x0;
	s0 =	rddreg [dreg:$0x2]  }
0x118: {  	s0 =	sadd.s32 @!p0 $0x100000, s0  }
0x119: {  	[sflag:s0] =	ssyncadd.tile.s32 @!p0 $0x1;
	_ =	shalt  }
.Lfunc_end2:
_tile_overlayer_lowered:
.L_overlay_start_2:
0x11a: {  	(tag) =	ssettag $0x2  }
0x11b: {  	s0 =	rddreg [dreg:$0x0];
	s2 =	stileid.u32  }
0x11c: {  	s1 =	rddreg [dreg:$0x1];
	p0 =	sne.s32 s2, $0x0  }
0x11d: {  	s3 =	rddreg [dreg:$0x2];
	[bflag:$0x3] =	sbarrier.arrive $0xFFFF;
	s2 =	simm.s32 @!p0 $0x1C06  }
0x11e: {  	[timem:s3], [sflag:s2] =	dma.local @!p0 [hbm:s0], s1  }
0x11f: {  	s0 =	simm.s32 @!p0 $0x6  }
0x120: {  	_ =	swait.ge @!p0 [sflag:s0], s1  }
0x121: {  	s1 =	ssub.s32 @!p0 $0x0, s1;
	[sflag:s0] =	ssyncset.done @!p0 $0x0  }
0x122: {  	[sflag:s0] =	ssyncadd.s32 @!p0 s1  }
0x123: {  	[bflag:$0x3] =	sbarrier.arrive $0xFFFF  }
0x124: {  	_ =	shalt  }

// kernel: kernel.16.cloned.1.call-start
scs
__scs_entry_jumppad:
0x0: {  	(pc) =	sbr.rel $0x88, $3  }
0x1: {  	(tag) =	ssettag $0x0;
	lr =	simm.s32 $0x1  }
0x2: {  	[smem:$0x3F99] =	sst lr;
	_ =	strace $0xD0000000  }
0x3: {  	_ = 	snop  }
0x4: {  	_ = 	snop  }
0x5: {  	_ = 	snop  }
0x6: {  	_ = 	snop  }
0x7: {  	_ = 	snop  }
__scs_overlays_trampoline_lowered:
0x8: {  	[smem:$0x3FA8] =	sst s0  }
0x9: {  	[smem:$0x3FA9] =	sst s1  }
0xa: {  	[smem:$0x3FAA] =	sst s2  }
0xb: {  	[smem:$0x3FAB] =	sst s3  }
0xc: {  	[smem:$0x3FAC] =	sst s4  }
0xd: {  	[smem:$0x3FAD] =	sst s5  }
0xe: {  	[smem:$0x3FAE] =	sst s6  }
0xf: {  	[smem:$0x3FAF] =	sst s7  }
0x10: {  	[smem:$0x3FB0] =	sst s8  }
0x11: {  	[smem:$0x3FB1] =	sst s9;
	s0 =	simm.s32 @!p0 $0x0  }
0x12: {  	s1 =	sld [smem:$0x3F97];
	s0 =	simm.s32 @p0 $0x1  }
0x13: {  	[smem:$0x3FB2] =	sst s0;
	s0 =	simm.s32 @!p1 $0x0  }
0x14: {  	s2 =	sld [smem:$0x3F96];
	s0 =	simm.s32 @p1 $0x1  }
0x15: {  	[smem:$0x3FB3] =	sst s0;
	s0 =	simm.s32 @!p2 $0x0  }
0x16: {  	s3 =	sld [smem:$0x3FDB];
	s0 =	simm.s32 @p2 $0x1  }
0x17: {  	s4 =	simm.s32 $0x1BF5;
	[smem:$0x3FB5] =	sst s0  }
0x18: {  	s0 =	sld [smem:$0x3F98];
	_ =	swait.ge [sflag:s4], $0x0  }
0x19: {  	s7 =	sld [smem:$0x3F99]  }
0x1a: {  	s8 =	sadd.s32 $0xFFFFE003, lr  }
0x1b: {  	s9 =	sadd.s32 $0xFFFFFEF7, lr;
	s5 =	simm.s32 $0xFFFFFFFF;
	p2 =	slt.u32 s8, $0xFFFFF086  }
0x1c: {  	p1 =	slt.u32 s9, $0xF7A;
	s5 =	simm.s32 @!p2 $0x0  }
0x1d: {  	s5 =	simm.s32 @p1 $0x1;
	p0 =	seq.s32 s7, s2  }
0x1e: {  	s7 =	smul.u32 @!p0 $0xF7A, s2;
	p2 =	seq.s32 @!p0 s5, $0x0  }
0x1f: {  	s9 =	smul.u32 $0xF7A, s1;
	s8 =	simm.s32 @!p0 $0x1BF5;
	p2 =	por !p2, p0  }
0x20: {  	[sflag:s8] =	ssyncset.s32 @!p0 $0xFFFFF086;
	s6 =	sadd.s32 @!p0 s3, s7;
	s7 =	simm.s32 @!p0 $0x108  }
0x21: {  	s3 =	sadd.s32 s3, s9;
	s6 =	sadd.s32 @!p0 $0x88, s6;
	s7 =	simm.s32 @p2 $0x1082  }
0x22: {  	[simem:s7], [sflag:s8] =	dma.local @!p0 [hbm:s6], $0xF7A  }
0x23: {  	s9 =	sor.u32 $0xD0000000, s2;
	s6 =	simm.s32 $0x108;
	_ =	swait.ge @!p0 [sflag:s8], $0x0  }
0x24: {  	s3 =	sadd.s32 $0x88, s3;
	s6 =	simm.s32 @!p1 $0x1082;
	[sflag:s4] =	ssyncset.s32 $0xFFFFF086  }
0x25: {  	[simem:s6], [sflag:s4] =	dma.local [hbm:s3], $0xF7A  }
0x26: {  	[smem:$0x3F99] =	sst s1;
	(tag) =	ssettag s2;
	_ =	strace s9  }
0x27: {  	s1 =	sld [smem:$0x3FA9]  }
0x28: {  	s2 =	sld [smem:$0x3FAA]  }
0x29: {  	s4 =	sld [smem:$0x3FAC]  }
0x2a: {  	p0 =	seq.s32 s5, $0x0;
	s5 =	sld [smem:$0x3FAD]  }
0x2b: {  	s6 =	sld [smem:$0x3FAE]  }
0x2c: {  	s7 =	sld [smem:$0x3FAF]  }
0x2d: {  	s3 =	simm.s32 $0x108;
	s8 =	sld [smem:$0x3FB0]  }
0x2e: {  	s3 =	simm.s32 @!p0 $0x1082;
	s9 =	sld [smem:$0x3FB1]  }
0x2f: {  	lr =	sadd.s32 s0, s3;
	s0 =	sld [smem:$0x3FA8]  }
0x30: {  	s3 =	sld [smem:$0x3FAB]  }
0x31: {  	[smem:$0x3FB4] =	sst s10  }
0x32: {  	s10 =	sld [smem:$0x3FB2];
	_ =	sdelay $0x3  }
0x33: {  	p0 =	seq.s32 s10, $0x1;
	s10 =	sld [smem:$0x3FB4];
	_ =	sdelay $0x3  }
0x34: {  	[smem:$0x3FB4] =	sst s10  }
0x35: {  	s10 =	sld [smem:$0x3FB3];
	_ =	sdelay $0x3  }
0x36: {  	p1 =	seq.s32 s10, $0x1;
	s10 =	sld [smem:$0x3FB4];
	_ =	sdelay $0x3  }
0x37: {  	[smem:$0x3FB4] =	sst s10  }
0x38: {  	s10 =	sld [smem:$0x3FB5]  }
0x39: {  	_ = 	snop;
	(pc) =	sbr.ind lr, $3  }
0x3a: {  	_ = 	snop  }
0x3b: {  	_ = 	snop  }
0x3c: {  	p2 =	seq.s32 s10, $0x1;
	s10 =	sld [smem:$0x3FB4]  }
0x3d: {  	_ =	shalt  }
0x3e: {  	_ =	shalt  }
0x3f: {  	_ =	shalt  }
0x40: {  	_ =	shalt  }
0x41: {  	_ =	shalt  }
0x42: {  	_ =	shalt  }
0x43: {  	_ =	shalt  }
0x44: {  	_ =	shalt  }
0x45: {  	_ =	shalt  }
0x46: {  	_ =	shalt  }
0x47: {  	_ =	shalt  }
0x48: {  	_ =	shalt  }
0x49: {  	_ =	shalt  }
0x4a: {  	_ =	shalt  }
0x4b: {  	_ =	shalt  }
0x4c: {  	_ =	shalt  }
0x4d: {  	_ =	shalt  }
0x4e: {  	_ =	shalt  }
0x4f: {  	_ =	shalt  }
0x50: {  	_ =	shalt  }
0x51: {  	_ =	shalt  }
0x52: {  	_ =	shalt  }
0x53: {  	_ =	shalt  }
0x54: {  	_ =	shalt  }
0x55: {  	_ =	shalt  }
0x56: {  	_ =	shalt  }
0x57: {  	_ =	shalt  }
0x58: {  	_ =	shalt  }
0x59: {  	_ =	shalt  }
0x5a: {  	_ =	shalt  }
0x5b: {  	_ =	shalt  }
0x5c: {  	_ =	shalt  }
0x5d: {  	_ =	shalt  }
0x5e: {  	_ =	shalt  }
0x5f: {  	_ =	shalt  }
0x60: {  	_ =	shalt  }
0x61: {  	_ =	shalt  }
0x62: {  	_ =	shalt  }
0x63: {  	_ =	shalt  }
0x64: {  	_ =	shalt  }
0x65: {  	_ =	shalt  }
0x66: {  	_ =	shalt  }
0x67: {  	_ =	shalt  }
0x68: {  	_ =	shalt  }
0x69: {  	_ =	shalt  }
0x6a: {  	_ =	shalt  }
0x6b: {  	_ =	shalt  }
0x6c: {  	_ =	shalt  }
0x6d: {  	_ =	shalt  }
0x6e: {  	_ =	shalt  }
0x6f: {  	_ =	shalt  }
0x70: {  	_ =	shalt  }
0x71: {  	_ =	shalt  }
0x72: {  	_ =	shalt  }
0x73: {  	_ =	shalt  }
0x74: {  	_ =	shalt  }
0x75: {  	_ =	shalt  }
0x76: {  	_ =	shalt  }
0x77: {  	_ =	shalt  }
0x78: {  	_ =	shalt  }
0x79: {  	_ =	shalt  }
0x7a: {  	_ =	shalt  }
0x7b: {  	_ =	shalt  }
0x7c: {  	_ =	shalt  }
0x7d: {  	_ =	shalt  }
0x7e: {  	_ =	shalt  }
0x7f: {  	_ =	shalt  }
0x80: {  	_ =	shalt  }
0x81: {  	_ =	shalt  }
0x82: {  	_ =	shalt  }
0x83: {  	_ =	shalt  }
0x84: {  	_ =	shalt  }
0x85: {  	_ =	shalt  }
0x86: {  	_ =	shalt  }
0x87: {  	_ =	shalt  }
.Lfunc_end0:
.L_simem_size_0:
called_computation.2_lowered:
.L_overlay_start_0:
0x88: {  	s2 =	sld [smem:$0x3FD9]  }
0x89: {  	s3 =	sld [smem:$0x3FFE];
	_ =	sdelay $0x1  }
0x8a: {  	s1 =	srdreg.scid  }
0x8b: {  	s0 =	sand.u32 $0x1, s1  }
0x8c: {  	s16 =	sshll.u32 s0, $0xA;
	s2 =	sadd.s32 s3, s2  }
0x8d: {  	s2 =	sadd.s32 s2, s16  }
0x8e: {  	[smem:$0x3FC0] =	sst s2  }
0x8f: {  	_ = 	snop  }
0x90: {  	(tm) =	ssettm $0x1  }
0x91: {  	s17 =	sld [smem:$0x3FFB];
	_ =	sdelay $0x3  }
0x92: {  	_ =	strace s17  }
0x93: {  	s2 =	sld [smem:$0x3FFC];
	_ =	sdelay $0x3  }
0x94: {  	_ =	strace s2  }
0x95: {  	s2 =	sld [smem:$0x3FFD];
	_ =	sdelay $0x3  }
0x96: {  	_ =	strace s2  }
0x97: {  	_ =	strace $0x8FFFFFFF  }
0x98: {  	s18 =	sld [smem:$0x3FDB];
	_ =	sdelay $0x1  }
0x99: {  	s19 =	simm.s32 $_scs_section_size  }
0x9a: {  	s4 =	simm.s32 $_size__tile_overlayer_lowered;
	s5 =	simm.s32 $_tile_overlayer_lowered  }
0x9b: {  	s22 =	simm.s32 $0x1BFF;
	s21 =	sshll.u32 s5, $0x1;
	s2 =	sadd.s32 s19, s18  }
0x9c: {  	s6 =	simm.s32 $0x0;
	s20 =	sshll.u32 s4, $0x1;
	s4 =	sadd.s32 s21, s2  }
0x9d: {  	[timem:s6], [sflag:s22] =	dma.local [hbm:s4], s20  }
0x9e: {  	_ =	swait.ge [sflag:s22], s20  }
0x9f: {  	s3 =	ssub.s32 $0x0, s20;
	[sflag:s22] =	ssyncset.done $0x0  }
0xa0: {  	[sflag:s22] =	ssyncadd.s32 s3;
	_ =	sdelay $0x1  }
0xa1: {  	s23 =	simm.s32 $0x1B8B  }
0xa2: {  	_ =	swait.ge [sflag:s23], $0x1  }
0xa3: {  	[sflag:s23] =	ssyncset.done $0x0  }
0xa4: {  	s25 =	simm.s32 $0x1B8E;
	s24 =	sld [smem:$0x3FFE];
	[sflag:s23] =	ssyncadd.s32 $0xFFFFFFFF  }
0xa5: {  	s26 =	simm.s32 $execute0_lowered;
	[smem:$0x3FD2] =	sst s25  }
0xa6: {  	s4 =	sshll.u32 s26, $0x1;
	_ =	strace $0x8000004C;
	[dreg:$0x1] =	wrdreg $0xFFFFFFFF  }
0xa7: {  	s28 =	simm.s32 $_size_execute0_lowered;
	s2 =	sadd.s32 s2, s4;
	[dreg:$0x0] =	wrdreg $0x0  }
0xa8: {  	s4 =	sshll.u32 s28, $0x1;
	[dreg:$0x2] =	wrdreg s2  }
0xa9: {  	[dreg:$0x3] =	wrdreg s4  }
0xaa: {  	[dreg:$0x4] =	wrdreg $0xC0  }
0xab: {  	_ =	task [dreg:s6], $0x5FFFF  }
0xac: {  	[dreg:$0x1] =	wrdreg $0xFFFFFFFF  }
0xad: {  	[dreg:$0x0] =	wrdreg $0x60  }
0xae: {  	[dreg:$0x2] =	wrdreg s24  }
0xaf: {  	[dreg:$0x3] =	wrdreg $0x0  }
0xb0: {  	[dreg:$0x4] =	wrdreg $0x9  }
0xb1: {  	_ =	task.clear_ibuf [dreg:s6], $0x5FFFF;
	_ =	strace $0x9000004C  }
0xb2: {  	s29 =	simm.s32 $0x9;
	_ =	strace $0x8000004E  }
0xb3: {  	_ =	swait.ge [sflag:s29], $0x1  }
0xb4: {  	[sflag:s29] =	ssyncadd.s32 $0xFFFFFFFF  }
0xb5: {  	_ =	strace $0x9000004E  }
0xb6: {  	_ =	sfence  }
0xb7: {  	s30 =	sld [smem:$0x0];
	_ =	sdelay $0x2  }
0xb8: {  	s31 =	sshll.u32 s1, $0xD;
	s1 =	sshrl.u32 s1, $0x2  }
0xb9: {  	s3 =	sand.u32 $0x4000, s31;
	s1 =	sadd.s32 s1, s30  }
0xba: {  	s0 =	sor.u32 s3, s0;
	s1 =	sshll.u32 s1, $0x11  }
0xbb: {  	s0 =	sor.u32 s1, s0  }
0xbc: {  	s0 =	sadd.s32 $0x8F2B, s0  }
0xbd: {  	[sflag:s0] =	ssyncadd.remote.s32 $0x1  }
0xbe: {  	_ =	sfence.sel $0xFFFF  }
0xbf: {  	[dreg:$0x0] =	wrdreg $0xFFFFFFFF;
	(pc) =	sbr.abs _section_cstart, $3  }
0xc0: {  	[dreg:$0x1] =	wrdreg $0xFFFFFFFF  }
0xc1: {  	_ =	task.clear_ibuf [dreg:s6], $0x2FFFF;
	_ =	strace $0x9FFFFFFF  }
0xc2: {  	(tm) =	ssettm $0x7FFFFFFF  }
0xc3: {  	_ =	shalt  }
tec
execute0_lowered:
.L_overlay_start_1:
0x0: {  	(tag) =	ssettag $0x1  }
0x1: {  	s0 =	rddreg [dreg:$0x0]  }
0x2: {  	s1 =	rddreg [dreg:$0x1]  }
0x3: {  	s2 =	srdreg.scid;
	s3 =	simm.s32 $0x0;
	s11 =	stileid.u32  }
0x4: {  	s2 =	sand.u32 $0x1, s2;
	[smem:$0x7FF] =	sst s3;
	s6 =	smul.u32 $0x14000, s11  }
0x5: {  	s4 =	sadd.s32 $0x36800, s0;
	s10 =	smul.u32 $0x50000, s11;
	s7 =	sshll.u32 s2, $0x4  }
0x6: {  	s8 =	sadd.s32 $0x22800, s0;
	s5 =	smul.u32 $0x140000, s2;
	s7 =	sor.u32 s11, s7  }
0x7: {  	_ =	strace $0x8000004D;
	s9 =	ssub.s32 $0x2, s2;
	s21 =	smul.u32 $0xA00, s7  }
0x8: {  	s22 =	sshrl.u32 s9, $0x1;
	s26 =	sshrl.u32 s10, $0x2;
	s5 =	sadd.s32 s6, s5  }
0x9: {  	s7 =	smul.u32 $0x5000, s7;
	s5 =	sshrl.u32 s5, $0x3;
	s23 =	sadd.s32 s8, s21  }
0xa: {  	s0 =	sadd.s32 s5, s0;
	s25 =	sadd.s32 $0x20, s23;
	[dreg:$0x3] =	wrdreg s23  }
0xb: {  	s5 =	ssub.s32 s9, s22;
	s9 =	sadd.s32 $0x40, s23;
	[dreg:$0x4] =	wrdreg s25  }
0xc: {  	s24 =	sshrl.u32 s7, $0x3;
	s0 =	sadd.s32 $0x5E800, s0;
	[dreg:$0x5] =	wrdreg s9  }
0xd: {  	s6 =	sadd.s32 s8, s24;
	s10 =	smax.u32 s5, $0x1;
	[dreg:$0x7] =	wrdreg s0  }
0xe: {  	s6 =	sadd.s32 $0x9E0, s6;
	s9 =	sadd.s32 s26, s1;
	[dreg:$0x8] =	wrdreg s10  }
0xf: {  	s31 =	simm.s32 $0x14000;
	[dreg:$0x6] =	wrdreg s6;
	s12 =	sadd.s32 $0x1400, s9  }
0x10: {  	s18 =	smul.u32 $0x50, s11;
	s13 =	sadd.s32 $0x2800, s9;
	[dreg:$0x9] =	wrdreg s12  }
0x11: {  	s15 =	smul.u32 $0x500, s2;
	s14 =	sadd.s32 $0x3C00, s9;
	[dreg:$0xa] =	wrdreg s13  }
0x12: {  	s2 =	simm.s32 $0x1C000;
	s16 =	sadd.s32 $0x5000, s9;
	[dreg:$0xb] =	wrdreg s14  }
0x13: {  	s11 =	simm.s32 $0x1;
	s17 =	sadd.s32 $0x6400, s9;
	[dreg:$0xc] =	wrdreg s16  }
0x14: {  	s7 =	simm.s32 $0x1C100;
	s19 =	sadd.s32 $0x7800, s9;
	[dreg:$0xd] =	wrdreg s17  }
0x15: {  	s0 =	sadd.s32 s18, s15;
	s20 =	sadd.s32 $0x8C00, s9;
	[dreg:$0xe] =	wrdreg s19  }
0x16: {  	s10 =	simm.s32 $0x18000;
	s21 =	sadd.s32 $0xA000, s9;
	[dreg:$0xf] =	wrdreg s20  }
0x17: {  	s15 =	simm.s32 $0x2;
	s22 =	sadd.s32 $0xB400, s9;
	[dreg:$0x10] =	wrdreg s21  }
0x18: {  	s18 =	simm.s32 $0x4;
	s23 =	sadd.s32 $0xC800, s9;
	[dreg:$0x11] =	wrdreg s22  }
0x19: {  	s24 =	sadd.s32 $0xDC00, s9;
	s25 =	sadd.s32 $0xF000, s9;
	[dreg:$0x12] =	wrdreg s23  }
0x1a: {  	s0 =	sshll.u32 s0, $0x5;
	s26 =	sadd.s32 $0x10400, s9;
	[dreg:$0x13] =	wrdreg s24  }
0x1b: {  	s28 =	sadd.s32 $0x12C00, s9;
	s6 =	simm.s32 $0x7D;
	[dreg:$0x14] =	wrdreg s25  }
0x1c: {  	s24 =	sadd.s32 s0, s8;
	[dreg:$0x15] =	wrdreg s26;
	s26 =	sadd.s32 $0x11800, s9  }
0x1d: {  	s0 =	simm.s32 $0x6;
	s8 =	simm.s32 $0x5;
	s12 =	simm.s32 $0x1C080  }
0x1e: {  	s13 =	simm.s32 $0x1C200;
	s14 =	simm.s32 $0x3;
	s16 =	simm.s32 $0x1C180  }
0x1f: {  	s17 =	simm.s32 $0x1C300;
	s19 =	simm.s32 $0x1C280;
	s20 =	simm.s32 $0x1C380  }
0x20: {  	v0 =	vimm.f32 $0.0e+00;
	s21 =	simm.s32 $0x0;
	s29 =	sadd.s32 $0xC0, s24;
	s30 =	sadd.s32 $0x80, s24  }
.LBB2_1:
0x21: {  	s5 =	sand.u32 $0x7E00, s3  }
0x22: {  	s22 =	sand.u32 $0x70, s3;
	s23 =	sshrl.u32 s5, $0x2  }
0x23: {  	s5 =	simm.s32 $0x40;
	s23 =	sor.u32 s22, s23;
	s22 =	simm.s32 $0x0  }
.LBB2_2:
0x24: {  	p0 =	sne.s32 s5, $0x4FC0  }
0x25: {  	[tilespmem:s23+$0x14000] =	vst v0;
	s22 =	sadd.s32 $0x10, s22;
	s23 =	smov.u32 s5;
	s5 =	sadd.s32 $0x40, s5  }
.Ltmp0:
0x26: {  	(pc) =	sbr.rel @p0 .LBB2_2-.Ltmp0, $4  }
0x27: {  	_ = 	snop  }
0x28: {  	s23 =	sand.u32 $0x7E00, s23  }
0x29: {  	s25 =	sand.u32 $0x70, s22;
	s23 =	sshrl.u32 s23, $0x2  }
0x2a: {  	s23 =	sor.u32 s25, s23  }
0x2b: {  	[tilespmem:s23+$0x14000] =	vst v0  }
0x2c: {  	[spmem:s9] =	stream.linear.scatter [tilespmem:s31], [sflag:$0x6], $0x1400, $0x38;
	[tilespmem:$0x1C400] =	vst v63  }
0x2d: {  	_ =	swait.ge [sflag:s0], $0x1400  }
0x2e: {  	[sflag:s0] =	ssyncset.done $0x0  }
0x2f: {  	s5 =	rddreg [dreg:$0x9];
	[sflag:s0] =	ssyncadd.s32 $0xFFFFEC00  }
0x30: {  	[spmem:s5] =	stream.linear.scatter [tilespmem:s31], [sflag:$0x6], $0x1400, $0x38;
	[tilespmem:$0x1C400] =	vst v63  }
0x31: {  	_ =	swait.ge [sflag:s0], $0x1400  }
0x32: {  	[sflag:s0] =	ssyncset.done $0x0  }
0x33: {  	s23 =	rddreg [dreg:$0xa];
	[sflag:s0] =	ssyncadd.s32 $0xFFFFEC00  }
0x34: {  	[spmem:s23] =	stream.linear.scatter [tilespmem:s31], [sflag:$0x6], $0x1400, $0x38;
	[tilespmem:$0x1C400] =	vst v63  }
0x35: {  	_ =	swait.ge [sflag:s0], $0x1400  }
0x36: {  	[sflag:s0] =	ssyncset.done $0x0  }
0x37: {  	s25 =	rddreg [dreg:$0xb];
	[sflag:s0] =	ssyncadd.s32 $0xFFFFEC00  }
0x38: {  	[spmem:s25] =	stream.linear.scatter [tilespmem:s31], [sflag:$0x6], $0x1400, $0x38;
	[tilespmem:$0x1C400] =	vst v63  }
0x39: {  	_ =	swait.ge [sflag:s0], $0x1400  }
0x3a: {  	[sflag:s0] =	ssyncset.done $0x0  }
0x3b: {  	s22 =	rddreg [dreg:$0xc];
	[sflag:s0] =	ssyncadd.s32 $0xFFFFEC00  }
0x3c: {  	[spmem:s22] =	stream.linear.scatter [tilespmem:s31], [sflag:$0x6], $0x1400, $0x38;
	[tilespmem:$0x1C400] =	vst v63  }
0x3d: {  	_ =	swait.ge [sflag:s0], $0x1400  }
0x3e: {  	[sflag:s0] =	ssyncset.done $0x0  }
0x3f: {  	s23 =	rddreg [dreg:$0xd];
	[sflag:s0] =	ssyncadd.s32 $0xFFFFEC00  }
0x40: {  	[spmem:s23] =	stream.linear.scatter [tilespmem:s31], [sflag:$0x6], $0x1400, $0x38;
	[tilespmem:$0x1C400] =	vst v63  }
0x41: {  	_ =	swait.ge [sflag:s0], $0x1400  }
0x42: {  	[sflag:s0] =	ssyncset.done $0x0  }
0x43: {  	s25 =	rddreg [dreg:$0xe];
	[sflag:s0] =	ssyncadd.s32 $0xFFFFEC00  }
0x44: {  	[spmem:s25] =	stream.linear.scatter [tilespmem:s31], [sflag:$0x6], $0x1400, $0x38;
	[tilespmem:$0x1C400] =	vst v63  }
0x45: {  	_ =	swait.ge [sflag:s0], $0x1400  }
0x46: {  	[sflag:s0] =	ssyncset.done $0x0  }
0x47: {  	s22 =	rddreg [dreg:$0xf];
	[sflag:s0] =	ssyncadd.s32 $0xFFFFEC00  }
0x48: {  	[spmem:s22] =	stream.linear.scatter [tilespmem:s31], [sflag:$0x6], $0x1400, $0x38;
	[tilespmem:$0x1C400] =	vst v63  }
0x49: {  	_ =	swait.ge [sflag:s0], $0x1400  }
0x4a: {  	[sflag:s0] =	ssyncset.done $0x0  }
0x4b: {  	s23 =	rddreg [dreg:$0x10];
	[sflag:s0] =	ssyncadd.s32 $0xFFFFEC00  }
0x4c: {  	[spmem:s23] =	stream.linear.scatter [tilespmem:s31], [sflag:$0x6], $0x1400, $0x38;
	[tilespmem:$0x1C400] =	vst v63  }
0x4d: {  	_ =	swait.ge [sflag:s0], $0x1400  }
0x4e: {  	[sflag:s0] =	ssyncset.done $0x0  }
0x4f: {  	s25 =	rddreg [dreg:$0x11];
	[sflag:s0] =	ssyncadd.s32 $0xFFFFEC00  }
0x50: {  	[spmem:s25] =	stream.linear.scatter [tilespmem:s31], [sflag:$0x6], $0x1400, $0x38;
	[tilespmem:$0x1C400] =	vst v63  }
0x51: {  	_ =	swait.ge [sflag:s0], $0x1400  }
0x52: {  	[sflag:s0] =	ssyncset.done $0x0  }
0x53: {  	s22 =	rddreg [dreg:$0x12];
	[sflag:s0] =	ssyncadd.s32 $0xFFFFEC00  }
0x54: {  	[spmem:s22] =	stream.linear.scatter [tilespmem:s31], [sflag:$0x6], $0x1400, $0x38;
	[tilespmem:$0x1C400] =	vst v63  }
0x55: {  	_ =	swait.ge [sflag:s0], $0x1400  }
0x56: {  	[sflag:s0] =	ssyncset.done $0x0  }
0x57: {  	s23 =	rddreg [dreg:$0x13];
	[sflag:s0] =	ssyncadd.s32 $0xFFFFEC00  }
0x58: {  	[spmem:s23] =	stream.linear.scatter [tilespmem:s31], [sflag:$0x6], $0x1400, $0x38;
	[tilespmem:$0x1C400] =	vst v63  }
0x59: {  	_ =	swait.ge [sflag:s0], $0x1400  }
0x5a: {  	[sflag:s0] =	ssyncset.done $0x0  }
0x5b: {  	s25 =	rddreg [dreg:$0x14];
	[sflag:s0] =	ssyncadd.s32 $0xFFFFEC00  }
0x5c: {  	[spmem:s25] =	stream.linear.scatter [tilespmem:s31], [sflag:$0x6], $0x1400, $0x38;
	[tilespmem:$0x1C400] =	vst v63  }
0x5d: {  	_ =	swait.ge [sflag:s0], $0x1400  }
0x5e: {  	[sflag:s0] =	ssyncset.done $0x0  }
0x5f: {  	s22 =	rddreg [dreg:$0x15];
	[sflag:s0] =	ssyncadd.s32 $0xFFFFEC00  }
0x60: {  	[spmem:s22] =	stream.linear.scatter [tilespmem:s31], [sflag:$0x6], $0x1400, $0x38;
	[tilespmem:$0x1C400] =	vst v63  }
0x61: {  	_ =	swait.ge [sflag:s0], $0x1400  }
0x62: {  	[sflag:s0] =	ssyncset.done $0x0  }
0x63: {  	[sflag:s0] =	ssyncadd.s32 $0xFFFFEC00  }
0x64: {  	[spmem:s26] =	stream.linear.scatter [tilespmem:s31], [sflag:$0x6], $0x1400, $0x38;
	[tilespmem:$0x1C400] =	vst v63  }
0x65: {  	_ =	swait.ge [sflag:s0], $0x1400  }
0x66: {  	[sflag:s0] =	ssyncset.done $0x0  }
0x67: {  	[sflag:s0] =	ssyncadd.s32 $0xFFFFEC00  }
0x68: {  	[spmem:s28] =	stream.linear.scatter [tilespmem:s31], [sflag:$0x6], $0x1400, $0x38;
	[tilespmem:$0x1C400] =	vst v63  }
0x69: {  	_ =	swait.ge [sflag:s0], $0x1400  }
0x6a: {  	[sflag:s0] =	ssyncset.done $0x0  }
0x6b: {  	[sflag:s0] =	ssyncadd.s32 $0xFFFFEC00  }
0x6c: {  	[bflag:$0x0] =	sbarrier.arrive $0xFFFF  }
0x6d: {  	s5 =	simm.s32 $0x0;
	s22 =	rddreg [dreg:$0x3]  }
0x6e: {  	[tilespmem:s2], [sflag:$0x6] =	stream.linear.gather [hbm4b:s22+s5], $0x100, $0x38;
	[tilespmem:$0x1C400] =	vst v63  }
0x6f: {  	_ =	swait.ge [sflag:s0], $0x100  }
0x70: {  	[sflag:s0] =	ssyncset.done $0x0  }
0x71: {  	[sflag:s0] =	ssyncadd.s32 $0xFFFFFF00  }
0x72: {  	[tilespmem:s31], [sflag:$0x1] =	stream.indirect.gather [hbm4b:s4+s6], $0x80, s2, s6, $0xb8;
	[tilespmem:$0x1C400] =	vst v63  }
0x73: {  	s23 =	rddreg [dreg:$0x4]  }
0x74: {  	[tilespmem:s7], [sflag:$0x5] =	stream.linear.gather [hbm4b:s23+s5], $0x100, $0x38;
	[tilespmem:$0x1C400] =	vst v63  }
0x75: {  	_ =	swait.ge [sflag:s8], $0x100  }
0x76: {  	[sflag:s8] =	ssyncset.done $0x0  }
0x77: {  	[sflag:s8] =	ssyncadd.s32 $0xFFFFFF00  }
0x78: {  	[tilespmem:s10], [sflag:$0x2] =	stream.indirect.gather [hbm4b:s4+s6], $0x80, s7, s6, $0xb8;
	[tilespmem:$0x1C400] =	vst v63  }
0x79: {  	_ =	swait.ge [sflag:s11], $0x3E80  }
0x7a: {  	[sflag:s11] =	ssyncset.done $0x0  }
0x7b: {  	[sflag:s11] =	ssyncadd.s32 $0xFFFFC180  }
0x7c: {  	[spmem:s1] =	stream.indirect.scatter.add.f32 [tilespmem:s31], [sflag:$0x3], $0x80, s12, s6, $0xb8;
	[tilespmem:$0x1C400] =	vst v63  }
0x7d: {  	s25 =	rddreg [dreg:$0x5]  }
0x7e: {  	[tilespmem:s13], [sflag:$0x5] =	stream.linear.gather [hbm4b:s25+s5], $0x100, $0x38;
	[tilespmem:$0x1C400] =	vst v63  }
0x7f: {  	_ =	swait.ge [sflag:s8], $0x100  }
0x80: {  	[sflag:s8] =	ssyncset.done $0x0  }
0x81: {  	[sflag:s8] =	ssyncadd.s32 $0xFFFFFF00  }
0x82: {  	_ =	swait.ge [sflag:s14], $0x3E80  }
0x83: {  	[sflag:s14] =	ssyncset.done $0x0  }
0x84: {  	[sflag:s14] =	ssyncadd.s32 $0xFFFFC180  }
0x85: {  	[tilespmem:s31], [sflag:$0x1] =	stream.indirect.gather [hbm4b:s4+s6], $0x80, s13, s6, $0xb8;
	[tilespmem:$0x1C400] =	vst v63  }
0x86: {  	_ =	swait.ge [sflag:s15], $0x3E80  }
0x87: {  	[sflag:s15] =	ssyncset.done $0x0  }
0x88: {  	s5 =	sadd.s32 $0x0, s24;
	[sflag:s15] =	ssyncadd.s32 $0xFFFFC180  }
0x89: {  	[spmem:s1] =	stream.indirect.scatter.add.f32 [tilespmem:s10], [sflag:$0x4], $0x80, s16, s6, $0xb8;
	[tilespmem:$0x1C400] =	vst v63  }
0x8a: {  	s23 =	sadd.s32 $0x60, s5  }
0x8b: {  	[tilespmem:s17], [sflag:$0x5] =	stream.linear.gather [hbm4b:s23+s3], $0x100, $0x38;
	[tilespmem:$0x1C400] =	vst v63  }
0x8c: {  	_ =	swait.ge [sflag:s8], $0x100  }
0x8d: {  	[sflag:s8] =	ssyncset.done $0x0  }
0x8e: {  	[sflag:s8] =	ssyncadd.s32 $0xFFFFFF00  }
0x8f: {  	_ =	swait.ge [sflag:s18], $0x3E80  }
0x90: {  	[sflag:s18] =	ssyncset.done $0x0  }
0x91: {  	[sflag:s18] =	ssyncadd.s32 $0xFFFFC180  }
0x92: {  	[tilespmem:s10], [sflag:$0x2] =	stream.indirect.gather [hbm4b:s4+s6], $0x80, s17, s6, $0xb8;
	[tilespmem:$0x1C400] =	vst v63  }
0x93: {  	_ =	swait.ge [sflag:s11], $0x3E80  }
0x94: {  	[sflag:s11] =	ssyncset.done $0x0  }
0x95: {  	[sflag:s11] =	ssyncadd.s32 $0xFFFFC180  }
0x96: {  	[spmem:s1] =	stream.indirect.scatter.add.f32 [tilespmem:s31], [sflag:$0x3], $0x80, s19, s6, $0xb8;
	[tilespmem:$0x1C400] =	vst v63  }
0x97: {  	s25 =	sadd.s32 $0x0, s30  }
0x98: {  	[tilespmem:s2], [sflag:$0x5] =	stream.linear.gather [hbm4b:s25+s3], $0x100, $0x38;
	[tilespmem:$0x1C400] =	vst v63  }
0x99: {  	_ =	swait.ge [sflag:s8], $0x100  }
0x9a: {  	[sflag:s8] =	ssyncset.done $0x0  }
0x9b: {  	[sflag:s8] =	ssyncadd.s32 $0xFFFFFF00  }
0x9c: {  	_ =	swait.ge [sflag:s14], $0x3E80  }
0x9d: {  	[sflag:s14] =	ssyncset.done $0x0  }
0x9e: {  	[sflag:s14] =	ssyncadd.s32 $0xFFFFC180  }
0x9f: {  	[tilespmem:s31], [sflag:$0x1] =	stream.indirect.gather [hbm4b:s4+s6], $0x80, s2, s6, $0xb8;
	[tilespmem:$0x1C400] =	vst v63  }
0xa0: {  	_ =	swait.ge [sflag:s15], $0x3E80  }
0xa1: {  	[sflag:s15] =	ssyncset.done $0x0  }
0xa2: {  	[sflag:s15] =	ssyncadd.s32 $0xFFFFC180  }
0xa3: {  	[spmem:s1] =	stream.indirect.scatter.add.f32 [tilespmem:s10], [sflag:$0x4], $0x80, s20, s6, $0xb8;
	[tilespmem:$0x1C400] =	vst v63  }
0xa4: {  	s5 =	sadd.s32 $0xA0, s5  }
0xa5: {  	[tilespmem:s7], [sflag:$0x5] =	stream.linear.gather [hbm4b:s5+s3], $0x100, $0x38;
	[tilespmem:$0x1C400] =	vst v63  }
0xa6: {  	_ =	swait.ge [sflag:s8], $0x100  }
0xa7: {  	[sflag:s8] =	ssyncset.done $0x0  }
0xa8: {  	[sflag:s8] =	ssyncadd.s32 $0xFFFFFF00  }
0xa9: {  	_ =	swait.ge [sflag:s18], $0x3E80  }
0xaa: {  	[sflag:s18] =	ssyncset.done $0x0  }
0xab: {  	[sflag:s18] =	ssyncadd.s32 $0xFFFFC180  }
0xac: {  	[tilespmem:s10], [sflag:$0x2] =	stream.indirect.gather [hbm4b:s4+s6], $0x80, s7, s6, $0xb8;
	[tilespmem:$0x1C400] =	vst v63  }
0xad: {  	_ =	swait.ge [sflag:s11], $0x3E80  }
0xae: {  	[sflag:s11] =	ssyncset.done $0x0  }
0xaf: {  	s22 =	sadd.s32 $0x0, s29;
	s5 =	simm.s32 $0x80;
	[sflag:s11] =	ssyncadd.s32 $0xFFFFC180  }
0xb0: {  	[spmem:s1] =	stream.indirect.scatter.add.f32 [tilespmem:s31], [sflag:$0x3], $0x80, s12, s6, $0xb8;
	[tilespmem:$0x1C400] =	vst v63  }
.LBB2_4:
0xb1: {  	[tilespmem:s13], [sflag:$0x5] =	stream.linear.gather [hbm4b:s22+s3], $0x100, $0x38;
	[tilespmem:$0x1C400] =	vst v63  }
0xb2: {  	s22 =	smov.u32 s5  }
0xb3: {  	p0 =	sne.s32 s5, $0x900;
	s5 =	sadd.s32 $0x80, s5;
	_ =	swait.ge [sflag:s8], $0x100  }
0xb4: {  	[sflag:s8] =	ssyncset.done $0x0  }
0xb5: {  	[sflag:s8] =	ssyncadd.s32 $0xFFFFFF00  }
0xb6: {  	_ =	swait.ge [sflag:s14], $0x3E80  }
0xb7: {  	[sflag:s14] =	ssyncset.done $0x0  }
0xb8: {  	[sflag:s14] =	ssyncadd.s32 $0xFFFFC180  }
0xb9: {  	[tilespmem:s31], [sflag:$0x1] =	stream.indirect.gather [hbm4b:s4+s6], $0x80, s13, s6, $0xb8;
	[tilespmem:$0x1C400] =	vst v63  }
0xba: {  	_ =	swait.ge [sflag:s15], $0x3E80  }
0xbb: {  	[sflag:s15] =	ssyncset.done $0x0  }
0xbc: {  	s23 =	sadd.s32 s22, s24;
	[sflag:s15] =	ssyncadd.s32 $0xFFFFC180  }
0xbd: {  	[spmem:s1] =	stream.indirect.scatter.add.f32 [tilespmem:s10], [sflag:$0x4], $0x80, s16, s6, $0xb8;
	[tilespmem:$0x1C400] =	vst v63  }
0xbe: {  	s25 =	sadd.s32 $0x60, s23  }
0xbf: {  	[tilespmem:s17], [sflag:$0x5] =	stream.linear.gather [hbm4b:s25+s3], $0x100, $0x38;
	[tilespmem:$0x1C400] =	vst v63  }
0xc0: {  	_ =	swait.ge [sflag:s8], $0x100  }
0xc1: {  	[sflag:s8] =	ssyncset.done $0x0  }
0xc2: {  	[sflag:s8] =	ssyncadd.s32 $0xFFFFFF00  }
0xc3: {  	_ =	swait.ge [sflag:s18], $0x3E80  }
0xc4: {  	[sflag:s18] =	ssyncset.done $0x0  }
0xc5: {  	[sflag:s18] =	ssyncadd.s32 $0xFFFFC180  }
0xc6: {  	[tilespmem:s10], [sflag:$0x2] =	stream.indirect.gather [hbm4b:s4+s6], $0x80, s17, s6, $0xb8;
	[tilespmem:$0x1C400] =	vst v63  }
0xc7: {  	_ =	swait.ge [sflag:s11], $0x3E80  }
0xc8: {  	[sflag:s11] =	ssyncset.done $0x0  }
0xc9: {  	[sflag:s11] =	ssyncadd.s32 $0xFFFFC180  }
0xca: {  	[spmem:s1] =	stream.indirect.scatter.add.f32 [tilespmem:s31], [sflag:$0x3], $0x80, s19, s6, $0xb8;
	[tilespmem:$0x1C400] =	vst v63  }
0xcb: {  	s25 =	sadd.s32 s22, s30  }
0xcc: {  	[tilespmem:s2], [sflag:$0x5] =	stream.linear.gather [hbm4b:s25+s3], $0x100, $0x38;
	[tilespmem:$0x1C400] =	vst v63  }
0xcd: {  	_ =	swait.ge [sflag:s8], $0x100  }
0xce: {  	[sflag:s8] =	ssyncset.done $0x0  }
0xcf: {  	[sflag:s8] =	ssyncadd.s32 $0xFFFFFF00  }
0xd0: {  	_ =	swait.ge [sflag:s14], $0x3E80  }
0xd1: {  	[sflag:s14] =	ssyncset.done $0x0  }
0xd2: {  	[sflag:s14] =	ssyncadd.s32 $0xFFFFC180  }
0xd3: {  	[tilespmem:s31], [sflag:$0x1] =	stream.indirect.gather [hbm4b:s4+s6], $0x80, s2, s6, $0xb8;
	[tilespmem:$0x1C400] =	vst v63  }
0xd4: {  	_ =	swait.ge [sflag:s15], $0x3E80  }
0xd5: {  	[sflag:s15] =	ssyncset.done $0x0  }
0xd6: {  	[sflag:s15] =	ssyncadd.s32 $0xFFFFC180  }
0xd7: {  	[spmem:s1] =	stream.indirect.scatter.add.f32 [tilespmem:s10], [sflag:$0x4], $0x80, s20, s6, $0xb8;
	[tilespmem:$0x1C400] =	vst v63  }
0xd8: {  	s23 =	sadd.s32 $0xA0, s23  }
0xd9: {  	[tilespmem:s7], [sflag:$0x5] =	stream.linear.gather [hbm4b:s23+s3], $0x100, $0x38;
	[tilespmem:$0x1C400] =	vst v63  }
0xda: {  	_ =	swait.ge [sflag:s8], $0x100  }
0xdb: {  	[sflag:s8] =	ssyncset.done $0x0  }
0xdc: {  	[sflag:s8] =	ssyncadd.s32 $0xFFFFFF00  }
0xdd: {  	_ =	swait.ge [sflag:s18], $0x3E80  }
0xde: {  	[sflag:s18] =	ssyncset.done $0x0  }
0xdf: {  	[sflag:s18] =	ssyncadd.s32 $0xFFFFC180  }
0xe0: {  	[tilespmem:s10], [sflag:$0x2] =	stream.indirect.gather [hbm4b:s4+s6], $0x80, s7, s6, $0xb8;
	[tilespmem:$0x1C400] =	vst v63  }
.Ltmp1:
0xe1: {  	_ =	swait.ge [sflag:s11], $0x3E80;
	(pc) =	sbr.rel @p0 .LBB2_4-.Ltmp1, $4  }
0xe2: {  	[sflag:s11] =	ssyncset.done $0x0  }
0xe3: {  	[sflag:s11] =	ssyncadd.s32 $0xFFFFC180  }
0xe4: {  	[spmem:s1] =	stream.indirect.scatter.add.f32 [tilespmem:s31], [sflag:$0x3], $0x80, s12, s6, $0xb8;
	[tilespmem:$0x1C400] =	vst v63  }
0xe5: {  	s22 =	sadd.s32 s22, s29  }
0xe6: {  	[tilespmem:s13], [sflag:$0x5] =	stream.linear.gather [hbm4b:s22+s3], $0x100, $0x38;
	[tilespmem:$0x1C400] =	vst v63  }
0xe7: {  	_ =	swait.ge [sflag:s8], $0x100  }
0xe8: {  	[sflag:s8] =	ssyncset.done $0x0  }
0xe9: {  	[sflag:s8] =	ssyncadd.s32 $0xFFFFFF00  }
0xea: {  	_ =	swait.ge [sflag:s14], $0x3E80  }
0xeb: {  	[sflag:s14] =	ssyncset.done $0x0  }
0xec: {  	[sflag:s14] =	ssyncadd.s32 $0xFFFFC180  }
0xed: {  	[tilespmem:s31], [sflag:$0x1] =	stream.indirect.gather [hbm4b:s4+s6], $0x80, s13, s6, $0xb8;
	[tilespmem:$0x1C400] =	vst v63  }
0xee: {  	_ =	swait.ge [sflag:s15], $0x3E80  }
0xef: {  	[sflag:s15] =	ssyncset.done $0x0  }
0xf0: {  	[sflag:s15] =	ssyncadd.s32 $0xFFFFC180  }
0xf1: {  	[spmem:s1] =	stream.indirect.scatter.add.f32 [tilespmem:s10], [sflag:$0x4], $0x80, s16, s6, $0xb8;
	[tilespmem:$0x1C400] =	vst v63  }
0xf2: {  	s5 =	rddreg [dreg:$0x6]  }
0xf3: {  	[tilespmem:s17], [sflag:$0x5] =	stream.linear.gather [hbm4b:s5+s3], $0x100, $0x38;
	[tilespmem:$0x1C400] =	vst v63  }
0xf4: {  	_ =	swait.ge [sflag:s8], $0x100  }
0xf5: {  	[sflag:s8] =	ssyncset.done $0x0  }
0xf6: {  	[sflag:s8] =	ssyncadd.s32 $0xFFFFFF00  }
0xf7: {  	_ =	swait.ge [sflag:s18], $0x3E80  }
0xf8: {  	[sflag:s18] =	ssyncset.done $0x0  }
0xf9: {  	[sflag:s18] =	ssyncadd.s32 $0xFFFFC180  }
0xfa: {  	[tilespmem:s10], [sflag:$0x2] =	stream.indirect.gather [hbm4b:s4+s6], $0x80, s17, s6, $0xb8;
	[tilespmem:$0x1C400] =	vst v63  }
0xfb: {  	_ =	swait.ge [sflag:s11], $0x3E80  }
0xfc: {  	[sflag:s11] =	ssyncset.done $0x0  }
0xfd: {  	[sflag:s11] =	ssyncadd.s32 $0xFFFFC180  }
0xfe: {  	[spmem:s1] =	stream.indirect.scatter.add.f32 [tilespmem:s31], [sflag:$0x3], $0x80, s19, s6, $0xb8;
	[tilespmem:$0x1C400] =	vst v63  }
0xff: {  	_ =	swait.ge [sflag:s15], $0x3E80  }
0x100: {  	[sflag:s15] =	ssyncset.done $0x0  }
0x101: {  	[sflag:s15] =	ssyncadd.s32 $0xFFFFC180  }
0x102: {  	[spmem:s1] =	stream.indirect.scatter.add.f32 [tilespmem:s10], [sflag:$0x4], $0x80, s20, s6, $0xb8;
	[tilespmem:$0x1C400] =	vst v63  }
0x103: {  	_ =	swait.ge [sflag:s14], $0x3E80  }
0x104: {  	[sflag:s14] =	ssyncset.done $0x0  }
0x105: {  	[sflag:s14] =	ssyncadd.s32 $0xFFFFC180  }
0x106: {  	_ =	swait.ge [sflag:s18], $0x3E80  }
0x107: {  	[sflag:s18] =	ssyncset.done $0x0  }
0x108: {  	s23 =	stileid.u32;
	[sflag:s18] =	ssyncadd.s32 $0xFFFFC180  }
0x109: {  	s5 =	sshll.u32 s23, $0x6;
	[bflag:$0x0] =	sbarrier.arrive $0xFFFF  }
0x10a: {  	s25 =	sshrl.u32 s9, $0x3;
	s5 =	sor.u32 $0x1C06, s5;
	s23 =	rddreg [dreg:$0x7]  }
0x10b: {  	[hbm:s23], [sflag:s5] =	dma.local [spmem:s25], $0x2800  }
0x10c: {  	_ =	swait.ge [sflag:s0], $0x2800  }
0x10d: {  	s21 =	sadd.s32 $0x1, s21;
	s25 =	rddreg [dreg:$0x8]  }
0x10e: {  	p0 =	sne.s32 s21, s25  }
.Ltmp2:
0x10f: {  	_ = 	snop;
	(pc) =	sbr.rel @p0 .LBB2_1-.Ltmp2, $3  }
0x110: {  	_ =	sdelay $0x1  }
0x111: {  	[sflag:s0] =	ssyncset.done $0x0  }
0x112: {  	[sflag:s0] =	ssyncadd.s32 $0xFFFFD800  }
0x113: {  	_ =	sfence.sel $0x180000  }
0x114: {  	[bflag:$0x0] =	sbarrier.arrive $0xFFFF  }
0x115: {  	_ =	strace $0x9000004D  }
0x116: {  	s0 =	stileid.u32;
	[bflag:$0x2] =	sbarrier.arrive $0xFFFF  }
0x117: {  	p0 =	sne.s32 s0, $0x0;
	s0 =	rddreg [dreg:$0x2]  }
0x118: {  	s0 =	sadd.s32 @!p0 $0x100000, s0  }
0x119: {  	[sflag:s0] =	ssyncadd.tile.s32 @!p0 $0x1;
	_ =	shalt  }
.Lfunc_end2:
_tile_overlayer_lowered:
.L_overlay_start_2:
0x11a: {  	(tag) =	ssettag $0x2  }
0x11b: {  	s0 =	rddreg [dreg:$0x0];
	s2 =	stileid.u32  }
0x11c: {  	s1 =	rddreg [dreg:$0x1];
	p0 =	sne.s32 s2, $0x0  }
0x11d: {  	s3 =	rddreg [dreg:$0x2];
	[bflag:$0x3] =	sbarrier.arrive $0xFFFF;
	s2 =	simm.s32 @!p0 $0x1C06  }
0x11e: {  	[timem:s3], [sflag:s2] =	dma.local @!p0 [hbm:s0], s1  }
0x11f: {  	s0 =	simm.s32 @!p0 $0x6  }
0x120: {  	_ =	swait.ge @!p0 [sflag:s0], s1  }
0x121: {  	s1 =	ssub.s32 @!p0 $0x0, s1;
	[sflag:s0] =	ssyncset.done @!p0 $0x0  }
0x122: {  	[sflag:s0] =	ssyncadd.s32 @!p0 s1  }
0x123: {  	[bflag:$0x3] =	sbarrier.arrive $0xFFFF  }
0x124: {  	_ =	shalt  }

// kernel: kernel.19.cloned.1.call-start
scs
__scs_entry_jumppad:
0x0: {  	(pc) =	sbr.rel $0x88, $3  }
0x1: {  	(tag) =	ssettag $0x0;
	lr =	simm.s32 $0x1  }
0x2: {  	[smem:$0x3F99] =	sst lr;
	_ =	strace $0xD0000000  }
0x3: {  	_ = 	snop  }
0x4: {  	_ = 	snop  }
0x5: {  	_ = 	snop  }
0x6: {  	_ = 	snop  }
0x7: {  	_ = 	snop  }
__scs_overlays_trampoline_lowered:
0x8: {  	[smem:$0x3FA8] =	sst s0  }
0x9: {  	[smem:$0x3FA9] =	sst s1  }
0xa: {  	[smem:$0x3FAA] =	sst s2  }
0xb: {  	[smem:$0x3FAB] =	sst s3  }
0xc: {  	[smem:$0x3FAC] =	sst s4  }
0xd: {  	[smem:$0x3FAD] =	sst s5  }
0xe: {  	[smem:$0x3FAE] =	sst s6  }
0xf: {  	[smem:$0x3FAF] =	sst s7  }
0x10: {  	[smem:$0x3FB0] =	sst s8  }
0x11: {  	[smem:$0x3FB1] =	sst s9;
	s0 =	simm.s32 @!p0 $0x0  }
0x12: {  	s1 =	sld [smem:$0x3F97];
	s0 =	simm.s32 @p0 $0x1  }
0x13: {  	[smem:$0x3FB2] =	sst s0;
	s0 =	simm.s32 @!p1 $0x0  }
0x14: {  	s2 =	sld [smem:$0x3F96];
	s0 =	simm.s32 @p1 $0x1  }
0x15: {  	[smem:$0x3FB3] =	sst s0;
	s0 =	simm.s32 @!p2 $0x0  }
0x16: {  	s3 =	sld [smem:$0x3FDB];
	s0 =	simm.s32 @p2 $0x1  }
0x17: {  	s4 =	simm.s32 $0x1BF5;
	[smem:$0x3FB5] =	sst s0  }
0x18: {  	s0 =	sld [smem:$0x3F98];
	_ =	swait.ge [sflag:s4], $0x0  }
0x19: {  	s7 =	sld [smem:$0x3F99]  }
0x1a: {  	s8 =	sadd.s32 $0xFFFFE003, lr  }
0x1b: {  	s9 =	sadd.s32 $0xFFFFFEF7, lr;
	s5 =	simm.s32 $0xFFFFFFFF;
	p2 =	slt.u32 s8, $0xFFFFF086  }
0x1c: {  	p1 =	slt.u32 s9, $0xF7A;
	s5 =	simm.s32 @!p2 $0x0  }
0x1d: {  	s5 =	simm.s32 @p1 $0x1;
	p0 =	seq.s32 s7, s2  }
0x1e: {  	s7 =	smul.u32 @!p0 $0xF7A, s2;
	p2 =	seq.s32 @!p0 s5, $0x0  }
0x1f: {  	s9 =	smul.u32 $0xF7A, s1;
	s8 =	simm.s32 @!p0 $0x1BF5;
	p2 =	por !p2, p0  }
0x20: {  	[sflag:s8] =	ssyncset.s32 @!p0 $0xFFFFF086;
	s6 =	sadd.s32 @!p0 s3, s7;
	s7 =	simm.s32 @!p0 $0x108  }
0x21: {  	s3 =	sadd.s32 s3, s9;
	s6 =	sadd.s32 @!p0 $0x88, s6;
	s7 =	simm.s32 @p2 $0x1082  }
0x22: {  	[simem:s7], [sflag:s8] =	dma.local @!p0 [hbm:s6], $0xF7A  }
0x23: {  	s9 =	sor.u32 $0xD0000000, s2;
	s6 =	simm.s32 $0x108;
	_ =	swait.ge @!p0 [sflag:s8], $0x0  }
0x24: {  	s3 =	sadd.s32 $0x88, s3;
	s6 =	simm.s32 @!p1 $0x1082;
	[sflag:s4] =	ssyncset.s32 $0xFFFFF086  }
0x25: {  	[simem:s6], [sflag:s4] =	dma.local [hbm:s3], $0xF7A  }
0x26: {  	[smem:$0x3F99] =	sst s1;
	(tag) =	ssettag s2;
	_ =	strace s9  }
0x27: {  	s1 =	sld [smem:$0x3FA9]  }
0x28: {  	s2 =	sld [smem:$0x3FAA]  }
0x29: {  	s4 =	sld [smem:$0x3FAC]  }
0x2a: {  	p0 =	seq.s32 s5, $0x0;
	s5 =	sld [smem:$0x3FAD]  }
0x2b: {  	s6 =	sld [smem:$0x3FAE]  }
0x2c: {  	s7 =	sld [smem:$0x3FAF]  }
0x2d: {  	s3 =	simm.s32 $0x108;
	s8 =	sld [smem:$0x3FB0]  }
0x2e: {  	s3 =	simm.s32 @!p0 $0x1082;
	s9 =	sld [smem:$0x3FB1]  }
0x2f: {  	lr =	sadd.s32 s0, s3;
	s0 =	sld [smem:$0x3FA8]  }
0x30: {  	s3 =	sld [smem:$0x3FAB]  }
0x31: {  	[smem:$0x3FB4] =	sst s10  }
0x32: {  	s10 =	sld [smem:$0x3FB2];
	_ =	sdelay $0x3  }
0x33: {  	p0 =	seq.s32 s10, $0x1;
	s10 =	sld [smem:$0x3FB4];
	_ =	sdelay $0x3  }
0x34: {  	[smem:$0x3FB4] =	sst s10  }
0x35: {  	s10 =	sld [smem:$0x3FB3];
	_ =	sdelay $0x3  }
0x36: {  	p1 =	seq.s32 s10, $0x1;
	s10 =	sld [smem:$0x3FB4];
	_ =	sdelay $0x3  }
0x37: {  	[smem:$0x3FB4] =	sst s10  }
0x38: {  	s10 =	sld [smem:$0x3FB5]  }
0x39: {  	_ = 	snop;
	(pc) =	sbr.ind lr, $3  }
0x3a: {  	_ = 	snop  }
0x3b: {  	_ = 	snop  }
0x3c: {  	p2 =	seq.s32 s10, $0x1;
	s10 =	sld [smem:$0x3FB4]  }
0x3d: {  	_ =	shalt  }
0x3e: {  	_ =	shalt  }
0x3f: {  	_ =	shalt  }
0x40: {  	_ =	shalt  }
0x41: {  	_ =	shalt  }
0x42: {  	_ =	shalt  }
0x43: {  	_ =	shalt  }
0x44: {  	_ =	shalt  }
0x45: {  	_ =	shalt  }
0x46: {  	_ =	shalt  }
0x47: {  	_ =	shalt  }
0x48: {  	_ =	shalt  }
0x49: {  	_ =	shalt  }
0x4a: {  	_ =	shalt  }
0x4b: {  	_ =	shalt  }
0x4c: {  	_ =	shalt  }
0x4d: {  	_ =	shalt  }
0x4e: {  	_ =	shalt  }
0x4f: {  	_ =	shalt  }
0x50: {  	_ =	shalt  }
0x51: {  	_ =	shalt  }
0x52: {  	_ =	shalt  }
0x53: {  	_ =	shalt  }
0x54: {  	_ =	shalt  }
0x55: {  	_ =	shalt  }
0x56: {  	_ =	shalt  }
0x57: {  	_ =	shalt  }
0x58: {  	_ =	shalt  }
0x59: {  	_ =	shalt  }
0x5a: {  	_ =	shalt  }
0x5b: {  	_ =	shalt  }
0x5c: {  	_ =	shalt  }
0x5d: {  	_ =	shalt  }
0x5e: {  	_ =	shalt  }
0x5f: {  	_ =	shalt  }
0x60: {  	_ =	shalt  }
0x61: {  	_ =	shalt  }
0x62: {  	_ =	shalt  }
0x63: {  	_ =	shalt  }
0x64: {  	_ =	shalt  }
0x65: {  	_ =	shalt  }
0x66: {  	_ =	shalt  }
0x67: {  	_ =	shalt  }
0x68: {  	_ =	shalt  }
0x69: {  	_ =	shalt  }
0x6a: {  	_ =	shalt  }
0x6b: {  	_ =	shalt  }
0x6c: {  	_ =	shalt  }
0x6d: {  	_ =	shalt  }
0x6e: {  	_ =	shalt  }
0x6f: {  	_ =	shalt  }
0x70: {  	_ =	shalt  }
0x71: {  	_ =	shalt  }
0x72: {  	_ =	shalt  }
0x73: {  	_ =	shalt  }
0x74: {  	_ =	shalt  }
0x75: {  	_ =	shalt  }
0x76: {  	_ =	shalt  }
0x77: {  	_ =	shalt  }
0x78: {  	_ =	shalt  }
0x79: {  	_ =	shalt  }
0x7a: {  	_ =	shalt  }
0x7b: {  	_ =	shalt  }
0x7c: {  	_ =	shalt  }
0x7d: {  	_ =	shalt  }
0x7e: {  	_ =	shalt  }
0x7f: {  	_ =	shalt  }
0x80: {  	_ =	shalt  }
0x81: {  	_ =	shalt  }
0x82: {  	_ =	shalt  }
0x83: {  	_ =	shalt  }
0x84: {  	_ =	shalt  }
0x85: {  	_ =	shalt  }
0x86: {  	_ =	shalt  }
0x87: {  	_ =	shalt  }
.Lfunc_end0:
.L_simem_size_0:
called_computation.3_lowered:
.L_overlay_start_0:
0x88: {  	s2 =	sld [smem:$0x3FD9]  }
0x89: {  	s3 =	sld [smem:$0x3FFE];
	_ =	sdelay $0x1  }
0x8a: {  	s1 =	srdreg.scid  }
0x8b: {  	s0 =	sand.u32 $0x1, s1  }
0x8c: {  	s16 =	sshll.u32 s0, $0xA;
	s2 =	sadd.s32 s3, s2  }
0x8d: {  	s2 =	sadd.s32 s2, s16  }
0x8e: {  	[smem:$0x3FC0] =	sst s2  }
0x8f: {  	_ = 	snop  }
0x90: {  	(tm) =	ssettm $0x1  }
0x91: {  	s17 =	sld [smem:$0x3FFB];
	_ =	sdelay $0x3  }
0x92: {  	_ =	strace s17  }
0x93: {  	s2 =	sld [smem:$0x3FFC];
	_ =	sdelay $0x3  }
0x94: {  	_ =	strace s2  }
0x95: {  	s2 =	sld [smem:$0x3FFD];
	_ =	sdelay $0x3  }
0x96: {  	_ =	strace s2  }
0x97: {  	_ =	strace $0x8FFFFFFF  }
0x98: {  	s18 =	sld [smem:$0x3FDB];
	_ =	sdelay $0x1  }
0x99: {  	s19 =	simm.s32 $_scs_section_size  }
0x9a: {  	s4 =	simm.s32 $_size__tile_overlayer_lowered;
	s5 =	simm.s32 $_tile_overlayer_lowered  }
0x9b: {  	s22 =	simm.s32 $0x1BFF;
	s21 =	sshll.u32 s5, $0x1;
	s2 =	sadd.s32 s19, s18  }
0x9c: {  	s6 =	simm.s32 $0x0;
	s20 =	sshll.u32 s4, $0x1;
	s4 =	sadd.s32 s21, s2  }
0x9d: {  	[timem:s6], [sflag:s22] =	dma.local [hbm:s4], s20  }
0x9e: {  	_ =	swait.ge [sflag:s22], s20  }
0x9f: {  	s3 =	ssub.s32 $0x0, s20;
	[sflag:s22] =	ssyncset.done $0x0  }
0xa0: {  	[sflag:s22] =	ssyncadd.s32 s3;
	_ =	sdelay $0x1  }
0xa1: {  	s23 =	simm.s32 $0x1B8B  }
0xa2: {  	_ =	swait.ge [sflag:s23], $0x1  }
0xa3: {  	[sflag:s23] =	ssyncset.done $0x0  }
0xa4: {  	s25 =	simm.s32 $0x1B8E;
	s24 =	sld [smem:$0x3FFE];
	[sflag:s23] =	ssyncadd.s32 $0xFFFFFFFF  }
0xa5: {  	s26 =	simm.s32 $execute0_lowered;
	[smem:$0x3FD2] =	sst s25  }
0xa6: {  	s4 =	sshll.u32 s26, $0x1;
	_ =	strace $0x8000004F;
	[dreg:$0x1] =	wrdreg $0xFFFFFFFF  }
0xa7: {  	s28 =	simm.s32 $_size_execute0_lowered;
	s2 =	sadd.s32 s2, s4;
	[dreg:$0x0] =	wrdreg $0x0  }
0xa8: {  	s4 =	sshll.u32 s28, $0x1;
	[dreg:$0x2] =	wrdreg s2  }
0xa9: {  	[dreg:$0x3] =	wrdreg s4  }
0xaa: {  	[dreg:$0x4] =	wrdreg $0xC0  }
0xab: {  	_ =	task [dreg:s6], $0x5FFFF  }
0xac: {  	[dreg:$0x1] =	wrdreg $0xFFFFFFFF  }
0xad: {  	[dreg:$0x0] =	wrdreg $0x60  }
0xae: {  	[dreg:$0x2] =	wrdreg s24  }
0xaf: {  	[dreg:$0x3] =	wrdreg $0x0  }
0xb0: {  	[dreg:$0x4] =	wrdreg $0x9  }
0xb1: {  	_ =	task.clear_ibuf [dreg:s6], $0x5FFFF;
	_ =	strace $0x9000004F  }
0xb2: {  	s29 =	simm.s32 $0x9;
	_ =	strace $0x80000051  }
0xb3: {  	_ =	swait.ge [sflag:s29], $0x1  }
0xb4: {  	[sflag:s29] =	ssyncadd.s32 $0xFFFFFFFF  }
0xb5: {  	_ =	strace $0x90000051  }
0xb6: {  	_ =	sfence  }
0xb7: {  	s30 =	sld [smem:$0x0];
	_ =	sdelay $0x2  }
0xb8: {  	s31 =	sshll.u32 s1, $0xD;
	s1 =	sshrl.u32 s1, $0x2  }
0xb9: {  	s3 =	sand.u32 $0x4000, s31;
	s1 =	sadd.s32 s1, s30  }
0xba: {  	s0 =	sor.u32 s3, s0;
	s1 =	sshll.u32 s1, $0x11  }
0xbb: {  	s0 =	sor.u32 s1, s0  }
0xbc: {  	s0 =	sadd.s32 $0x8F2B, s0  }
0xbd: {  	[sflag:s0] =	ssyncadd.remote.s32 $0x1  }
0xbe: {  	_ =	sfence.sel $0xFFFF  }
0xbf: {  	[dreg:$0x0] =	wrdreg $0xFFFFFFFF;
	(pc) =	sbr.abs _section_cstart, $3  }
0xc0: {  	[dreg:$0x1] =	wrdreg $0xFFFFFFFF  }
0xc1: {  	_ =	task.clear_ibuf [dreg:s6], $0x2FFFF;
	_ =	strace $0x9FFFFFFF  }
0xc2: {  	(tm) =	ssettm $0x7FFFFFFF  }
0xc3: {  	_ =	shalt  }
tec
execute0_lowered:
.L_overlay_start_1:
0x0: {  	(tag) =	ssettag $0x1  }
0x1: {  	s0 =	rddreg [dreg:$0x0]  }
0x2: {  	s1 =	rddreg [dreg:$0x1]  }
0x3: {  	s2 =	srdreg.scid;
	s3 =	simm.s32 $0x0;
	s11 =	stileid.u32  }
0x4: {  	s2 =	sand.u32 $0x1, s2;
	[smem:$0x7FF] =	sst s3;
	s6 =	smul.u32 $0x14000, s11  }
0x5: {  	s4 =	sadd.s32 $0x36800, s0;
	s10 =	smul.u32 $0x50000, s11;
	s7 =	sshll.u32 s2, $0x4  }
0x6: {  	s8 =	sadd.s32 $0x22800, s0;
	s5 =	smul.u32 $0x140000, s2;
	s7 =	sor.u32 s11, s7  }
0x7: {  	_ =	strace $0x80000050;
	s9 =	ssub.s32 $0x2, s2;
	s21 =	smul.u32 $0xA00, s7  }
0x8: {  	s22 =	sshrl.u32 s9, $0x1;
	s26 =	sshrl.u32 s10, $0x2;
	s5 =	sadd.s32 s6, s5  }
0x9: {  	s7 =	smul.u32 $0x5000, s7;
	s5 =	sshrl.u32 s5, $0x3;
	s23 =	sadd.s32 s8, s21  }
0xa: {  	s0 =	sadd.s32 s5, s0;
	s25 =	sadd.s32 $0x20, s23;
	[dreg:$0x3] =	wrdreg s23  }
0xb: {  	s5 =	ssub.s32 s9, s22;
	s9 =	sadd.s32 $0x40, s23;
	[dreg:$0x4] =	wrdreg s25  }
0xc: {  	s24 =	sshrl.u32 s7, $0x3;
	s0 =	sadd.s32 $0x5E800, s0;
	[dreg:$0x5] =	wrdreg s9  }
0xd: {  	s6 =	sadd.s32 s8, s24;
	s10 =	smax.u32 s5, $0x1;
	[dreg:$0x7] =	wrdreg s0  }
0xe: {  	s6 =	sadd.s32 $0x9E0, s6;
	s9 =	sadd.s32 s26, s1;
	[dreg:$0x8] =	wrdreg s10  }
0xf: {  	s31 =	simm.s32 $0x14000;
	[dreg:$0x6] =	wrdreg s6;
	s12 =	sadd.s32 $0x1400, s9  }
0x10: {  	s18 =	smul.u32 $0x50, s11;
	s13 =	sadd.s32 $0x2800, s9;
	[dreg:$0x9] =	wrdreg s12  }
0x11: {  	s15 =	smul.u32 $0x500, s2;
	s14 =	sadd.s32 $0x3C00, s9;
	[dreg:$0xa] =	wrdreg s13  }
0x12: {  	s2 =	simm.s32 $0x1C000;
	s16 =	sadd.s32 $0x5000, s9;
	[dreg:$0xb] =	wrdreg s14  }
0x13: {  	s11 =	simm.s32 $0x1;
	s17 =	sadd.s32 $0x6400, s9;
	[dreg:$0xc] =	wrdreg s16  }
0x14: {  	s7 =	simm.s32 $0x1C100;
	s19 =	sadd.s32 $0x7800, s9;
	[dreg:$0xd] =	wrdreg s17  }
0x15: {  	s0 =	sadd.s32 s18, s15;
	s20 =	sadd.s32 $0x8C00, s9;
	[dreg:$0xe] =	wrdreg s19  }
0x16: {  	s10 =	simm.s32 $0x18000;
	s21 =	sadd.s32 $0xA000, s9;
	[dreg:$0xf] =	wrdreg s20  }
0x17: {  	s15 =	simm.s32 $0x2;
	s22 =	sadd.s32 $0xB400, s9;
	[dreg:$0x10] =	wrdreg s21  }
0x18: {  	s18 =	simm.s32 $0x4;
	s23 =	sadd.s32 $0xC800, s9;
	[dreg:$0x11] =	wrdreg s22  }
0x19: {  	s24 =	sadd.s32 $0xDC00, s9;
	s25 =	sadd.s32 $0xF000, s9;
	[dreg:$0x12] =	wrdreg s23  }
0x1a: {  	s0 =	sshll.u32 s0, $0x5;
	s26 =	sadd.s32 $0x10400, s9;
	[dreg:$0x13] =	wrdreg s24  }
0x1b: {  	s28 =	sadd.s32 $0x12C00, s9;
	s6 =	simm.s32 $0x7D;
	[dreg:$0x14] =	wrdreg s25  }
0x1c: {  	s24 =	sadd.s32 s0, s8;
	[dreg:$0x15] =	wrdreg s26;
	s26 =	sadd.s32 $0x11800, s9  }
0x1d: {  	s0 =	simm.s32 $0x6;
	s8 =	simm.s32 $0x5;
	s12 =	simm.s32 $0x1C080  }
0x1e: {  	s13 =	simm.s32 $0x1C200;
	s14 =	simm.s32 $0x3;
	s16 =	simm.s32 $0x1C180  }
0x1f: {  	s17 =	simm.s32 $0x1C300;
	s19 =	simm.s32 $0x1C280;
	s20 =	simm.s32 $0x1C380  }
0x20: {  	v0 =	vimm.f32 $0.0e+00;
	s21 =	simm.s32 $0x0;
	s29 =	sadd.s32 $0xC0, s24;
	s30 =	sadd.s32 $0x80, s24  }
.LBB2_1:
0x21: {  	s5 =	sand.u32 $0x7E00, s3  }
0x22: {  	s22 =	sand.u32 $0x70, s3;
	s23 =	sshrl.u32 s5, $0x2  }
0x23: {  	s5 =	simm.s32 $0x40;
	s23 =	sor.u32 s22, s23;
	s22 =	simm.s32 $0x0  }
.LBB2_2:
0x24: {  	p0 =	sne.s32 s5, $0x4FC0  }
0x25: {  	[tilespmem:s23+$0x14000] =	vst v0;
	s22 =	sadd.s32 $0x10, s22;
	s23 =	smov.u32 s5;
	s5 =	sadd.s32 $0x40, s5  }
.Ltmp0:
0x26: {  	(pc) =	sbr.rel @p0 .LBB2_2-.Ltmp0, $4  }
0x27: {  	_ = 	snop  }
0x28: {  	s23 =	sand.u32 $0x7E00, s23  }
0x29: {  	s25 =	sand.u32 $0x70, s22;
	s23 =	sshrl.u32 s23, $0x2  }
0x2a: {  	s23 =	sor.u32 s25, s23  }
0x2b: {  	[tilespmem:s23+$0x14000] =	vst v0  }
0x2c: {  	[spmem:s9] =	stream.linear.scatter [tilespmem:s31], [sflag:$0x6], $0x1400, $0x38;
	[tilespmem:$0x1C400] =	vst v63  }
0x2d: {  	_ =	swait.ge [sflag:s0], $0x1400  }
0x2e: {  	[sflag:s0] =	ssyncset.done $0x0  }
0x2f: {  	s5 =	rddreg [dreg:$0x9];
	[sflag:s0] =	ssyncadd.s32 $0xFFFFEC00  }
0x30: {  	[spmem:s5] =	stream.linear.scatter [tilespmem:s31], [sflag:$0x6], $0x1400, $0x38;
	[tilespmem:$0x1C400] =	vst v63  }
0x31: {  	_ =	swait.ge [sflag:s0], $0x1400  }
0x32: {  	[sflag:s0] =	ssyncset.done $0x0  }
0x33: {  	s23 =	rddreg [dreg:$0xa];
	[sflag:s0] =	ssyncadd.s32 $0xFFFFEC00  }
0x34: {  	[spmem:s23] =	stream.linear.scatter [tilespmem:s31], [sflag:$0x6], $0x1400, $0x38;
	[tilespmem:$0x1C400] =	vst v63  }
0x35: {  	_ =	swait.ge [sflag:s0], $0x1400  }
0x36: {  	[sflag:s0] =	ssyncset.done $0x0  }
0x37: {  	s25 =	rddreg [dreg:$0xb];
	[sflag:s0] =	ssyncadd.s32 $0xFFFFEC00  }
0x38: {  	[spmem:s25] =	stream.linear.scatter [tilespmem:s31], [sflag:$0x6], $0x1400, $0x38;
	[tilespmem:$0x1C400] =	vst v63  }
0x39: {  	_ =	swait.ge [sflag:s0], $0x1400  }
0x3a: {  	[sflag:s0] =	ssyncset.done $0x0  }
0x3b: {  	s22 =	rddreg [dreg:$0xc];
	[sflag:s0] =	ssyncadd.s32 $0xFFFFEC00  }
0x3c: {  	[spmem:s22] =	stream.linear.scatter [tilespmem:s31], [sflag:$0x6], $0x1400, $0x38;
	[tilespmem:$0x1C400] =	vst v63  }
0x3d: {  	_ =	swait.ge [sflag:s0], $0x1400  }
0x3e: {  	[sflag:s0] =	ssyncset.done $0x0  }
0x3f: {  	s23 =	rddreg [dreg:$0xd];
	[sflag:s0] =	ssyncadd.s32 $0xFFFFEC00  }
0x40: {  	[spmem:s23] =	stream.linear.scatter [tilespmem:s31], [sflag:$0x6], $0x1400, $0x38;
	[tilespmem:$0x1C400] =	vst v63  }
0x41: {  	_ =	swait.ge [sflag:s0], $0x1400  }
0x42: {  	[sflag:s0] =	ssyncset.done $0x0  }
0x43: {  	s25 =	rddreg [dreg:$0xe];
	[sflag:s0] =	ssyncadd.s32 $0xFFFFEC00  }
0x44: {  	[spmem:s25] =	stream.linear.scatter [tilespmem:s31], [sflag:$0x6], $0x1400, $0x38;
	[tilespmem:$0x1C400] =	vst v63  }
0x45: {  	_ =	swait.ge [sflag:s0], $0x1400  }
0x46: {  	[sflag:s0] =	ssyncset.done $0x0  }
0x47: {  	s22 =	rddreg [dreg:$0xf];
	[sflag:s0] =	ssyncadd.s32 $0xFFFFEC00  }
0x48: {  	[spmem:s22] =	stream.linear.scatter [tilespmem:s31], [sflag:$0x6], $0x1400, $0x38;
	[tilespmem:$0x1C400] =	vst v63  }
0x49: {  	_ =	swait.ge [sflag:s0], $0x1400  }
0x4a: {  	[sflag:s0] =	ssyncset.done $0x0  }
0x4b: {  	s23 =	rddreg [dreg:$0x10];
	[sflag:s0] =	ssyncadd.s32 $0xFFFFEC00  }
0x4c: {  	[spmem:s23] =	stream.linear.scatter [tilespmem:s31], [sflag:$0x6], $0x1400, $0x38;
	[tilespmem:$0x1C400] =	vst v63  }
0x4d: {  	_ =	swait.ge [sflag:s0], $0x1400  }
0x4e: {  	[sflag:s0] =	ssyncset.done $0x0  }
0x4f: {  	s25 =	rddreg [dreg:$0x11];
	[sflag:s0] =	ssyncadd.s32 $0xFFFFEC00  }
0x50: {  	[spmem:s25] =	stream.linear.scatter [tilespmem:s31], [sflag:$0x6], $0x1400, $0x38;
	[tilespmem:$0x1C400] =	vst v63  }
0x51: {  	_ =	swait.ge [sflag:s0], $0x1400  }
0x52: {  	[sflag:s0] =	ssyncset.done $0x0  }
0x53: {  	s22 =	rddreg [dreg:$0x12];
	[sflag:s0] =	ssyncadd.s32 $0xFFFFEC00  }
0x54: {  	[spmem:s22] =	stream.linear.scatter [tilespmem:s31], [sflag:$0x6], $0x1400, $0x38;
	[tilespmem:$0x1C400] =	vst v63  }
0x55: {  	_ =	swait.ge [sflag:s0], $0x1400  }
0x56: {  	[sflag:s0] =	ssyncset.done $0x0  }
0x57: {  	s23 =	rddreg [dreg:$0x13];
	[sflag:s0] =	ssyncadd.s32 $0xFFFFEC00  }
0x58: {  	[spmem:s23] =	stream.linear.scatter [tilespmem:s31], [sflag:$0x6], $0x1400, $0x38;
	[tilespmem:$0x1C400] =	vst v63  }
0x59: {  	_ =	swait.ge [sflag:s0], $0x1400  }
0x5a: {  	[sflag:s0] =	ssyncset.done $0x0  }
0x5b: {  	s25 =	rddreg [dreg:$0x14];
	[sflag:s0] =	ssyncadd.s32 $0xFFFFEC00  }
0x5c: {  	[spmem:s25] =	stream.linear.scatter [tilespmem:s31], [sflag:$0x6], $0x1400, $0x38;
	[tilespmem:$0x1C400] =	vst v63  }
0x5d: {  	_ =	swait.ge [sflag:s0], $0x1400  }
0x5e: {  	[sflag:s0] =	ssyncset.done $0x0  }
0x5f: {  	s22 =	rddreg [dreg:$0x15];
	[sflag:s0] =	ssyncadd.s32 $0xFFFFEC00  }
0x60: {  	[spmem:s22] =	stream.linear.scatter [tilespmem:s31], [sflag:$0x6], $0x1400, $0x38;
	[tilespmem:$0x1C400] =	vst v63  }
0x61: {  	_ =	swait.ge [sflag:s0], $0x1400  }
0x62: {  	[sflag:s0] =	ssyncset.done $0x0  }
0x63: {  	[sflag:s0] =	ssyncadd.s32 $0xFFFFEC00  }
0x64: {  	[spmem:s26] =	stream.linear.scatter [tilespmem:s31], [sflag:$0x6], $0x1400, $0x38;
	[tilespmem:$0x1C400] =	vst v63  }
0x65: {  	_ =	swait.ge [sflag:s0], $0x1400  }
0x66: {  	[sflag:s0] =	ssyncset.done $0x0  }
0x67: {  	[sflag:s0] =	ssyncadd.s32 $0xFFFFEC00  }
0x68: {  	[spmem:s28] =	stream.linear.scatter [tilespmem:s31], [sflag:$0x6], $0x1400, $0x38;
	[tilespmem:$0x1C400] =	vst v63  }
0x69: {  	_ =	swait.ge [sflag:s0], $0x1400  }
0x6a: {  	[sflag:s0] =	ssyncset.done $0x0  }
0x6b: {  	[sflag:s0] =	ssyncadd.s32 $0xFFFFEC00  }
0x6c: {  	[bflag:$0x0] =	sbarrier.arrive $0xFFFF  }
0x6d: {  	s5 =	simm.s32 $0x0;
	s22 =	rddreg [dreg:$0x3]  }
0x6e: {  	[tilespmem:s2], [sflag:$0x6] =	stream.linear.gather [hbm4b:s22+s5], $0x100, $0x38;
	[tilespmem:$0x1C400] =	vst v63  }
0x6f: {  	_ =	swait.ge [sflag:s0], $0x100  }
0x70: {  	[sflag:s0] =	ssyncset.done $0x0  }
0x71: {  	[sflag:s0] =	ssyncadd.s32 $0xFFFFFF00  }
0x72: {  	[tilespmem:s31], [sflag:$0x1] =	stream.indirect.gather [hbm4b:s4+s6], $0x80, s2, s6, $0xb8;
	[tilespmem:$0x1C400] =	vst v63  }
0x73: {  	s23 =	rddreg [dreg:$0x4]  }
0x74: {  	[tilespmem:s7], [sflag:$0x5] =	stream.linear.gather [hbm4b:s23+s5], $0x100, $0x38;
	[tilespmem:$0x1C400] =	vst v63  }
0x75: {  	_ =	swait.ge [sflag:s8], $0x100  }
0x76: {  	[sflag:s8] =	ssyncset.done $0x0  }
0x77: {  	[sflag:s8] =	ssyncadd.s32 $0xFFFFFF00  }
0x78: {  	[tilespmem:s10], [sflag:$0x2] =	stream.indirect.gather [hbm4b:s4+s6], $0x80, s7, s6, $0xb8;
	[tilespmem:$0x1C400] =	vst v63  }
0x79: {  	_ =	swait.ge [sflag:s11], $0x3E80  }
0x7a: {  	[sflag:s11] =	ssyncset.done $0x0  }
0x7b: {  	[sflag:s11] =	ssyncadd.s32 $0xFFFFC180  }
0x7c: {  	[spmem:s1] =	stream.indirect.scatter.add.f32 [tilespmem:s31], [sflag:$0x3], $0x80, s12, s6, $0xb8;
	[tilespmem:$0x1C400] =	vst v63  }
0x7d: {  	s25 =	rddreg [dreg:$0x5]  }
0x7e: {  	[tilespmem:s13], [sflag:$0x5] =	stream.linear.gather [hbm4b:s25+s5], $0x100, $0x38;
	[tilespmem:$0x1C400] =	vst v63  }
0x7f: {  	_ =	swait.ge [sflag:s8], $0x100  }
0x80: {  	[sflag:s8] =	ssyncset.done $0x0  }
0x81: {  	[sflag:s8] =	ssyncadd.s32 $0xFFFFFF00  }
0x82: {  	_ =	swait.ge [sflag:s14], $0x3E80  }
0x83: {  	[sflag:s14] =	ssyncset.done $0x0  }
0x84: {  	[sflag:s14] =	ssyncadd.s32 $0xFFFFC180  }
0x85: {  	[tilespmem:s31], [sflag:$0x1] =	stream.indirect.gather [hbm4b:s4+s6], $0x80, s13, s6, $0xb8;
	[tilespmem:$0x1C400] =	vst v63  }
0x86: {  	_ =	swait.ge [sflag:s15], $0x3E80  }
0x87: {  	[sflag:s15] =	ssyncset.done $0x0  }
0x88: {  	s5 =	sadd.s32 $0x0, s24;
	[sflag:s15] =	ssyncadd.s32 $0xFFFFC180  }
0x89: {  	[spmem:s1] =	stream.indirect.scatter.add.f32 [tilespmem:s10], [sflag:$0x4], $0x80, s16, s6, $0xb8;
	[tilespmem:$0x1C400] =	vst v63  }
0x8a: {  	s23 =	sadd.s32 $0x60, s5  }
0x8b: {  	[tilespmem:s17], [sflag:$0x5] =	stream.linear.gather [hbm4b:s23+s3], $0x100, $0x38;
	[tilespmem:$0x1C400] =	vst v63  }
0x8c: {  	_ =	swait.ge [sflag:s8], $0x100  }
0x8d: {  	[sflag:s8] =	ssyncset.done $0x0  }
0x8e: {  	[sflag:s8] =	ssyncadd.s32 $0xFFFFFF00  }
0x8f: {  	_ =	swait.ge [sflag:s18], $0x3E80  }
0x90: {  	[sflag:s18] =	ssyncset.done $0x0  }
0x91: {  	[sflag:s18] =	ssyncadd.s32 $0xFFFFC180  }
0x92: {  	[tilespmem:s10], [sflag:$0x2] =	stream.indirect.gather [hbm4b:s4+s6], $0x80, s17, s6, $0xb8;
	[tilespmem:$0x1C400] =	vst v63  }
0x93: {  	_ =	swait.ge [sflag:s11], $0x3E80  }
0x94: {  	[sflag:s11] =	ssyncset.done $0x0  }
0x95: {  	[sflag:s11] =	ssyncadd.s32 $0xFFFFC180  }
0x96: {  	[spmem:s1] =	stream.indirect.scatter.add.f32 [tilespmem:s31], [sflag:$0x3], $0x80, s19, s6, $0xb8;
	[tilespmem:$0x1C400] =	vst v63  }
0x97: {  	s25 =	sadd.s32 $0x0, s30  }
0x98: {  	[tilespmem:s2], [sflag:$0x5] =	stream.linear.gather [hbm4b:s25+s3], $0x100, $0x38;
	[tilespmem:$0x1C400] =	vst v63  }
0x99: {  	_ =	swait.ge [sflag:s8], $0x100  }
0x9a: {  	[sflag:s8] =	ssyncset.done $0x0  }
0x9b: {  	[sflag:s8] =	ssyncadd.s32 $0xFFFFFF00  }
0x9c: {  	_ =	swait.ge [sflag:s14], $0x3E80  }
0x9d: {  	[sflag:s14] =	ssyncset.done $0x0  }
0x9e: {  	[sflag:s14] =	ssyncadd.s32 $0xFFFFC180  }
0x9f: {  	[tilespmem:s31], [sflag:$0x1] =	stream.indirect.gather [hbm4b:s4+s6], $0x80, s2, s6, $0xb8;
	[tilespmem:$0x1C400] =	vst v63  }
0xa0: {  	_ =	swait.ge [sflag:s15], $0x3E80  }
0xa1: {  	[sflag:s15] =	ssyncset.done $0x0  }
0xa2: {  	[sflag:s15] =	ssyncadd.s32 $0xFFFFC180  }
0xa3: {  	[spmem:s1] =	stream.indirect.scatter.add.f32 [tilespmem:s10], [sflag:$0x4], $0x80, s20, s6, $0xb8;
	[tilespmem:$0x1C400] =	vst v63  }
0xa4: {  	s5 =	sadd.s32 $0xA0, s5  }
0xa5: {  	[tilespmem:s7], [sflag:$0x5] =	stream.linear.gather [hbm4b:s5+s3], $0x100, $0x38;
	[tilespmem:$0x1C400] =	vst v63  }
0xa6: {  	_ =	swait.ge [sflag:s8], $0x100  }
0xa7: {  	[sflag:s8] =	ssyncset.done $0x0  }
0xa8: {  	[sflag:s8] =	ssyncadd.s32 $0xFFFFFF00  }
0xa9: {  	_ =	swait.ge [sflag:s18], $0x3E80  }
0xaa: {  	[sflag:s18] =	ssyncset.done $0x0  }
0xab: {  	[sflag:s18] =	ssyncadd.s32 $0xFFFFC180  }
0xac: {  	[tilespmem:s10], [sflag:$0x2] =	stream.indirect.gather [hbm4b:s4+s6], $0x80, s7, s6, $0xb8;
	[tilespmem:$0x1C400] =	vst v63  }
0xad: {  	_ =	swait.ge [sflag:s11], $0x3E80  }
0xae: {  	[sflag:s11] =	ssyncset.done $0x0  }
0xaf: {  	s22 =	sadd.s32 $0x0, s29;
	s5 =	simm.s32 $0x80;
	[sflag:s11] =	ssyncadd.s32 $0xFFFFC180  }
0xb0: {  	[spmem:s1] =	stream.indirect.scatter.add.f32 [tilespmem:s31], [sflag:$0x3], $0x80, s12, s6, $0xb8;
	[tilespmem:$0x1C400] =	vst v63  }
.LBB2_4:
0xb1: {  	[tilespmem:s13], [sflag:$0x5] =	stream.linear.gather [hbm4b:s22+s3], $0x100, $0x38;
	[tilespmem:$0x1C400] =	vst v63  }
0xb2: {  	s22 =	smov.u32 s5  }
0xb3: {  	p0 =	sne.s32 s5, $0x900;
	s5 =	sadd.s32 $0x80, s5;
	_ =	swait.ge [sflag:s8], $0x100  }
0xb4: {  	[sflag:s8] =	ssyncset.done $0x0  }
0xb5: {  	[sflag:s8] =	ssyncadd.s32 $0xFFFFFF00  }
0xb6: {  	_ =	swait.ge [sflag:s14], $0x3E80  }
0xb7: {  	[sflag:s14] =	ssyncset.done $0x0  }
0xb8: {  	[sflag:s14] =	ssyncadd.s32 $0xFFFFC180  }
0xb9: {  	[tilespmem:s31], [sflag:$0x1] =	stream.indirect.gather [hbm4b:s4+s6], $0x80, s13, s6, $0xb8;
	[tilespmem:$0x1C400] =	vst v63  }
0xba: {  	_ =	swait.ge [sflag:s15], $0x3E80  }
0xbb: {  	[sflag:s15] =	ssyncset.done $0x0  }
0xbc: {  	s23 =	sadd.s32 s22, s24;
	[sflag:s15] =	ssyncadd.s32 $0xFFFFC180  }
0xbd: {  	[spmem:s1] =	stream.indirect.scatter.add.f32 [tilespmem:s10], [sflag:$0x4], $0x80, s16, s6, $0xb8;
	[tilespmem:$0x1C400] =	vst v63  }
0xbe: {  	s25 =	sadd.s32 $0x60, s23  }
0xbf: {  	[tilespmem:s17], [sflag:$0x5] =	stream.linear.gather [hbm4b:s25+s3], $0x100, $0x38;
	[tilespmem:$0x1C400] =	vst v63  }
0xc0: {  	_ =	swait.ge [sflag:s8], $0x100  }
0xc1: {  	[sflag:s8] =	ssyncset.done $0x0  }
0xc2: {  	[sflag:s8] =	ssyncadd.s32 $0xFFFFFF00  }
0xc3: {  	_ =	swait.ge [sflag:s18], $0x3E80  }
0xc4: {  	[sflag:s18] =	ssyncset.done $0x0  }
0xc5: {  	[sflag:s18] =	ssyncadd.s32 $0xFFFFC180  }
0xc6: {  	[tilespmem:s10], [sflag:$0x2] =	stream.indirect.gather [hbm4b:s4+s6], $0x80, s17, s6, $0xb8;
	[tilespmem:$0x1C400] =	vst v63  }
0xc7: {  	_ =	swait.ge [sflag:s11], $0x3E80  }
0xc8: {  	[sflag:s11] =	ssyncset.done $0x0  }
0xc9: {  	[sflag:s11] =	ssyncadd.s32 $0xFFFFC180  }
0xca: {  	[spmem:s1] =	stream.indirect.scatter.add.f32 [tilespmem:s31], [sflag:$0x3], $0x80, s19, s6, $0xb8;
	[tilespmem:$0x1C400] =	vst v63  }
0xcb: {  	s25 =	sadd.s32 s22, s30  }
0xcc: {  	[tilespmem:s2], [sflag:$0x5] =	stream.linear.gather [hbm4b:s25+s3], $0x100, $0x38;
	[tilespmem:$0x1C400] =	vst v63  }
0xcd: {  	_ =	swait.ge [sflag:s8], $0x100  }
0xce: {  	[sflag:s8] =	ssyncset.done $0x0  }
0xcf: {  	[sflag:s8] =	ssyncadd.s32 $0xFFFFFF00  }
0xd0: {  	_ =	swait.ge [sflag:s14], $0x3E80  }
0xd1: {  	[sflag:s14] =	ssyncset.done $0x0  }
0xd2: {  	[sflag:s14] =	ssyncadd.s32 $0xFFFFC180  }
0xd3: {  	[tilespmem:s31], [sflag:$0x1] =	stream.indirect.gather [hbm4b:s4+s6], $0x80, s2, s6, $0xb8;
	[tilespmem:$0x1C400] =	vst v63  }
0xd4: {  	_ =	swait.ge [sflag:s15], $0x3E80  }
0xd5: {  	[sflag:s15] =	ssyncset.done $0x0  }
0xd6: {  	[sflag:s15] =	ssyncadd.s32 $0xFFFFC180  }
0xd7: {  	[spmem:s1] =	stream.indirect.scatter.add.f32 [tilespmem:s10], [sflag:$0x4], $0x80, s20, s6, $0xb8;
	[tilespmem:$0x1C400] =	vst v63  }
0xd8: {  	s23 =	sadd.s32 $0xA0, s23  }
0xd9: {  	[tilespmem:s7], [sflag:$0x5] =	stream.linear.gather [hbm4b:s23+s3], $0x100, $0x38;
	[tilespmem:$0x1C400] =	vst v63  }
0xda: {  	_ =	swait.ge [sflag:s8], $0x100  }
0xdb: {  	[sflag:s8] =	ssyncset.done $0x0  }
0xdc: {  	[sflag:s8] =	ssyncadd.s32 $0xFFFFFF00  }
0xdd: {  	_ =	swait.ge [sflag:s18], $0x3E80  }
0xde: {  	[sflag:s18] =	ssyncset.done $0x0  }
0xdf: {  	[sflag:s18] =	ssyncadd.s32 $0xFFFFC180  }
0xe0: {  	[tilespmem:s10], [sflag:$0x2] =	stream.indirect.gather [hbm4b:s4+s6], $0x80, s7, s6, $0xb8;
	[tilespmem:$0x1C400] =	vst v63  }
.Ltmp1:
0xe1: {  	_ =	swait.ge [sflag:s11], $0x3E80;
	(pc) =	sbr.rel @p0 .LBB2_4-.Ltmp1, $4  }
0xe2: {  	[sflag:s11] =	ssyncset.done $0x0  }
0xe3: {  	[sflag:s11] =	ssyncadd.s32 $0xFFFFC180  }
0xe4: {  	[spmem:s1] =	stream.indirect.scatter.add.f32 [tilespmem:s31], [sflag:$0x3], $0x80, s12, s6, $0xb8;
	[tilespmem:$0x1C400] =	vst v63  }
0xe5: {  	s22 =	sadd.s32 s22, s29  }
0xe6: {  	[tilespmem:s13], [sflag:$0x5] =	stream.linear.gather [hbm4b:s22+s3], $0x100, $0x38;
	[tilespmem:$0x1C400] =	vst v63  }
0xe7: {  	_ =	swait.ge [sflag:s8], $0x100  }
0xe8: {  	[sflag:s8] =	ssyncset.done $0x0  }
0xe9: {  	[sflag:s8] =	ssyncadd.s32 $0xFFFFFF00  }
0xea: {  	_ =	swait.ge [sflag:s14], $0x3E80  }
0xeb: {  	[sflag:s14] =	ssyncset.done $0x0  }
0xec: {  	[sflag:s14] =	ssyncadd.s32 $0xFFFFC180  }
0xed: {  	[tilespmem:s31], [sflag:$0x1] =	stream.indirect.gather [hbm4b:s4+s6], $0x80, s13, s6, $0xb8;
	[tilespmem:$0x1C400] =	vst v63  }
0xee: {  	_ =	swait.ge [sflag:s15], $0x3E80  }
0xef: {  	[sflag:s15] =	ssyncset.done $0x0  }
0xf0: {  	[sflag:s15] =	ssyncadd.s32 $0xFFFFC180  }
0xf1: {  	[spmem:s1] =	stream.indirect.scatter.add.f32 [tilespmem:s10], [sflag:$0x4], $0x80, s16, s6, $0xb8;
	[tilespmem:$0x1C400] =	vst v63  }
0xf2: {  	s5 =	rddreg [dreg:$0x6]  }
0xf3: {  	[tilespmem:s17], [sflag:$0x5] =	stream.linear.gather [hbm4b:s5+s3], $0x100, $0x38;
	[tilespmem:$0x1C400] =	vst v63  }
0xf4: {  	_ =	swait.ge [sflag:s8], $0x100  }
0xf5: {  	[sflag:s8] =	ssyncset.done $0x0  }
0xf6: {  	[sflag:s8] =	ssyncadd.s32 $0xFFFFFF00  }
0xf7: {  	_ =	swait.ge [sflag:s18], $0x3E80  }
0xf8: {  	[sflag:s18] =	ssyncset.done $0x0  }
0xf9: {  	[sflag:s18] =	ssyncadd.s32 $0xFFFFC180  }
0xfa: {  	[tilespmem:s10], [sflag:$0x2] =	stream.indirect.gather [hbm4b:s4+s6], $0x80, s17, s6, $0xb8;
	[tilespmem:$0x1C400] =	vst v63  }
0xfb: {  	_ =	swait.ge [sflag:s11], $0x3E80  }
0xfc: {  	[sflag:s11] =	ssyncset.done $0x0  }
0xfd: {  	[sflag:s11] =	ssyncadd.s32 $0xFFFFC180  }
0xfe: {  	[spmem:s1] =	stream.indirect.scatter.add.f32 [tilespmem:s31], [sflag:$0x3], $0x80, s19, s6, $0xb8;
	[tilespmem:$0x1C400] =	vst v63  }
0xff: {  	_ =	swait.ge [sflag:s15], $0x3E80  }
0x100: {  	[sflag:s15] =	ssyncset.done $0x0  }
0x101: {  	[sflag:s15] =	ssyncadd.s32 $0xFFFFC180  }
0x102: {  	[spmem:s1] =	stream.indirect.scatter.add.f32 [tilespmem:s10], [sflag:$0x4], $0x80, s20, s6, $0xb8;
	[tilespmem:$0x1C400] =	vst v63  }
0x103: {  	_ =	swait.ge [sflag:s14], $0x3E80  }
0x104: {  	[sflag:s14] =	ssyncset.done $0x0  }
0x105: {  	[sflag:s14] =	ssyncadd.s32 $0xFFFFC180  }
0x106: {  	_ =	swait.ge [sflag:s18], $0x3E80  }
0x107: {  	[sflag:s18] =	ssyncset.done $0x0  }
0x108: {  	s23 =	stileid.u32;
	[sflag:s18] =	ssyncadd.s32 $0xFFFFC180  }
0x109: {  	s5 =	sshll.u32 s23, $0x6;
	[bflag:$0x0] =	sbarrier.arrive $0xFFFF  }
0x10a: {  	s25 =	sshrl.u32 s9, $0x3;
	s5 =	sor.u32 $0x1C06, s5;
	s23 =	rddreg [dreg:$0x7]  }
0x10b: {  	[hbm:s23], [sflag:s5] =	dma.local [spmem:s25], $0x2800  }
0x10c: {  	_ =	swait.ge [sflag:s0], $0x2800  }
0x10d: {  	s21 =	sadd.s32 $0x1, s21;
	s25 =	rddreg [dreg:$0x8]  }
0x10e: {  	p0 =	sne.s32 s21, s25  }
.Ltmp2:
0x10f: {  	_ = 	snop;
	(pc) =	sbr.rel @p0 .LBB2_1-.Ltmp2, $3  }
0x110: {  	_ =	sdelay $0x1  }
0x111: {  	[sflag:s0] =	ssyncset.done $0x0  }
0x112: {  	[sflag:s0] =	ssyncadd.s32 $0xFFFFD800  }
0x113: {  	_ =	sfence.sel $0x180000  }
0x114: {  	[bflag:$0x0] =	sbarrier.arrive $0xFFFF  }
0x115: {  	_ =	strace $0x90000050  }
0x116: {  	s0 =	stileid.u32;
	[bflag:$0x2] =	sbarrier.arrive $0xFFFF  }
0x117: {  	p0 =	sne.s32 s0, $0x0;
	s0 =	rddreg [dreg:$0x2]  }
0x118: {  	s0 =	sadd.s32 @!p0 $0x100000, s0  }
0x119: {  	[sflag:s0] =	ssyncadd.tile.s32 @!p0 $0x1;
	_ =	shalt  }
.Lfunc_end2:
_tile_overlayer_lowered:
.L_overlay_start_2:
0x11a: {  	(tag) =	ssettag $0x2  }
0x11b: {  	s0 =	rddreg [dreg:$0x0];
	s2 =	stileid.u32  }
0x11c: {  	s1 =	rddreg [dreg:$0x1];
	p0 =	sne.s32 s2, $0x0  }
0x11d: {  	s3 =	rddreg [dreg:$0x2];
	[bflag:$0x3] =	sbarrier.arrive $0xFFFF;
	s2 =	simm.s32 @!p0 $0x1C06  }
0x11e: {  	[timem:s3], [sflag:s2] =	dma.local @!p0 [hbm:s0], s1  }
0x11f: {  	s0 =	simm.s32 @!p0 $0x6  }
0x120: {  	_ =	swait.ge @!p0 [sflag:s0], s1  }
0x121: {  	s1 =	ssub.s32 @!p0 $0x0, s1;
	[sflag:s0] =	ssyncset.done @!p0 $0x0  }
0x122: {  	[sflag:s0] =	ssyncadd.s32 @!p0 s1  }
0x123: {  	[bflag:$0x3] =	sbarrier.arrive $0xFFFF  }
0x124: {  	_ =	shalt  }

</sc_bundles>
